<compile_context>
chip_gen: v7x
topology: tpu7x:2x2x1
jax: 0.10.2.dev20260603
libtpu: 0.0.44.dev20260713+nightly
codegen_flags: <defaults>
</compile_context>

<pallas_src>
import functools

import jax
import jax.numpy as jnp
from jax import lax
from jax.experimental import pallas as pl
from jax.experimental.pallas import tpu as pltpu
from jax.experimental.pallas import tpu_sc as plsc

_NUM_CORES = 2
_NUM_WORKERS = 32
_BATCH = 16384
_DIM = 32

_RANGE = 31232
_MAIN_END = _RANGE * _NUM_WORKERS
_WAVE = 1024
_NFULL = 30
_LANES = 16
_NGRP = _BATCH // _LANES
_EB = 4
_OUT_ROWS = _BATCH + _NUM_WORKERS * _LANES


@functools.partial(
    pl.kernel,
    mesh=plsc.VectorSubcoreMesh(core_axis_name="c", subcore_axis_name="s"),
    out_type=jax.ShapeDtypeStruct((_OUT_ROWS, 128), jnp.float32),
    scratch_types=[
        pltpu.VMEM((_BATCH,), jnp.int32),
        pltpu.VMEM((_BATCH,), jnp.int32),
        pltpu.VMEM((_BATCH,), jnp.int32),
        pltpu.VMEM((2, 8, _DIM, 128), jnp.float32),
        pltpu.VMEM((_EB, _LANES, 128), jnp.float32),
        pltpu.VMEM((_EB * _LANES,), jnp.int32),
        pltpu.SemaphoreType.DMA,
        pltpu.SemaphoreType.DMA,
    ],
    compiler_params=pltpu.CompilerParams(
        use_tc_tiling_on_sc=True, needs_layout_passes=False
    ),
)
def _gather_kernel(
    idx_hbm, table_t_hbm, out_hbm,
    idx_v, own_r, own_j, wave_v, ring_v, jring_v, sem_in, sem_out,
):
    wid = lax.axis_index("s") * _NUM_CORES + lax.axis_index("c")
    lane = lax.iota(jnp.int32, _LANES)
    r0 = wid * _RANGE
    xbase = jnp.where(wid > 4, 0, _MAIN_END + wid * 128)

    def wave_src(base, tc):
        return table_t_hbm.at[
            :, pl.ds(pl.multiple_of(base, 128) + tc * 128, 128)
        ]

    def fire_wave(base, b, ncols):
        for tc in range(ncols):
            pltpu.async_copy(wave_src(base, tc), wave_v.at[b, tc], sem_in)

    def wait_wave(base, b, ncols):
        for tc in range(ncols):
            pltpu.make_async_copy(
                wave_src(base, tc), wave_v.at[b, tc], sem_in
            ).wait()

    fire_wave(r0, 0, 8)
    fire_wave(r0 + _WAVE, 1, 8)

    pltpu.sync_copy(idx_hbm, idx_v)

    def sel_body(g, cnt):
        v = idx_v[pl.ds(g * _LANES, _LANES)]
        d = v - _MAIN_END
        own = ((v >= r0) & (v < r0 + _RANGE)) | ((d >= 0) & ((d >> 7) == wid))
        plsc.store_compressed(own_r.at[pl.ds(cnt, _LANES)], v, mask=own)
        plsc.store_compressed(
            own_j.at[pl.ds(cnt, _LANES)], g * _LANES + lane, mask=own
        )
        pc = plsc.all_reduce_population_count(own)
        return cnt + lax.squeeze(lax.slice(pc, (0,), (1,)), (0,))

    cnt = lax.fori_loop(0, _NGRP, sel_body, jnp.int32(0))
    ngroups = (cnt + _LANES - 1) >> 4

    def ring_slab(cb):
        slot = cb & (_EB - 1)
        return (
            ring_v.at[slot],
            out_hbm.at[jring_v.at[pl.ds(slot * _LANES, _LANES)]],
        )

    def process_wave(b, wb, wn, carry):

        def grp_body(e, c):
            egc, waits = c
            gidx = e * _LANES + lane
            rv = own_r[pl.ds(e * _LANES, _LANES)]
            jv = own_j[pl.ds(e * _LANES, _LANES)]
            inw = (rv >= wb) & (rv < wb + wn) & (gidx < cnt)
            npc_v = plsc.all_reduce_population_count(inw)
            npc = lax.squeeze(lax.slice(npc_v, (0,), (1,)), (0,))
            fill = egc & (_LANES - 1)
            cb_old = egc >> 4
            need_wait = (fill + npc > _LANES) & (cb_old + 1 >= _EB)

            @pl.when(need_wait)
            def _wait_ring():
                src, dst = ring_slab(cb_old + 1)
                pltpu.make_async_copy(src, dst, sem_out).wait()

            @pl.when(npc > 0)
            def _extract():
                rank = plsc.cumsum(inw.astype(jnp.int32)) - 1
                pos = egc + rank
                slotv = (pos >> 4) & (_EB - 1)
                rowv = pos & (_LANES - 1)
                local = (rv - wb) & (_WAVE - 1)
                tcv = (local >> 7) & 7
                lv = local & 127
                bvec = lane * 0 + b
                for c in range(_DIM):
                    cvec = lane * 0 + c
                    vals = plsc.load_gather(
                        wave_v, [bvec, tcv, cvec, lv], mask=inw
                    )
                    plsc.store_scatter(
                        ring_v, [slotv, rowv, cvec], vals, mask=inw
                    )
                plsc.store_scatter(
                    jring_v, [pos & (_EB * _LANES - 1)], jv, mask=inw
                )

            @pl.when(fill + npc >= _LANES)
            def _fire_block():
                src, dst = ring_slab(cb_old)
                pltpu.async_copy(src, dst, sem_out)

            new_waits = jnp.where(need_wait, waits + 1, waits)
            return (egc + npc, new_waits)

        return lax.fori_loop(0, ngroups, grp_body, carry)

    def wave_body(k, carry):
        b = k & 1
        wb = r0 + k * _WAVE
        wait_wave(wb, b, 8)
        carry = process_wave(b, wb, _WAVE, carry)

        @pl.when(k < _NFULL - 2)
        def _prefetch():
            fire_wave(r0 + (k + 2) * _WAVE, b, 8)

        return carry

    carry = lax.fori_loop(0, _NFULL, wave_body, (jnp.int32(0), jnp.int32(0)))

    wb30 = r0 + _NFULL * _WAVE
    fire_wave(wb30, 0, 4)
    wait_wave(wb30, 0, 4)
    carry = process_wave(0, wb30, 4 * 128, carry)

    fire_wave(xbase, 1, 1)
    wait_wave(xbase, 1, 1)
    carry = process_wave(1, xbase, 128, carry)
    egc, waits = carry

    left = egc & (_LANES - 1)

    @pl.when(left > 0)
    def _flush():
        cb = egc >> 4
        slot = cb & (_EB - 1)
        jv_tail = jring_v[pl.ds(slot * _LANES, _LANES)]
        dummy = _BATCH + wid * _LANES + lane
        jring_v[pl.ds(slot * _LANES, _LANES)] = jnp.where(
            lane < left, jv_tail, dummy
        )
        src, dst = ring_slab(cb)
        pltpu.async_copy(src, dst, sem_out)

    total_fired = (egc >> 4) + jnp.where(left > 0, 1, 0).astype(jnp.int32)
    outstanding = total_fired - waits

    def drain_body(d, acc):
        src, dst = ring_slab(jnp.int32(0))
        pltpu.make_async_copy(src, dst, sem_out).wait()
        return acc

    lax.fori_loop(0, outstanding, drain_body, jnp.int32(0))


def kernel(shape_idx, emb_table):
    out_p = _gather_kernel(shape_idx.astype(jnp.int32), emb_table.T)
    return out_p[:_BATCH, :_DIM]

# --- scband reference (transcript-rebuilt; emitter-appended) ---
"""Pipeline reference for scband-shape-code-embedding-33380485824928 (READ-ONLY COPY).

The authoritative reference and input builder live on the scoring server;
editing this copy changes nothing except your own understanding.
"""

import jax, jax.numpy as jnp
import numpy as np

NUM_SHAPES = 1000000
SHAPE_CODE_DIM = 32
BATCH = 16384


def setup_inputs(seed: int = 0) -> dict:
    key = jax.random.key(seed)
    k_idx, k_emb = jax.random.split(key)
    shape_idx = jax.random.randint(k_idx, (BATCH,), 0, NUM_SHAPES, dtype=jnp.int64 if jax.config.jax_enable_x64 else jnp.int32)
    # Embedding table initialized like RandomNormal(mean=0.0, stddev=0.01)
    emb_table = jax.random.normal(k_emb, (NUM_SHAPES, SHAPE_CODE_DIM), dtype=jnp.float32) * 0.01
    return {"shape_idx": shape_idx, "emb_table": emb_table}


def reference(shape_idx, emb_table):
    # Faithful translation of keras Embedding lookup: table[idx]
    return jnp.take(emb_table, shape_idx, axis=0)

if __name__ == "__main__":
    import jax
    _d = setup_inputs()
    print(jax.jit(kernel)(*tuple(_d.values())))

</pallas_src>

<mosaic_0001>
#map = affine_map<(d0, d1) -> (0)>
#map1 = affine_map<(d0, d1) -> (0, 0)>
module attributes {stable_mosaic.version = 14 : i64} {
  func.func @_gather_kernel(%arg0: i32, %arg1: i32, %arg2: memref<16384xi32, #tpu.memory_space<hbm>>, %arg3: memref<32x1000000xf32, #tpu.memory_space<hbm>>, %arg4: memref<16896x128xf32, #tpu.memory_space<hbm>>, %arg5: memref<16384xi32, #tpu.memory_space<vmem>>, %arg6: memref<16384xi32, #tpu.memory_space<vmem>>, %arg7: memref<16384xi32, #tpu.memory_space<vmem>>, %arg8: memref<2x8x32x128xf32, #tpu.memory_space<vmem>>, %arg9: memref<4x16x128xf32, #tpu.memory_space<vmem>>, %arg10: memref<64xi32, #tpu.memory_space<vmem>>, %arg11: memref<!tpu.dma_semaphore, #tpu.memory_space<semaphore_mem>>, %arg12: memref<!tpu.dma_semaphore, #tpu.memory_space<semaphore_mem>>) attributes {dimension_semantics = [#tpu.dimension_semantics<core_parallel>, #tpu.dimension_semantics<subcore_parallel>], iteration_bounds = array<i64: 2, 16>, scalar_prefetch = 0 : i64, scratch_operands = 8 : i64, tpu.core_type = #tpu.core_type<sc_vector_subcore>, window_params = [{transform_indices = #map}, {transform_indices = #map1}, {transform_indices = #map1}]} {
    %mul3A = arith.constant 2 : i32
    %mul3A_0 = arith.muli %arg1, %mul3A : i32
    %add3A = arith.addi %mul3A_0, %arg0 : i32
    %iota3A = tpu.iota {dimensions = array<i32: 0>} : vector<16xi32>
    %mul3A_1 = arith.constant 31232 : i32
    %mul3A_2 = arith.muli %add3A, %mul3A_1 : i32
    %gt3A = arith.constant 4 : i32
    %gt3A_3 = arith.cmpi sgt, %add3A, %gt3A : i32
    %mul3A_4 = arith.constant 128 : i32
    %mul3A_5 = arith.muli %add3A, %mul3A_4 : i32
    %add3A_6 = arith.constant 999424 : i32
    %add3A_7 = arith.addi %add3A_6, %mul3A_5 : i32
    %jit3A = arith.constant 0 : i32
    %select_n3A = arith.select %gt3A_3, %jit3A, %add3A_7 : i32
    %multiple_of3A = tpu.assume_multiple %mul3A_2, 128 : i32
    %add3A_8 = arith.constant 0 : i32
    %add3A_9 = arith.addi %multiple_of3A, %add3A_8 : i32
    %dma_start3A = arith.constant 0 : i32
    %dma_start3A_10 = arith.constant 0 : i32
    %dma_start3A_11 = arith.constant 0 : i32
    %dma_start3A_12 = arith.constant 0 : i32
    %dma_start3A_13 = tpu.memref_slice %arg8[%dma_start3A, %dma_start3A_10, %dma_start3A_11, %dma_start3A_12] : memref<2x8x32x128xf32, #tpu.memory_space<vmem>> -> memref<1x1x32x128xf32, #tpu.memory_space<vmem>>
    %dma_start3A_14 = tpu.memref_squeeze %dma_start3A_13 : memref<1x1x32x128xf32, #tpu.memory_space<vmem>> -> memref<32x128xf32, #tpu.memory_space<vmem>>
    %dma_start3A_15 = arith.constant 0 : i32
    %dma_start3A_16 = tpu.memref_slice %arg3[%dma_start3A_15, %add3A_9] : memref<32x1000000xf32, #tpu.memory_space<hbm>> -> memref<32x128xf32, #tpu.memory_space<hbm>>
    %dma_start3A_17 = arith.constant 0 : i32
    %dma_start3A_18 = arith.constant 0 : i32
    %dma_start3A_19 = tpu.memref_slice %arg8[%dma_start3A, %dma_start3A_10, %dma_start3A_17, %dma_start3A_18] : memref<2x8x32x128xf32, #tpu.memory_space<vmem>> -> memref<1x1x32x128xf32, #tpu.memory_space<vmem>>
    %dma_start3A_20 = tpu.memref_squeeze %dma_start3A_19 : memref<1x1x32x128xf32, #tpu.memory_space<vmem>> -> memref<32x128xf32, #tpu.memory_space<vmem>>
    %dma_start3A_21 = arith.constant 0 : i32
    %dma_start3A_22 = tpu.memref_slice %arg3[%dma_start3A_21, %add3A_9] : memref<32x1000000xf32, #tpu.memory_space<hbm>> -> memref<32x128xf32, #tpu.memory_space<hbm>>
    tpu.enqueue_dma source(%dma_start3A_22 : memref<32x128xf32, #tpu.memory_space<hbm>>) target(%dma_start3A_20 : memref<32x128xf32, #tpu.memory_space<vmem>>) target_semaphore(%arg11 : memref<!tpu.dma_semaphore, #tpu.memory_space<semaphore_mem>>)
    %multiple_of3A_23 = tpu.assume_multiple %mul3A_2, 128 : i32
    %add3A_24 = arith.constant 128 : i32
    %add3A_25 = arith.addi %multiple_of3A_23, %add3A_24 : i32
    %dma_start3A_26 = arith.constant 0 : i32
    %dma_start3A_27 = arith.constant 1 : i32
    %dma_start3A_28 = arith.constant 0 : i32
    %dma_start3A_29 = arith.constant 0 : i32
    %dma_start3A_30 = tpu.memref_slice %arg8[%dma_start3A_26, %dma_start3A_27, %dma_start3A_28, %dma_start3A_29] : memref<2x8x32x128xf32, #tpu.memory_space<vmem>> -> memref<1x1x32x128xf32, #tpu.memory_space<vmem>>
    %dma_start3A_31 = tpu.memref_squeeze %dma_start3A_30 : memref<1x1x32x128xf32, #tpu.memory_space<vmem>> -> memref<32x128xf32, #tpu.memory_space<vmem>>
    %dma_start3A_32 = arith.constant 0 : i32
    %dma_start3A_33 = tpu.memref_slice %arg3[%dma_start3A_32, %add3A_25] : memref<32x1000000xf32, #tpu.memory_space<hbm>> -> memref<32x128xf32, #tpu.memory_space<hbm>>
    %dma_start3A_34 = arith.constant 0 : i32
    %dma_start3A_35 = arith.constant 0 : i32
    %dma_start3A_36 = tpu.memref_slice %arg8[%dma_start3A_26, %dma_start3A_27, %dma_start3A_34, %dma_start3A_35] : memref<2x8x32x128xf32, #tpu.memory_space<vmem>> -> memref<1x1x32x128xf32, #tpu.memory_space<vmem>>
    %dma_start3A_37 = tpu.memref_squeeze %dma_start3A_36 : memref<1x1x32x128xf32, #tpu.memory_space<vmem>> -> memref<32x128xf32, #tpu.memory_space<vmem>>
    %dma_start3A_38 = arith.constant 0 : i32
    %dma_start3A_39 = tpu.memref_slice %arg3[%dma_start3A_38, %add3A_25] : memref<32x1000000xf32, #tpu.memory_space<hbm>> -> memref<32x128xf32, #tpu.memory_space<hbm>>
    tpu.enqueue_dma source(%dma_start3A_39 : memref<32x128xf32, #tpu.memory_space<hbm>>) target(%dma_start3A_37 : memref<32x128xf32, #tpu.memory_space<vmem>>) target_semaphore(%arg11 : memref<!tpu.dma_semaphore, #tpu.memory_space<semaphore_mem>>)
    %multiple_of3A_40 = tpu.assume_multiple %mul3A_2, 128 : i32
    %add3A_41 = arith.constant 256 : i32
    %add3A_42 = arith.addi %multiple_of3A_40, %add3A_41 : i32
    %dma_start3A_43 = arith.constant 0 : i32
    %dma_start3A_44 = arith.constant 2 : i32
    %dma_start3A_45 = arith.constant 0 : i32
    %dma_start3A_46 = arith.constant 0 : i32
    %dma_start3A_47 = tpu.memref_slice %arg8[%dma_start3A_43, %dma_start3A_44, %dma_start3A_45, %dma_start3A_46] : memref<2x8x32x128xf32, #tpu.memory_space<vmem>> -> memref<1x1x32x128xf32, #tpu.memory_space<vmem>>
    %dma_start3A_48 = tpu.memref_squeeze %dma_start3A_47 : memref<1x1x32x128xf32, #tpu.memory_space<vmem>> -> memref<32x128xf32, #tpu.memory_space<vmem>>
    %dma_start3A_49 = arith.constant 0 : i32
    %dma_start3A_50 = tpu.memref_slice %arg3[%dma_start3A_49, %add3A_42] : memref<32x1000000xf32, #tpu.memory_space<hbm>> -> memref<32x128xf32, #tpu.memory_space<hbm>>
    %dma_start3A_51 = arith.constant 0 : i32
    %dma_start3A_52 = arith.constant 0 : i32
    %dma_start3A_53 = tpu.memref_slice %arg8[%dma_start3A_43, %dma_start3A_44, %dma_start3A_51, %dma_start3A_52] : memref<2x8x32x128xf32, #tpu.memory_space<vmem>> -> memref<1x1x32x128xf32, #tpu.memory_space<vmem>>
    %dma_start3A_54 = tpu.memref_squeeze %dma_start3A_53 : memref<1x1x32x128xf32, #tpu.memory_space<vmem>> -> memref<32x128xf32, #tpu.memory_space<vmem>>
    %dma_start3A_55 = arith.constant 0 : i32
    %dma_start3A_56 = tpu.memref_slice %arg3[%dma_start3A_55, %add3A_42] : memref<32x1000000xf32, #tpu.memory_space<hbm>> -> memref<32x128xf32, #tpu.memory_space<hbm>>
    tpu.enqueue_dma source(%dma_start3A_56 : memref<32x128xf32, #tpu.memory_space<hbm>>) target(%dma_start3A_54 : memref<32x128xf32, #tpu.memory_space<vmem>>) target_semaphore(%arg11 : memref<!tpu.dma_semaphore, #tpu.memory_space<semaphore_mem>>)
    %multiple_of3A_57 = tpu.assume_multiple %mul3A_2, 128 : i32
    %add3A_58 = arith.constant 384 : i32
    %add3A_59 = arith.addi %multiple_of3A_57, %add3A_58 : i32
    %dma_start3A_60 = arith.constant 0 : i32
    %dma_start3A_61 = arith.constant 3 : i32
    %dma_start3A_62 = arith.constant 0 : i32
    %dma_start3A_63 = arith.constant 0 : i32
    %dma_start3A_64 = tpu.memref_slice %arg8[%dma_start3A_60, %dma_start3A_61, %dma_start3A_62, %dma_start3A_63] : memref<2x8x32x128xf32, #tpu.memory_space<vmem>> -> memref<1x1x32x128xf32, #tpu.memory_space<vmem>>
    %dma_start3A_65 = tpu.memref_squeeze %dma_start3A_64 : memref<1x1x32x128xf32, #tpu.memory_space<vmem>> -> memref<32x128xf32, #tpu.memory_space<vmem>>
    %dma_start3A_66 = arith.constant 0 : i32
    %dma_start3A_67 = tpu.memref_slice %arg3[%dma_start3A_66, %add3A_59] : memref<32x1000000xf32, #tpu.memory_space<hbm>> -> memref<32x128xf32, #tpu.memory_space<hbm>>
    %dma_start3A_68 = arith.constant 0 : i32
    %dma_start3A_69 = arith.constant 0 : i32
    %dma_start3A_70 = tpu.memref_slice %arg8[%dma_start3A_60, %dma_start3A_61, %dma_start3A_68, %dma_start3A_69] : memref<2x8x32x128xf32, #tpu.memory_space<vmem>> -> memref<1x1x32x128xf32, #tpu.memory_space<vmem>>
    %dma_start3A_71 = tpu.memref_squeeze %dma_start3A_70 : memref<1x1x32x128xf32, #tpu.memory_space<vmem>> -> memref<32x128xf32, #tpu.memory_space<vmem>>
    %dma_start3A_72 = arith.constant 0 : i32
    %dma_start3A_73 = tpu.memref_slice %arg3[%dma_start3A_72, %add3A_59] : memref<32x1000000xf32, #tpu.memory_space<hbm>> -> memref<32x128xf32, #tpu.memory_space<hbm>>
    tpu.enqueue_dma source(%dma_start3A_73 : memref<32x128xf32, #tpu.memory_space<hbm>>) target(%dma_start3A_71 : memref<32x128xf32, #tpu.memory_space<vmem>>) target_semaphore(%arg11 : memref<!tpu.dma_semaphore, #tpu.memory_space<semaphore_mem>>)
    %multiple_of3A_74 = tpu.assume_multiple %mul3A_2, 128 : i32
    %add3A_75 = arith.constant 512 : i32
    %add3A_76 = arith.addi %multiple_of3A_74, %add3A_75 : i32
    %dma_start3A_77 = arith.constant 0 : i32
    %dma_start3A_78 = arith.constant 4 : i32
    %dma_start3A_79 = arith.constant 0 : i32
    %dma_start3A_80 = arith.constant 0 : i32
    %dma_start3A_81 = tpu.memref_slice %arg8[%dma_start3A_77, %dma_start3A_78, %dma_start3A_79, %dma_start3A_80] : memref<2x8x32x128xf32, #tpu.memory_space<vmem>> -> memref<1x1x32x128xf32, #tpu.memory_space<vmem>>
    %dma_start3A_82 = tpu.memref_squeeze %dma_start3A_81 : memref<1x1x32x128xf32, #tpu.memory_space<vmem>> -> memref<32x128xf32, #tpu.memory_space<vmem>>
    %dma_start3A_83 = arith.constant 0 : i32
    %dma_start3A_84 = tpu.memref_slice %arg3[%dma_start3A_83, %add3A_76] : memref<32x1000000xf32, #tpu.memory_space<hbm>> -> memref<32x128xf32, #tpu.memory_space<hbm>>
    %dma_start3A_85 = arith.constant 0 : i32
    %dma_start3A_86 = arith.constant 0 : i32
    %dma_start3A_87 = tpu.memref_slice %arg8[%dma_start3A_77, %dma_start3A_78, %dma_start3A_85, %dma_start3A_86] : memref<2x8x32x128xf32, #tpu.memory_space<vmem>> -> memref<1x1x32x128xf32, #tpu.memory_space<vmem>>
    %dma_start3A_88 = tpu.memref_squeeze %dma_start3A_87 : memref<1x1x32x128xf32, #tpu.memory_space<vmem>> -> memref<32x128xf32, #tpu.memory_space<vmem>>
    %dma_start3A_89 = arith.constant 0 : i32
    %dma_start3A_90 = tpu.memref_slice %arg3[%dma_start3A_89, %add3A_76] : memref<32x1000000xf32, #tpu.memory_space<hbm>> -> memref<32x128xf32, #tpu.memory_space<hbm>>
    tpu.enqueue_dma source(%dma_start3A_90 : memref<32x128xf32, #tpu.memory_space<hbm>>) target(%dma_start3A_88 : memref<32x128xf32, #tpu.memory_space<vmem>>) target_semaphore(%arg11 : memref<!tpu.dma_semaphore, #tpu.memory_space<semaphore_mem>>)
    %multiple_of3A_91 = tpu.assume_multiple %mul3A_2, 128 : i32
    %add3A_92 = arith.constant 640 : i32
    %add3A_93 = arith.addi %multiple_of3A_91, %add3A_92 : i32
    %dma_start3A_94 = arith.constant 0 : i32
    %dma_start3A_95 = arith.constant 5 : i32
    %dma_start3A_96 = arith.constant 0 : i32
    %dma_start3A_97 = arith.constant 0 : i32
    %dma_start3A_98 = tpu.memref_slice %arg8[%dma_start3A_94, %dma_start3A_95, %dma_start3A_96, %dma_start3A_97] : memref<2x8x32x128xf32, #tpu.memory_space<vmem>> -> memref<1x1x32x128xf32, #tpu.memory_space<vmem>>
    %dma_start3A_99 = tpu.memref_squeeze %dma_start3A_98 : memref<1x1x32x128xf32, #tpu.memory_space<vmem>> -> memref<32x128xf32, #tpu.memory_space<vmem>>
    %dma_start3A_100 = arith.constant 0 : i32
    %dma_start3A_101 = tpu.memref_slice %arg3[%dma_start3A_100, %add3A_93] : memref<32x1000000xf32, #tpu.memory_space<hbm>> -> memref<32x128xf32, #tpu.memory_space<hbm>>
    %dma_start3A_102 = arith.constant 0 : i32
    %dma_start3A_103 = arith.constant 0 : i32
    %dma_start3A_104 = tpu.memref_slice %arg8[%dma_start3A_94, %dma_start3A_95, %dma_start3A_102, %dma_start3A_103] : memref<2x8x32x128xf32, #tpu.memory_space<vmem>> -> memref<1x1x32x128xf32, #tpu.memory_space<vmem>>
    %dma_start3A_105 = tpu.memref_squeeze %dma_start3A_104 : memref<1x1x32x128xf32, #tpu.memory_space<vmem>> -> memref<32x128xf32, #tpu.memory_space<vmem>>
    %dma_start3A_106 = arith.constant 0 : i32
    %dma_start3A_107 = tpu.memref_slice %arg3[%dma_start3A_106, %add3A_93] : memref<32x1000000xf32, #tpu.memory_space<hbm>> -> memref<32x128xf32, #tpu.memory_space<hbm>>
    tpu.enqueue_dma source(%dma_start3A_107 : memref<32x128xf32, #tpu.memory_space<hbm>>) target(%dma_start3A_105 : memref<32x128xf32, #tpu.memory_space<vmem>>) target_semaphore(%arg11 : memref<!tpu.dma_semaphore, #tpu.memory_space<semaphore_mem>>)
    %multiple_of3A_108 = tpu.assume_multiple %mul3A_2, 128 : i32
    %add3A_109 = arith.constant 768 : i32
    %add3A_110 = arith.addi %multiple_of3A_108, %add3A_109 : i32
    %dma_start3A_111 = arith.constant 0 : i32
    %dma_start3A_112 = arith.constant 6 : i32
    %dma_start3A_113 = arith.constant 0 : i32
    %dma_start3A_114 = arith.constant 0 : i32
    %dma_start3A_115 = tpu.memref_slice %arg8[%dma_start3A_111, %dma_start3A_112, %dma_start3A_113, %dma_start3A_114] : memref<2x8x32x128xf32, #tpu.memory_space<vmem>> -> memref<1x1x32x128xf32, #tpu.memory_space<vmem>>
    %dma_start3A_116 = tpu.memref_squeeze %dma_start3A_115 : memref<1x1x32x128xf32, #tpu.memory_space<vmem>> -> memref<32x128xf32, #tpu.memory_space<vmem>>
    %dma_start3A_117 = arith.constant 0 : i32
    %dma_start3A_118 = tpu.memref_slice %arg3[%dma_start3A_117, %add3A_110] : memref<32x1000000xf32, #tpu.memory_space<hbm>> -> memref<32x128xf32, #tpu.memory_space<hbm>>
    %dma_start3A_119 = arith.constant 0 : i32
    %dma_start3A_120 = arith.constant 0 : i32
    %dma_start3A_121 = tpu.memref_slice %arg8[%dma_start3A_111, %dma_start3A_112, %dma_start3A_119, %dma_start3A_120] : memref<2x8x32x128xf32, #tpu.memory_space<vmem>> -> memref<1x1x32x128xf32, #tpu.memory_space<vmem>>
    %dma_start3A_122 = tpu.memref_squeeze %dma_start3A_121 : memref<1x1x32x128xf32, #tpu.memory_space<vmem>> -> memref<32x128xf32, #tpu.memory_space<vmem>>
    %dma_start3A_123 = arith.constant 0 : i32
    %dma_start3A_124 = tpu.memref_slice %arg3[%dma_start3A_123, %add3A_110] : memref<32x1000000xf32, #tpu.memory_space<hbm>> -> memref<32x128xf32, #tpu.memory_space<hbm>>
    tpu.enqueue_dma source(%dma_start3A_124 : memref<32x128xf32, #tpu.memory_space<hbm>>) target(%dma_start3A_122 : memref<32x128xf32, #tpu.memory_space<vmem>>) target_semaphore(%arg11 : memref<!tpu.dma_semaphore, #tpu.memory_space<semaphore_mem>>)
    %multiple_of3A_125 = tpu.assume_multiple %mul3A_2, 128 : i32
    %add3A_126 = arith.constant 896 : i32
    %add3A_127 = arith.addi %multiple_of3A_125, %add3A_126 : i32
    %dma_start3A_128 = arith.constant 0 : i32
    %dma_start3A_129 = arith.constant 7 : i32
    %dma_start3A_130 = arith.constant 0 : i32
    %dma_start3A_131 = arith.constant 0 : i32
    %dma_start3A_132 = tpu.memref_slice %arg8[%dma_start3A_128, %dma_start3A_129, %dma_start3A_130, %dma_start3A_131] : memref<2x8x32x128xf32, #tpu.memory_space<vmem>> -> memref<1x1x32x128xf32, #tpu.memory_space<vmem>>
    %dma_start3A_133 = tpu.memref_squeeze %dma_start3A_132 : memref<1x1x32x128xf32, #tpu.memory_space<vmem>> -> memref<32x128xf32, #tpu.memory_space<vmem>>
    %dma_start3A_134 = arith.constant 0 : i32
    %dma_start3A_135 = tpu.memref_slice %arg3[%dma_start3A_134, %add3A_127] : memref<32x1000000xf32, #tpu.memory_space<hbm>> -> memref<32x128xf32, #tpu.memory_space<hbm>>
    %dma_start3A_136 = arith.constant 0 : i32
    %dma_start3A_137 = arith.constant 0 : i32
    %dma_start3A_138 = tpu.memref_slice %arg8[%dma_start3A_128, %dma_start3A_129, %dma_start3A_136, %dma_start3A_137] : memref<2x8x32x128xf32, #tpu.memory_space<vmem>> -> memref<1x1x32x128xf32, #tpu.memory_space<vmem>>
    %dma_start3A_139 = tpu.memref_squeeze %dma_start3A_138 : memref<1x1x32x128xf32, #tpu.memory_space<vmem>> -> memref<32x128xf32, #tpu.memory_space<vmem>>
    %dma_start3A_140 = arith.constant 0 : i32
    %dma_start3A_141 = tpu.memref_slice %arg3[%dma_start3A_140, %add3A_127] : memref<32x1000000xf32, #tpu.memory_space<hbm>> -> memref<32x128xf32, #tpu.memory_space<hbm>>
    tpu.enqueue_dma source(%dma_start3A_141 : memref<32x128xf32, #tpu.memory_space<hbm>>) target(%dma_start3A_139 : memref<32x128xf32, #tpu.memory_space<vmem>>) target_semaphore(%arg11 : memref<!tpu.dma_semaphore, #tpu.memory_space<semaphore_mem>>)
    %add3A_142 = arith.constant 1024 : i32
    %add3A_143 = arith.addi %mul3A_2, %add3A_142 : i32
    %multiple_of3A_144 = tpu.assume_multiple %add3A_143, 128 : i32
    %add3A_145 = arith.constant 0 : i32
    %add3A_146 = arith.addi %multiple_of3A_144, %add3A_145 : i32
    %dma_start3A_147 = arith.constant 1 : i32
    %dma_start3A_148 = arith.constant 0 : i32
    %dma_start3A_149 = arith.constant 0 : i32
    %dma_start3A_150 = arith.constant 0 : i32
    %dma_start3A_151 = tpu.memref_slice %arg8[%dma_start3A_147, %dma_start3A_148, %dma_start3A_149, %dma_start3A_150] : memref<2x8x32x128xf32, #tpu.memory_space<vmem>> -> memref<1x1x32x128xf32, #tpu.memory_space<vmem>>
    %dma_start3A_152 = tpu.memref_squeeze %dma_start3A_151 : memref<1x1x32x128xf32, #tpu.memory_space<vmem>> -> memref<32x128xf32, #tpu.memory_space<vmem>>
    %dma_start3A_153 = arith.constant 0 : i32
    %dma_start3A_154 = tpu.memref_slice %arg3[%dma_start3A_153, %add3A_146] : memref<32x1000000xf32, #tpu.memory_space<hbm>> -> memref<32x128xf32, #tpu.memory_space<hbm>>
    %dma_start3A_155 = arith.constant 0 : i32
    %dma_start3A_156 = arith.constant 0 : i32
    %dma_start3A_157 = tpu.memref_slice %arg8[%dma_start3A_147, %dma_start3A_148, %dma_start3A_155, %dma_start3A_156] : memref<2x8x32x128xf32, #tpu.memory_space<vmem>> -> memref<1x1x32x128xf32, #tpu.memory_space<vmem>>
    %dma_start3A_158 = tpu.memref_squeeze %dma_start3A_157 : memref<1x1x32x128xf32, #tpu.memory_space<vmem>> -> memref<32x128xf32, #tpu.memory_space<vmem>>
    %dma_start3A_159 = arith.constant 0 : i32
    %dma_start3A_160 = tpu.memref_slice %arg3[%dma_start3A_159, %add3A_146] : memref<32x1000000xf32, #tpu.memory_space<hbm>> -> memref<32x128xf32, #tpu.memory_space<hbm>>
    tpu.enqueue_dma source(%dma_start3A_160 : memref<32x128xf32, #tpu.memory_space<hbm>>) target(%dma_start3A_158 : memref<32x128xf32, #tpu.memory_space<vmem>>) target_semaphore(%arg11 : memref<!tpu.dma_semaphore, #tpu.memory_space<semaphore_mem>>)
    %multiple_of3A_161 = tpu.assume_multiple %add3A_143, 128 : i32
    %add3A_162 = arith.constant 128 : i32
    %add3A_163 = arith.addi %multiple_of3A_161, %add3A_162 : i32
    %dma_start3A_164 = arith.constant 1 : i32
    %dma_start3A_165 = arith.constant 1 : i32
    %dma_start3A_166 = arith.constant 0 : i32
    %dma_start3A_167 = arith.constant 0 : i32
    %dma_start3A_168 = tpu.memref_slice %arg8[%dma_start3A_164, %dma_start3A_165, %dma_start3A_166, %dma_start3A_167] : memref<2x8x32x128xf32, #tpu.memory_space<vmem>> -> memref<1x1x32x128xf32, #tpu.memory_space<vmem>>
    %dma_start3A_169 = tpu.memref_squeeze %dma_start3A_168 : memref<1x1x32x128xf32, #tpu.memory_space<vmem>> -> memref<32x128xf32, #tpu.memory_space<vmem>>
    %dma_start3A_170 = arith.constant 0 : i32
    %dma_start3A_171 = tpu.memref_slice %arg3[%dma_start3A_170, %add3A_163] : memref<32x1000000xf32, #tpu.memory_space<hbm>> -> memref<32x128xf32, #tpu.memory_space<hbm>>
    %dma_start3A_172 = arith.constant 0 : i32
    %dma_start3A_173 = arith.constant 0 : i32
    %dma_start3A_174 = tpu.memref_slice %arg8[%dma_start3A_164, %dma_start3A_165, %dma_start3A_172, %dma_start3A_173] : memref<2x8x32x128xf32, #tpu.memory_space<vmem>> -> memref<1x1x32x128xf32, #tpu.memory_space<vmem>>
    %dma_start3A_175 = tpu.memref_squeeze %dma_start3A_174 : memref<1x1x32x128xf32, #tpu.memory_space<vmem>> -> memref<32x128xf32, #tpu.memory_space<vmem>>
    %dma_start3A_176 = arith.constant 0 : i32
    %dma_start3A_177 = tpu.memref_slice %arg3[%dma_start3A_176, %add3A_163] : memref<32x1000000xf32, #tpu.memory_space<hbm>> -> memref<32x128xf32, #tpu.memory_space<hbm>>
    tpu.enqueue_dma source(%dma_start3A_177 : memref<32x128xf32, #tpu.memory_space<hbm>>) target(%dma_start3A_175 : memref<32x128xf32, #tpu.memory_space<vmem>>) target_semaphore(%arg11 : memref<!tpu.dma_semaphore, #tpu.memory_space<semaphore_mem>>)
    %multiple_of3A_178 = tpu.assume_multiple %add3A_143, 128 : i32
    %add3A_179 = arith.constant 256 : i32
    %add3A_180 = arith.addi %multiple_of3A_178, %add3A_179 : i32
    %dma_start3A_181 = arith.constant 1 : i32
    %dma_start3A_182 = arith.constant 2 : i32
    %dma_start3A_183 = arith.constant 0 : i32
    %dma_start3A_184 = arith.constant 0 : i32
    %dma_start3A_185 = tpu.memref_slice %arg8[%dma_start3A_181, %dma_start3A_182, %dma_start3A_183, %dma_start3A_184] : memref<2x8x32x128xf32, #tpu.memory_space<vmem>> -> memref<1x1x32x128xf32, #tpu.memory_space<vmem>>
    %dma_start3A_186 = tpu.memref_squeeze %dma_start3A_185 : memref<1x1x32x128xf32, #tpu.memory_space<vmem>> -> memref<32x128xf32, #tpu.memory_space<vmem>>
    %dma_start3A_187 = arith.constant 0 : i32
    %dma_start3A_188 = tpu.memref_slice %arg3[%dma_start3A_187, %add3A_180] : memref<32x1000000xf32, #tpu.memory_space<hbm>> -> memref<32x128xf32, #tpu.memory_space<hbm>>
    %dma_start3A_189 = arith.constant 0 : i32
    %dma_start3A_190 = arith.constant 0 : i32
    %dma_start3A_191 = tpu.memref_slice %arg8[%dma_start3A_181, %dma_start3A_182, %dma_start3A_189, %dma_start3A_190] : memref<2x8x32x128xf32, #tpu.memory_space<vmem>> -> memref<1x1x32x128xf32, #tpu.memory_space<vmem>>
    %dma_start3A_192 = tpu.memref_squeeze %dma_start3A_191 : memref<1x1x32x128xf32, #tpu.memory_space<vmem>> -> memref<32x128xf32, #tpu.memory_space<vmem>>
    %dma_start3A_193 = arith.constant 0 : i32
    %dma_start3A_194 = tpu.memref_slice %arg3[%dma_start3A_193, %add3A_180] : memref<32x1000000xf32, #tpu.memory_space<hbm>> -> memref<32x128xf32, #tpu.memory_space<hbm>>
    tpu.enqueue_dma source(%dma_start3A_194 : memref<32x128xf32, #tpu.memory_space<hbm>>) target(%dma_start3A_192 : memref<32x128xf32, #tpu.memory_space<vmem>>) target_semaphore(%arg11 : memref<!tpu.dma_semaphore, #tpu.memory_space<semaphore_mem>>)
    %multiple_of3A_195 = tpu.assume_multiple %add3A_143, 128 : i32
    %add3A_196 = arith.constant 384 : i32
    %add3A_197 = arith.addi %multiple_of3A_195, %add3A_196 : i32
    %dma_start3A_198 = arith.constant 1 : i32
    %dma_start3A_199 = arith.constant 3 : i32
    %dma_start3A_200 = arith.constant 0 : i32
    %dma_start3A_201 = arith.constant 0 : i32
    %dma_start3A_202 = tpu.memref_slice %arg8[%dma_start3A_198, %dma_start3A_199, %dma_start3A_200, %dma_start3A_201] : memref<2x8x32x128xf32, #tpu.memory_space<vmem>> -> memref<1x1x32x128xf32, #tpu.memory_space<vmem>>
    %dma_start3A_203 = tpu.memref_squeeze %dma_start3A_202 : memref<1x1x32x128xf32, #tpu.memory_space<vmem>> -> memref<32x128xf32, #tpu.memory_space<vmem>>
    %dma_start3A_204 = arith.constant 0 : i32
    %dma_start3A_205 = tpu.memref_slice %arg3[%dma_start3A_204, %add3A_197] : memref<32x1000000xf32, #tpu.memory_space<hbm>> -> memref<32x128xf32, #tpu.memory_space<hbm>>
    %dma_start3A_206 = arith.constant 0 : i32
    %dma_start3A_207 = arith.constant 0 : i32
    %dma_start3A_208 = tpu.memref_slice %arg8[%dma_start3A_198, %dma_start3A_199, %dma_start3A_206, %dma_start3A_207] : memref<2x8x32x128xf32, #tpu.memory_space<vmem>> -> memref<1x1x32x128xf32, #tpu.memory_space<vmem>>
    %dma_start3A_209 = tpu.memref_squeeze %dma_start3A_208 : memref<1x1x32x128xf32, #tpu.memory_space<vmem>> -> memref<32x128xf32, #tpu.memory_space<vmem>>
    %dma_start3A_210 = arith.constant 0 : i32
    %dma_start3A_211 = tpu.memref_slice %arg3[%dma_start3A_210, %add3A_197] : memref<32x1000000xf32, #tpu.memory_space<hbm>> -> memref<32x128xf32, #tpu.memory_space<hbm>>
    tpu.enqueue_dma source(%dma_start3A_211 : memref<32x128xf32, #tpu.memory_space<hbm>>) target(%dma_start3A_209 : memref<32x128xf32, #tpu.memory_space<vmem>>) target_semaphore(%arg11 : memref<!tpu.dma_semaphore, #tpu.memory_space<semaphore_mem>>)
    %multiple_of3A_212 = tpu.assume_multiple %add3A_143, 128 : i32
    %add3A_213 = arith.constant 512 : i32
    %add3A_214 = arith.addi %multiple_of3A_212, %add3A_213 : i32
    %dma_start3A_215 = arith.constant 1 : i32
    %dma_start3A_216 = arith.constant 4 : i32
    %dma_start3A_217 = arith.constant 0 : i32
    %dma_start3A_218 = arith.constant 0 : i32
    %dma_start3A_219 = tpu.memref_slice %arg8[%dma_start3A_215, %dma_start3A_216, %dma_start3A_217, %dma_start3A_218] : memref<2x8x32x128xf32, #tpu.memory_space<vmem>> -> memref<1x1x32x128xf32, #tpu.memory_space<vmem>>
    %dma_start3A_220 = tpu.memref_squeeze %dma_start3A_219 : memref<1x1x32x128xf32, #tpu.memory_space<vmem>> -> memref<32x128xf32, #tpu.memory_space<vmem>>
    %dma_start3A_221 = arith.constant 0 : i32
    %dma_start3A_222 = tpu.memref_slice %arg3[%dma_start3A_221, %add3A_214] : memref<32x1000000xf32, #tpu.memory_space<hbm>> -> memref<32x128xf32, #tpu.memory_space<hbm>>
    %dma_start3A_223 = arith.constant 0 : i32
    %dma_start3A_224 = arith.constant 0 : i32
    %dma_start3A_225 = tpu.memref_slice %arg8[%dma_start3A_215, %dma_start3A_216, %dma_start3A_223, %dma_start3A_224] : memref<2x8x32x128xf32, #tpu.memory_space<vmem>> -> memref<1x1x32x128xf32, #tpu.memory_space<vmem>>
    %dma_start3A_226 = tpu.memref_squeeze %dma_start3A_225 : memref<1x1x32x128xf32, #tpu.memory_space<vmem>> -> memref<32x128xf32, #tpu.memory_space<vmem>>
    %dma_start3A_227 = arith.constant 0 : i32
    %dma_start3A_228 = tpu.memref_slice %arg3[%dma_start3A_227, %add3A_214] : memref<32x1000000xf32, #tpu.memory_space<hbm>> -> memref<32x128xf32, #tpu.memory_space<hbm>>
    tpu.enqueue_dma source(%dma_start3A_228 : memref<32x128xf32, #tpu.memory_space<hbm>>) target(%dma_start3A_226 : memref<32x128xf32, #tpu.memory_space<vmem>>) target_semaphore(%arg11 : memref<!tpu.dma_semaphore, #tpu.memory_space<semaphore_mem>>)
    %multiple_of3A_229 = tpu.assume_multiple %add3A_143, 128 : i32
    %add3A_230 = arith.constant 640 : i32
    %add3A_231 = arith.addi %multiple_of3A_229, %add3A_230 : i32
    %dma_start3A_232 = arith.constant 1 : i32
    %dma_start3A_233 = arith.constant 5 : i32
    %dma_start3A_234 = arith.constant 0 : i32
    %dma_start3A_235 = arith.constant 0 : i32
    %dma_start3A_236 = tpu.memref_slice %arg8[%dma_start3A_232, %dma_start3A_233, %dma_start3A_234, %dma_start3A_235] : memref<2x8x32x128xf32, #tpu.memory_space<vmem>> -> memref<1x1x32x128xf32, #tpu.memory_space<vmem>>
    %dma_start3A_237 = tpu.memref_squeeze %dma_start3A_236 : memref<1x1x32x128xf32, #tpu.memory_space<vmem>> -> memref<32x128xf32, #tpu.memory_space<vmem>>
    %dma_start3A_238 = arith.constant 0 : i32
    %dma_start3A_239 = tpu.memref_slice %arg3[%dma_start3A_238, %add3A_231] : memref<32x1000000xf32, #tpu.memory_space<hbm>> -> memref<32x128xf32, #tpu.memory_space<hbm>>
    %dma_start3A_240 = arith.constant 0 : i32
    %dma_start3A_241 = arith.constant 0 : i32
    %dma_start3A_242 = tpu.memref_slice %arg8[%dma_start3A_232, %dma_start3A_233, %dma_start3A_240, %dma_start3A_241] : memref<2x8x32x128xf32, #tpu.memory_space<vmem>> -> memref<1x1x32x128xf32, #tpu.memory_space<vmem>>
    %dma_start3A_243 = tpu.memref_squeeze %dma_start3A_242 : memref<1x1x32x128xf32, #tpu.memory_space<vmem>> -> memref<32x128xf32, #tpu.memory_space<vmem>>
    %dma_start3A_244 = arith.constant 0 : i32
    %dma_start3A_245 = tpu.memref_slice %arg3[%dma_start3A_244, %add3A_231] : memref<32x1000000xf32, #tpu.memory_space<hbm>> -> memref<32x128xf32, #tpu.memory_space<hbm>>
    tpu.enqueue_dma source(%dma_start3A_245 : memref<32x128xf32, #tpu.memory_space<hbm>>) target(%dma_start3A_243 : memref<32x128xf32, #tpu.memory_space<vmem>>) target_semaphore(%arg11 : memref<!tpu.dma_semaphore, #tpu.memory_space<semaphore_mem>>)
    %multiple_of3A_246 = tpu.assume_multiple %add3A_143, 128 : i32
    %add3A_247 = arith.constant 768 : i32
    %add3A_248 = arith.addi %multiple_of3A_246, %add3A_247 : i32
    %dma_start3A_249 = arith.constant 1 : i32
    %dma_start3A_250 = arith.constant 6 : i32
    %dma_start3A_251 = arith.constant 0 : i32
    %dma_start3A_252 = arith.constant 0 : i32
    %dma_start3A_253 = tpu.memref_slice %arg8[%dma_start3A_249, %dma_start3A_250, %dma_start3A_251, %dma_start3A_252] : memref<2x8x32x128xf32, #tpu.memory_space<vmem>> -> memref<1x1x32x128xf32, #tpu.memory_space<vmem>>
    %dma_start3A_254 = tpu.memref_squeeze %dma_start3A_253 : memref<1x1x32x128xf32, #tpu.memory_space<vmem>> -> memref<32x128xf32, #tpu.memory_space<vmem>>
    %dma_start3A_255 = arith.constant 0 : i32
    %dma_start3A_256 = tpu.memref_slice %arg3[%dma_start3A_255, %add3A_248] : memref<32x1000000xf32, #tpu.memory_space<hbm>> -> memref<32x128xf32, #tpu.memory_space<hbm>>
    %dma_start3A_257 = arith.constant 0 : i32
    %dma_start3A_258 = arith.constant 0 : i32
    %dma_start3A_259 = tpu.memref_slice %arg8[%dma_start3A_249, %dma_start3A_250, %dma_start3A_257, %dma_start3A_258] : memref<2x8x32x128xf32, #tpu.memory_space<vmem>> -> memref<1x1x32x128xf32, #tpu.memory_space<vmem>>
    %dma_start3A_260 = tpu.memref_squeeze %dma_start3A_259 : memref<1x1x32x128xf32, #tpu.memory_space<vmem>> -> memref<32x128xf32, #tpu.memory_space<vmem>>
    %dma_start3A_261 = arith.constant 0 : i32
    %dma_start3A_262 = tpu.memref_slice %arg3[%dma_start3A_261, %add3A_248] : memref<32x1000000xf32, #tpu.memory_space<hbm>> -> memref<32x128xf32, #tpu.memory_space<hbm>>
    tpu.enqueue_dma source(%dma_start3A_262 : memref<32x128xf32, #tpu.memory_space<hbm>>) target(%dma_start3A_260 : memref<32x128xf32, #tpu.memory_space<vmem>>) target_semaphore(%arg11 : memref<!tpu.dma_semaphore, #tpu.memory_space<semaphore_mem>>)
    %multiple_of3A_263 = tpu.assume_multiple %add3A_143, 128 : i32
    %add3A_264 = arith.constant 896 : i32
    %add3A_265 = arith.addi %multiple_of3A_263, %add3A_264 : i32
    %dma_start3A_266 = arith.constant 1 : i32
    %dma_start3A_267 = arith.constant 7 : i32
    %dma_start3A_268 = arith.constant 0 : i32
    %dma_start3A_269 = arith.constant 0 : i32
    %dma_start3A_270 = tpu.memref_slice %arg8[%dma_start3A_266, %dma_start3A_267, %dma_start3A_268, %dma_start3A_269] : memref<2x8x32x128xf32, #tpu.memory_space<vmem>> -> memref<1x1x32x128xf32, #tpu.memory_space<vmem>>
    %dma_start3A_271 = tpu.memref_squeeze %dma_start3A_270 : memref<1x1x32x128xf32, #tpu.memory_space<vmem>> -> memref<32x128xf32, #tpu.memory_space<vmem>>
    %dma_start3A_272 = arith.constant 0 : i32
    %dma_start3A_273 = tpu.memref_slice %arg3[%dma_start3A_272, %add3A_265] : memref<32x1000000xf32, #tpu.memory_space<hbm>> -> memref<32x128xf32, #tpu.memory_space<hbm>>
    %dma_start3A_274 = arith.constant 0 : i32
    %dma_start3A_275 = arith.constant 0 : i32
    %dma_start3A_276 = tpu.memref_slice %arg8[%dma_start3A_266, %dma_start3A_267, %dma_start3A_274, %dma_start3A_275] : memref<2x8x32x128xf32, #tpu.memory_space<vmem>> -> memref<1x1x32x128xf32, #tpu.memory_space<vmem>>
    %dma_start3A_277 = tpu.memref_squeeze %dma_start3A_276 : memref<1x1x32x128xf32, #tpu.memory_space<vmem>> -> memref<32x128xf32, #tpu.memory_space<vmem>>
    %dma_start3A_278 = arith.constant 0 : i32
    %dma_start3A_279 = tpu.memref_slice %arg3[%dma_start3A_278, %add3A_265] : memref<32x1000000xf32, #tpu.memory_space<hbm>> -> memref<32x128xf32, #tpu.memory_space<hbm>>
    tpu.enqueue_dma source(%dma_start3A_279 : memref<32x128xf32, #tpu.memory_space<hbm>>) target(%dma_start3A_277 : memref<32x128xf32, #tpu.memory_space<vmem>>) target_semaphore(%arg11 : memref<!tpu.dma_semaphore, #tpu.memory_space<semaphore_mem>>)
    "tpu.region"() ({
      %run_scoped3A = tpu.sem_alloc : memref<!tpu.dma_semaphore, #tpu.memory_space<semaphore_mem>>
      tpu.enqueue_dma source(%arg2 : memref<16384xi32, #tpu.memory_space<hbm>>) target(%arg5 : memref<16384xi32, #tpu.memory_space<vmem>>) target_semaphore(%run_scoped3A : memref<!tpu.dma_semaphore, #tpu.memory_space<semaphore_mem>>)
      tpu.wait_dma2 semaphore(%run_scoped3A : memref<!tpu.dma_semaphore, #tpu.memory_space<semaphore_mem>>) src(%arg2 : memref<16384xi32, #tpu.memory_space<hbm>>) dst(%arg5 : memref<16384xi32, #tpu.memory_space<vmem>>)
      tpu.yield
    }) : () -> ()
    %scan3A = arith.constant 0 : i32
    %scan3A_280 = arith.constant 0 : i32
    %scan3A_281 = arith.constant 1024 : i32
    %scan3A_282 = arith.addi %scan3A_280, %scan3A_281 : i32
    %scan3A_283 = arith.constant 1 : i32
    %scan3A_284 = scf.for %scan3A_513 = %scan3A_280 to %scan3A_282 step %scan3A_283 iter_args(%scan3A_514 = %scan3A) -> (i32)  : i32 {
      %mul3A_515 = arith.constant 16 : i32
      %mul3A_516 = arith.muli %scan3A_513, %mul3A_515 : i32
      %get3A = arith.index_cast %mul3A_516 : i32 to index
      %get3A_517 = tpu.vector_load %arg5[%get3A] {strides = array<i32>} : memref<16384xi32, #tpu.memory_space<vmem>>, vector<16xi32>,
      %sub3A_518 = arith.constant 999424 : i32
      %sub3A_519 = vector.broadcast %sub3A_518 : i32 to vector<16xi32>
      %sub3A_520 = arith.subi %get3A_517, %sub3A_519 : vector<16xi32>
      %ge3A = vector.broadcast %mul3A_2 : i32 to vector<16xi32>
      %ge3A_521 = arith.cmpi sge, %get3A_517, %ge3A : vector<16xi32>
      %add3A_522 = arith.constant 31232 : i32
      %add3A_523 = arith.addi %mul3A_2, %add3A_522 : i32
      %lt3A = vector.broadcast %add3A_523 : i32 to vector<16xi32>
      %lt3A_524 = arith.cmpi slt, %get3A_517, %lt3A : vector<16xi32>
      %and3A_525 = arith.andi %ge3A_521, %lt3A_524 : vector<16xi1>
      %ge3A_526 = arith.constant 0 : i32
      %ge3A_527 = vector.broadcast %ge3A_526 : i32 to vector<16xi32>
      %ge3A_528 = arith.cmpi sge, %sub3A_520, %ge3A_527 : vector<16xi32>
      %shift_right_arithmetic3A_529 = arith.constant 7 : i32
      %shift_right_arithmetic3A_530 = vector.broadcast %shift_right_arithmetic3A_529 : i32 to vector<16xi32>
      %shift_right_arithmetic3A_531 = arith.shrsi %sub3A_520, %shift_right_arithmetic3A_530 : vector<16xi32>
      %eq3A = vector.broadcast %add3A : i32 to vector<16xi32>
      %eq3A_532 = arith.cmpi eq, %shift_right_arithmetic3A_531, %eq3A : vector<16xi32>
      %and3A_533 = arith.andi %ge3A_528, %eq3A_532 : vector<16xi1>
      %or3A = arith.ori %and3A_525, %and3A_533 : vector<16xi1>
      %swap3A = arith.index_cast %scan3A_514 : i32 to index
      %swap3A_534 = tpu.vector_load %arg6[%swap3A] masked %or3A {strides = array<i32>} : memref<16384xi32, #tpu.memory_space<vmem>>, vector<16xi32>, vector<16xi1>
      tpu.vector_store %arg6[%swap3A], %get3A_517 masked %or3A {strides = array<i32>} : memref<16384xi32, #tpu.memory_space<vmem>>, vector<16xi32>, vector<16xi1>
      %mul3A_535 = arith.constant 16 : i32
      %mul3A_536 = arith.muli %scan3A_513, %mul3A_535 : i32
      %add3A_537 = vector.broadcast %mul3A_536 : i32 to vector<16xi32>
      %add3A_538 = arith.addi %add3A_537, %iota3A : vector<16xi32>
      %swap3A_539 = arith.index_cast %scan3A_514 : i32 to index
      %swap3A_540 = tpu.vector_load %arg7[%swap3A_539] masked %or3A {strides = array<i32>} : memref<16384xi32, #tpu.memory_space<vmem>>, vector<16xi32>, vector<16xi1>
      tpu.vector_store %arg7[%swap3A_539], %add3A_538 masked %or3A {strides = array<i32>} : memref<16384xi32, #tpu.memory_space<vmem>>, vector<16xi32>, vector<16xi1>
      %all_reduce_population_count3A = tpu.all_reduce %or3A {dim = 0 : i64, kind = #tpu.reduction_kind<sum>} : vector<16xi1> -> vector<16xi32>
      %slice3A = vector.extract_strided_slice %all_reduce_population_count3A {offsets = [0], sizes = [1], strides = [1]} : vector<16xi32> to vector<1xi32>
      %squeeze3A = vector.extract %slice3A[0] : i32 from vector<1xi32>
      %add3A_541 = arith.addi %scan3A_514, %squeeze3A : i32
      scf.yield %add3A_541 : i32
    }
    %scan3A_285 = arith.constant 1024 : i32
    %add3A_286 = arith.constant 16 : i32
    %add3A_287 = arith.addi %scan3A_284, %add3A_286 : i32
    %sub3A = arith.constant 1 : i32
    %sub3A_288 = arith.subi %add3A_287, %sub3A : i32
    %shift_right_arithmetic3A = arith.constant 4 : i32
    %shift_right_arithmetic3A_289 = arith.shrsi %sub3A_288, %shift_right_arithmetic3A : i32
    %scan3A_290 = arith.constant 0 : i32
    %scan3A_291 = arith.constant 0 : i32
    %scan3A_292 = arith.constant 0 : i32
    %scan3A_293 = arith.constant 30 : i32
    %scan3A_294 = arith.addi %scan3A_292, %scan3A_293 : i32
    %scan3A_295 = arith.constant 1 : i32
    %scan3A_296:2 = scf.for %scan3A_513 = %scan3A_292 to %scan3A_294 step %scan3A_295 iter_args(%scan3A_514 = %scan3A_290, %scan3A_515 = %scan3A_291) -> (i32, i32)  : i32 {
      %and3A_516 = arith.constant 1 : i32
      %and3A_517 = arith.andi %scan3A_513, %and3A_516 : i32
      %mul3A_518 = arith.constant 1024 : i32
      %mul3A_519 = arith.muli %scan3A_513, %mul3A_518 : i32
      %add3A_520 = arith.addi %mul3A_2, %mul3A_519 : i32
      %multiple_of3A_521 = tpu.assume_multiple %add3A_520, 128 : i32
      %add3A_522 = arith.constant 0 : i32
      %add3A_523 = arith.addi %multiple_of3A_521, %add3A_522 : i32
      %dma_wait3A_524 = arith.constant 0 : i32
      %dma_wait3A_525 = arith.constant 0 : i32
      %dma_wait3A_526 = arith.constant 0 : i32
      %dma_wait3A_527 = tpu.memref_slice %arg8[%and3A_517, %dma_wait3A_524, %dma_wait3A_525, %dma_wait3A_526] : memref<2x8x32x128xf32, #tpu.memory_space<vmem>> -> memref<1x1x32x128xf32, #tpu.memory_space<vmem>>
      %dma_wait3A_528 = tpu.memref_squeeze %dma_wait3A_527 : memref<1x1x32x128xf32, #tpu.memory_space<vmem>> -> memref<32x128xf32, #tpu.memory_space<vmem>>
      %dma_wait3A_529 = arith.constant 0 : i32
      %dma_wait3A_530 = tpu.memref_slice %arg3[%dma_wait3A_529, %add3A_523] : memref<32x1000000xf32, #tpu.memory_space<hbm>> -> memref<32x128xf32, #tpu.memory_space<hbm>>
      %dma_wait3A_531 = arith.constant 0 : i32
      %dma_wait3A_532 = arith.constant 0 : i32
      %dma_wait3A_533 = tpu.memref_slice %arg8[%and3A_517, %dma_wait3A_524, %dma_wait3A_531, %dma_wait3A_532] : memref<2x8x32x128xf32, #tpu.memory_space<vmem>> -> memref<1x1x32x128xf32, #tpu.memory_space<vmem>>
      %dma_wait3A_534 = tpu.memref_squeeze %dma_wait3A_533 : memref<1x1x32x128xf32, #tpu.memory_space<vmem>> -> memref<32x128xf32, #tpu.memory_space<vmem>>
      %dma_wait3A_535 = arith.constant 0 : i32
      %dma_wait3A_536 = tpu.memref_slice %arg3[%dma_wait3A_535, %add3A_523] : memref<32x1000000xf32, #tpu.memory_space<hbm>> -> memref<32x128xf32, #tpu.memory_space<hbm>>
      tpu.wait_dma2 semaphore(%arg11 : memref<!tpu.dma_semaphore, #tpu.memory_space<semaphore_mem>>) src(%dma_wait3A_536 : memref<32x128xf32, #tpu.memory_space<hbm>>) dst(%dma_wait3A_534 : memref<32x128xf32, #tpu.memory_space<vmem>>)
      %multiple_of3A_537 = tpu.assume_multiple %add3A_520, 128 : i32
      %add3A_538 = arith.constant 128 : i32
      %add3A_539 = arith.addi %multiple_of3A_537, %add3A_538 : i32
      %dma_wait3A_540 = arith.constant 1 : i32
      %dma_wait3A_541 = arith.constant 0 : i32
      %dma_wait3A_542 = arith.constant 0 : i32
      %dma_wait3A_543 = tpu.memref_slice %arg8[%and3A_517, %dma_wait3A_540, %dma_wait3A_541, %dma_wait3A_542] : memref<2x8x32x128xf32, #tpu.memory_space<vmem>> -> memref<1x1x32x128xf32, #tpu.memory_space<vmem>>
      %dma_wait3A_544 = tpu.memref_squeeze %dma_wait3A_543 : memref<1x1x32x128xf32, #tpu.memory_space<vmem>> -> memref<32x128xf32, #tpu.memory_space<vmem>>
      %dma_wait3A_545 = arith.constant 0 : i32
      %dma_wait3A_546 = tpu.memref_slice %arg3[%dma_wait3A_545, %add3A_539] : memref<32x1000000xf32, #tpu.memory_space<hbm>> -> memref<32x128xf32, #tpu.memory_space<hbm>>
      %dma_wait3A_547 = arith.constant 0 : i32
      %dma_wait3A_548 = arith.constant 0 : i32
      %dma_wait3A_549 = tpu.memref_slice %arg8[%and3A_517, %dma_wait3A_540, %dma_wait3A_547, %dma_wait3A_548] : memref<2x8x32x128xf32, #tpu.memory_space<vmem>> -> memref<1x1x32x128xf32, #tpu.memory_space<vmem>>
      %dma_wait3A_550 = tpu.memref_squeeze %dma_wait3A_549 : memref<1x1x32x128xf32, #tpu.memory_space<vmem>> -> memref<32x128xf32, #tpu.memory_space<vmem>>
      %dma_wait3A_551 = arith.constant 0 : i32
      %dma_wait3A_552 = tpu.memref_slice %arg3[%dma_wait3A_551, %add3A_539] : memref<32x1000000xf32, #tpu.memory_space<hbm>> -> memref<32x128xf32, #tpu.memory_space<hbm>>
      tpu.wait_dma2 semaphore(%arg11 : memref<!tpu.dma_semaphore, #tpu.memory_space<semaphore_mem>>) src(%dma_wait3A_552 : memref<32x128xf32, #tpu.memory_space<hbm>>) dst(%dma_wait3A_550 : memref<32x128xf32, #tpu.memory_space<vmem>>)
      %multiple_of3A_553 = tpu.assume_multiple %add3A_520, 128 : i32
      %add3A_554 = arith.constant 256 : i32
      %add3A_555 = arith.addi %multiple_of3A_553, %add3A_554 : i32
      %dma_wait3A_556 = arith.constant 2 : i32
      %dma_wait3A_557 = arith.constant 0 : i32
      %dma_wait3A_558 = arith.constant 0 : i32
      %dma_wait3A_559 = tpu.memref_slice %arg8[%and3A_517, %dma_wait3A_556, %dma_wait3A_557, %dma_wait3A_558] : memref<2x8x32x128xf32, #tpu.memory_space<vmem>> -> memref<1x1x32x128xf32, #tpu.memory_space<vmem>>
      %dma_wait3A_560 = tpu.memref_squeeze %dma_wait3A_559 : memref<1x1x32x128xf32, #tpu.memory_space<vmem>> -> memref<32x128xf32, #tpu.memory_space<vmem>>
      %dma_wait3A_561 = arith.constant 0 : i32
      %dma_wait3A_562 = tpu.memref_slice %arg3[%dma_wait3A_561, %add3A_555] : memref<32x1000000xf32, #tpu.memory_space<hbm>> -> memref<32x128xf32, #tpu.memory_space<hbm>>
      %dma_wait3A_563 = arith.constant 0 : i32
      %dma_wait3A_564 = arith.constant 0 : i32
      %dma_wait3A_565 = tpu.memref_slice %arg8[%and3A_517, %dma_wait3A_556, %dma_wait3A_563, %dma_wait3A_564] : memref<2x8x32x128xf32, #tpu.memory_space<vmem>> -> memref<1x1x32x128xf32, #tpu.memory_space<vmem>>
      %dma_wait3A_566 = tpu.memref_squeeze %dma_wait3A_565 : memref<1x1x32x128xf32, #tpu.memory_space<vmem>> -> memref<32x128xf32, #tpu.memory_space<vmem>>
      %dma_wait3A_567 = arith.constant 0 : i32
      %dma_wait3A_568 = tpu.memref_slice %arg3[%dma_wait3A_567, %add3A_555] : memref<32x1000000xf32, #tpu.memory_space<hbm>> -> memref<32x128xf32, #tpu.memory_space<hbm>>
      tpu.wait_dma2 semaphore(%arg11 : memref<!tpu.dma_semaphore, #tpu.memory_space<semaphore_mem>>) src(%dma_wait3A_568 : memref<32x128xf32, #tpu.memory_space<hbm>>) dst(%dma_wait3A_566 : memref<32x128xf32, #tpu.memory_space<vmem>>)
      %multiple_of3A_569 = tpu.assume_multiple %add3A_520, 128 : i32
      %add3A_570 = arith.constant 384 : i32
      %add3A_571 = arith.addi %multiple_of3A_569, %add3A_570 : i32
      %dma_wait3A_572 = arith.constant 3 : i32
      %dma_wait3A_573 = arith.constant 0 : i32
      %dma_wait3A_574 = arith.constant 0 : i32
      %dma_wait3A_575 = tpu.memref_slice %arg8[%and3A_517, %dma_wait3A_572, %dma_wait3A_573, %dma_wait3A_574] : memref<2x8x32x128xf32, #tpu.memory_space<vmem>> -> memref<1x1x32x128xf32, #tpu.memory_space<vmem>>
      %dma_wait3A_576 = tpu.memref_squeeze %dma_wait3A_575 : memref<1x1x32x128xf32, #tpu.memory_space<vmem>> -> memref<32x128xf32, #tpu.memory_space<vmem>>
      %dma_wait3A_577 = arith.constant 0 : i32
      %dma_wait3A_578 = tpu.memref_slice %arg3[%dma_wait3A_577, %add3A_571] : memref<32x1000000xf32, #tpu.memory_space<hbm>> -> memref<32x128xf32, #tpu.memory_space<hbm>>
      %dma_wait3A_579 = arith.constant 0 : i32
      %dma_wait3A_580 = arith.constant 0 : i32
      %dma_wait3A_581 = tpu.memref_slice %arg8[%and3A_517, %dma_wait3A_572, %dma_wait3A_579, %dma_wait3A_580] : memref<2x8x32x128xf32, #tpu.memory_space<vmem>> -> memref<1x1x32x128xf32, #tpu.memory_space<vmem>>
      %dma_wait3A_582 = tpu.memref_squeeze %dma_wait3A_581 : memref<1x1x32x128xf32, #tpu.memory_space<vmem>> -> memref<32x128xf32, #tpu.memory_space<vmem>>
      %dma_wait3A_583 = arith.constant 0 : i32
      %dma_wait3A_584 = tpu.memref_slice %arg3[%dma_wait3A_583, %add3A_571] : memref<32x1000000xf32, #tpu.memory_space<hbm>> -> memref<32x128xf32, #tpu.memory_space<hbm>>
      tpu.wait_dma2 semaphore(%arg11 : memref<!tpu.dma_semaphore, #tpu.memory_space<semaphore_mem>>) src(%dma_wait3A_584 : memref<32x128xf32, #tpu.memory_space<hbm>>) dst(%dma_wait3A_582 : memref<32x128xf32, #tpu.memory_space<vmem>>)
      %multiple_of3A_585 = tpu.assume_multiple %add3A_520, 128 : i32
      %add3A_586 = arith.constant 512 : i32
      %add3A_587 = arith.addi %multiple_of3A_585, %add3A_586 : i32
      %dma_wait3A_588 = arith.constant 4 : i32
      %dma_wait3A_589 = arith.constant 0 : i32
      %dma_wait3A_590 = arith.constant 0 : i32
      %dma_wait3A_591 = tpu.memref_slice %arg8[%and3A_517, %dma_wait3A_588, %dma_wait3A_589, %dma_wait3A_590] : memref<2x8x32x128xf32, #tpu.memory_space<vmem>> -> memref<1x1x32x128xf32, #tpu.memory_space<vmem>>
      %dma_wait3A_592 = tpu.memref_squeeze %dma_wait3A_591 : memref<1x1x32x128xf32, #tpu.memory_space<vmem>> -> memref<32x128xf32, #tpu.memory_space<vmem>>
      %dma_wait3A_593 = arith.constant 0 : i32
      %dma_wait3A_594 = tpu.memref_slice %arg3[%dma_wait3A_593, %add3A_587] : memref<32x1000000xf32, #tpu.memory_space<hbm>> -> memref<32x128xf32, #tpu.memory_space<hbm>>
      %dma_wait3A_595 = arith.constant 0 : i32
      %dma_wait3A_596 = arith.constant 0 : i32
      %dma_wait3A_597 = tpu.memref_slice %arg8[%and3A_517, %dma_wait3A_588, %dma_wait3A_595, %dma_wait3A_596] : memref<2x8x32x128xf32, #tpu.memory_space<vmem>> -> memref<1x1x32x128xf32, #tpu.memory_space<vmem>>
      %dma_wait3A_598 = tpu.memref_squeeze %dma_wait3A_597 : memref<1x1x32x128xf32, #tpu.memory_space<vmem>> -> memref<32x128xf32, #tpu.memory_space<vmem>>
      %dma_wait3A_599 = arith.constant 0 : i32
      %dma_wait3A_600 = tpu.memref_slice %arg3[%dma_wait3A_599, %add3A_587] : memref<32x1000000xf32, #tpu.memory_space<hbm>> -> memref<32x128xf32, #tpu.memory_space<hbm>>
      tpu.wait_dma2 semaphore(%arg11 : memref<!tpu.dma_semaphore, #tpu.memory_space<semaphore_mem>>) src(%dma_wait3A_600 : memref<32x128xf32, #tpu.memory_space<hbm>>) dst(%dma_wait3A_598 : memref<32x128xf32, #tpu.memory_space<vmem>>)
      %multiple_of3A_601 = tpu.assume_multiple %add3A_520, 128 : i32
      %add3A_602 = arith.constant 640 : i32
      %add3A_603 = arith.addi %multiple_of3A_601, %add3A_602 : i32
      %dma_wait3A_604 = arith.constant 5 : i32
      %dma_wait3A_605 = arith.constant 0 : i32
      %dma_wait3A_606 = arith.constant 0 : i32
      %dma_wait3A_607 = tpu.memref_slice %arg8[%and3A_517, %dma_wait3A_604, %dma_wait3A_605, %dma_wait3A_606] : memref<2x8x32x128xf32, #tpu.memory_space<vmem>> -> memref<1x1x32x128xf32, #tpu.memory_space<vmem>>
      %dma_wait3A_608 = tpu.memref_squeeze %dma_wait3A_607 : memref<1x1x32x128xf32, #tpu.memory_space<vmem>> -> memref<32x128xf32, #tpu.memory_space<vmem>>
      %dma_wait3A_609 = arith.constant 0 : i32
      %dma_wait3A_610 = tpu.memref_slice %arg3[%dma_wait3A_609, %add3A_603] : memref<32x1000000xf32, #tpu.memory_space<hbm>> -> memref<32x128xf32, #tpu.memory_space<hbm>>
      %dma_wait3A_611 = arith.constant 0 : i32
      %dma_wait3A_612 = arith.constant 0 : i32
      %dma_wait3A_613 = tpu.memref_slice %arg8[%and3A_517, %dma_wait3A_604, %dma_wait3A_611, %dma_wait3A_612] : memref<2x8x32x128xf32, #tpu.memory_space<vmem>> -> memref<1x1x32x128xf32, #tpu.memory_space<vmem>>
      %dma_wait3A_614 = tpu.memref_squeeze %dma_wait3A_613 : memref<1x1x32x128xf32, #tpu.memory_space<vmem>> -> memref<32x128xf32, #tpu.memory_space<vmem>>
      %dma_wait3A_615 = arith.constant 0 : i32
      %dma_wait3A_616 = tpu.memref_slice %arg3[%dma_wait3A_615, %add3A_603] : memref<32x1000000xf32, #tpu.memory_space<hbm>> -> memref<32x128xf32, #tpu.memory_space<hbm>>
      tpu.wait_dma2 semaphore(%arg11 : memref<!tpu.dma_semaphore, #tpu.memory_space<semaphore_mem>>) src(%dma_wait3A_616 : memref<32x128xf32, #tpu.memory_space<hbm>>) dst(%dma_wait3A_614 : memref<32x128xf32, #tpu.memory_space<vmem>>)
      %multiple_of3A_617 = tpu.assume_multiple %add3A_520, 128 : i32
      %add3A_618 = arith.constant 768 : i32
      %add3A_619 = arith.addi %multiple_of3A_617, %add3A_618 : i32
      %dma_wait3A_620 = arith.constant 6 : i32
      %dma_wait3A_621 = arith.constant 0 : i32
      %dma_wait3A_622 = arith.constant 0 : i32
      %dma_wait3A_623 = tpu.memref_slice %arg8[%and3A_517, %dma_wait3A_620, %dma_wait3A_621, %dma_wait3A_622] : memref<2x8x32x128xf32, #tpu.memory_space<vmem>> -> memref<1x1x32x128xf32, #tpu.memory_space<vmem>>
      %dma_wait3A_624 = tpu.memref_squeeze %dma_wait3A_623 : memref<1x1x32x128xf32, #tpu.memory_space<vmem>> -> memref<32x128xf32, #tpu.memory_space<vmem>>
      %dma_wait3A_625 = arith.constant 0 : i32
      %dma_wait3A_626 = tpu.memref_slice %arg3[%dma_wait3A_625, %add3A_619] : memref<32x1000000xf32, #tpu.memory_space<hbm>> -> memref<32x128xf32, #tpu.memory_space<hbm>>
      %dma_wait3A_627 = arith.constant 0 : i32
      %dma_wait3A_628 = arith.constant 0 : i32
      %dma_wait3A_629 = tpu.memref_slice %arg8[%and3A_517, %dma_wait3A_620, %dma_wait3A_627, %dma_wait3A_628] : memref<2x8x32x128xf32, #tpu.memory_space<vmem>> -> memref<1x1x32x128xf32, #tpu.memory_space<vmem>>
      %dma_wait3A_630 = tpu.memref_squeeze %dma_wait3A_629 : memref<1x1x32x128xf32, #tpu.memory_space<vmem>> -> memref<32x128xf32, #tpu.memory_space<vmem>>
      %dma_wait3A_631 = arith.constant 0 : i32
      %dma_wait3A_632 = tpu.memref_slice %arg3[%dma_wait3A_631, %add3A_619] : memref<32x1000000xf32, #tpu.memory_space<hbm>> -> memref<32x128xf32, #tpu.memory_space<hbm>>
      tpu.wait_dma2 semaphore(%arg11 : memref<!tpu.dma_semaphore, #tpu.memory_space<semaphore_mem>>) src(%dma_wait3A_632 : memref<32x128xf32, #tpu.memory_space<hbm>>) dst(%dma_wait3A_630 : memref<32x128xf32, #tpu.memory_space<vmem>>)
      %multiple_of3A_633 = tpu.assume_multiple %add3A_520, 128 : i32
      %add3A_634 = arith.constant 896 : i32
      %add3A_635 = arith.addi %multiple_of3A_633, %add3A_634 : i32
      %dma_wait3A_636 = arith.constant 7 : i32
      %dma_wait3A_637 = arith.constant 0 : i32
      %dma_wait3A_638 = arith.constant 0 : i32
      %dma_wait3A_639 = tpu.memref_slice %arg8[%and3A_517, %dma_wait3A_636, %dma_wait3A_637, %dma_wait3A_638] : memref<2x8x32x128xf32, #tpu.memory_space<vmem>> -> memref<1x1x32x128xf32, #tpu.memory_space<vmem>>
      %dma_wait3A_640 = tpu.memref_squeeze %dma_wait3A_639 : memref<1x1x32x128xf32, #tpu.memory_space<vmem>> -> memref<32x128xf32, #tpu.memory_space<vmem>>
      %dma_wait3A_641 = arith.constant 0 : i32
      %dma_wait3A_642 = tpu.memref_slice %arg3[%dma_wait3A_641, %add3A_635] : memref<32x1000000xf32, #tpu.memory_space<hbm>> -> memref<32x128xf32, #tpu.memory_space<hbm>>
      %dma_wait3A_643 = arith.constant 0 : i32
      %dma_wait3A_644 = arith.constant 0 : i32
      %dma_wait3A_645 = tpu.memref_slice %arg8[%and3A_517, %dma_wait3A_636, %dma_wait3A_643, %dma_wait3A_644] : memref<2x8x32x128xf32, #tpu.memory_space<vmem>> -> memref<1x1x32x128xf32, #tpu.memory_space<vmem>>
      %dma_wait3A_646 = tpu.memref_squeeze %dma_wait3A_645 : memref<1x1x32x128xf32, #tpu.memory_space<vmem>> -> memref<32x128xf32, #tpu.memory_space<vmem>>
      %dma_wait3A_647 = arith.constant 0 : i32
      %dma_wait3A_648 = tpu.memref_slice %arg3[%dma_wait3A_647, %add3A_635] : memref<32x1000000xf32, #tpu.memory_space<hbm>> -> memref<32x128xf32, #tpu.memory_space<hbm>>
      tpu.wait_dma2 semaphore(%arg11 : memref<!tpu.dma_semaphore, #tpu.memory_space<semaphore_mem>>) src(%dma_wait3A_648 : memref<32x128xf32, #tpu.memory_space<hbm>>) dst(%dma_wait3A_646 : memref<32x128xf32, #tpu.memory_space<vmem>>)
      %while3A_649 = arith.constant 0 : i32
      %while3A_650 = arith.subi %shift_right_arithmetic3A_289, %while3A_649 : i32
      %while3A_651 = arith.addi %while3A_649, %while3A_650 : i32
      %while3A_652 = arith.constant 1 : i32
      %while3A_653 = arith.divsi %while3A_650, %while3A_652 : i32
      %while3A_654 = arith.muli %while3A_653, %while3A_652 : i32
      %while3A_655 = arith.addi %while3A_649, %while3A_654 : i32
      %while3A_656 = arith.constant 1 : i32
      %while3A_657:2 = scf.for %while3A_664 = %while3A_649 to %while3A_655 step %while3A_656 iter_args(%while3A_665 = %scan3A_514, %while3A_666 = %scan3A_515) -> (i32, i32)  : i32 {
        %mul3A_667 = arith.constant 16 : i32
        %mul3A_668 = arith.muli %while3A_664, %mul3A_667 : i32
        %add3A_669 = vector.broadcast %mul3A_668 : i32 to vector<16xi32>
        %add3A_670 = arith.addi %add3A_669, %iota3A : vector<16xi32>
        %mul3A_671 = arith.constant 16 : i32
        %mul3A_672 = arith.muli %while3A_664, %mul3A_671 : i32
        %get3A = arith.index_cast %mul3A_672 : i32 to index
        %get3A_673 = tpu.vector_load %arg6[%get3A] {strides = array<i32>} : memref<16384xi32, #tpu.memory_space<vmem>>, vector<16xi32>,
        %mul3A_674 = arith.constant 16 : i32
        %mul3A_675 = arith.muli %while3A_664, %mul3A_674 : i32
        %get3A_676 = arith.index_cast %mul3A_675 : i32 to index
        %get3A_677 = tpu.vector_load %arg7[%get3A_676] {strides = array<i32>} : memref<16384xi32, #tpu.memory_space<vmem>>, vector<16xi32>,
        %ge3A = vector.broadcast %add3A_520 : i32 to vector<16xi32>
        %ge3A_678 = arith.cmpi sge, %get3A_673, %ge3A : vector<16xi32>
        %add3A_679 = arith.constant 1024 : i32
        %add3A_680 = arith.addi %add3A_520, %add3A_679 : i32
        %lt3A_681 = vector.broadcast %add3A_680 : i32 to vector<16xi32>
        %lt3A_682 = arith.cmpi slt, %get3A_673, %lt3A_681 : vector<16xi32>
        %and3A_683 = arith.andi %ge3A_678, %lt3A_682 : vector<16xi1>
        %lt3A_684 = vector.broadcast %scan3A_284 : i32 to vector<16xi32>
        %lt3A_685 = arith.cmpi slt, %add3A_670, %lt3A_684 : vector<16xi32>
        %and3A_686 = arith.andi %and3A_683, %lt3A_685 : vector<16xi1>
        %all_reduce_population_count3A = tpu.all_reduce %and3A_686 {dim = 0 : i64, kind = #tpu.reduction_kind<sum>} : vector<16xi1> -> vector<16xi32>
        %slice3A = vector.extract_strided_slice %all_reduce_population_count3A {offsets = [0], sizes = [1], strides = [1]} : vector<16xi32> to vector<1xi32>
        %squeeze3A = vector.extract %slice3A[0] : i32 from vector<1xi32>
        %and3A_687 = arith.constant 15 : i32
        %and3A_688 = arith.andi %while3A_665, %and3A_687 : i32
        %shift_right_arithmetic3A_689 = arith.constant 4 : i32
        %shift_right_arithmetic3A_690 = arith.shrsi %while3A_665, %shift_right_arithmetic3A_689 : i32
        %add3A_691 = arith.addi %and3A_688, %squeeze3A : i32
        %gt3A_692 = arith.constant 16 : i32
        %gt3A_693 = arith.cmpi sgt, %add3A_691, %gt3A_692 : i32
        %add3A_694 = arith.constant 1 : i32
        %add3A_695 = arith.addi %shift_right_arithmetic3A_690, %add3A_694 : i32
        %ge3A_696 = arith.constant 4 : i32
        %ge3A_697 = arith.cmpi sge, %add3A_695, %ge3A_696 : i32
        %and3A_698 = arith.andi %gt3A_693, %ge3A_697 : i1
        %convert_element_type3A_699 = arith.extui %and3A_698 : i1 to i32
        %cond3A_700 = arith.constant 0 : i32
        %cond3A_701 = arith.cmpi ne, %convert_element_type3A_699, %cond3A_700 : i32
        scf.if %cond3A_701 {
          %add3A_717 = arith.constant 1 : i32
          %add3A_718 = arith.addi %shift_right_arithmetic3A_690, %add3A_717 : i32
          %and3A_719 = arith.constant 3 : i32
          %and3A_720 = arith.andi %add3A_718, %and3A_719 : i32
          %mul3A_721 = arith.constant 16 : i32
          %mul3A_722 = arith.muli %and3A_720, %mul3A_721 : i32
          %dma_wait3A_723 = arith.constant 0 : i32
          %dma_wait3A_724 = arith.constant 0 : i32
          %dma_wait3A_725 = tpu.memref_slice %arg9[%and3A_720, %dma_wait3A_723, %dma_wait3A_724] : memref<4x16x128xf32, #tpu.memory_space<vmem>> -> memref<1x16x128xf32, #tpu.memory_space<vmem>>
          %dma_wait3A_726 = tpu.memref_squeeze %dma_wait3A_725 : memref<1x16x128xf32, #tpu.memory_space<vmem>> -> memref<16x128xf32, #tpu.memory_space<vmem>>
          %dma_wait3A_727 = tpu.memref_slice %arg10[%mul3A_722] : memref<64xi32, #tpu.memory_space<vmem>> -> memref<16xi32, #tpu.memory_space<vmem>>
          %dma_wait3A_728 = arith.constant 0 : i32
          %dma_wait3A_729 = arith.constant 0 : i32
          %dma_wait3A_730 = tpu.memref_slice %arg4[%dma_wait3A_728, %dma_wait3A_729] : memref<16896x128xf32, #tpu.memory_space<hbm>> -> memref<16896x128xf32, #tpu.memory_space<hbm>>
          tpu.wait_indirect_dma semaphore(%arg12 : memref<!tpu.dma_semaphore, #tpu.memory_space<semaphore_mem>>) src(%dma_wait3A_726 : memref<16x128xf32, #tpu.memory_space<vmem>>) dst(%dma_wait3A_730 : memref<16896x128xf32, #tpu.memory_space<hbm>>)
        } else {
        }
        %gt3A_702 = arith.constant 0 : i32
        %gt3A_703 = arith.cmpi sgt, %squeeze3A, %gt3A_702 : i32
        %convert_element_type3A_704 = arith.extui %gt3A_703 : i1 to i32
        %cond3A_705 = arith.constant 0 : i32
        %cond3A_706 = arith.cmpi ne, %convert_element_type3A_704, %cond3A_705 : i32
        scf.if %cond3A_706 {
          %convert_element_type3A_717 = arith.extui %and3A_686 : vector<16xi1> to vector<16xi32>
          %broadcast_in_dim3A = arith.constant true
          %broadcast_in_dim3A_718 = vector.broadcast %broadcast_in_dim3A : i1 to vector<16xi1>
          %masked_cumsum3A = tpu.scan <sum>, %convert_element_type3A_717 masked %broadcast_in_dim3A_718 : vector<16xi32>, vector<16xi1> -> vector<16xi32>
          %sub3A_719 = arith.constant 1 : i32
          %sub3A_720 = vector.broadcast %sub3A_719 : i32 to vector<16xi32>
          %sub3A_721 = arith.subi %masked_cumsum3A, %sub3A_720 : vector<16xi32>
          %add3A_722 = vector.broadcast %while3A_665 : i32 to vector<16xi32>
          %add3A_723 = arith.addi %add3A_722, %sub3A_721 : vector<16xi32>
          %shift_right_arithmetic3A_724 = arith.constant 4 : i32
          %shift_right_arithmetic3A_725 = vector.broadcast %shift_right_arithmetic3A_724 : i32 to vector<16xi32>
          %shift_right_arithmetic3A_726 = arith.shrsi %add3A_723, %shift_right_arithmetic3A_725 : vector<16xi32>
          %and3A_727 = arith.constant 3 : i32
          %and3A_728 = vector.broadcast %and3A_727 : i32 to vector<16xi32>
          %and3A_729 = arith.andi %shift_right_arithmetic3A_726, %and3A_728 : vector<16xi32>
          %and3A_730 = arith.constant 15 : i32
          %and3A_731 = vector.broadcast %and3A_730 : i32 to vector<16xi32>
          %and3A_732 = arith.andi %add3A_723, %and3A_731 : vector<16xi32>
          %sub3A_733 = vector.broadcast %add3A_520 : i32 to vector<16xi32>
          %sub3A_734 = arith.subi %get3A_673, %sub3A_733 : vector<16xi32>
          %and3A_735 = arith.constant 1023 : i32
          %and3A_736 = vector.broadcast %and3A_735 : i32 to vector<16xi32>
          %and3A_737 = arith.andi %sub3A_734, %and3A_736 : vector<16xi32>
          %shift_right_arithmetic3A_738 = arith.constant 7 : i32
          %shift_right_arithmetic3A_739 = vector.broadcast %shift_right_arithmetic3A_738 : i32 to vector<16xi32>
          %shift_right_arithmetic3A_740 = arith.shrsi %and3A_737, %shift_right_arithmetic3A_739 : vector<16xi32>
          %and3A_741 = arith.constant 7 : i32
          %and3A_742 = vector.broadcast %and3A_741 : i32 to vector<16xi32>
          %and3A_743 = arith.andi %shift_right_arithmetic3A_740, %and3A_742 : vector<16xi32>
          %and3A_744 = arith.constant 127 : i32
          %and3A_745 = vector.broadcast %and3A_744 : i32 to vector<16xi32>
          %and3A_746 = arith.andi %and3A_737, %and3A_745 : vector<16xi32>
          %mul3A_747 = arith.constant 0 : i32
          %mul3A_748 = vector.broadcast %mul3A_747 : i32 to vector<16xi32>
          %mul3A_749 = arith.muli %iota3A, %mul3A_748 : vector<16xi32>
          %add3A_750 = vector.broadcast %and3A_517 : i32 to vector<16xi32>
          %add3A_751 = arith.addi %mul3A_749, %add3A_750 : vector<16xi32>
          %mul3A_752 = arith.constant 0 : i32
          %mul3A_753 = vector.broadcast %mul3A_752 : i32 to vector<16xi32>
          %mul3A_754 = arith.muli %iota3A, %mul3A_753 : vector<16xi32>
          %add3A_755 = arith.constant 0 : i32
          %add3A_756 = vector.broadcast %add3A_755 : i32 to vector<16xi32>
          %add3A_757 = arith.addi %mul3A_754, %add3A_756 : vector<16xi32>
          %gather3A = tpu.vector_load_idx %arg8[%add3A_751, %and3A_743, %add3A_757, %and3A_746] masked %and3A_686 : memref<2x8x32x128xf32, #tpu.memory_space<vmem>>[vector<16xi32>, vector<16xi32>, vector<16xi32>, vector<16xi32>], vector<16xf32>, vector<16xi1>
          tpu.vector_store_idx %arg9[%and3A_729, %and3A_732, %add3A_757], %gather3A masked %and3A_686 : memref<4x16x128xf32, #tpu.memory_space<vmem>>[vector<16xi32>, vector<16xi32>, vector<16xi32>], vector<16xf32>, vector<16xi1>
          %mul3A_758 = arith.constant 0 : i32
          %mul3A_759 = vector.broadcast %mul3A_758 : i32 to vector<16xi32>
          %mul3A_760 = arith.muli %iota3A, %mul3A_759 : vector<16xi32>
          %add3A_761 = arith.constant 1 : i32
          %add3A_762 = vector.broadcast %add3A_761 : i32 to vector<16xi32>
          %add3A_763 = arith.addi %mul3A_760, %add3A_762 : vector<16xi32>
          %gather3A_764 = tpu.vector_load_idx %arg8[%add3A_751, %and3A_743, %add3A_763, %and3A_746] masked %and3A_686 : memref<2x8x32x128xf32, #tpu.memory_space<vmem>>[vector<16xi32>, vector<16xi32>, vector<16xi32>, vector<16xi32>], vector<16xf32>, vector<16xi1>
          tpu.vector_store_idx %arg9[%and3A_729, %and3A_732, %add3A_763], %gather3A_764 masked %and3A_686 : memref<4x16x128xf32, #tpu.memory_space<vmem>>[vector<16xi32>, vector<16xi32>, vector<16xi32>], vector<16xf32>, vector<16xi1>
          %mul3A_765 = arith.constant 0 : i32
          %mul3A_766 = vector.broadcast %mul3A_765 : i32 to vector<16xi32>
          %mul3A_767 = arith.muli %iota3A, %mul3A_766 : vector<16xi32>
          %add3A_768 = arith.constant 2 : i32
          %add3A_769 = vector.broadcast %add3A_768 : i32 to vector<16xi32>
          %add3A_770 = arith.addi %mul3A_767, %add3A_769 : vector<16xi32>
          %gather3A_771 = tpu.vector_load_idx %arg8[%add3A_751, %and3A_743, %add3A_770, %and3A_746] masked %and3A_686 : memref<2x8x32x128xf32, #tpu.memory_space<vmem>>[vector<16xi32>, vector<16xi32>, vector<16xi32>, vector<16xi32>], vector<16xf32>, vector<16xi1>
          tpu.vector_store_idx %arg9[%and3A_729, %and3A_732, %add3A_770], %gather3A_771 masked %and3A_686 : memref<4x16x128xf32, #tpu.memory_space<vmem>>[vector<16xi32>, vector<16xi32>, vector<16xi32>], vector<16xf32>, vector<16xi1>
          %mul3A_772 = arith.constant 0 : i32
          %mul3A_773 = vector.broadcast %mul3A_772 : i32 to vector<16xi32>
          %mul3A_774 = arith.muli %iota3A, %mul3A_773 : vector<16xi32>
          %add3A_775 = arith.constant 3 : i32
          %add3A_776 = vector.broadcast %add3A_775 : i32 to vector<16xi32>
          %add3A_777 = arith.addi %mul3A_774, %add3A_776 : vector<16xi32>
          %gather3A_778 = tpu.vector_load_idx %arg8[%add3A_751, %and3A_743, %add3A_777, %and3A_746] masked %and3A_686 : memref<2x8x32x128xf32, #tpu.memory_space<vmem>>[vector<16xi32>, vector<16xi32>, vector<16xi32>, vector<16xi32>], vector<16xf32>, vector<16xi1>
          tpu.vector_store_idx %arg9[%and3A_729, %and3A_732, %add3A_777], %gather3A_778 masked %and3A_686 : memref<4x16x128xf32, #tpu.memory_space<vmem>>[vector<16xi32>, vector<16xi32>, vector<16xi32>], vector<16xf32>, vector<16xi1>
          %mul3A_779 = arith.constant 0 : i32
          %mul3A_780 = vector.broadcast %mul3A_779 : i32 to vector<16xi32>
          %mul3A_781 = arith.muli %iota3A, %mul3A_780 : vector<16xi32>
          %add3A_782 = arith.constant 4 : i32
          %add3A_783 = vector.broadcast %add3A_782 : i32 to vector<16xi32>
          %add3A_784 = arith.addi %mul3A_781, %add3A_783 : vector<16xi32>
          %gather3A_785 = tpu.vector_load_idx %arg8[%add3A_751, %and3A_743, %add3A_784, %and3A_746] masked %and3A_686 : memref<2x8x32x128xf32, #tpu.memory_space<vmem>>[vector<16xi32>, vector<16xi32>, vector<16xi32>, vector<16xi32>], vector<16xf32>, vector<16xi1>
          tpu.vector_store_idx %arg9[%and3A_729, %and3A_732, %add3A_784], %gather3A_785 masked %and3A_686 : memref<4x16x128xf32, #tpu.memory_space<vmem>>[vector<16xi32>, vector<16xi32>, vector<16xi32>], vector<16xf32>, vector<16xi1>
          %mul3A_786 = arith.constant 0 : i32
          %mul3A_787 = vector.broadcast %mul3A_786 : i32 to vector<16xi32>
          %mul3A_788 = arith.muli %iota3A, %mul3A_787 : vector<16xi32>
          %add3A_789 = arith.constant 5 : i32
          %add3A_790 = vector.broadcast %add3A_789 : i32 to vector<16xi32>
          %add3A_791 = arith.addi %mul3A_788, %add3A_790 : vector<16xi32>
          %gather3A_792 = tpu.vector_load_idx %arg8[%add3A_751, %and3A_743, %add3A_791, %and3A_746] masked %and3A_686 : memref<2x8x32x128xf32, #tpu.memory_space<vmem>>[vector<16xi32>, vector<16xi32>, vector<16xi32>, vector<16xi32>], vector<16xf32>, vector<16xi1>
          tpu.vector_store_idx %arg9[%and3A_729, %and3A_732, %add3A_791], %gather3A_792 masked %and3A_686 : memref<4x16x128xf32, #tpu.memory_space<vmem>>[vector<16xi32>, vector<16xi32>, vector<16xi32>], vector<16xf32>, vector<16xi1>
          %mul3A_793 = arith.constant 0 : i32
          %mul3A_794 = vector.broadcast %mul3A_793 : i32 to vector<16xi32>
          %mul3A_795 = arith.muli %iota3A, %mul3A_794 : vector<16xi32>
          %add3A_796 = arith.constant 6 : i32
          %add3A_797 = vector.broadcast %add3A_796 : i32 to vector<16xi32>
          %add3A_798 = arith.addi %mul3A_795, %add3A_797 : vector<16xi32>
          %gather3A_799 = tpu.vector_load_idx %arg8[%add3A_751, %and3A_743, %add3A_798, %and3A_746] masked %and3A_686 : memref<2x8x32x128xf32, #tpu.memory_space<vmem>>[vector<16xi32>, vector<16xi32>, vector<16xi32>, vector<16xi32>], vector<16xf32>, vector<16xi1>
          tpu.vector_store_idx %arg9[%and3A_729, %and3A_732, %add3A_798], %gather3A_799 masked %and3A_686 : memref<4x16x128xf32, #tpu.memory_space<vmem>>[vector<16xi32>, vector<16xi32>, vector<16xi32>], vector<16xf32>, vector<16xi1>
          %mul3A_800 = arith.constant 0 : i32
          %mul3A_801 = vector.broadcast %mul3A_800 : i32 to vector<16xi32>
          %mul3A_802 = arith.muli %iota3A, %mul3A_801 : vector<16xi32>
          %add3A_803 = arith.constant 7 : i32
          %add3A_804 = vector.broadcast %add3A_803 : i32 to vector<16xi32>
          %add3A_805 = arith.addi %mul3A_802, %add3A_804 : vector<16xi32>
          %gather3A_806 = tpu.vector_load_idx %arg8[%add3A_751, %and3A_743, %add3A_805, %and3A_746] masked %and3A_686 : memref<2x8x32x128xf32, #tpu.memory_space<vmem>>[vector<16xi32>, vector<16xi32>, vector<16xi32>, vector<16xi32>], vector<16xf32>, vector<16xi1>
          tpu.vector_store_idx %arg9[%and3A_729, %and3A_732, %add3A_805], %gather3A_806 masked %and3A_686 : memref<4x16x128xf32, #tpu.memory_space<vmem>>[vector<16xi32>, vector<16xi32>, vector<16xi32>], vector<16xf32>, vector<16xi1>
          %mul3A_807 = arith.constant 0 : i32
          %mul3A_808 = vector.broadcast %mul3A_807 : i32 to vector<16xi32>
          %mul3A_809 = arith.muli %iota3A, %mul3A_808 : vector<16xi32>
          %add3A_810 = arith.constant 8 : i32
          %add3A_811 = vector.broadcast %add3A_810 : i32 to vector<16xi32>
          %add3A_812 = arith.addi %mul3A_809, %add3A_811 : vector<16xi32>
          %gather3A_813 = tpu.vector_load_idx %arg8[%add3A_751, %and3A_743, %add3A_812, %and3A_746] masked %and3A_686 : memref<2x8x32x128xf32, #tpu.memory_space<vmem>>[vector<16xi32>, vector<16xi32>, vector<16xi32>, vector<16xi32>], vector<16xf32>, vector<16xi1>
          tpu.vector_store_idx %arg9[%and3A_729, %and3A_732, %add3A_812], %gather3A_813 masked %and3A_686 : memref<4x16x128xf32, #tpu.memory_space<vmem>>[vector<16xi32>, vector<16xi32>, vector<16xi32>], vector<16xf32>, vector<16xi1>
          %mul3A_814 = arith.constant 0 : i32
          %mul3A_815 = vector.broadcast %mul3A_814 : i32 to vector<16xi32>
          %mul3A_816 = arith.muli %iota3A, %mul3A_815 : vector<16xi32>
          %add3A_817 = arith.constant 9 : i32
          %add3A_818 = vector.broadcast %add3A_817 : i32 to vector<16xi32>
          %add3A_819 = arith.addi %mul3A_816, %add3A_818 : vector<16xi32>
          %gather3A_820 = tpu.vector_load_idx %arg8[%add3A_751, %and3A_743, %add3A_819, %and3A_746] masked %and3A_686 : memref<2x8x32x128xf32, #tpu.memory_space<vmem>>[vector<16xi32>, vector<16xi32>, vector<16xi32>, vector<16xi32>], vector<16xf32>, vector<16xi1>
          tpu.vector_store_idx %arg9[%and3A_729, %and3A_732, %add3A_819], %gather3A_820 masked %and3A_686 : memref<4x16x128xf32, #tpu.memory_space<vmem>>[vector<16xi32>, vector<16xi32>, vector<16xi32>], vector<16xf32>, vector<16xi1>
          %mul3A_821 = arith.constant 0 : i32
          %mul3A_822 = vector.broadcast %mul3A_821 : i32 to vector<16xi32>
          %mul3A_823 = arith.muli %iota3A, %mul3A_822 : vector<16xi32>
          %add3A_824 = arith.constant 10 : i32
          %add3A_825 = vector.broadcast %add3A_824 : i32 to vector<16xi32>
          %add3A_826 = arith.addi %mul3A_823, %add3A_825 : vector<16xi32>
          %gather3A_827 = tpu.vector_load_idx %arg8[%add3A_751, %and3A_743, %add3A_826, %and3A_746] masked %and3A_686 : memref<2x8x32x128xf32, #tpu.memory_space<vmem>>[vector<16xi32>, vector<16xi32>, vector<16xi32>, vector<16xi32>], vector<16xf32>, vector<16xi1>
          tpu.vector_store_idx %arg9[%and3A_729, %and3A_732, %add3A_826], %gather3A_827 masked %and3A_686 : memref<4x16x128xf32, #tpu.memory_space<vmem>>[vector<16xi32>, vector<16xi32>, vector<16xi32>], vector<16xf32>, vector<16xi1>
          %mul3A_828 = arith.constant 0 : i32
          %mul3A_829 = vector.broadcast %mul3A_828 : i32 to vector<16xi32>
          %mul3A_830 = arith.muli %iota3A, %mul3A_829 : vector<16xi32>
          %add3A_831 = arith.constant 11 : i32
          %add3A_832 = vector.broadcast %add3A_831 : i32 to vector<16xi32>
          %add3A_833 = arith.addi %mul3A_830, %add3A_832 : vector<16xi32>
          %gather3A_834 = tpu.vector_load_idx %arg8[%add3A_751, %and3A_743, %add3A_833, %and3A_746] masked %and3A_686 : memref<2x8x32x128xf32, #tpu.memory_space<vmem>>[vector<16xi32>, vector<16xi32>, vector<16xi32>, vector<16xi32>], vector<16xf32>, vector<16xi1>
          tpu.vector_store_idx %arg9[%and3A_729, %and3A_732, %add3A_833], %gather3A_834 masked %and3A_686 : memref<4x16x128xf32, #tpu.memory_space<vmem>>[vector<16xi32>, vector<16xi32>, vector<16xi32>], vector<16xf32>, vector<16xi1>
          %mul3A_835 = arith.constant 0 : i32
          %mul3A_836 = vector.broadcast %mul3A_835 : i32 to vector<16xi32>
          %mul3A_837 = arith.muli %iota3A, %mul3A_836 : vector<16xi32>
          %add3A_838 = arith.constant 12 : i32
          %add3A_839 = vector.broadcast %add3A_838 : i32 to vector<16xi32>
          %add3A_840 = arith.addi %mul3A_837, %add3A_839 : vector<16xi32>
          %gather3A_841 = tpu.vector_load_idx %arg8[%add3A_751, %and3A_743, %add3A_840, %and3A_746] masked %and3A_686 : memref<2x8x32x128xf32, #tpu.memory_space<vmem>>[vector<16xi32>, vector<16xi32>, vector<16xi32>, vector<16xi32>], vector<16xf32>, vector<16xi1>
          tpu.vector_store_idx %arg9[%and3A_729, %and3A_732, %add3A_840], %gather3A_841 masked %and3A_686 : memref<4x16x128xf32, #tpu.memory_space<vmem>>[vector<16xi32>, vector<16xi32>, vector<16xi32>], vector<16xf32>, vector<16xi1>
          %mul3A_842 = arith.constant 0 : i32
          %mul3A_843 = vector.broadcast %mul3A_842 : i32 to vector<16xi32>
          %mul3A_844 = arith.muli %iota3A, %mul3A_843 : vector<16xi32>
          %add3A_845 = arith.constant 13 : i32
          %add3A_846 = vector.broadcast %add3A_845 : i32 to vector<16xi32>
          %add3A_847 = arith.addi %mul3A_844, %add3A_846 : vector<16xi32>
          %gather3A_848 = tpu.vector_load_idx %arg8[%add3A_751, %and3A_743, %add3A_847, %and3A_746] masked %and3A_686 : memref<2x8x32x128xf32, #tpu.memory_space<vmem>>[vector<16xi32>, vector<16xi32>, vector<16xi32>, vector<16xi32>], vector<16xf32>, vector<16xi1>
          tpu.vector_store_idx %arg9[%and3A_729, %and3A_732, %add3A_847], %gather3A_848 masked %and3A_686 : memref<4x16x128xf32, #tpu.memory_space<vmem>>[vector<16xi32>, vector<16xi32>, vector<16xi32>], vector<16xf32>, vector<16xi1>
          %mul3A_849 = arith.constant 0 : i32
          %mul3A_850 = vector.broadcast %mul3A_849 : i32 to vector<16xi32>
          %mul3A_851 = arith.muli %iota3A, %mul3A_850 : vector<16xi32>
          %add3A_852 = arith.constant 14 : i32
          %add3A_853 = vector.broadcast %add3A_852 : i32 to vector<16xi32>
          %add3A_854 = arith.addi %mul3A_851, %add3A_853 : vector<16xi32>
          %gather3A_855 = tpu.vector_load_idx %arg8[%add3A_751, %and3A_743, %add3A_854, %and3A_746] masked %and3A_686 : memref<2x8x32x128xf32, #tpu.memory_space<vmem>>[vector<16xi32>, vector<16xi32>, vector<16xi32>, vector<16xi32>], vector<16xf32>, vector<16xi1>
          tpu.vector_store_idx %arg9[%and3A_729, %and3A_732, %add3A_854], %gather3A_855 masked %and3A_686 : memref<4x16x128xf32, #tpu.memory_space<vmem>>[vector<16xi32>, vector<16xi32>, vector<16xi32>], vector<16xf32>, vector<16xi1>
          %mul3A_856 = arith.constant 0 : i32
          %mul3A_857 = vector.broadcast %mul3A_856 : i32 to vector<16xi32>
          %mul3A_858 = arith.muli %iota3A, %mul3A_857 : vector<16xi32>
          %add3A_859 = arith.constant 15 : i32
          %add3A_860 = vector.broadcast %add3A_859 : i32 to vector<16xi32>
          %add3A_861 = arith.addi %mul3A_858, %add3A_860 : vector<16xi32>
          %gather3A_862 = tpu.vector_load_idx %arg8[%add3A_751, %and3A_743, %add3A_861, %and3A_746] masked %and3A_686 : memref<2x8x32x128xf32, #tpu.memory_space<vmem>>[vector<16xi32>, vector<16xi32>, vector<16xi32>, vector<16xi32>], vector<16xf32>, vector<16xi1>
          tpu.vector_store_idx %arg9[%and3A_729, %and3A_732, %add3A_861], %gather3A_862 masked %and3A_686 : memref<4x16x128xf32, #tpu.memory_space<vmem>>[vector<16xi32>, vector<16xi32>, vector<16xi32>], vector<16xf32>, vector<16xi1>
          %mul3A_863 = arith.constant 0 : i32
          %mul3A_864 = vector.broadcast %mul3A_863 : i32 to vector<16xi32>
          %mul3A_865 = arith.muli %iota3A, %mul3A_864 : vector<16xi32>
          %add3A_866 = arith.constant 16 : i32
          %add3A_867 = vector.broadcast %add3A_866 : i32 to vector<16xi32>
          %add3A_868 = arith.addi %mul3A_865, %add3A_867 : vector<16xi32>
          %gather3A_869 = tpu.vector_load_idx %arg8[%add3A_751, %and3A_743, %add3A_868, %and3A_746] masked %and3A_686 : memref<2x8x32x128xf32, #tpu.memory_space<vmem>>[vector<16xi32>, vector<16xi32>, vector<16xi32>, vector<16xi32>], vector<16xf32>, vector<16xi1>
          tpu.vector_store_idx %arg9[%and3A_729, %and3A_732, %add3A_868], %gather3A_869 masked %and3A_686 : memref<4x16x128xf32, #tpu.memory_space<vmem>>[vector<16xi32>, vector<16xi32>, vector<16xi32>], vector<16xf32>, vector<16xi1>
          %mul3A_870 = arith.constant 0 : i32
          %mul3A_871 = vector.broadcast %mul3A_870 : i32 to vector<16xi32>
          %mul3A_872 = arith.muli %iota3A, %mul3A_871 : vector<16xi32>
          %add3A_873 = arith.constant 17 : i32
          %add3A_874 = vector.broadcast %add3A_873 : i32 to vector<16xi32>
          %add3A_875 = arith.addi %mul3A_872, %add3A_874 : vector<16xi32>
          %gather3A_876 = tpu.vector_load_idx %arg8[%add3A_751, %and3A_743, %add3A_875, %and3A_746] masked %and3A_686 : memref<2x8x32x128xf32, #tpu.memory_space<vmem>>[vector<16xi32>, vector<16xi32>, vector<16xi32>, vector<16xi32>], vector<16xf32>, vector<16xi1>
          tpu.vector_store_idx %arg9[%and3A_729, %and3A_732, %add3A_875], %gather3A_876 masked %and3A_686 : memref<4x16x128xf32, #tpu.memory_space<vmem>>[vector<16xi32>, vector<16xi32>, vector<16xi32>], vector<16xf32>, vector<16xi1>
          %mul3A_877 = arith.constant 0 : i32
          %mul3A_878 = vector.broadcast %mul3A_877 : i32 to vector<16xi32>
          %mul3A_879 = arith.muli %iota3A, %mul3A_878 : vector<16xi32>
          %add3A_880 = arith.constant 18 : i32
          %add3A_881 = vector.broadcast %add3A_880 : i32 to vector<16xi32>
          %add3A_882 = arith.addi %mul3A_879, %add3A_881 : vector<16xi32>
          %gather3A_883 = tpu.vector_load_idx %arg8[%add3A_751, %and3A_743, %add3A_882, %and3A_746] masked %and3A_686 : memref<2x8x32x128xf32, #tpu.memory_space<vmem>>[vector<16xi32>, vector<16xi32>, vector<16xi32>, vector<16xi32>], vector<16xf32>, vector<16xi1>
          tpu.vector_store_idx %arg9[%and3A_729, %and3A_732, %add3A_882], %gather3A_883 masked %and3A_686 : memref<4x16x128xf32, #tpu.memory_space<vmem>>[vector<16xi32>, vector<16xi32>, vector<16xi32>], vector<16xf32>, vector<16xi1>
          %mul3A_884 = arith.constant 0 : i32
          %mul3A_885 = vector.broadcast %mul3A_884 : i32 to vector<16xi32>
          %mul3A_886 = arith.muli %iota3A, %mul3A_885 : vector<16xi32>
          %add3A_887 = arith.constant 19 : i32
          %add3A_888 = vector.broadcast %add3A_887 : i32 to vector<16xi32>
          %add3A_889 = arith.addi %mul3A_886, %add3A_888 : vector<16xi32>
          %gather3A_890 = tpu.vector_load_idx %arg8[%add3A_751, %and3A_743, %add3A_889, %and3A_746] masked %and3A_686 : memref<2x8x32x128xf32, #tpu.memory_space<vmem>>[vector<16xi32>, vector<16xi32>, vector<16xi32>, vector<16xi32>], vector<16xf32>, vector<16xi1>
          tpu.vector_store_idx %arg9[%and3A_729, %and3A_732, %add3A_889], %gather3A_890 masked %and3A_686 : memref<4x16x128xf32, #tpu.memory_space<vmem>>[vector<16xi32>, vector<16xi32>, vector<16xi32>], vector<16xf32>, vector<16xi1>
          %mul3A_891 = arith.constant 0 : i32
          %mul3A_892 = vector.broadcast %mul3A_891 : i32 to vector<16xi32>
          %mul3A_893 = arith.muli %iota3A, %mul3A_892 : vector<16xi32>
          %add3A_894 = arith.constant 20 : i32
          %add3A_895 = vector.broadcast %add3A_894 : i32 to vector<16xi32>
          %add3A_896 = arith.addi %mul3A_893, %add3A_895 : vector<16xi32>
          %gather3A_897 = tpu.vector_load_idx %arg8[%add3A_751, %and3A_743, %add3A_896, %and3A_746] masked %and3A_686 : memref<2x8x32x128xf32, #tpu.memory_space<vmem>>[vector<16xi32>, vector<16xi32>, vector<16xi32>, vector<16xi32>], vector<16xf32>, vector<16xi1>
          tpu.vector_store_idx %arg9[%and3A_729, %and3A_732, %add3A_896], %gather3A_897 masked %and3A_686 : memref<4x16x128xf32, #tpu.memory_space<vmem>>[vector<16xi32>, vector<16xi32>, vector<16xi32>], vector<16xf32>, vector<16xi1>
          %mul3A_898 = arith.constant 0 : i32
          %mul3A_899 = vector.broadcast %mul3A_898 : i32 to vector<16xi32>
          %mul3A_900 = arith.muli %iota3A, %mul3A_899 : vector<16xi32>
          %add3A_901 = arith.constant 21 : i32
          %add3A_902 = vector.broadcast %add3A_901 : i32 to vector<16xi32>
          %add3A_903 = arith.addi %mul3A_900, %add3A_902 : vector<16xi32>
          %gather3A_904 = tpu.vector_load_idx %arg8[%add3A_751, %and3A_743, %add3A_903, %and3A_746] masked %and3A_686 : memref<2x8x32x128xf32, #tpu.memory_space<vmem>>[vector<16xi32>, vector<16xi32>, vector<16xi32>, vector<16xi32>], vector<16xf32>, vector<16xi1>
          tpu.vector_store_idx %arg9[%and3A_729, %and3A_732, %add3A_903], %gather3A_904 masked %and3A_686 : memref<4x16x128xf32, #tpu.memory_space<vmem>>[vector<16xi32>, vector<16xi32>, vector<16xi32>], vector<16xf32>, vector<16xi1>
          %mul3A_905 = arith.constant 0 : i32
          %mul3A_906 = vector.broadcast %mul3A_905 : i32 to vector<16xi32>
          %mul3A_907 = arith.muli %iota3A, %mul3A_906 : vector<16xi32>
          %add3A_908 = arith.constant 22 : i32
          %add3A_909 = vector.broadcast %add3A_908 : i32 to vector<16xi32>
          %add3A_910 = arith.addi %mul3A_907, %add3A_909 : vector<16xi32>
          %gather3A_911 = tpu.vector_load_idx %arg8[%add3A_751, %and3A_743, %add3A_910, %and3A_746] masked %and3A_686 : memref<2x8x32x128xf32, #tpu.memory_space<vmem>>[vector<16xi32>, vector<16xi32>, vector<16xi32>, vector<16xi32>], vector<16xf32>, vector<16xi1>
          tpu.vector_store_idx %arg9[%and3A_729, %and3A_732, %add3A_910], %gather3A_911 masked %and3A_686 : memref<4x16x128xf32, #tpu.memory_space<vmem>>[vector<16xi32>, vector<16xi32>, vector<16xi32>], vector<16xf32>, vector<16xi1>
          %mul3A_912 = arith.constant 0 : i32
          %mul3A_913 = vector.broadcast %mul3A_912 : i32 to vector<16xi32>
          %mul3A_914 = arith.muli %iota3A, %mul3A_913 : vector<16xi32>
          %add3A_915 = arith.constant 23 : i32
          %add3A_916 = vector.broadcast %add3A_915 : i32 to vector<16xi32>
          %add3A_917 = arith.addi %mul3A_914, %add3A_916 : vector<16xi32>
          %gather3A_918 = tpu.vector_load_idx %arg8[%add3A_751, %and3A_743, %add3A_917, %and3A_746] masked %and3A_686 : memref<2x8x32x128xf32, #tpu.memory_space<vmem>>[vector<16xi32>, vector<16xi32>, vector<16xi32>, vector<16xi32>], vector<16xf32>, vector<16xi1>
          tpu.vector_store_idx %arg9[%and3A_729, %and3A_732, %add3A_917], %gather3A_918 masked %and3A_686 : memref<4x16x128xf32, #tpu.memory_space<vmem>>[vector<16xi32>, vector<16xi32>, vector<16xi32>], vector<16xf32>, vector<16xi1>
          %mul3A_919 = arith.constant 0 : i32
          %mul3A_920 = vector.broadcast %mul3A_919 : i32 to vector<16xi32>
          %mul3A_921 = arith.muli %iota3A, %mul3A_920 : vector<16xi32>
          %add3A_922 = arith.constant 24 : i32
          %add3A_923 = vector.broadcast %add3A_922 : i32 to vector<16xi32>
          %add3A_924 = arith.addi %mul3A_921, %add3A_923 : vector<16xi32>
          %gather3A_925 = tpu.vector_load_idx %arg8[%add3A_751, %and3A_743, %add3A_924, %and3A_746] masked %and3A_686 : memref<2x8x32x128xf32, #tpu.memory_space<vmem>>[vector<16xi32>, vector<16xi32>, vector<16xi32>, vector<16xi32>], vector<16xf32>, vector<16xi1>
          tpu.vector_store_idx %arg9[%and3A_729, %and3A_732, %add3A_924], %gather3A_925 masked %and3A_686 : memref<4x16x128xf32, #tpu.memory_space<vmem>>[vector<16xi32>, vector<16xi32>, vector<16xi32>], vector<16xf32>, vector<16xi1>
          %mul3A_926 = arith.constant 0 : i32
          %mul3A_927 = vector.broadcast %mul3A_926 : i32 to vector<16xi32>
          %mul3A_928 = arith.muli %iota3A, %mul3A_927 : vector<16xi32>
          %add3A_929 = arith.constant 25 : i32
          %add3A_930 = vector.broadcast %add3A_929 : i32 to vector<16xi32>
          %add3A_931 = arith.addi %mul3A_928, %add3A_930 : vector<16xi32>
          %gather3A_932 = tpu.vector_load_idx %arg8[%add3A_751, %and3A_743, %add3A_931, %and3A_746] masked %and3A_686 : memref<2x8x32x128xf32, #tpu.memory_space<vmem>>[vector<16xi32>, vector<16xi32>, vector<16xi32>, vector<16xi32>], vector<16xf32>, vector<16xi1>
          tpu.vector_store_idx %arg9[%and3A_729, %and3A_732, %add3A_931], %gather3A_932 masked %and3A_686 : memref<4x16x128xf32, #tpu.memory_space<vmem>>[vector<16xi32>, vector<16xi32>, vector<16xi32>], vector<16xf32>, vector<16xi1>
          %mul3A_933 = arith.constant 0 : i32
          %mul3A_934 = vector.broadcast %mul3A_933 : i32 to vector<16xi32>
          %mul3A_935 = arith.muli %iota3A, %mul3A_934 : vector<16xi32>
          %add3A_936 = arith.constant 26 : i32
          %add3A_937 = vector.broadcast %add3A_936 : i32 to vector<16xi32>
          %add3A_938 = arith.addi %mul3A_935, %add3A_937 : vector<16xi32>
          %gather3A_939 = tpu.vector_load_idx %arg8[%add3A_751, %and3A_743, %add3A_938, %and3A_746] masked %and3A_686 : memref<2x8x32x128xf32, #tpu.memory_space<vmem>>[vector<16xi32>, vector<16xi32>, vector<16xi32>, vector<16xi32>], vector<16xf32>, vector<16xi1>
          tpu.vector_store_idx %arg9[%and3A_729, %and3A_732, %add3A_938], %gather3A_939 masked %and3A_686 : memref<4x16x128xf32, #tpu.memory_space<vmem>>[vector<16xi32>, vector<16xi32>, vector<16xi32>], vector<16xf32>, vector<16xi1>
          %mul3A_940 = arith.constant 0 : i32
          %mul3A_941 = vector.broadcast %mul3A_940 : i32 to vector<16xi32>
          %mul3A_942 = arith.muli %iota3A, %mul3A_941 : vector<16xi32>
          %add3A_943 = arith.constant 27 : i32
          %add3A_944 = vector.broadcast %add3A_943 : i32 to vector<16xi32>
          %add3A_945 = arith.addi %mul3A_942, %add3A_944 : vector<16xi32>
          %gather3A_946 = tpu.vector_load_idx %arg8[%add3A_751, %and3A_743, %add3A_945, %and3A_746] masked %and3A_686 : memref<2x8x32x128xf32, #tpu.memory_space<vmem>>[vector<16xi32>, vector<16xi32>, vector<16xi32>, vector<16xi32>], vector<16xf32>, vector<16xi1>
          tpu.vector_store_idx %arg9[%and3A_729, %and3A_732, %add3A_945], %gather3A_946 masked %and3A_686 : memref<4x16x128xf32, #tpu.memory_space<vmem>>[vector<16xi32>, vector<16xi32>, vector<16xi32>], vector<16xf32>, vector<16xi1>
          %mul3A_947 = arith.constant 0 : i32
          %mul3A_948 = vector.broadcast %mul3A_947 : i32 to vector<16xi32>
          %mul3A_949 = arith.muli %iota3A, %mul3A_948 : vector<16xi32>
          %add3A_950 = arith.constant 28 : i32
          %add3A_951 = vector.broadcast %add3A_950 : i32 to vector<16xi32>
          %add3A_952 = arith.addi %mul3A_949, %add3A_951 : vector<16xi32>
          %gather3A_953 = tpu.vector_load_idx %arg8[%add3A_751, %and3A_743, %add3A_952, %and3A_746] masked %and3A_686 : memref<2x8x32x128xf32, #tpu.memory_space<vmem>>[vector<16xi32>, vector<16xi32>, vector<16xi32>, vector<16xi32>], vector<16xf32>, vector<16xi1>
          tpu.vector_store_idx %arg9[%and3A_729, %and3A_732, %add3A_952], %gather3A_953 masked %and3A_686 : memref<4x16x128xf32, #tpu.memory_space<vmem>>[vector<16xi32>, vector<16xi32>, vector<16xi32>], vector<16xf32>, vector<16xi1>
          %mul3A_954 = arith.constant 0 : i32
          %mul3A_955 = vector.broadcast %mul3A_954 : i32 to vector<16xi32>
          %mul3A_956 = arith.muli %iota3A, %mul3A_955 : vector<16xi32>
          %add3A_957 = arith.constant 29 : i32
          %add3A_958 = vector.broadcast %add3A_957 : i32 to vector<16xi32>
          %add3A_959 = arith.addi %mul3A_956, %add3A_958 : vector<16xi32>
          %gather3A_960 = tpu.vector_load_idx %arg8[%add3A_751, %and3A_743, %add3A_959, %and3A_746] masked %and3A_686 : memref<2x8x32x128xf32, #tpu.memory_space<vmem>>[vector<16xi32>, vector<16xi32>, vector<16xi32>, vector<16xi32>], vector<16xf32>, vector<16xi1>
          tpu.vector_store_idx %arg9[%and3A_729, %and3A_732, %add3A_959], %gather3A_960 masked %and3A_686 : memref<4x16x128xf32, #tpu.memory_space<vmem>>[vector<16xi32>, vector<16xi32>, vector<16xi32>], vector<16xf32>, vector<16xi1>
          %mul3A_961 = arith.constant 0 : i32
          %mul3A_962 = vector.broadcast %mul3A_961 : i32 to vector<16xi32>
          %mul3A_963 = arith.muli %iota3A, %mul3A_962 : vector<16xi32>
          %add3A_964 = arith.constant 30 : i32
          %add3A_965 = vector.broadcast %add3A_964 : i32 to vector<16xi32>
          %add3A_966 = arith.addi %mul3A_963, %add3A_965 : vector<16xi32>
          %gather3A_967 = tpu.vector_load_idx %arg8[%add3A_751, %and3A_743, %add3A_966, %and3A_746] masked %and3A_686 : memref<2x8x32x128xf32, #tpu.memory_space<vmem>>[vector<16xi32>, vector<16xi32>, vector<16xi32>, vector<16xi32>], vector<16xf32>, vector<16xi1>
          tpu.vector_store_idx %arg9[%and3A_729, %and3A_732, %add3A_966], %gather3A_967 masked %and3A_686 : memref<4x16x128xf32, #tpu.memory_space<vmem>>[vector<16xi32>, vector<16xi32>, vector<16xi32>], vector<16xf32>, vector<16xi1>
          %mul3A_968 = arith.constant 0 : i32
          %mul3A_969 = vector.broadcast %mul3A_968 : i32 to vector<16xi32>
          %mul3A_970 = arith.muli %iota3A, %mul3A_969 : vector<16xi32>
          %add3A_971 = arith.constant 31 : i32
          %add3A_972 = vector.broadcast %add3A_971 : i32 to vector<16xi32>
          %add3A_973 = arith.addi %mul3A_970, %add3A_972 : vector<16xi32>
          %gather3A_974 = tpu.vector_load_idx %arg8[%add3A_751, %and3A_743, %add3A_973, %and3A_746] masked %and3A_686 : memref<2x8x32x128xf32, #tpu.memory_space<vmem>>[vector<16xi32>, vector<16xi32>, vector<16xi32>, vector<16xi32>], vector<16xf32>, vector<16xi1>
          tpu.vector_store_idx %arg9[%and3A_729, %and3A_732, %add3A_973], %gather3A_974 masked %and3A_686 : memref<4x16x128xf32, #tpu.memory_space<vmem>>[vector<16xi32>, vector<16xi32>, vector<16xi32>], vector<16xf32>, vector<16xi1>
          %and3A_975 = arith.constant 63 : i32
          %and3A_976 = vector.broadcast %and3A_975 : i32 to vector<16xi32>
          %and3A_977 = arith.andi %add3A_723, %and3A_976 : vector<16xi32>
          tpu.vector_store_idx %arg10[%and3A_977], %get3A_677 masked %and3A_686 : memref<64xi32, #tpu.memory_space<vmem>>[vector<16xi32>], vector<16xi32>, vector<16xi1>
        } else {
        }
        %add3A_707 = arith.addi %and3A_688, %squeeze3A : i32
        %ge3A_708 = arith.constant 16 : i32
        %ge3A_709 = arith.cmpi sge, %add3A_707, %ge3A_708 : i32
        %convert_element_type3A_710 = arith.extui %ge3A_709 : i1 to i32
        %cond3A_711 = arith.constant 0 : i32
        %cond3A_712 = arith.cmpi ne, %convert_element_type3A_710, %cond3A_711 : i32
        scf.if %cond3A_712 {
          %and3A_717 = arith.constant 3 : i32
          %and3A_718 = arith.andi %shift_right_arithmetic3A_690, %and3A_717 : i32
          %mul3A_719 = arith.constant 16 : i32
          %mul3A_720 = arith.muli %and3A_718, %mul3A_719 : i32
          %dma_start3A_721 = arith.constant 0 : i32
          %dma_start3A_722 = arith.constant 0 : i32
          %dma_start3A_723 = tpu.memref_slice %arg9[%and3A_718, %dma_start3A_721, %dma_start3A_722] : memref<4x16x128xf32, #tpu.memory_space<vmem>> -> memref<1x16x128xf32, #tpu.memory_space<vmem>>
          %dma_start3A_724 = tpu.memref_squeeze %dma_start3A_723 : memref<1x16x128xf32, #tpu.memory_space<vmem>> -> memref<16x128xf32, #tpu.memory_space<vmem>>
          %dma_start3A_725 = tpu.memref_slice %arg10[%mul3A_720] : memref<64xi32, #tpu.memory_space<vmem>> -> memref<16xi32, #tpu.memory_space<vmem>>
          %dma_start3A_726 = arith.constant 0 : i32
          %dma_start3A_727 = arith.constant 0 : i32
          %dma_start3A_728 = tpu.memref_slice %arg4[%dma_start3A_726, %dma_start3A_727] : memref<16896x128xf32, #tpu.memory_space<hbm>> -> memref<16896x128xf32, #tpu.memory_space<hbm>>
          tpu.enqueue_indirect_dma source(%dma_start3A_724 : memref<16x128xf32, #tpu.memory_space<vmem>>) target(%dma_start3A_728 : memref<16896x128xf32, #tpu.memory_space<hbm>>) offsets(%dma_start3A_725 : memref<16xi32, #tpu.memory_space<vmem>>) semaphore(%arg12 : memref<!tpu.dma_semaphore, #tpu.memory_space<semaphore_mem>>)
        } else {
        }
        %add3A_713 = arith.constant 1 : i32
        %add3A_714 = arith.addi %while3A_666, %add3A_713 : i32
        %select_n3A_715 = arith.select %and3A_698, %add3A_714, %while3A_666 : i32
        %add3A_716 = arith.addi %while3A_665, %squeeze3A : i32
        scf.yield %add3A_716, %select_n3A_715 : i32, i32
      }
      %while3A_658 = arith.constant 1 : i32
      %while3A_659:2 = scf.for %while3A_664 = %while3A_655 to %while3A_651 step %while3A_658 iter_args(%while3A_665 = %while3A_657#0, %while3A_666 = %while3A_657#1) -> (i32, i32)  : i32 {
        %mul3A_667 = arith.constant 16 : i32
        %mul3A_668 = arith.muli %while3A_664, %mul3A_667 : i32
        %add3A_669 = vector.broadcast %mul3A_668 : i32 to vector<16xi32>
        %add3A_670 = arith.addi %add3A_669, %iota3A : vector<16xi32>
        %mul3A_671 = arith.constant 16 : i32
        %mul3A_672 = arith.muli %while3A_664, %mul3A_671 : i32
        %get3A = arith.index_cast %mul3A_672 : i32 to index
        %get3A_673 = tpu.vector_load %arg6[%get3A] {strides = array<i32>} : memref<16384xi32, #tpu.memory_space<vmem>>, vector<16xi32>,
        %mul3A_674 = arith.constant 16 : i32
        %mul3A_675 = arith.muli %while3A_664, %mul3A_674 : i32
        %get3A_676 = arith.index_cast %mul3A_675 : i32 to index
        %get3A_677 = tpu.vector_load %arg7[%get3A_676] {strides = array<i32>} : memref<16384xi32, #tpu.memory_space<vmem>>, vector<16xi32>,
        %ge3A = vector.broadcast %add3A_520 : i32 to vector<16xi32>
        %ge3A_678 = arith.cmpi sge, %get3A_673, %ge3A : vector<16xi32>
        %add3A_679 = arith.constant 1024 : i32
        %add3A_680 = arith.addi %add3A_520, %add3A_679 : i32
        %lt3A_681 = vector.broadcast %add3A_680 : i32 to vector<16xi32>
        %lt3A_682 = arith.cmpi slt, %get3A_673, %lt3A_681 : vector<16xi32>
        %and3A_683 = arith.andi %ge3A_678, %lt3A_682 : vector<16xi1>
        %lt3A_684 = vector.broadcast %scan3A_284 : i32 to vector<16xi32>
        %lt3A_685 = arith.cmpi slt, %add3A_670, %lt3A_684 : vector<16xi32>
        %and3A_686 = arith.andi %and3A_683, %lt3A_685 : vector<16xi1>
        %all_reduce_population_count3A = tpu.all_reduce %and3A_686 {dim = 0 : i64, kind = #tpu.reduction_kind<sum>} : vector<16xi1> -> vector<16xi32>
        %slice3A = vector.extract_strided_slice %all_reduce_population_count3A {offsets = [0], sizes = [1], strides = [1]} : vector<16xi32> to vector<1xi32>
        %squeeze3A = vector.extract %slice3A[0] : i32 from vector<1xi32>
        %and3A_687 = arith.constant 15 : i32
        %and3A_688 = arith.andi %while3A_665, %and3A_687 : i32
        %shift_right_arithmetic3A_689 = arith.constant 4 : i32
        %shift_right_arithmetic3A_690 = arith.shrsi %while3A_665, %shift_right_arithmetic3A_689 : i32
        %add3A_691 = arith.addi %and3A_688, %squeeze3A : i32
        %gt3A_692 = arith.constant 16 : i32
        %gt3A_693 = arith.cmpi sgt, %add3A_691, %gt3A_692 : i32
        %add3A_694 = arith.constant 1 : i32
        %add3A_695 = arith.addi %shift_right_arithmetic3A_690, %add3A_694 : i32
        %ge3A_696 = arith.constant 4 : i32
        %ge3A_697 = arith.cmpi sge, %add3A_695, %ge3A_696 : i32
        %and3A_698 = arith.andi %gt3A_693, %ge3A_697 : i1
        %convert_element_type3A_699 = arith.extui %and3A_698 : i1 to i32
        %cond3A_700 = arith.constant 0 : i32
        %cond3A_701 = arith.cmpi ne, %convert_element_type3A_699, %cond3A_700 : i32
        scf.if %cond3A_701 {
          %add3A_717 = arith.constant 1 : i32
          %add3A_718 = arith.addi %shift_right_arithmetic3A_690, %add3A_717 : i32
          %and3A_719 = arith.constant 3 : i32
          %and3A_720 = arith.andi %add3A_718, %and3A_719 : i32
          %mul3A_721 = arith.constant 16 : i32
          %mul3A_722 = arith.muli %and3A_720, %mul3A_721 : i32
          %dma_wait3A_723 = arith.constant 0 : i32
          %dma_wait3A_724 = arith.constant 0 : i32
          %dma_wait3A_725 = tpu.memref_slice %arg9[%and3A_720, %dma_wait3A_723, %dma_wait3A_724] : memref<4x16x128xf32, #tpu.memory_space<vmem>> -> memref<1x16x128xf32, #tpu.memory_space<vmem>>
          %dma_wait3A_726 = tpu.memref_squeeze %dma_wait3A_725 : memref<1x16x128xf32, #tpu.memory_space<vmem>> -> memref<16x128xf32, #tpu.memory_space<vmem>>
          %dma_wait3A_727 = tpu.memref_slice %arg10[%mul3A_722] : memref<64xi32, #tpu.memory_space<vmem>> -> memref<16xi32, #tpu.memory_space<vmem>>
          %dma_wait3A_728 = arith.constant 0 : i32
          %dma_wait3A_729 = arith.constant 0 : i32
          %dma_wait3A_730 = tpu.memref_slice %arg4[%dma_wait3A_728, %dma_wait3A_729] : memref<16896x128xf32, #tpu.memory_space<hbm>> -> memref<16896x128xf32, #tpu.memory_space<hbm>>
          tpu.wait_indirect_dma semaphore(%arg12 : memref<!tpu.dma_semaphore, #tpu.memory_space<semaphore_mem>>) src(%dma_wait3A_726 : memref<16x128xf32, #tpu.memory_space<vmem>>) dst(%dma_wait3A_730 : memref<16896x128xf32, #tpu.memory_space<hbm>>)
        } else {
        }
        %gt3A_702 = arith.constant 0 : i32
        %gt3A_703 = arith.cmpi sgt, %squeeze3A, %gt3A_702 : i32
        %convert_element_type3A_704 = arith.extui %gt3A_703 : i1 to i32
        %cond3A_705 = arith.constant 0 : i32
        %cond3A_706 = arith.cmpi ne, %convert_element_type3A_704, %cond3A_705 : i32
        scf.if %cond3A_706 {
          %convert_element_type3A_717 = arith.extui %and3A_686 : vector<16xi1> to vector<16xi32>
          %broadcast_in_dim3A = arith.constant true
          %broadcast_in_dim3A_718 = vector.broadcast %broadcast_in_dim3A : i1 to vector<16xi1>
          %masked_cumsum3A = tpu.scan <sum>, %convert_element_type3A_717 masked %broadcast_in_dim3A_718 : vector<16xi32>, vector<16xi1> -> vector<16xi32>
          %sub3A_719 = arith.constant 1 : i32
          %sub3A_720 = vector.broadcast %sub3A_719 : i32 to vector<16xi32>
          %sub3A_721 = arith.subi %masked_cumsum3A, %sub3A_720 : vector<16xi32>
          %add3A_722 = vector.broadcast %while3A_665 : i32 to vector<16xi32>
          %add3A_723 = arith.addi %add3A_722, %sub3A_721 : vector<16xi32>
          %shift_right_arithmetic3A_724 = arith.constant 4 : i32
          %shift_right_arithmetic3A_725 = vector.broadcast %shift_right_arithmetic3A_724 : i32 to vector<16xi32>
          %shift_right_arithmetic3A_726 = arith.shrsi %add3A_723, %shift_right_arithmetic3A_725 : vector<16xi32>
          %and3A_727 = arith.constant 3 : i32
          %and3A_728 = vector.broadcast %and3A_727 : i32 to vector<16xi32>
          %and3A_729 = arith.andi %shift_right_arithmetic3A_726, %and3A_728 : vector<16xi32>
          %and3A_730 = arith.constant 15 : i32
          %and3A_731 = vector.broadcast %and3A_730 : i32 to vector<16xi32>
          %and3A_732 = arith.andi %add3A_723, %and3A_731 : vector<16xi32>
          %sub3A_733 = vector.broadcast %add3A_520 : i32 to vector<16xi32>
          %sub3A_734 = arith.subi %get3A_673, %sub3A_733 : vector<16xi32>
          %and3A_735 = arith.constant 1023 : i32
          %and3A_736 = vector.broadcast %and3A_735 : i32 to vector<16xi32>
          %and3A_737 = arith.andi %sub3A_734, %and3A_736 : vector<16xi32>
          %shift_right_arithmetic3A_738 = arith.constant 7 : i32
          %shift_right_arithmetic3A_739 = vector.broadcast %shift_right_arithmetic3A_738 : i32 to vector<16xi32>
          %shift_right_arithmetic3A_740 = arith.shrsi %and3A_737, %shift_right_arithmetic3A_739 : vector<16xi32>
          %and3A_741 = arith.constant 7 : i32
          %and3A_742 = vector.broadcast %and3A_741 : i32 to vector<16xi32>
          %and3A_743 = arith.andi %shift_right_arithmetic3A_740, %and3A_742 : vector<16xi32>
          %and3A_744 = arith.constant 127 : i32
          %and3A_745 = vector.broadcast %and3A_744 : i32 to vector<16xi32>
          %and3A_746 = arith.andi %and3A_737, %and3A_745 : vector<16xi32>
          %mul3A_747 = arith.constant 0 : i32
          %mul3A_748 = vector.broadcast %mul3A_747 : i32 to vector<16xi32>
          %mul3A_749 = arith.muli %iota3A, %mul3A_748 : vector<16xi32>
          %add3A_750 = vector.broadcast %and3A_517 : i32 to vector<16xi32>
          %add3A_751 = arith.addi %mul3A_749, %add3A_750 : vector<16xi32>
          %mul3A_752 = arith.constant 0 : i32
          %mul3A_753 = vector.broadcast %mul3A_752 : i32 to vector<16xi32>
          %mul3A_754 = arith.muli %iota3A, %mul3A_753 : vector<16xi32>
          %add3A_755 = arith.constant 0 : i32
          %add3A_756 = vector.broadcast %add3A_755 : i32 to vector<16xi32>
          %add3A_757 = arith.addi %mul3A_754, %add3A_756 : vector<16xi32>
          %gather3A = tpu.vector_load_idx %arg8[%add3A_751, %and3A_743, %add3A_757, %and3A_746] masked %and3A_686 : memref<2x8x32x128xf32, #tpu.memory_space<vmem>>[vector<16xi32>, vector<16xi32>, vector<16xi32>, vector<16xi32>], vector<16xf32>, vector<16xi1>
          tpu.vector_store_idx %arg9[%and3A_729, %and3A_732, %add3A_757], %gather3A masked %and3A_686 : memref<4x16x128xf32, #tpu.memory_space<vmem>>[vector<16xi32>, vector<16xi32>, vector<16xi32>], vector<16xf32>, vector<16xi1>
          %mul3A_758 = arith.constant 0 : i32
          %mul3A_759 = vector.broadcast %mul3A_758 : i32 to vector<16xi32>
          %mul3A_760 = arith.muli %iota3A, %mul3A_759 : vector<16xi32>
          %add3A_761 = arith.constant 1 : i32
          %add3A_762 = vector.broadcast %add3A_761 : i32 to vector<16xi32>
          %add3A_763 = arith.addi %mul3A_760, %add3A_762 : vector<16xi32>
          %gather3A_764 = tpu.vector_load_idx %arg8[%add3A_751, %and3A_743, %add3A_763, %and3A_746] masked %and3A_686 : memref<2x8x32x128xf32, #tpu.memory_space<vmem>>[vector<16xi32>, vector<16xi32>, vector<16xi32>, vector<16xi32>], vector<16xf32>, vector<16xi1>
          tpu.vector_store_idx %arg9[%and3A_729, %and3A_732, %add3A_763], %gather3A_764 masked %and3A_686 : memref<4x16x128xf32, #tpu.memory_space<vmem>>[vector<16xi32>, vector<16xi32>, vector<16xi32>], vector<16xf32>, vector<16xi1>
          %mul3A_765 = arith.constant 0 : i32
          %mul3A_766 = vector.broadcast %mul3A_765 : i32 to vector<16xi32>
          %mul3A_767 = arith.muli %iota3A, %mul3A_766 : vector<16xi32>
          %add3A_768 = arith.constant 2 : i32
          %add3A_769 = vector.broadcast %add3A_768 : i32 to vector<16xi32>
          %add3A_770 = arith.addi %mul3A_767, %add3A_769 : vector<16xi32>
          %gather3A_771 = tpu.vector_load_idx %arg8[%add3A_751, %and3A_743, %add3A_770, %and3A_746] masked %and3A_686 : memref<2x8x32x128xf32, #tpu.memory_space<vmem>>[vector<16xi32>, vector<16xi32>, vector<16xi32>, vector<16xi32>], vector<16xf32>, vector<16xi1>
          tpu.vector_store_idx %arg9[%and3A_729, %and3A_732, %add3A_770], %gather3A_771 masked %and3A_686 : memref<4x16x128xf32, #tpu.memory_space<vmem>>[vector<16xi32>, vector<16xi32>, vector<16xi32>], vector<16xf32>, vector<16xi1>
          %mul3A_772 = arith.constant 0 : i32
          %mul3A_773 = vector.broadcast %mul3A_772 : i32 to vector<16xi32>
          %mul3A_774 = arith.muli %iota3A, %mul3A_773 : vector<16xi32>
          %add3A_775 = arith.constant 3 : i32
          %add3A_776 = vector.broadcast %add3A_775 : i32 to vector<16xi32>
          %add3A_777 = arith.addi %mul3A_774, %add3A_776 : vector<16xi32>
          %gather3A_778 = tpu.vector_load_idx %arg8[%add3A_751, %and3A_743, %add3A_777, %and3A_746] masked %and3A_686 : memref<2x8x32x128xf32, #tpu.memory_space<vmem>>[vector<16xi32>, vector<16xi32>, vector<16xi32>, vector<16xi32>], vector<16xf32>, vector<16xi1>
          tpu.vector_store_idx %arg9[%and3A_729, %and3A_732, %add3A_777], %gather3A_778 masked %and3A_686 : memref<4x16x128xf32, #tpu.memory_space<vmem>>[vector<16xi32>, vector<16xi32>, vector<16xi32>], vector<16xf32>, vector<16xi1>
          %mul3A_779 = arith.constant 0 : i32
          %mul3A_780 = vector.broadcast %mul3A_779 : i32 to vector<16xi32>
          %mul3A_781 = arith.muli %iota3A, %mul3A_780 : vector<16xi32>
          %add3A_782 = arith.constant 4 : i32
          %add3A_783 = vector.broadcast %add3A_782 : i32 to vector<16xi32>
          %add3A_784 = arith.addi %mul3A_781, %add3A_783 : vector<16xi32>
          %gather3A_785 = tpu.vector_load_idx %arg8[%add3A_751, %and3A_743, %add3A_784, %and3A_746] masked %and3A_686 : memref<2x8x32x128xf32, #tpu.memory_space<vmem>>[vector<16xi32>, vector<16xi32>, vector<16xi32>, vector<16xi32>], vector<16xf32>, vector<16xi1>
          tpu.vector_store_idx %arg9[%and3A_729, %and3A_732, %add3A_784], %gather3A_785 masked %and3A_686 : memref<4x16x128xf32, #tpu.memory_space<vmem>>[vector<16xi32>, vector<16xi32>, vector<16xi32>], vector<16xf32>, vector<16xi1>
          %mul3A_786 = arith.constant 0 : i32
          %mul3A_787 = vector.broadcast %mul3A_786 : i32 to vector<16xi32>
          %mul3A_788 = arith.muli %iota3A, %mul3A_787 : vector<16xi32>
          %add3A_789 = arith.constant 5 : i32
          %add3A_790 = vector.broadcast %add3A_789 : i32 to vector<16xi32>
          %add3A_791 = arith.addi %mul3A_788, %add3A_790 : vector<16xi32>
          %gather3A_792 = tpu.vector_load_idx %arg8[%add3A_751, %and3A_743, %add3A_791, %and3A_746] masked %and3A_686 : memref<2x8x32x128xf32, #tpu.memory_space<vmem>>[vector<16xi32>, vector<16xi32>, vector<16xi32>, vector<16xi32>], vector<16xf32>, vector<16xi1>
          tpu.vector_store_idx %arg9[%and3A_729, %and3A_732, %add3A_791], %gather3A_792 masked %and3A_686 : memref<4x16x128xf32, #tpu.memory_space<vmem>>[vector<16xi32>, vector<16xi32>, vector<16xi32>], vector<16xf32>, vector<16xi1>
          %mul3A_793 = arith.constant 0 : i32
          %mul3A_794 = vector.broadcast %mul3A_793 : i32 to vector<16xi32>
          %mul3A_795 = arith.muli %iota3A, %mul3A_794 : vector<16xi32>
          %add3A_796 = arith.constant 6 : i32
          %add3A_797 = vector.broadcast %add3A_796 : i32 to vector<16xi32>
          %add3A_798 = arith.addi %mul3A_795, %add3A_797 : vector<16xi32>
          %gather3A_799 = tpu.vector_load_idx %arg8[%add3A_751, %and3A_743, %add3A_798, %and3A_746] masked %and3A_686 : memref<2x8x32x128xf32, #tpu.memory_space<vmem>>[vector<16xi32>, vector<16xi32>, vector<16xi32>, vector<16xi32>], vector<16xf32>, vector<16xi1>
          tpu.vector_store_idx %arg9[%and3A_729, %and3A_732, %add3A_798], %gather3A_799 masked %and3A_686 : memref<4x16x128xf32, #tpu.memory_space<vmem>>[vector<16xi32>, vector<16xi32>, vector<16xi32>], vector<16xf32>, vector<16xi1>
          %mul3A_800 = arith.constant 0 : i32
          %mul3A_801 = vector.broadcast %mul3A_800 : i32 to vector<16xi32>
          %mul3A_802 = arith.muli %iota3A, %mul3A_801 : vector<16xi32>
          %add3A_803 = arith.constant 7 : i32
          %add3A_804 = vector.broadcast %add3A_803 : i32 to vector<16xi32>
          %add3A_805 = arith.addi %mul3A_802, %add3A_804 : vector<16xi32>
          %gather3A_806 = tpu.vector_load_idx %arg8[%add3A_751, %and3A_743, %add3A_805, %and3A_746] masked %and3A_686 : memref<2x8x32x128xf32, #tpu.memory_space<vmem>>[vector<16xi32>, vector<16xi32>, vector<16xi32>, vector<16xi32>], vector<16xf32>, vector<16xi1>
          tpu.vector_store_idx %arg9[%and3A_729, %and3A_732, %add3A_805], %gather3A_806 masked %and3A_686 : memref<4x16x128xf32, #tpu.memory_space<vmem>>[vector<16xi32>, vector<16xi32>, vector<16xi32>], vector<16xf32>, vector<16xi1>
          %mul3A_807 = arith.constant 0 : i32
          %mul3A_808 = vector.broadcast %mul3A_807 : i32 to vector<16xi32>
          %mul3A_809 = arith.muli %iota3A, %mul3A_808 : vector<16xi32>
          %add3A_810 = arith.constant 8 : i32
          %add3A_811 = vector.broadcast %add3A_810 : i32 to vector<16xi32>
          %add3A_812 = arith.addi %mul3A_809, %add3A_811 : vector<16xi32>
          %gather3A_813 = tpu.vector_load_idx %arg8[%add3A_751, %and3A_743, %add3A_812, %and3A_746] masked %and3A_686 : memref<2x8x32x128xf32, #tpu.memory_space<vmem>>[vector<16xi32>, vector<16xi32>, vector<16xi32>, vector<16xi32>], vector<16xf32>, vector<16xi1>
          tpu.vector_store_idx %arg9[%and3A_729, %and3A_732, %add3A_812], %gather3A_813 masked %and3A_686 : memref<4x16x128xf32, #tpu.memory_space<vmem>>[vector<16xi32>, vector<16xi32>, vector<16xi32>], vector<16xf32>, vector<16xi1>
          %mul3A_814 = arith.constant 0 : i32
          %mul3A_815 = vector.broadcast %mul3A_814 : i32 to vector<16xi32>
          %mul3A_816 = arith.muli %iota3A, %mul3A_815 : vector<16xi32>
          %add3A_817 = arith.constant 9 : i32
          %add3A_818 = vector.broadcast %add3A_817 : i32 to vector<16xi32>
          %add3A_819 = arith.addi %mul3A_816, %add3A_818 : vector<16xi32>
          %gather3A_820 = tpu.vector_load_idx %arg8[%add3A_751, %and3A_743, %add3A_819, %and3A_746] masked %and3A_686 : memref<2x8x32x128xf32, #tpu.memory_space<vmem>>[vector<16xi32>, vector<16xi32>, vector<16xi32>, vector<16xi32>], vector<16xf32>, vector<16xi1>
          tpu.vector_store_idx %arg9[%and3A_729, %and3A_732, %add3A_819], %gather3A_820 masked %and3A_686 : memref<4x16x128xf32, #tpu.memory_space<vmem>>[vector<16xi32>, vector<16xi32>, vector<16xi32>], vector<16xf32>, vector<16xi1>
          %mul3A_821 = arith.constant 0 : i32
          %mul3A_822 = vector.broadcast %mul3A_821 : i32 to vector<16xi32>
          %mul3A_823 = arith.muli %iota3A, %mul3A_822 : vector<16xi32>
          %add3A_824 = arith.constant 10 : i32
          %add3A_825 = vector.broadcast %add3A_824 : i32 to vector<16xi32>
          %add3A_826 = arith.addi %mul3A_823, %add3A_825 : vector<16xi32>
          %gather3A_827 = tpu.vector_load_idx %arg8[%add3A_751, %and3A_743, %add3A_826, %and3A_746] masked %and3A_686 : memref<2x8x32x128xf32, #tpu.memory_space<vmem>>[vector<16xi32>, vector<16xi32>, vector<16xi32>, vector<16xi32>], vector<16xf32>, vector<16xi1>
          tpu.vector_store_idx %arg9[%and3A_729, %and3A_732, %add3A_826], %gather3A_827 masked %and3A_686 : memref<4x16x128xf32, #tpu.memory_space<vmem>>[vector<16xi32>, vector<16xi32>, vector<16xi32>], vector<16xf32>, vector<16xi1>
          %mul3A_828 = arith.constant 0 : i32
          %mul3A_829 = vector.broadcast %mul3A_828 : i32 to vector<16xi32>
          %mul3A_830 = arith.muli %iota3A, %mul3A_829 : vector<16xi32>
          %add3A_831 = arith.constant 11 : i32
          %add3A_832 = vector.broadcast %add3A_831 : i32 to vector<16xi32>
          %add3A_833 = arith.addi %mul3A_830, %add3A_832 : vector<16xi32>
          %gather3A_834 = tpu.vector_load_idx %arg8[%add3A_751, %and3A_743, %add3A_833, %and3A_746] masked %and3A_686 : memref<2x8x32x128xf32, #tpu.memory_space<vmem>>[vector<16xi32>, vector<16xi32>, vector<16xi32>, vector<16xi32>], vector<16xf32>, vector<16xi1>
          tpu.vector_store_idx %arg9[%and3A_729, %and3A_732, %add3A_833], %gather3A_834 masked %and3A_686 : memref<4x16x128xf32, #tpu.memory_space<vmem>>[vector<16xi32>, vector<16xi32>, vector<16xi32>], vector<16xf32>, vector<16xi1>
          %mul3A_835 = arith.constant 0 : i32
          %mul3A_836 = vector.broadcast %mul3A_835 : i32 to vector<16xi32>
          %mul3A_837 = arith.muli %iota3A, %mul3A_836 : vector<16xi32>
          %add3A_838 = arith.constant 12 : i32
          %add3A_839 = vector.broadcast %add3A_838 : i32 to vector<16xi32>
          %add3A_840 = arith.addi %mul3A_837, %add3A_839 : vector<16xi32>
          %gather3A_841 = tpu.vector_load_idx %arg8[%add3A_751, %and3A_743, %add3A_840, %and3A_746] masked %and3A_686 : memref<2x8x32x128xf32, #tpu.memory_space<vmem>>[vector<16xi32>, vector<16xi32>, vector<16xi32>, vector<16xi32>], vector<16xf32>, vector<16xi1>
          tpu.vector_store_idx %arg9[%and3A_729, %and3A_732, %add3A_840], %gather3A_841 masked %and3A_686 : memref<4x16x128xf32, #tpu.memory_space<vmem>>[vector<16xi32>, vector<16xi32>, vector<16xi32>], vector<16xf32>, vector<16xi1>
          %mul3A_842 = arith.constant 0 : i32
          %mul3A_843 = vector.broadcast %mul3A_842 : i32 to vector<16xi32>
          %mul3A_844 = arith.muli %iota3A, %mul3A_843 : vector<16xi32>
          %add3A_845 = arith.constant 13 : i32
          %add3A_846 = vector.broadcast %add3A_845 : i32 to vector<16xi32>
          %add3A_847 = arith.addi %mul3A_844, %add3A_846 : vector<16xi32>
          %gather3A_848 = tpu.vector_load_idx %arg8[%add3A_751, %and3A_743, %add3A_847, %and3A_746] masked %and3A_686 : memref<2x8x32x128xf32, #tpu.memory_space<vmem>>[vector<16xi32>, vector<16xi32>, vector<16xi32>, vector<16xi32>], vector<16xf32>, vector<16xi1>
          tpu.vector_store_idx %arg9[%and3A_729, %and3A_732, %add3A_847], %gather3A_848 masked %and3A_686 : memref<4x16x128xf32, #tpu.memory_space<vmem>>[vector<16xi32>, vector<16xi32>, vector<16xi32>], vector<16xf32>, vector<16xi1>
          %mul3A_849 = arith.constant 0 : i32
          %mul3A_850 = vector.broadcast %mul3A_849 : i32 to vector<16xi32>
          %mul3A_851 = arith.muli %iota3A, %mul3A_850 : vector<16xi32>
          %add3A_852 = arith.constant 14 : i32
          %add3A_853 = vector.broadcast %add3A_852 : i32 to vector<16xi32>
          %add3A_854 = arith.addi %mul3A_851, %add3A_853 : vector<16xi32>
          %gather3A_855 = tpu.vector_load_idx %arg8[%add3A_751, %and3A_743, %add3A_854, %and3A_746] masked %and3A_686 : memref<2x8x32x128xf32, #tpu.memory_space<vmem>>[vector<16xi32>, vector<16xi32>, vector<16xi32>, vector<16xi32>], vector<16xf32>, vector<16xi1>
          tpu.vector_store_idx %arg9[%and3A_729, %and3A_732, %add3A_854], %gather3A_855 masked %and3A_686 : memref<4x16x128xf32, #tpu.memory_space<vmem>>[vector<16xi32>, vector<16xi32>, vector<16xi32>], vector<16xf32>, vector<16xi1>
          %mul3A_856 = arith.constant 0 : i32
          %mul3A_857 = vector.broadcast %mul3A_856 : i32 to vector<16xi32>
          %mul3A_858 = arith.muli %iota3A, %mul3A_857 : vector<16xi32>
          %add3A_859 = arith.constant 15 : i32
          %add3A_860 = vector.broadcast %add3A_859 : i32 to vector<16xi32>
          %add3A_861 = arith.addi %mul3A_858, %add3A_860 : vector<16xi32>
          %gather3A_862 = tpu.vector_load_idx %arg8[%add3A_751, %and3A_743, %add3A_861, %and3A_746] masked %and3A_686 : memref<2x8x32x128xf32, #tpu.memory_space<vmem>>[vector<16xi32>, vector<16xi32>, vector<16xi32>, vector<16xi32>], vector<16xf32>, vector<16xi1>
          tpu.vector_store_idx %arg9[%and3A_729, %and3A_732, %add3A_861], %gather3A_862 masked %and3A_686 : memref<4x16x128xf32, #tpu.memory_space<vmem>>[vector<16xi32>, vector<16xi32>, vector<16xi32>], vector<16xf32>, vector<16xi1>
          %mul3A_863 = arith.constant 0 : i32
          %mul3A_864 = vector.broadcast %mul3A_863 : i32 to vector<16xi32>
          %mul3A_865 = arith.muli %iota3A, %mul3A_864 : vector<16xi32>
          %add3A_866 = arith.constant 16 : i32
          %add3A_867 = vector.broadcast %add3A_866 : i32 to vector<16xi32>
          %add3A_868 = arith.addi %mul3A_865, %add3A_867 : vector<16xi32>
          %gather3A_869 = tpu.vector_load_idx %arg8[%add3A_751, %and3A_743, %add3A_868, %and3A_746] masked %and3A_686 : memref<2x8x32x128xf32, #tpu.memory_space<vmem>>[vector<16xi32>, vector<16xi32>, vector<16xi32>, vector<16xi32>], vector<16xf32>, vector<16xi1>
          tpu.vector_store_idx %arg9[%and3A_729, %and3A_732, %add3A_868], %gather3A_869 masked %and3A_686 : memref<4x16x128xf32, #tpu.memory_space<vmem>>[vector<16xi32>, vector<16xi32>, vector<16xi32>], vector<16xf32>, vector<16xi1>
          %mul3A_870 = arith.constant 0 : i32
          %mul3A_871 = vector.broadcast %mul3A_870 : i32 to vector<16xi32>
          %mul3A_872 = arith.muli %iota3A, %mul3A_871 : vector<16xi32>
          %add3A_873 = arith.constant 17 : i32
          %add3A_874 = vector.broadcast %add3A_873 : i32 to vector<16xi32>
          %add3A_875 = arith.addi %mul3A_872, %add3A_874 : vector<16xi32>
          %gather3A_876 = tpu.vector_load_idx %arg8[%add3A_751, %and3A_743, %add3A_875, %and3A_746] masked %and3A_686 : memref<2x8x32x128xf32, #tpu.memory_space<vmem>>[vector<16xi32>, vector<16xi32>, vector<16xi32>, vector<16xi32>], vector<16xf32>, vector<16xi1>
          tpu.vector_store_idx %arg9[%and3A_729, %and3A_732, %add3A_875], %gather3A_876 masked %and3A_686 : memref<4x16x128xf32, #tpu.memory_space<vmem>>[vector<16xi32>, vector<16xi32>, vector<16xi32>], vector<16xf32>, vector<16xi1>
          %mul3A_877 = arith.constant 0 : i32
          %mul3A_878 = vector.broadcast %mul3A_877 : i32 to vector<16xi32>
          %mul3A_879 = arith.muli %iota3A, %mul3A_878 : vector<16xi32>
          %add3A_880 = arith.constant 18 : i32
          %add3A_881 = vector.broadcast %add3A_880 : i32 to vector<16xi32>
          %add3A_882 = arith.addi %mul3A_879, %add3A_881 : vector<16xi32>
          %gather3A_883 = tpu.vector_load_idx %arg8[%add3A_751, %and3A_743, %add3A_882, %and3A_746] masked %and3A_686 : memref<2x8x32x128xf32, #tpu.memory_space<vmem>>[vector<16xi32>, vector<16xi32>, vector<16xi32>, vector<16xi32>], vector<16xf32>, vector<16xi1>
          tpu.vector_store_idx %arg9[%and3A_729, %and3A_732, %add3A_882], %gather3A_883 masked %and3A_686 : memref<4x16x128xf32, #tpu.memory_space<vmem>>[vector<16xi32>, vector<16xi32>, vector<16xi32>], vector<16xf32>, vector<16xi1>
          %mul3A_884 = arith.constant 0 : i32
          %mul3A_885 = vector.broadcast %mul3A_884 : i32 to vector<16xi32>
          %mul3A_886 = arith.muli %iota3A, %mul3A_885 : vector<16xi32>
          %add3A_887 = arith.constant 19 : i32
          %add3A_888 = vector.broadcast %add3A_887 : i32 to vector<16xi32>
          %add3A_889 = arith.addi %mul3A_886, %add3A_888 : vector<16xi32>
          %gather3A_890 = tpu.vector_load_idx %arg8[%add3A_751, %and3A_743, %add3A_889, %and3A_746] masked %and3A_686 : memref<2x8x32x128xf32, #tpu.memory_space<vmem>>[vector<16xi32>, vector<16xi32>, vector<16xi32>, vector<16xi32>], vector<16xf32>, vector<16xi1>
          tpu.vector_store_idx %arg9[%and3A_729, %and3A_732, %add3A_889], %gather3A_890 masked %and3A_686 : memref<4x16x128xf32, #tpu.memory_space<vmem>>[vector<16xi32>, vector<16xi32>, vector<16xi32>], vector<16xf32>, vector<16xi1>
          %mul3A_891 = arith.constant 0 : i32
          %mul3A_892 = vector.broadcast %mul3A_891 : i32 to vector<16xi32>
          %mul3A_893 = arith.muli %iota3A, %mul3A_892 : vector<16xi32>
          %add3A_894 = arith.constant 20 : i32
          %add3A_895 = vector.broadcast %add3A_894 : i32 to vector<16xi32>
          %add3A_896 = arith.addi %mul3A_893, %add3A_895 : vector<16xi32>
          %gather3A_897 = tpu.vector_load_idx %arg8[%add3A_751, %and3A_743, %add3A_896, %and3A_746] masked %and3A_686 : memref<2x8x32x128xf32, #tpu.memory_space<vmem>>[vector<16xi32>, vector<16xi32>, vector<16xi32>, vector<16xi32>], vector<16xf32>, vector<16xi1>
          tpu.vector_store_idx %arg9[%and3A_729, %and3A_732, %add3A_896], %gather3A_897 masked %and3A_686 : memref<4x16x128xf32, #tpu.memory_space<vmem>>[vector<16xi32>, vector<16xi32>, vector<16xi32>], vector<16xf32>, vector<16xi1>
          %mul3A_898 = arith.constant 0 : i32
          %mul3A_899 = vector.broadcast %mul3A_898 : i32 to vector<16xi32>
          %mul3A_900 = arith.muli %iota3A, %mul3A_899 : vector<16xi32>
          %add3A_901 = arith.constant 21 : i32
          %add3A_902 = vector.broadcast %add3A_901 : i32 to vector<16xi32>
          %add3A_903 = arith.addi %mul3A_900, %add3A_902 : vector<16xi32>
          %gather3A_904 = tpu.vector_load_idx %arg8[%add3A_751, %and3A_743, %add3A_903, %and3A_746] masked %and3A_686 : memref<2x8x32x128xf32, #tpu.memory_space<vmem>>[vector<16xi32>, vector<16xi32>, vector<16xi32>, vector<16xi32>], vector<16xf32>, vector<16xi1>
          tpu.vector_store_idx %arg9[%and3A_729, %and3A_732, %add3A_903], %gather3A_904 masked %and3A_686 : memref<4x16x128xf32, #tpu.memory_space<vmem>>[vector<16xi32>, vector<16xi32>, vector<16xi32>], vector<16xf32>, vector<16xi1>
          %mul3A_905 = arith.constant 0 : i32
          %mul3A_906 = vector.broadcast %mul3A_905 : i32 to vector<16xi32>
          %mul3A_907 = arith.muli %iota3A, %mul3A_906 : vector<16xi32>
          %add3A_908 = arith.constant 22 : i32
          %add3A_909 = vector.broadcast %add3A_908 : i32 to vector<16xi32>
          %add3A_910 = arith.addi %mul3A_907, %add3A_909 : vector<16xi32>
          %gather3A_911 = tpu.vector_load_idx %arg8[%add3A_751, %and3A_743, %add3A_910, %and3A_746] masked %and3A_686 : memref<2x8x32x128xf32, #tpu.memory_space<vmem>>[vector<16xi32>, vector<16xi32>, vector<16xi32>, vector<16xi32>], vector<16xf32>, vector<16xi1>
          tpu.vector_store_idx %arg9[%and3A_729, %and3A_732, %add3A_910], %gather3A_911 masked %and3A_686 : memref<4x16x128xf32, #tpu.memory_space<vmem>>[vector<16xi32>, vector<16xi32>, vector<16xi32>], vector<16xf32>, vector<16xi1>
          %mul3A_912 = arith.constant 0 : i32
          %mul3A_913 = vector.broadcast %mul3A_912 : i32 to vector<16xi32>
          %mul3A_914 = arith.muli %iota3A, %mul3A_913 : vector<16xi32>
          %add3A_915 = arith.constant 23 : i32
          %add3A_916 = vector.broadcast %add3A_915 : i32 to vector<16xi32>
          %add3A_917 = arith.addi %mul3A_914, %add3A_916 : vector<16xi32>
          %gather3A_918 = tpu.vector_load_idx %arg8[%add3A_751, %and3A_743, %add3A_917, %and3A_746] masked %and3A_686 : memref<2x8x32x128xf32, #tpu.memory_space<vmem>>[vector<16xi32>, vector<16xi32>, vector<16xi32>, vector<16xi32>], vector<16xf32>, vector<16xi1>
          tpu.vector_store_idx %arg9[%and3A_729, %and3A_732, %add3A_917], %gather3A_918 masked %and3A_686 : memref<4x16x128xf32, #tpu.memory_space<vmem>>[vector<16xi32>, vector<16xi32>, vector<16xi32>], vector<16xf32>, vector<16xi1>
          %mul3A_919 = arith.constant 0 : i32
          %mul3A_920 = vector.broadcast %mul3A_919 : i32 to vector<16xi32>
          %mul3A_921 = arith.muli %iota3A, %mul3A_920 : vector<16xi32>
          %add3A_922 = arith.constant 24 : i32
          %add3A_923 = vector.broadcast %add3A_922 : i32 to vector<16xi32>
          %add3A_924 = arith.addi %mul3A_921, %add3A_923 : vector<16xi32>
          %gather3A_925 = tpu.vector_load_idx %arg8[%add3A_751, %and3A_743, %add3A_924, %and3A_746] masked %and3A_686 : memref<2x8x32x128xf32, #tpu.memory_space<vmem>>[vector<16xi32>, vector<16xi32>, vector<16xi32>, vector<16xi32>], vector<16xf32>, vector<16xi1>
          tpu.vector_store_idx %arg9[%and3A_729, %and3A_732, %add3A_924], %gather3A_925 masked %and3A_686 : memref<4x16x128xf32, #tpu.memory_space<vmem>>[vector<16xi32>, vector<16xi32>, vector<16xi32>], vector<16xf32>, vector<16xi1>
          %mul3A_926 = arith.constant 0 : i32
          %mul3A_927 = vector.broadcast %mul3A_926 : i32 to vector<16xi32>
          %mul3A_928 = arith.muli %iota3A, %mul3A_927 : vector<16xi32>
          %add3A_929 = arith.constant 25 : i32
          %add3A_930 = vector.broadcast %add3A_929 : i32 to vector<16xi32>
          %add3A_931 = arith.addi %mul3A_928, %add3A_930 : vector<16xi32>
          %gather3A_932 = tpu.vector_load_idx %arg8[%add3A_751, %and3A_743, %add3A_931, %and3A_746] masked %and3A_686 : memref<2x8x32x128xf32, #tpu.memory_space<vmem>>[vector<16xi32>, vector<16xi32>, vector<16xi32>, vector<16xi32>], vector<16xf32>, vector<16xi1>
          tpu.vector_store_idx %arg9[%and3A_729, %and3A_732, %add3A_931], %gather3A_932 masked %and3A_686 : memref<4x16x128xf32, #tpu.memory_space<vmem>>[vector<16xi32>, vector<16xi32>, vector<16xi32>], vector<16xf32>, vector<16xi1>
          %mul3A_933 = arith.constant 0 : i32
          %mul3A_934 = vector.broadcast %mul3A_933 : i32 to vector<16xi32>
          %mul3A_935 = arith.muli %iota3A, %mul3A_934 : vector<16xi32>
          %add3A_936 = arith.constant 26 : i32
          %add3A_937 = vector.broadcast %add3A_936 : i32 to vector<16xi32>
          %add3A_938 = arith.addi %mul3A_935, %add3A_937 : vector<16xi32>
          %gather3A_939 = tpu.vector_load_idx %arg8[%add3A_751, %and3A_743, %add3A_938, %and3A_746] masked %and3A_686 : memref<2x8x32x128xf32, #tpu.memory_space<vmem>>[vector<16xi32>, vector<16xi32>, vector<16xi32>, vector<16xi32>], vector<16xf32>, vector<16xi1>
          tpu.vector_store_idx %arg9[%and3A_729, %and3A_732, %add3A_938], %gather3A_939 masked %and3A_686 : memref<4x16x128xf32, #tpu.memory_space<vmem>>[vector<16xi32>, vector<16xi32>, vector<16xi32>], vector<16xf32>, vector<16xi1>
          %mul3A_940 = arith.constant 0 : i32
          %mul3A_941 = vector.broadcast %mul3A_940 : i32 to vector<16xi32>
          %mul3A_942 = arith.muli %iota3A, %mul3A_941 : vector<16xi32>
          %add3A_943 = arith.constant 27 : i32
          %add3A_944 = vector.broadcast %add3A_943 : i32 to vector<16xi32>
          %add3A_945 = arith.addi %mul3A_942, %add3A_944 : vector<16xi32>
          %gather3A_946 = tpu.vector_load_idx %arg8[%add3A_751, %and3A_743, %add3A_945, %and3A_746] masked %and3A_686 : memref<2x8x32x128xf32, #tpu.memory_space<vmem>>[vector<16xi32>, vector<16xi32>, vector<16xi32>, vector<16xi32>], vector<16xf32>, vector<16xi1>
          tpu.vector_store_idx %arg9[%and3A_729, %and3A_732, %add3A_945], %gather3A_946 masked %and3A_686 : memref<4x16x128xf32, #tpu.memory_space<vmem>>[vector<16xi32>, vector<16xi32>, vector<16xi32>], vector<16xf32>, vector<16xi1>
          %mul3A_947 = arith.constant 0 : i32
          %mul3A_948 = vector.broadcast %mul3A_947 : i32 to vector<16xi32>
          %mul3A_949 = arith.muli %iota3A, %mul3A_948 : vector<16xi32>
          %add3A_950 = arith.constant 28 : i32
          %add3A_951 = vector.broadcast %add3A_950 : i32 to vector<16xi32>
          %add3A_952 = arith.addi %mul3A_949, %add3A_951 : vector<16xi32>
          %gather3A_953 = tpu.vector_load_idx %arg8[%add3A_751, %and3A_743, %add3A_952, %and3A_746] masked %and3A_686 : memref<2x8x32x128xf32, #tpu.memory_space<vmem>>[vector<16xi32>, vector<16xi32>, vector<16xi32>, vector<16xi32>], vector<16xf32>, vector<16xi1>
          tpu.vector_store_idx %arg9[%and3A_729, %and3A_732, %add3A_952], %gather3A_953 masked %and3A_686 : memref<4x16x128xf32, #tpu.memory_space<vmem>>[vector<16xi32>, vector<16xi32>, vector<16xi32>], vector<16xf32>, vector<16xi1>
          %mul3A_954 = arith.constant 0 : i32
          %mul3A_955 = vector.broadcast %mul3A_954 : i32 to vector<16xi32>
          %mul3A_956 = arith.muli %iota3A, %mul3A_955 : vector<16xi32>
          %add3A_957 = arith.constant 29 : i32
          %add3A_958 = vector.broadcast %add3A_957 : i32 to vector<16xi32>
          %add3A_959 = arith.addi %mul3A_956, %add3A_958 : vector<16xi32>
          %gather3A_960 = tpu.vector_load_idx %arg8[%add3A_751, %and3A_743, %add3A_959, %and3A_746] masked %and3A_686 : memref<2x8x32x128xf32, #tpu.memory_space<vmem>>[vector<16xi32>, vector<16xi32>, vector<16xi32>, vector<16xi32>], vector<16xf32>, vector<16xi1>
          tpu.vector_store_idx %arg9[%and3A_729, %and3A_732, %add3A_959], %gather3A_960 masked %and3A_686 : memref<4x16x128xf32, #tpu.memory_space<vmem>>[vector<16xi32>, vector<16xi32>, vector<16xi32>], vector<16xf32>, vector<16xi1>
          %mul3A_961 = arith.constant 0 : i32
          %mul3A_962 = vector.broadcast %mul3A_961 : i32 to vector<16xi32>
          %mul3A_963 = arith.muli %iota3A, %mul3A_962 : vector<16xi32>
          %add3A_964 = arith.constant 30 : i32
          %add3A_965 = vector.broadcast %add3A_964 : i32 to vector<16xi32>
          %add3A_966 = arith.addi %mul3A_963, %add3A_965 : vector<16xi32>
          %gather3A_967 = tpu.vector_load_idx %arg8[%add3A_751, %and3A_743, %add3A_966, %and3A_746] masked %and3A_686 : memref<2x8x32x128xf32, #tpu.memory_space<vmem>>[vector<16xi32>, vector<16xi32>, vector<16xi32>, vector<16xi32>], vector<16xf32>, vector<16xi1>
          tpu.vector_store_idx %arg9[%and3A_729, %and3A_732, %add3A_966], %gather3A_967 masked %and3A_686 : memref<4x16x128xf32, #tpu.memory_space<vmem>>[vector<16xi32>, vector<16xi32>, vector<16xi32>], vector<16xf32>, vector<16xi1>
          %mul3A_968 = arith.constant 0 : i32
          %mul3A_969 = vector.broadcast %mul3A_968 : i32 to vector<16xi32>
          %mul3A_970 = arith.muli %iota3A, %mul3A_969 : vector<16xi32>
          %add3A_971 = arith.constant 31 : i32
          %add3A_972 = vector.broadcast %add3A_971 : i32 to vector<16xi32>
          %add3A_973 = arith.addi %mul3A_970, %add3A_972 : vector<16xi32>
          %gather3A_974 = tpu.vector_load_idx %arg8[%add3A_751, %and3A_743, %add3A_973, %and3A_746] masked %and3A_686 : memref<2x8x32x128xf32, #tpu.memory_space<vmem>>[vector<16xi32>, vector<16xi32>, vector<16xi32>, vector<16xi32>], vector<16xf32>, vector<16xi1>
          tpu.vector_store_idx %arg9[%and3A_729, %and3A_732, %add3A_973], %gather3A_974 masked %and3A_686 : memref<4x16x128xf32, #tpu.memory_space<vmem>>[vector<16xi32>, vector<16xi32>, vector<16xi32>], vector<16xf32>, vector<16xi1>
          %and3A_975 = arith.constant 63 : i32
          %and3A_976 = vector.broadcast %and3A_975 : i32 to vector<16xi32>
          %and3A_977 = arith.andi %add3A_723, %and3A_976 : vector<16xi32>
          tpu.vector_store_idx %arg10[%and3A_977], %get3A_677 masked %and3A_686 : memref<64xi32, #tpu.memory_space<vmem>>[vector<16xi32>], vector<16xi32>, vector<16xi1>
        } else {
        }
        %add3A_707 = arith.addi %and3A_688, %squeeze3A : i32
        %ge3A_708 = arith.constant 16 : i32
        %ge3A_709 = arith.cmpi sge, %add3A_707, %ge3A_708 : i32
        %convert_element_type3A_710 = arith.extui %ge3A_709 : i1 to i32
        %cond3A_711 = arith.constant 0 : i32
        %cond3A_712 = arith.cmpi ne, %convert_element_type3A_710, %cond3A_711 : i32
        scf.if %cond3A_712 {
          %and3A_717 = arith.constant 3 : i32
          %and3A_718 = arith.andi %shift_right_arithmetic3A_690, %and3A_717 : i32
          %mul3A_719 = arith.constant 16 : i32
          %mul3A_720 = arith.muli %and3A_718, %mul3A_719 : i32
          %dma_start3A_721 = arith.constant 0 : i32
          %dma_start3A_722 = arith.constant 0 : i32
          %dma_start3A_723 = tpu.memref_slice %arg9[%and3A_718, %dma_start3A_721, %dma_start3A_722] : memref<4x16x128xf32, #tpu.memory_space<vmem>> -> memref<1x16x128xf32, #tpu.memory_space<vmem>>
          %dma_start3A_724 = tpu.memref_squeeze %dma_start3A_723 : memref<1x16x128xf32, #tpu.memory_space<vmem>> -> memref<16x128xf32, #tpu.memory_space<vmem>>
          %dma_start3A_725 = tpu.memref_slice %arg10[%mul3A_720] : memref<64xi32, #tpu.memory_space<vmem>> -> memref<16xi32, #tpu.memory_space<vmem>>
          %dma_start3A_726 = arith.constant 0 : i32
          %dma_start3A_727 = arith.constant 0 : i32
          %dma_start3A_728 = tpu.memref_slice %arg4[%dma_start3A_726, %dma_start3A_727] : memref<16896x128xf32, #tpu.memory_space<hbm>> -> memref<16896x128xf32, #tpu.memory_space<hbm>>
          tpu.enqueue_indirect_dma source(%dma_start3A_724 : memref<16x128xf32, #tpu.memory_space<vmem>>) target(%dma_start3A_728 : memref<16896x128xf32, #tpu.memory_space<hbm>>) offsets(%dma_start3A_725 : memref<16xi32, #tpu.memory_space<vmem>>) semaphore(%arg12 : memref<!tpu.dma_semaphore, #tpu.memory_space<semaphore_mem>>)
        } else {
        }
        %add3A_713 = arith.constant 1 : i32
        %add3A_714 = arith.addi %while3A_666, %add3A_713 : i32
        %select_n3A_715 = arith.select %and3A_698, %add3A_714, %while3A_666 : i32
        %add3A_716 = arith.addi %while3A_665, %squeeze3A : i32
        scf.yield %add3A_716, %select_n3A_715 : i32, i32
      }
      %lt3A = arith.constant 28 : i32
      %lt3A_660 = arith.cmpi slt, %scan3A_513, %lt3A : i32
      %convert_element_type3A_661 = arith.extui %lt3A_660 : i1 to i32
      %cond3A_662 = arith.constant 0 : i32
      %cond3A_663 = arith.cmpi ne, %convert_element_type3A_661, %cond3A_662 : i32
      scf.if %cond3A_663 {
        %add3A_664 = arith.constant 2 : i32
        %add3A_665 = arith.addi %scan3A_513, %add3A_664 : i32
        %mul3A_666 = arith.constant 1024 : i32
        %mul3A_667 = arith.muli %add3A_665, %mul3A_666 : i32
        %add3A_668 = arith.addi %mul3A_2, %mul3A_667 : i32
        %multiple_of3A_669 = tpu.assume_multiple %add3A_668, 128 : i32
        %add3A_670 = arith.constant 0 : i32
        %add3A_671 = arith.addi %multiple_of3A_669, %add3A_670 : i32
        %dma_start3A_672 = arith.constant 0 : i32
        %dma_start3A_673 = arith.constant 0 : i32
        %dma_start3A_674 = arith.constant 0 : i32
        %dma_start3A_675 = tpu.memref_slice %arg8[%and3A_517, %dma_start3A_672, %dma_start3A_673, %dma_start3A_674] : memref<2x8x32x128xf32, #tpu.memory_space<vmem>> -> memref<1x1x32x128xf32, #tpu.memory_space<vmem>>
        %dma_start3A_676 = tpu.memref_squeeze %dma_start3A_675 : memref<1x1x32x128xf32, #tpu.memory_space<vmem>> -> memref<32x128xf32, #tpu.memory_space<vmem>>
        %dma_start3A_677 = arith.constant 0 : i32
        %dma_start3A_678 = tpu.memref_slice %arg3[%dma_start3A_677, %add3A_671] : memref<32x1000000xf32, #tpu.memory_space<hbm>> -> memref<32x128xf32, #tpu.memory_space<hbm>>
        %dma_start3A_679 = arith.constant 0 : i32
        %dma_start3A_680 = arith.constant 0 : i32
        %dma_start3A_681 = tpu.memref_slice %arg8[%and3A_517, %dma_start3A_672, %dma_start3A_679, %dma_start3A_680] : memref<2x8x32x128xf32, #tpu.memory_space<vmem>> -> memref<1x1x32x128xf32, #tpu.memory_space<vmem>>
        %dma_start3A_682 = tpu.memref_squeeze %dma_start3A_681 : memref<1x1x32x128xf32, #tpu.memory_space<vmem>> -> memref<32x128xf32, #tpu.memory_space<vmem>>
        %dma_start3A_683 = arith.constant 0 : i32
        %dma_start3A_684 = tpu.memref_slice %arg3[%dma_start3A_683, %add3A_671] : memref<32x1000000xf32, #tpu.memory_space<hbm>> -> memref<32x128xf32, #tpu.memory_space<hbm>>
        tpu.enqueue_dma source(%dma_start3A_684 : memref<32x128xf32, #tpu.memory_space<hbm>>) target(%dma_start3A_682 : memref<32x128xf32, #tpu.memory_space<vmem>>) target_semaphore(%arg11 : memref<!tpu.dma_semaphore, #tpu.memory_space<semaphore_mem>>)
        %multiple_of3A_685 = tpu.assume_multiple %add3A_668, 128 : i32
        %add3A_686 = arith.constant 128 : i32
        %add3A_687 = arith.addi %multiple_of3A_685, %add3A_686 : i32
        %dma_start3A_688 = arith.constant 1 : i32
        %dma_start3A_689 = arith.constant 0 : i32
        %dma_start3A_690 = arith.constant 0 : i32
        %dma_start3A_691 = tpu.memref_slice %arg8[%and3A_517, %dma_start3A_688, %dma_start3A_689, %dma_start3A_690] : memref<2x8x32x128xf32, #tpu.memory_space<vmem>> -> memref<1x1x32x128xf32, #tpu.memory_space<vmem>>
        %dma_start3A_692 = tpu.memref_squeeze %dma_start3A_691 : memref<1x1x32x128xf32, #tpu.memory_space<vmem>> -> memref<32x128xf32, #tpu.memory_space<vmem>>
        %dma_start3A_693 = arith.constant 0 : i32
        %dma_start3A_694 = tpu.memref_slice %arg3[%dma_start3A_693, %add3A_687] : memref<32x1000000xf32, #tpu.memory_space<hbm>> -> memref<32x128xf32, #tpu.memory_space<hbm>>
        %dma_start3A_695 = arith.constant 0 : i32
        %dma_start3A_696 = arith.constant 0 : i32
        %dma_start3A_697 = tpu.memref_slice %arg8[%and3A_517, %dma_start3A_688, %dma_start3A_695, %dma_start3A_696] : memref<2x8x32x128xf32, #tpu.memory_space<vmem>> -> memref<1x1x32x128xf32, #tpu.memory_space<vmem>>
        %dma_start3A_698 = tpu.memref_squeeze %dma_start3A_697 : memref<1x1x32x128xf32, #tpu.memory_space<vmem>> -> memref<32x128xf32, #tpu.memory_space<vmem>>
        %dma_start3A_699 = arith.constant 0 : i32
        %dma_start3A_700 = tpu.memref_slice %arg3[%dma_start3A_699, %add3A_687] : memref<32x1000000xf32, #tpu.memory_space<hbm>> -> memref<32x128xf32, #tpu.memory_space<hbm>>
        tpu.enqueue_dma source(%dma_start3A_700 : memref<32x128xf32, #tpu.memory_space<hbm>>) target(%dma_start3A_698 : memref<32x128xf32, #tpu.memory_space<vmem>>) target_semaphore(%arg11 : memref<!tpu.dma_semaphore, #tpu.memory_space<semaphore_mem>>)
        %multiple_of3A_701 = tpu.assume_multiple %add3A_668, 128 : i32
        %add3A_702 = arith.constant 256 : i32
        %add3A_703 = arith.addi %multiple_of3A_701, %add3A_702 : i32
        %dma_start3A_704 = arith.constant 2 : i32
        %dma_start3A_705 = arith.constant 0 : i32
        %dma_start3A_706 = arith.constant 0 : i32
        %dma_start3A_707 = tpu.memref_slice %arg8[%and3A_517, %dma_start3A_704, %dma_start3A_705, %dma_start3A_706] : memref<2x8x32x128xf32, #tpu.memory_space<vmem>> -> memref<1x1x32x128xf32, #tpu.memory_space<vmem>>
        %dma_start3A_708 = tpu.memref_squeeze %dma_start3A_707 : memref<1x1x32x128xf32, #tpu.memory_space<vmem>> -> memref<32x128xf32, #tpu.memory_space<vmem>>
        %dma_start3A_709 = arith.constant 0 : i32
        %dma_start3A_710 = tpu.memref_slice %arg3[%dma_start3A_709, %add3A_703] : memref<32x1000000xf32, #tpu.memory_space<hbm>> -> memref<32x128xf32, #tpu.memory_space<hbm>>
        %dma_start3A_711 = arith.constant 0 : i32
        %dma_start3A_712 = arith.constant 0 : i32
        %dma_start3A_713 = tpu.memref_slice %arg8[%and3A_517, %dma_start3A_704, %dma_start3A_711, %dma_start3A_712] : memref<2x8x32x128xf32, #tpu.memory_space<vmem>> -> memref<1x1x32x128xf32, #tpu.memory_space<vmem>>
        %dma_start3A_714 = tpu.memref_squeeze %dma_start3A_713 : memref<1x1x32x128xf32, #tpu.memory_space<vmem>> -> memref<32x128xf32, #tpu.memory_space<vmem>>
        %dma_start3A_715 = arith.constant 0 : i32
        %dma_start3A_716 = tpu.memref_slice %arg3[%dma_start3A_715, %add3A_703] : memref<32x1000000xf32, #tpu.memory_space<hbm>> -> memref<32x128xf32, #tpu.memory_space<hbm>>
        tpu.enqueue_dma source(%dma_start3A_716 : memref<32x128xf32, #tpu.memory_space<hbm>>) target(%dma_start3A_714 : memref<32x128xf32, #tpu.memory_space<vmem>>) target_semaphore(%arg11 : memref<!tpu.dma_semaphore, #tpu.memory_space<semaphore_mem>>)
        %multiple_of3A_717 = tpu.assume_multiple %add3A_668, 128 : i32
        %add3A_718 = arith.constant 384 : i32
        %add3A_719 = arith.addi %multiple_of3A_717, %add3A_718 : i32
        %dma_start3A_720 = arith.constant 3 : i32
        %dma_start3A_721 = arith.constant 0 : i32
        %dma_start3A_722 = arith.constant 0 : i32
        %dma_start3A_723 = tpu.memref_slice %arg8[%and3A_517, %dma_start3A_720, %dma_start3A_721, %dma_start3A_722] : memref<2x8x32x128xf32, #tpu.memory_space<vmem>> -> memref<1x1x32x128xf32, #tpu.memory_space<vmem>>
        %dma_start3A_724 = tpu.memref_squeeze %dma_start3A_723 : memref<1x1x32x128xf32, #tpu.memory_space<vmem>> -> memref<32x128xf32, #tpu.memory_space<vmem>>
        %dma_start3A_725 = arith.constant 0 : i32
        %dma_start3A_726 = tpu.memref_slice %arg3[%dma_start3A_725, %add3A_719] : memref<32x1000000xf32, #tpu.memory_space<hbm>> -> memref<32x128xf32, #tpu.memory_space<hbm>>
        %dma_start3A_727 = arith.constant 0 : i32
        %dma_start3A_728 = arith.constant 0 : i32
        %dma_start3A_729 = tpu.memref_slice %arg8[%and3A_517, %dma_start3A_720, %dma_start3A_727, %dma_start3A_728] : memref<2x8x32x128xf32, #tpu.memory_space<vmem>> -> memref<1x1x32x128xf32, #tpu.memory_space<vmem>>
        %dma_start3A_730 = tpu.memref_squeeze %dma_start3A_729 : memref<1x1x32x128xf32, #tpu.memory_space<vmem>> -> memref<32x128xf32, #tpu.memory_space<vmem>>
        %dma_start3A_731 = arith.constant 0 : i32
        %dma_start3A_732 = tpu.memref_slice %arg3[%dma_start3A_731, %add3A_719] : memref<32x1000000xf32, #tpu.memory_space<hbm>> -> memref<32x128xf32, #tpu.memory_space<hbm>>
        tpu.enqueue_dma source(%dma_start3A_732 : memref<32x128xf32, #tpu.memory_space<hbm>>) target(%dma_start3A_730 : memref<32x128xf32, #tpu.memory_space<vmem>>) target_semaphore(%arg11 : memref<!tpu.dma_semaphore, #tpu.memory_space<semaphore_mem>>)
        %multiple_of3A_733 = tpu.assume_multiple %add3A_668, 128 : i32
        %add3A_734 = arith.constant 512 : i32
        %add3A_735 = arith.addi %multiple_of3A_733, %add3A_734 : i32
        %dma_start3A_736 = arith.constant 4 : i32
        %dma_start3A_737 = arith.constant 0 : i32
        %dma_start3A_738 = arith.constant 0 : i32
        %dma_start3A_739 = tpu.memref_slice %arg8[%and3A_517, %dma_start3A_736, %dma_start3A_737, %dma_start3A_738] : memref<2x8x32x128xf32, #tpu.memory_space<vmem>> -> memref<1x1x32x128xf32, #tpu.memory_space<vmem>>
        %dma_start3A_740 = tpu.memref_squeeze %dma_start3A_739 : memref<1x1x32x128xf32, #tpu.memory_space<vmem>> -> memref<32x128xf32, #tpu.memory_space<vmem>>
        %dma_start3A_741 = arith.constant 0 : i32
        %dma_start3A_742 = tpu.memref_slice %arg3[%dma_start3A_741, %add3A_735] : memref<32x1000000xf32, #tpu.memory_space<hbm>> -> memref<32x128xf32, #tpu.memory_space<hbm>>
        %dma_start3A_743 = arith.constant 0 : i32
        %dma_start3A_744 = arith.constant 0 : i32
        %dma_start3A_745 = tpu.memref_slice %arg8[%and3A_517, %dma_start3A_736, %dma_start3A_743, %dma_start3A_744] : memref<2x8x32x128xf32, #tpu.memory_space<vmem>> -> memref<1x1x32x128xf32, #tpu.memory_space<vmem>>
        %dma_start3A_746 = tpu.memref_squeeze %dma_start3A_745 : memref<1x1x32x128xf32, #tpu.memory_space<vmem>> -> memref<32x128xf32, #tpu.memory_space<vmem>>
        %dma_start3A_747 = arith.constant 0 : i32
        %dma_start3A_748 = tpu.memref_slice %arg3[%dma_start3A_747, %add3A_735] : memref<32x1000000xf32, #tpu.memory_space<hbm>> -> memref<32x128xf32, #tpu.memory_space<hbm>>
        tpu.enqueue_dma source(%dma_start3A_748 : memref<32x128xf32, #tpu.memory_space<hbm>>) target(%dma_start3A_746 : memref<32x128xf32, #tpu.memory_space<vmem>>) target_semaphore(%arg11 : memref<!tpu.dma_semaphore, #tpu.memory_space<semaphore_mem>>)
        %multiple_of3A_749 = tpu.assume_multiple %add3A_668, 128 : i32
        %add3A_750 = arith.constant 640 : i32
        %add3A_751 = arith.addi %multiple_of3A_749, %add3A_750 : i32
        %dma_start3A_752 = arith.constant 5 : i32
        %dma_start3A_753 = arith.constant 0 : i32
        %dma_start3A_754 = arith.constant 0 : i32
        %dma_start3A_755 = tpu.memref_slice %arg8[%and3A_517, %dma_start3A_752, %dma_start3A_753, %dma_start3A_754] : memref<2x8x32x128xf32, #tpu.memory_space<vmem>> -> memref<1x1x32x128xf32, #tpu.memory_space<vmem>>
        %dma_start3A_756 = tpu.memref_squeeze %dma_start3A_755 : memref<1x1x32x128xf32, #tpu.memory_space<vmem>> -> memref<32x128xf32, #tpu.memory_space<vmem>>
        %dma_start3A_757 = arith.constant 0 : i32
        %dma_start3A_758 = tpu.memref_slice %arg3[%dma_start3A_757, %add3A_751] : memref<32x1000000xf32, #tpu.memory_space<hbm>> -> memref<32x128xf32, #tpu.memory_space<hbm>>
        %dma_start3A_759 = arith.constant 0 : i32
        %dma_start3A_760 = arith.constant 0 : i32
        %dma_start3A_761 = tpu.memref_slice %arg8[%and3A_517, %dma_start3A_752, %dma_start3A_759, %dma_start3A_760] : memref<2x8x32x128xf32, #tpu.memory_space<vmem>> -> memref<1x1x32x128xf32, #tpu.memory_space<vmem>>
        %dma_start3A_762 = tpu.memref_squeeze %dma_start3A_761 : memref<1x1x32x128xf32, #tpu.memory_space<vmem>> -> memref<32x128xf32, #tpu.memory_space<vmem>>
        %dma_start3A_763 = arith.constant 0 : i32
        %dma_start3A_764 = tpu.memref_slice %arg3[%dma_start3A_763, %add3A_751] : memref<32x1000000xf32, #tpu.memory_space<hbm>> -> memref<32x128xf32, #tpu.memory_space<hbm>>
        tpu.enqueue_dma source(%dma_start3A_764 : memref<32x128xf32, #tpu.memory_space<hbm>>) target(%dma_start3A_762 : memref<32x128xf32, #tpu.memory_space<vmem>>) target_semaphore(%arg11 : memref<!tpu.dma_semaphore, #tpu.memory_space<semaphore_mem>>)
        %multiple_of3A_765 = tpu.assume_multiple %add3A_668, 128 : i32
        %add3A_766 = arith.constant 768 : i32
        %add3A_767 = arith.addi %multiple_of3A_765, %add3A_766 : i32
        %dma_start3A_768 = arith.constant 6 : i32
        %dma_start3A_769 = arith.constant 0 : i32
        %dma_start3A_770 = arith.constant 0 : i32
        %dma_start3A_771 = tpu.memref_slice %arg8[%and3A_517, %dma_start3A_768, %dma_start3A_769, %dma_start3A_770] : memref<2x8x32x128xf32, #tpu.memory_space<vmem>> -> memref<1x1x32x128xf32, #tpu.memory_space<vmem>>
        %dma_start3A_772 = tpu.memref_squeeze %dma_start3A_771 : memref<1x1x32x128xf32, #tpu.memory_space<vmem>> -> memref<32x128xf32, #tpu.memory_space<vmem>>
        %dma_start3A_773 = arith.constant 0 : i32
        %dma_start3A_774 = tpu.memref_slice %arg3[%dma_start3A_773, %add3A_767] : memref<32x1000000xf32, #tpu.memory_space<hbm>> -> memref<32x128xf32, #tpu.memory_space<hbm>>
        %dma_start3A_775 = arith.constant 0 : i32
        %dma_start3A_776 = arith.constant 0 : i32
        %dma_start3A_777 = tpu.memref_slice %arg8[%and3A_517, %dma_start3A_768, %dma_start3A_775, %dma_start3A_776] : memref<2x8x32x128xf32, #tpu.memory_space<vmem>> -> memref<1x1x32x128xf32, #tpu.memory_space<vmem>>
        %dma_start3A_778 = tpu.memref_squeeze %dma_start3A_777 : memref<1x1x32x128xf32, #tpu.memory_space<vmem>> -> memref<32x128xf32, #tpu.memory_space<vmem>>
        %dma_start3A_779 = arith.constant 0 : i32
        %dma_start3A_780 = tpu.memref_slice %arg3[%dma_start3A_779, %add3A_767] : memref<32x1000000xf32, #tpu.memory_space<hbm>> -> memref<32x128xf32, #tpu.memory_space<hbm>>
        tpu.enqueue_dma source(%dma_start3A_780 : memref<32x128xf32, #tpu.memory_space<hbm>>) target(%dma_start3A_778 : memref<32x128xf32, #tpu.memory_space<vmem>>) target_semaphore(%arg11 : memref<!tpu.dma_semaphore, #tpu.memory_space<semaphore_mem>>)
        %multiple_of3A_781 = tpu.assume_multiple %add3A_668, 128 : i32
        %add3A_782 = arith.constant 896 : i32
        %add3A_783 = arith.addi %multiple_of3A_781, %add3A_782 : i32
        %dma_start3A_784 = arith.constant 7 : i32
        %dma_start3A_785 = arith.constant 0 : i32
        %dma_start3A_786 = arith.constant 0 : i32
        %dma_start3A_787 = tpu.memref_slice %arg8[%and3A_517, %dma_start3A_784, %dma_start3A_785, %dma_start3A_786] : memref<2x8x32x128xf32, #tpu.memory_space<vmem>> -> memref<1x1x32x128xf32, #tpu.memory_space<vmem>>
        %dma_start3A_788 = tpu.memref_squeeze %dma_start3A_787 : memref<1x1x32x128xf32, #tpu.memory_space<vmem>> -> memref<32x128xf32, #tpu.memory_space<vmem>>
        %dma_start3A_789 = arith.constant 0 : i32
        %dma_start3A_790 = tpu.memref_slice %arg3[%dma_start3A_789, %add3A_783] : memref<32x1000000xf32, #tpu.memory_space<hbm>> -> memref<32x128xf32, #tpu.memory_space<hbm>>
        %dma_start3A_791 = arith.constant 0 : i32
        %dma_start3A_792 = arith.constant 0 : i32
        %dma_start3A_793 = tpu.memref_slice %arg8[%and3A_517, %dma_start3A_784, %dma_start3A_791, %dma_start3A_792] : memref<2x8x32x128xf32, #tpu.memory_space<vmem>> -> memref<1x1x32x128xf32, #tpu.memory_space<vmem>>
        %dma_start3A_794 = tpu.memref_squeeze %dma_start3A_793 : memref<1x1x32x128xf32, #tpu.memory_space<vmem>> -> memref<32x128xf32, #tpu.memory_space<vmem>>
        %dma_start3A_795 = arith.constant 0 : i32
        %dma_start3A_796 = tpu.memref_slice %arg3[%dma_start3A_795, %add3A_783] : memref<32x1000000xf32, #tpu.memory_space<hbm>> -> memref<32x128xf32, #tpu.memory_space<hbm>>
        tpu.enqueue_dma source(%dma_start3A_796 : memref<32x128xf32, #tpu.memory_space<hbm>>) target(%dma_start3A_794 : memref<32x128xf32, #tpu.memory_space<vmem>>) target_semaphore(%arg11 : memref<!tpu.dma_semaphore, #tpu.memory_space<semaphore_mem>>)
      } else {
      }
      scf.yield %while3A_659#0, %while3A_659#1 : i32, i32
    }
    %scan3A_297 = arith.constant 30 : i32
    %add3A_298 = arith.constant 30720 : i32
    %add3A_299 = arith.addi %mul3A_2, %add3A_298 : i32
    %multiple_of3A_300 = tpu.assume_multiple %add3A_299, 128 : i32
    %add3A_301 = arith.constant 0 : i32
    %add3A_302 = arith.addi %multiple_of3A_300, %add3A_301 : i32
    %dma_start3A_303 = arith.constant 0 : i32
    %dma_start3A_304 = arith.constant 0 : i32
    %dma_start3A_305 = arith.constant 0 : i32
    %dma_start3A_306 = arith.constant 0 : i32
    %dma_start3A_307 = tpu.memref_slice %arg8[%dma_start3A_303, %dma_start3A_304, %dma_start3A_305, %dma_start3A_306] : memref<2x8x32x128xf32, #tpu.memory_space<vmem>> -> memref<1x1x32x128xf32, #tpu.memory_space<vmem>>
    %dma_start3A_308 = tpu.memref_squeeze %dma_start3A_307 : memref<1x1x32x128xf32, #tpu.memory_space<vmem>> -> memref<32x128xf32, #tpu.memory_space<vmem>>
    %dma_start3A_309 = arith.constant 0 : i32
    %dma_start3A_310 = tpu.memref_slice %arg3[%dma_start3A_309, %add3A_302] : memref<32x1000000xf32, #tpu.memory_space<hbm>> -> memref<32x128xf32, #tpu.memory_space<hbm>>
    %dma_start3A_311 = arith.constant 0 : i32
    %dma_start3A_312 = arith.constant 0 : i32
    %dma_start3A_313 = tpu.memref_slice %arg8[%dma_start3A_303, %dma_start3A_304, %dma_start3A_311, %dma_start3A_312] : memref<2x8x32x128xf32, #tpu.memory_space<vmem>> -> memref<1x1x32x128xf32, #tpu.memory_space<vmem>>
    %dma_start3A_314 = tpu.memref_squeeze %dma_start3A_313 : memref<1x1x32x128xf32, #tpu.memory_space<vmem>> -> memref<32x128xf32, #tpu.memory_space<vmem>>
    %dma_start3A_315 = arith.constant 0 : i32
    %dma_start3A_316 = tpu.memref_slice %arg3[%dma_start3A_315, %add3A_302] : memref<32x1000000xf32, #tpu.memory_space<hbm>> -> memref<32x128xf32, #tpu.memory_space<hbm>>
    tpu.enqueue_dma source(%dma_start3A_316 : memref<32x128xf32, #tpu.memory_space<hbm>>) target(%dma_start3A_314 : memref<32x128xf32, #tpu.memory_space<vmem>>) target_semaphore(%arg11 : memref<!tpu.dma_semaphore, #tpu.memory_space<semaphore_mem>>)
    %multiple_of3A_317 = tpu.assume_multiple %add3A_299, 128 : i32
    %add3A_318 = arith.constant 128 : i32
    %add3A_319 = arith.addi %multiple_of3A_317, %add3A_318 : i32
    %dma_start3A_320 = arith.constant 0 : i32
    %dma_start3A_321 = arith.constant 1 : i32
    %dma_start3A_322 = arith.constant 0 : i32
    %dma_start3A_323 = arith.constant 0 : i32
    %dma_start3A_324 = tpu.memref_slice %arg8[%dma_start3A_320, %dma_start3A_321, %dma_start3A_322, %dma_start3A_323] : memref<2x8x32x128xf32, #tpu.memory_space<vmem>> -> memref<1x1x32x128xf32, #tpu.memory_space<vmem>>
    %dma_start3A_325 = tpu.memref_squeeze %dma_start3A_324 : memref<1x1x32x128xf32, #tpu.memory_space<vmem>> -> memref<32x128xf32, #tpu.memory_space<vmem>>
    %dma_start3A_326 = arith.constant 0 : i32
    %dma_start3A_327 = tpu.memref_slice %arg3[%dma_start3A_326, %add3A_319] : memref<32x1000000xf32, #tpu.memory_space<hbm>> -> memref<32x128xf32, #tpu.memory_space<hbm>>
    %dma_start3A_328 = arith.constant 0 : i32
    %dma_start3A_329 = arith.constant 0 : i32
    %dma_start3A_330 = tpu.memref_slice %arg8[%dma_start3A_320, %dma_start3A_321, %dma_start3A_328, %dma_start3A_329] : memref<2x8x32x128xf32, #tpu.memory_space<vmem>> -> memref<1x1x32x128xf32, #tpu.memory_space<vmem>>
    %dma_start3A_331 = tpu.memref_squeeze %dma_start3A_330 : memref<1x1x32x128xf32, #tpu.memory_space<vmem>> -> memref<32x128xf32, #tpu.memory_space<vmem>>
    %dma_start3A_332 = arith.constant 0 : i32
    %dma_start3A_333 = tpu.memref_slice %arg3[%dma_start3A_332, %add3A_319] : memref<32x1000000xf32, #tpu.memory_space<hbm>> -> memref<32x128xf32, #tpu.memory_space<hbm>>
    tpu.enqueue_dma source(%dma_start3A_333 : memref<32x128xf32, #tpu.memory_space<hbm>>) target(%dma_start3A_331 : memref<32x128xf32, #tpu.memory_space<vmem>>) target_semaphore(%arg11 : memref<!tpu.dma_semaphore, #tpu.memory_space<semaphore_mem>>)
    %multiple_of3A_334 = tpu.assume_multiple %add3A_299, 128 : i32
    %add3A_335 = arith.constant 256 : i32
    %add3A_336 = arith.addi %multiple_of3A_334, %add3A_335 : i32
    %dma_start3A_337 = arith.constant 0 : i32
    %dma_start3A_338 = arith.constant 2 : i32
    %dma_start3A_339 = arith.constant 0 : i32
    %dma_start3A_340 = arith.constant 0 : i32
    %dma_start3A_341 = tpu.memref_slice %arg8[%dma_start3A_337, %dma_start3A_338, %dma_start3A_339, %dma_start3A_340] : memref<2x8x32x128xf32, #tpu.memory_space<vmem>> -> memref<1x1x32x128xf32, #tpu.memory_space<vmem>>
    %dma_start3A_342 = tpu.memref_squeeze %dma_start3A_341 : memref<1x1x32x128xf32, #tpu.memory_space<vmem>> -> memref<32x128xf32, #tpu.memory_space<vmem>>
    %dma_start3A_343 = arith.constant 0 : i32
    %dma_start3A_344 = tpu.memref_slice %arg3[%dma_start3A_343, %add3A_336] : memref<32x1000000xf32, #tpu.memory_space<hbm>> -> memref<32x128xf32, #tpu.memory_space<hbm>>
    %dma_start3A_345 = arith.constant 0 : i32
    %dma_start3A_346 = arith.constant 0 : i32
    %dma_start3A_347 = tpu.memref_slice %arg8[%dma_start3A_337, %dma_start3A_338, %dma_start3A_345, %dma_start3A_346] : memref<2x8x32x128xf32, #tpu.memory_space<vmem>> -> memref<1x1x32x128xf32, #tpu.memory_space<vmem>>
    %dma_start3A_348 = tpu.memref_squeeze %dma_start3A_347 : memref<1x1x32x128xf32, #tpu.memory_space<vmem>> -> memref<32x128xf32, #tpu.memory_space<vmem>>
    %dma_start3A_349 = arith.constant 0 : i32
    %dma_start3A_350 = tpu.memref_slice %arg3[%dma_start3A_349, %add3A_336] : memref<32x1000000xf32, #tpu.memory_space<hbm>> -> memref<32x128xf32, #tpu.memory_space<hbm>>
    tpu.enqueue_dma source(%dma_start3A_350 : memref<32x128xf32, #tpu.memory_space<hbm>>) target(%dma_start3A_348 : memref<32x128xf32, #tpu.memory_space<vmem>>) target_semaphore(%arg11 : memref<!tpu.dma_semaphore, #tpu.memory_space<semaphore_mem>>)
    %multiple_of3A_351 = tpu.assume_multiple %add3A_299, 128 : i32
    %add3A_352 = arith.constant 384 : i32
    %add3A_353 = arith.addi %multiple_of3A_351, %add3A_352 : i32
    %dma_start3A_354 = arith.constant 0 : i32
    %dma_start3A_355 = arith.constant 3 : i32
    %dma_start3A_356 = arith.constant 0 : i32
    %dma_start3A_357 = arith.constant 0 : i32
    %dma_start3A_358 = tpu.memref_slice %arg8[%dma_start3A_354, %dma_start3A_355, %dma_start3A_356, %dma_start3A_357] : memref<2x8x32x128xf32, #tpu.memory_space<vmem>> -> memref<1x1x32x128xf32, #tpu.memory_space<vmem>>
    %dma_start3A_359 = tpu.memref_squeeze %dma_start3A_358 : memref<1x1x32x128xf32, #tpu.memory_space<vmem>> -> memref<32x128xf32, #tpu.memory_space<vmem>>
    %dma_start3A_360 = arith.constant 0 : i32
    %dma_start3A_361 = tpu.memref_slice %arg3[%dma_start3A_360, %add3A_353] : memref<32x1000000xf32, #tpu.memory_space<hbm>> -> memref<32x128xf32, #tpu.memory_space<hbm>>
    %dma_start3A_362 = arith.constant 0 : i32
    %dma_start3A_363 = arith.constant 0 : i32
    %dma_start3A_364 = tpu.memref_slice %arg8[%dma_start3A_354, %dma_start3A_355, %dma_start3A_362, %dma_start3A_363] : memref<2x8x32x128xf32, #tpu.memory_space<vmem>> -> memref<1x1x32x128xf32, #tpu.memory_space<vmem>>
    %dma_start3A_365 = tpu.memref_squeeze %dma_start3A_364 : memref<1x1x32x128xf32, #tpu.memory_space<vmem>> -> memref<32x128xf32, #tpu.memory_space<vmem>>
    %dma_start3A_366 = arith.constant 0 : i32
    %dma_start3A_367 = tpu.memref_slice %arg3[%dma_start3A_366, %add3A_353] : memref<32x1000000xf32, #tpu.memory_space<hbm>> -> memref<32x128xf32, #tpu.memory_space<hbm>>
    tpu.enqueue_dma source(%dma_start3A_367 : memref<32x128xf32, #tpu.memory_space<hbm>>) target(%dma_start3A_365 : memref<32x128xf32, #tpu.memory_space<vmem>>) target_semaphore(%arg11 : memref<!tpu.dma_semaphore, #tpu.memory_space<semaphore_mem>>)
    %multiple_of3A_368 = tpu.assume_multiple %add3A_299, 128 : i32
    %add3A_369 = arith.constant 0 : i32
    %add3A_370 = arith.addi %multiple_of3A_368, %add3A_369 : i32
    %dma_wait3A = arith.constant 0 : i32
    %dma_wait3A_371 = arith.constant 0 : i32
    %dma_wait3A_372 = arith.constant 0 : i32
    %dma_wait3A_373 = arith.constant 0 : i32
    %dma_wait3A_374 = tpu.memref_slice %arg8[%dma_wait3A, %dma_wait3A_371, %dma_wait3A_372, %dma_wait3A_373] : memref<2x8x32x128xf32, #tpu.memory_space<vmem>> -> memref<1x1x32x128xf32, #tpu.memory_space<vmem>>
    %dma_wait3A_375 = tpu.memref_squeeze %dma_wait3A_374 : memref<1x1x32x128xf32, #tpu.memory_space<vmem>> -> memref<32x128xf32, #tpu.memory_space<vmem>>
    %dma_wait3A_376 = arith.constant 0 : i32
    %dma_wait3A_377 = tpu.memref_slice %arg3[%dma_wait3A_376, %add3A_370] : memref<32x1000000xf32, #tpu.memory_space<hbm>> -> memref<32x128xf32, #tpu.memory_space<hbm>>
    %dma_wait3A_378 = arith.constant 0 : i32
    %dma_wait3A_379 = arith.constant 0 : i32
    %dma_wait3A_380 = tpu.memref_slice %arg8[%dma_wait3A, %dma_wait3A_371, %dma_wait3A_378, %dma_wait3A_379] : memref<2x8x32x128xf32, #tpu.memory_space<vmem>> -> memref<1x1x32x128xf32, #tpu.memory_space<vmem>>
    %dma_wait3A_381 = tpu.memref_squeeze %dma_wait3A_380 : memref<1x1x32x128xf32, #tpu.memory_space<vmem>> -> memref<32x128xf32, #tpu.memory_space<vmem>>
    %dma_wait3A_382 = arith.constant 0 : i32
    %dma_wait3A_383 = tpu.memref_slice %arg3[%dma_wait3A_382, %add3A_370] : memref<32x1000000xf32, #tpu.memory_space<hbm>> -> memref<32x128xf32, #tpu.memory_space<hbm>>
    tpu.wait_dma2 semaphore(%arg11 : memref<!tpu.dma_semaphore, #tpu.memory_space<semaphore_mem>>) src(%dma_wait3A_383 : memref<32x128xf32, #tpu.memory_space<hbm>>) dst(%dma_wait3A_381 : memref<32x128xf32, #tpu.memory_space<vmem>>)
    %multiple_of3A_384 = tpu.assume_multiple %add3A_299, 128 : i32
    %add3A_385 = arith.constant 128 : i32
    %add3A_386 = arith.addi %multiple_of3A_384, %add3A_385 : i32
    %dma_wait3A_387 = arith.constant 0 : i32
    %dma_wait3A_388 = arith.constant 1 : i32
    %dma_wait3A_389 = arith.constant 0 : i32
    %dma_wait3A_390 = arith.constant 0 : i32
    %dma_wait3A_391 = tpu.memref_slice %arg8[%dma_wait3A_387, %dma_wait3A_388, %dma_wait3A_389, %dma_wait3A_390] : memref<2x8x32x128xf32, #tpu.memory_space<vmem>> -> memref<1x1x32x128xf32, #tpu.memory_space<vmem>>
    %dma_wait3A_392 = tpu.memref_squeeze %dma_wait3A_391 : memref<1x1x32x128xf32, #tpu.memory_space<vmem>> -> memref<32x128xf32, #tpu.memory_space<vmem>>
    %dma_wait3A_393 = arith.constant 0 : i32
    %dma_wait3A_394 = tpu.memref_slice %arg3[%dma_wait3A_393, %add3A_386] : memref<32x1000000xf32, #tpu.memory_space<hbm>> -> memref<32x128xf32, #tpu.memory_space<hbm>>
    %dma_wait3A_395 = arith.constant 0 : i32
    %dma_wait3A_396 = arith.constant 0 : i32
    %dma_wait3A_397 = tpu.memref_slice %arg8[%dma_wait3A_387, %dma_wait3A_388, %dma_wait3A_395, %dma_wait3A_396] : memref<2x8x32x128xf32, #tpu.memory_space<vmem>> -> memref<1x1x32x128xf32, #tpu.memory_space<vmem>>
    %dma_wait3A_398 = tpu.memref_squeeze %dma_wait3A_397 : memref<1x1x32x128xf32, #tpu.memory_space<vmem>> -> memref<32x128xf32, #tpu.memory_space<vmem>>
    %dma_wait3A_399 = arith.constant 0 : i32
    %dma_wait3A_400 = tpu.memref_slice %arg3[%dma_wait3A_399, %add3A_386] : memref<32x1000000xf32, #tpu.memory_space<hbm>> -> memref<32x128xf32, #tpu.memory_space<hbm>>
    tpu.wait_dma2 semaphore(%arg11 : memref<!tpu.dma_semaphore, #tpu.memory_space<semaphore_mem>>) src(%dma_wait3A_400 : memref<32x128xf32, #tpu.memory_space<hbm>>) dst(%dma_wait3A_398 : memref<32x128xf32, #tpu.memory_space<vmem>>)
    %multiple_of3A_401 = tpu.assume_multiple %add3A_299, 128 : i32
    %add3A_402 = arith.constant 256 : i32
    %add3A_403 = arith.addi %multiple_of3A_401, %add3A_402 : i32
    %dma_wait3A_404 = arith.constant 0 : i32
    %dma_wait3A_405 = arith.constant 2 : i32
    %dma_wait3A_406 = arith.constant 0 : i32
    %dma_wait3A_407 = arith.constant 0 : i32
    %dma_wait3A_408 = tpu.memref_slice %arg8[%dma_wait3A_404, %dma_wait3A_405, %dma_wait3A_406, %dma_wait3A_407] : memref<2x8x32x128xf32, #tpu.memory_space<vmem>> -> memref<1x1x32x128xf32, #tpu.memory_space<vmem>>
    %dma_wait3A_409 = tpu.memref_squeeze %dma_wait3A_408 : memref<1x1x32x128xf32, #tpu.memory_space<vmem>> -> memref<32x128xf32, #tpu.memory_space<vmem>>
    %dma_wait3A_410 = arith.constant 0 : i32
    %dma_wait3A_411 = tpu.memref_slice %arg3[%dma_wait3A_410, %add3A_403] : memref<32x1000000xf32, #tpu.memory_space<hbm>> -> memref<32x128xf32, #tpu.memory_space<hbm>>
    %dma_wait3A_412 = arith.constant 0 : i32
    %dma_wait3A_413 = arith.constant 0 : i32
    %dma_wait3A_414 = tpu.memref_slice %arg8[%dma_wait3A_404, %dma_wait3A_405, %dma_wait3A_412, %dma_wait3A_413] : memref<2x8x32x128xf32, #tpu.memory_space<vmem>> -> memref<1x1x32x128xf32, #tpu.memory_space<vmem>>
    %dma_wait3A_415 = tpu.memref_squeeze %dma_wait3A_414 : memref<1x1x32x128xf32, #tpu.memory_space<vmem>> -> memref<32x128xf32, #tpu.memory_space<vmem>>
    %dma_wait3A_416 = arith.constant 0 : i32
    %dma_wait3A_417 = tpu.memref_slice %arg3[%dma_wait3A_416, %add3A_403] : memref<32x1000000xf32, #tpu.memory_space<hbm>> -> memref<32x128xf32, #tpu.memory_space<hbm>>
    tpu.wait_dma2 semaphore(%arg11 : memref<!tpu.dma_semaphore, #tpu.memory_space<semaphore_mem>>) src(%dma_wait3A_417 : memref<32x128xf32, #tpu.memory_space<hbm>>) dst(%dma_wait3A_415 : memref<32x128xf32, #tpu.memory_space<vmem>>)
    %multiple_of3A_418 = tpu.assume_multiple %add3A_299, 128 : i32
    %add3A_419 = arith.constant 384 : i32
    %add3A_420 = arith.addi %multiple_of3A_418, %add3A_419 : i32
    %dma_wait3A_421 = arith.constant 0 : i32
    %dma_wait3A_422 = arith.constant 3 : i32
    %dma_wait3A_423 = arith.constant 0 : i32
    %dma_wait3A_424 = arith.constant 0 : i32
    %dma_wait3A_425 = tpu.memref_slice %arg8[%dma_wait3A_421, %dma_wait3A_422, %dma_wait3A_423, %dma_wait3A_424] : memref<2x8x32x128xf32, #tpu.memory_space<vmem>> -> memref<1x1x32x128xf32, #tpu.memory_space<vmem>>
    %dma_wait3A_426 = tpu.memref_squeeze %dma_wait3A_425 : memref<1x1x32x128xf32, #tpu.memory_space<vmem>> -> memref<32x128xf32, #tpu.memory_space<vmem>>
    %dma_wait3A_427 = arith.constant 0 : i32
    %dma_wait3A_428 = tpu.memref_slice %arg3[%dma_wait3A_427, %add3A_420] : memref<32x1000000xf32, #tpu.memory_space<hbm>> -> memref<32x128xf32, #tpu.memory_space<hbm>>
    %dma_wait3A_429 = arith.constant 0 : i32
    %dma_wait3A_430 = arith.constant 0 : i32
    %dma_wait3A_431 = tpu.memref_slice %arg8[%dma_wait3A_421, %dma_wait3A_422, %dma_wait3A_429, %dma_wait3A_430] : memref<2x8x32x128xf32, #tpu.memory_space<vmem>> -> memref<1x1x32x128xf32, #tpu.memory_space<vmem>>
    %dma_wait3A_432 = tpu.memref_squeeze %dma_wait3A_431 : memref<1x1x32x128xf32, #tpu.memory_space<vmem>> -> memref<32x128xf32, #tpu.memory_space<vmem>>
    %dma_wait3A_433 = arith.constant 0 : i32
    %dma_wait3A_434 = tpu.memref_slice %arg3[%dma_wait3A_433, %add3A_420] : memref<32x1000000xf32, #tpu.memory_space<hbm>> -> memref<32x128xf32, #tpu.memory_space<hbm>>
    tpu.wait_dma2 semaphore(%arg11 : memref<!tpu.dma_semaphore, #tpu.memory_space<semaphore_mem>>) src(%dma_wait3A_434 : memref<32x128xf32, #tpu.memory_space<hbm>>) dst(%dma_wait3A_432 : memref<32x128xf32, #tpu.memory_space<vmem>>)
    %while3A = arith.constant 0 : i32
    %while3A_435 = arith.subi %shift_right_arithmetic3A_289, %while3A : i32
    %while3A_436 = arith.addi %while3A, %while3A_435 : i32
    %while3A_437 = arith.constant 1 : i32
    %while3A_438 = arith.divsi %while3A_435, %while3A_437 : i32
    %while3A_439 = arith.muli %while3A_438, %while3A_437 : i32
    %while3A_440 = arith.addi %while3A, %while3A_439 : i32
    %while3A_441 = arith.constant 1 : i32
    %while3A_442:2 = scf.for %while3A_513 = %while3A to %while3A_440 step %while3A_441 iter_args(%while3A_514 = %scan3A_296#0, %while3A_515 = %scan3A_296#1) -> (i32, i32)  : i32 {
      %mul3A_516 = arith.constant 16 : i32
      %mul3A_517 = arith.muli %while3A_513, %mul3A_516 : i32
      %add3A_518 = vector.broadcast %mul3A_517 : i32 to vector<16xi32>
      %add3A_519 = arith.addi %add3A_518, %iota3A : vector<16xi32>
      %mul3A_520 = arith.constant 16 : i32
      %mul3A_521 = arith.muli %while3A_513, %mul3A_520 : i32
      %get3A = arith.index_cast %mul3A_521 : i32 to index
      %get3A_522 = tpu.vector_load %arg6[%get3A] {strides = array<i32>} : memref<16384xi32, #tpu.memory_space<vmem>>, vector<16xi32>,
      %mul3A_523 = arith.constant 16 : i32
      %mul3A_524 = arith.muli %while3A_513, %mul3A_523 : i32
      %get3A_525 = arith.index_cast %mul3A_524 : i32 to index
      %get3A_526 = tpu.vector_load %arg7[%get3A_525] {strides = array<i32>} : memref<16384xi32, #tpu.memory_space<vmem>>, vector<16xi32>,
      %ge3A = vector.broadcast %add3A_299 : i32 to vector<16xi32>
      %ge3A_527 = arith.cmpi sge, %get3A_522, %ge3A : vector<16xi32>
      %add3A_528 = arith.constant 512 : i32
      %add3A_529 = arith.addi %add3A_299, %add3A_528 : i32
      %lt3A = vector.broadcast %add3A_529 : i32 to vector<16xi32>
      %lt3A_530 = arith.cmpi slt, %get3A_522, %lt3A : vector<16xi32>
      %and3A_531 = arith.andi %ge3A_527, %lt3A_530 : vector<16xi1>
      %lt3A_532 = vector.broadcast %scan3A_284 : i32 to vector<16xi32>
      %lt3A_533 = arith.cmpi slt, %add3A_519, %lt3A_532 : vector<16xi32>
      %and3A_534 = arith.andi %and3A_531, %lt3A_533 : vector<16xi1>
      %all_reduce_population_count3A = tpu.all_reduce %and3A_534 {dim = 0 : i64, kind = #tpu.reduction_kind<sum>} : vector<16xi1> -> vector<16xi32>
      %slice3A = vector.extract_strided_slice %all_reduce_population_count3A {offsets = [0], sizes = [1], strides = [1]} : vector<16xi32> to vector<1xi32>
      %squeeze3A = vector.extract %slice3A[0] : i32 from vector<1xi32>
      %and3A_535 = arith.constant 15 : i32
      %and3A_536 = arith.andi %while3A_514, %and3A_535 : i32
      %shift_right_arithmetic3A_537 = arith.constant 4 : i32
      %shift_right_arithmetic3A_538 = arith.shrsi %while3A_514, %shift_right_arithmetic3A_537 : i32
      %add3A_539 = arith.addi %and3A_536, %squeeze3A : i32
      %gt3A_540 = arith.constant 16 : i32
      %gt3A_541 = arith.cmpi sgt, %add3A_539, %gt3A_540 : i32
      %add3A_542 = arith.constant 1 : i32
      %add3A_543 = arith.addi %shift_right_arithmetic3A_538, %add3A_542 : i32
      %ge3A_544 = arith.constant 4 : i32
      %ge3A_545 = arith.cmpi sge, %add3A_543, %ge3A_544 : i32
      %and3A_546 = arith.andi %gt3A_541, %ge3A_545 : i1
      %convert_element_type3A_547 = arith.extui %and3A_546 : i1 to i32
      %cond3A_548 = arith.constant 0 : i32
      %cond3A_549 = arith.cmpi ne, %convert_element_type3A_547, %cond3A_548 : i32
      scf.if %cond3A_549 {
        %add3A_565 = arith.constant 1 : i32
        %add3A_566 = arith.addi %shift_right_arithmetic3A_538, %add3A_565 : i32
        %and3A_567 = arith.constant 3 : i32
        %and3A_568 = arith.andi %add3A_566, %and3A_567 : i32
        %mul3A_569 = arith.constant 16 : i32
        %mul3A_570 = arith.muli %and3A_568, %mul3A_569 : i32
        %dma_wait3A_571 = arith.constant 0 : i32
        %dma_wait3A_572 = arith.constant 0 : i32
        %dma_wait3A_573 = tpu.memref_slice %arg9[%and3A_568, %dma_wait3A_571, %dma_wait3A_572] : memref<4x16x128xf32, #tpu.memory_space<vmem>> -> memref<1x16x128xf32, #tpu.memory_space<vmem>>
        %dma_wait3A_574 = tpu.memref_squeeze %dma_wait3A_573 : memref<1x16x128xf32, #tpu.memory_space<vmem>> -> memref<16x128xf32, #tpu.memory_space<vmem>>
        %dma_wait3A_575 = tpu.memref_slice %arg10[%mul3A_570] : memref<64xi32, #tpu.memory_space<vmem>> -> memref<16xi32, #tpu.memory_space<vmem>>
        %dma_wait3A_576 = arith.constant 0 : i32
        %dma_wait3A_577 = arith.constant 0 : i32
        %dma_wait3A_578 = tpu.memref_slice %arg4[%dma_wait3A_576, %dma_wait3A_577] : memref<16896x128xf32, #tpu.memory_space<hbm>> -> memref<16896x128xf32, #tpu.memory_space<hbm>>
        tpu.wait_indirect_dma semaphore(%arg12 : memref<!tpu.dma_semaphore, #tpu.memory_space<semaphore_mem>>) src(%dma_wait3A_574 : memref<16x128xf32, #tpu.memory_space<vmem>>) dst(%dma_wait3A_578 : memref<16896x128xf32, #tpu.memory_space<hbm>>)
      } else {
      }
      %gt3A_550 = arith.constant 0 : i32
      %gt3A_551 = arith.cmpi sgt, %squeeze3A, %gt3A_550 : i32
      %convert_element_type3A_552 = arith.extui %gt3A_551 : i1 to i32
      %cond3A_553 = arith.constant 0 : i32
      %cond3A_554 = arith.cmpi ne, %convert_element_type3A_552, %cond3A_553 : i32
      scf.if %cond3A_554 {
        %convert_element_type3A_565 = arith.extui %and3A_534 : vector<16xi1> to vector<16xi32>
        %broadcast_in_dim3A = arith.constant true
        %broadcast_in_dim3A_566 = vector.broadcast %broadcast_in_dim3A : i1 to vector<16xi1>
        %masked_cumsum3A = tpu.scan <sum>, %convert_element_type3A_565 masked %broadcast_in_dim3A_566 : vector<16xi32>, vector<16xi1> -> vector<16xi32>
        %sub3A_567 = arith.constant 1 : i32
        %sub3A_568 = vector.broadcast %sub3A_567 : i32 to vector<16xi32>
        %sub3A_569 = arith.subi %masked_cumsum3A, %sub3A_568 : vector<16xi32>
        %add3A_570 = vector.broadcast %while3A_514 : i32 to vector<16xi32>
        %add3A_571 = arith.addi %add3A_570, %sub3A_569 : vector<16xi32>
        %shift_right_arithmetic3A_572 = arith.constant 4 : i32
        %shift_right_arithmetic3A_573 = vector.broadcast %shift_right_arithmetic3A_572 : i32 to vector<16xi32>
        %shift_right_arithmetic3A_574 = arith.shrsi %add3A_571, %shift_right_arithmetic3A_573 : vector<16xi32>
        %and3A_575 = arith.constant 3 : i32
        %and3A_576 = vector.broadcast %and3A_575 : i32 to vector<16xi32>
        %and3A_577 = arith.andi %shift_right_arithmetic3A_574, %and3A_576 : vector<16xi32>
        %and3A_578 = arith.constant 15 : i32
        %and3A_579 = vector.broadcast %and3A_578 : i32 to vector<16xi32>
        %and3A_580 = arith.andi %add3A_571, %and3A_579 : vector<16xi32>
        %sub3A_581 = vector.broadcast %add3A_299 : i32 to vector<16xi32>
        %sub3A_582 = arith.subi %get3A_522, %sub3A_581 : vector<16xi32>
        %and3A_583 = arith.constant 1023 : i32
        %and3A_584 = vector.broadcast %and3A_583 : i32 to vector<16xi32>
        %and3A_585 = arith.andi %sub3A_582, %and3A_584 : vector<16xi32>
        %shift_right_arithmetic3A_586 = arith.constant 7 : i32
        %shift_right_arithmetic3A_587 = vector.broadcast %shift_right_arithmetic3A_586 : i32 to vector<16xi32>
        %shift_right_arithmetic3A_588 = arith.shrsi %and3A_585, %shift_right_arithmetic3A_587 : vector<16xi32>
        %and3A_589 = arith.constant 7 : i32
        %and3A_590 = vector.broadcast %and3A_589 : i32 to vector<16xi32>
        %and3A_591 = arith.andi %shift_right_arithmetic3A_588, %and3A_590 : vector<16xi32>
        %and3A_592 = arith.constant 127 : i32
        %and3A_593 = vector.broadcast %and3A_592 : i32 to vector<16xi32>
        %and3A_594 = arith.andi %and3A_585, %and3A_593 : vector<16xi32>
        %mul3A_595 = arith.constant 0 : i32
        %mul3A_596 = vector.broadcast %mul3A_595 : i32 to vector<16xi32>
        %mul3A_597 = arith.muli %iota3A, %mul3A_596 : vector<16xi32>
        %add3A_598 = arith.constant 0 : i32
        %add3A_599 = vector.broadcast %add3A_598 : i32 to vector<16xi32>
        %add3A_600 = arith.addi %mul3A_597, %add3A_599 : vector<16xi32>
        %mul3A_601 = arith.constant 0 : i32
        %mul3A_602 = vector.broadcast %mul3A_601 : i32 to vector<16xi32>
        %mul3A_603 = arith.muli %iota3A, %mul3A_602 : vector<16xi32>
        %add3A_604 = arith.constant 0 : i32
        %add3A_605 = vector.broadcast %add3A_604 : i32 to vector<16xi32>
        %add3A_606 = arith.addi %mul3A_603, %add3A_605 : vector<16xi32>
        %gather3A = tpu.vector_load_idx %arg8[%add3A_600, %and3A_591, %add3A_606, %and3A_594] masked %and3A_534 : memref<2x8x32x128xf32, #tpu.memory_space<vmem>>[vector<16xi32>, vector<16xi32>, vector<16xi32>, vector<16xi32>], vector<16xf32>, vector<16xi1>
        tpu.vector_store_idx %arg9[%and3A_577, %and3A_580, %add3A_606], %gather3A masked %and3A_534 : memref<4x16x128xf32, #tpu.memory_space<vmem>>[vector<16xi32>, vector<16xi32>, vector<16xi32>], vector<16xf32>, vector<16xi1>
        %mul3A_607 = arith.constant 0 : i32
        %mul3A_608 = vector.broadcast %mul3A_607 : i32 to vector<16xi32>
        %mul3A_609 = arith.muli %iota3A, %mul3A_608 : vector<16xi32>
        %add3A_610 = arith.constant 1 : i32
        %add3A_611 = vector.broadcast %add3A_610 : i32 to vector<16xi32>
        %add3A_612 = arith.addi %mul3A_609, %add3A_611 : vector<16xi32>
        %gather3A_613 = tpu.vector_load_idx %arg8[%add3A_600, %and3A_591, %add3A_612, %and3A_594] masked %and3A_534 : memref<2x8x32x128xf32, #tpu.memory_space<vmem>>[vector<16xi32>, vector<16xi32>, vector<16xi32>, vector<16xi32>], vector<16xf32>, vector<16xi1>
        tpu.vector_store_idx %arg9[%and3A_577, %and3A_580, %add3A_612], %gather3A_613 masked %and3A_534 : memref<4x16x128xf32, #tpu.memory_space<vmem>>[vector<16xi32>, vector<16xi32>, vector<16xi32>], vector<16xf32>, vector<16xi1>
        %mul3A_614 = arith.constant 0 : i32
        %mul3A_615 = vector.broadcast %mul3A_614 : i32 to vector<16xi32>
        %mul3A_616 = arith.muli %iota3A, %mul3A_615 : vector<16xi32>
        %add3A_617 = arith.constant 2 : i32
        %add3A_618 = vector.broadcast %add3A_617 : i32 to vector<16xi32>
        %add3A_619 = arith.addi %mul3A_616, %add3A_618 : vector<16xi32>
        %gather3A_620 = tpu.vector_load_idx %arg8[%add3A_600, %and3A_591, %add3A_619, %and3A_594] masked %and3A_534 : memref<2x8x32x128xf32, #tpu.memory_space<vmem>>[vector<16xi32>, vector<16xi32>, vector<16xi32>, vector<16xi32>], vector<16xf32>, vector<16xi1>
        tpu.vector_store_idx %arg9[%and3A_577, %and3A_580, %add3A_619], %gather3A_620 masked %and3A_534 : memref<4x16x128xf32, #tpu.memory_space<vmem>>[vector<16xi32>, vector<16xi32>, vector<16xi32>], vector<16xf32>, vector<16xi1>
        %mul3A_621 = arith.constant 0 : i32
        %mul3A_622 = vector.broadcast %mul3A_621 : i32 to vector<16xi32>
        %mul3A_623 = arith.muli %iota3A, %mul3A_622 : vector<16xi32>
        %add3A_624 = arith.constant 3 : i32
        %add3A_625 = vector.broadcast %add3A_624 : i32 to vector<16xi32>
        %add3A_626 = arith.addi %mul3A_623, %add3A_625 : vector<16xi32>
        %gather3A_627 = tpu.vector_load_idx %arg8[%add3A_600, %and3A_591, %add3A_626, %and3A_594] masked %and3A_534 : memref<2x8x32x128xf32, #tpu.memory_space<vmem>>[vector<16xi32>, vector<16xi32>, vector<16xi32>, vector<16xi32>], vector<16xf32>, vector<16xi1>
        tpu.vector_store_idx %arg9[%and3A_577, %and3A_580, %add3A_626], %gather3A_627 masked %and3A_534 : memref<4x16x128xf32, #tpu.memory_space<vmem>>[vector<16xi32>, vector<16xi32>, vector<16xi32>], vector<16xf32>, vector<16xi1>
        %mul3A_628 = arith.constant 0 : i32
        %mul3A_629 = vector.broadcast %mul3A_628 : i32 to vector<16xi32>
        %mul3A_630 = arith.muli %iota3A, %mul3A_629 : vector<16xi32>
        %add3A_631 = arith.constant 4 : i32
        %add3A_632 = vector.broadcast %add3A_631 : i32 to vector<16xi32>
        %add3A_633 = arith.addi %mul3A_630, %add3A_632 : vector<16xi32>
        %gather3A_634 = tpu.vector_load_idx %arg8[%add3A_600, %and3A_591, %add3A_633, %and3A_594] masked %and3A_534 : memref<2x8x32x128xf32, #tpu.memory_space<vmem>>[vector<16xi32>, vector<16xi32>, vector<16xi32>, vector<16xi32>], vector<16xf32>, vector<16xi1>
        tpu.vector_store_idx %arg9[%and3A_577, %and3A_580, %add3A_633], %gather3A_634 masked %and3A_534 : memref<4x16x128xf32, #tpu.memory_space<vmem>>[vector<16xi32>, vector<16xi32>, vector<16xi32>], vector<16xf32>, vector<16xi1>
        %mul3A_635 = arith.constant 0 : i32
        %mul3A_636 = vector.broadcast %mul3A_635 : i32 to vector<16xi32>
        %mul3A_637 = arith.muli %iota3A, %mul3A_636 : vector<16xi32>
        %add3A_638 = arith.constant 5 : i32
        %add3A_639 = vector.broadcast %add3A_638 : i32 to vector<16xi32>
        %add3A_640 = arith.addi %mul3A_637, %add3A_639 : vector<16xi32>
        %gather3A_641 = tpu.vector_load_idx %arg8[%add3A_600, %and3A_591, %add3A_640, %and3A_594] masked %and3A_534 : memref<2x8x32x128xf32, #tpu.memory_space<vmem>>[vector<16xi32>, vector<16xi32>, vector<16xi32>, vector<16xi32>], vector<16xf32>, vector<16xi1>
        tpu.vector_store_idx %arg9[%and3A_577, %and3A_580, %add3A_640], %gather3A_641 masked %and3A_534 : memref<4x16x128xf32, #tpu.memory_space<vmem>>[vector<16xi32>, vector<16xi32>, vector<16xi32>], vector<16xf32>, vector<16xi1>
        %mul3A_642 = arith.constant 0 : i32
        %mul3A_643 = vector.broadcast %mul3A_642 : i32 to vector<16xi32>
        %mul3A_644 = arith.muli %iota3A, %mul3A_643 : vector<16xi32>
        %add3A_645 = arith.constant 6 : i32
        %add3A_646 = vector.broadcast %add3A_645 : i32 to vector<16xi32>
        %add3A_647 = arith.addi %mul3A_644, %add3A_646 : vector<16xi32>
        %gather3A_648 = tpu.vector_load_idx %arg8[%add3A_600, %and3A_591, %add3A_647, %and3A_594] masked %and3A_534 : memref<2x8x32x128xf32, #tpu.memory_space<vmem>>[vector<16xi32>, vector<16xi32>, vector<16xi32>, vector<16xi32>], vector<16xf32>, vector<16xi1>
        tpu.vector_store_idx %arg9[%and3A_577, %and3A_580, %add3A_647], %gather3A_648 masked %and3A_534 : memref<4x16x128xf32, #tpu.memory_space<vmem>>[vector<16xi32>, vector<16xi32>, vector<16xi32>], vector<16xf32>, vector<16xi1>
        %mul3A_649 = arith.constant 0 : i32
        %mul3A_650 = vector.broadcast %mul3A_649 : i32 to vector<16xi32>
        %mul3A_651 = arith.muli %iota3A, %mul3A_650 : vector<16xi32>
        %add3A_652 = arith.constant 7 : i32
        %add3A_653 = vector.broadcast %add3A_652 : i32 to vector<16xi32>
        %add3A_654 = arith.addi %mul3A_651, %add3A_653 : vector<16xi32>
        %gather3A_655 = tpu.vector_load_idx %arg8[%add3A_600, %and3A_591, %add3A_654, %and3A_594] masked %and3A_534 : memref<2x8x32x128xf32, #tpu.memory_space<vmem>>[vector<16xi32>, vector<16xi32>, vector<16xi32>, vector<16xi32>], vector<16xf32>, vector<16xi1>
        tpu.vector_store_idx %arg9[%and3A_577, %and3A_580, %add3A_654], %gather3A_655 masked %and3A_534 : memref<4x16x128xf32, #tpu.memory_space<vmem>>[vector<16xi32>, vector<16xi32>, vector<16xi32>], vector<16xf32>, vector<16xi1>
        %mul3A_656 = arith.constant 0 : i32
        %mul3A_657 = vector.broadcast %mul3A_656 : i32 to vector<16xi32>
        %mul3A_658 = arith.muli %iota3A, %mul3A_657 : vector<16xi32>
        %add3A_659 = arith.constant 8 : i32
        %add3A_660 = vector.broadcast %add3A_659 : i32 to vector<16xi32>
        %add3A_661 = arith.addi %mul3A_658, %add3A_660 : vector<16xi32>
        %gather3A_662 = tpu.vector_load_idx %arg8[%add3A_600, %and3A_591, %add3A_661, %and3A_594] masked %and3A_534 : memref<2x8x32x128xf32, #tpu.memory_space<vmem>>[vector<16xi32>, vector<16xi32>, vector<16xi32>, vector<16xi32>], vector<16xf32>, vector<16xi1>
        tpu.vector_store_idx %arg9[%and3A_577, %and3A_580, %add3A_661], %gather3A_662 masked %and3A_534 : memref<4x16x128xf32, #tpu.memory_space<vmem>>[vector<16xi32>, vector<16xi32>, vector<16xi32>], vector<16xf32>, vector<16xi1>
        %mul3A_663 = arith.constant 0 : i32
        %mul3A_664 = vector.broadcast %mul3A_663 : i32 to vector<16xi32>
        %mul3A_665 = arith.muli %iota3A, %mul3A_664 : vector<16xi32>
        %add3A_666 = arith.constant 9 : i32
        %add3A_667 = vector.broadcast %add3A_666 : i32 to vector<16xi32>
        %add3A_668 = arith.addi %mul3A_665, %add3A_667 : vector<16xi32>
        %gather3A_669 = tpu.vector_load_idx %arg8[%add3A_600, %and3A_591, %add3A_668, %and3A_594] masked %and3A_534 : memref<2x8x32x128xf32, #tpu.memory_space<vmem>>[vector<16xi32>, vector<16xi32>, vector<16xi32>, vector<16xi32>], vector<16xf32>, vector<16xi1>
        tpu.vector_store_idx %arg9[%and3A_577, %and3A_580, %add3A_668], %gather3A_669 masked %and3A_534 : memref<4x16x128xf32, #tpu.memory_space<vmem>>[vector<16xi32>, vector<16xi32>, vector<16xi32>], vector<16xf32>, vector<16xi1>
        %mul3A_670 = arith.constant 0 : i32
        %mul3A_671 = vector.broadcast %mul3A_670 : i32 to vector<16xi32>
        %mul3A_672 = arith.muli %iota3A, %mul3A_671 : vector<16xi32>
        %add3A_673 = arith.constant 10 : i32
        %add3A_674 = vector.broadcast %add3A_673 : i32 to vector<16xi32>
        %add3A_675 = arith.addi %mul3A_672, %add3A_674 : vector<16xi32>
        %gather3A_676 = tpu.vector_load_idx %arg8[%add3A_600, %and3A_591, %add3A_675, %and3A_594] masked %and3A_534 : memref<2x8x32x128xf32, #tpu.memory_space<vmem>>[vector<16xi32>, vector<16xi32>, vector<16xi32>, vector<16xi32>], vector<16xf32>, vector<16xi1>
        tpu.vector_store_idx %arg9[%and3A_577, %and3A_580, %add3A_675], %gather3A_676 masked %and3A_534 : memref<4x16x128xf32, #tpu.memory_space<vmem>>[vector<16xi32>, vector<16xi32>, vector<16xi32>], vector<16xf32>, vector<16xi1>
        %mul3A_677 = arith.constant 0 : i32
        %mul3A_678 = vector.broadcast %mul3A_677 : i32 to vector<16xi32>
        %mul3A_679 = arith.muli %iota3A, %mul3A_678 : vector<16xi32>
        %add3A_680 = arith.constant 11 : i32
        %add3A_681 = vector.broadcast %add3A_680 : i32 to vector<16xi32>
        %add3A_682 = arith.addi %mul3A_679, %add3A_681 : vector<16xi32>
        %gather3A_683 = tpu.vector_load_idx %arg8[%add3A_600, %and3A_591, %add3A_682, %and3A_594] masked %and3A_534 : memref<2x8x32x128xf32, #tpu.memory_space<vmem>>[vector<16xi32>, vector<16xi32>, vector<16xi32>, vector<16xi32>], vector<16xf32>, vector<16xi1>
        tpu.vector_store_idx %arg9[%and3A_577, %and3A_580, %add3A_682], %gather3A_683 masked %and3A_534 : memref<4x16x128xf32, #tpu.memory_space<vmem>>[vector<16xi32>, vector<16xi32>, vector<16xi32>], vector<16xf32>, vector<16xi1>
        %mul3A_684 = arith.constant 0 : i32
        %mul3A_685 = vector.broadcast %mul3A_684 : i32 to vector<16xi32>
        %mul3A_686 = arith.muli %iota3A, %mul3A_685 : vector<16xi32>
        %add3A_687 = arith.constant 12 : i32
        %add3A_688 = vector.broadcast %add3A_687 : i32 to vector<16xi32>
        %add3A_689 = arith.addi %mul3A_686, %add3A_688 : vector<16xi32>
        %gather3A_690 = tpu.vector_load_idx %arg8[%add3A_600, %and3A_591, %add3A_689, %and3A_594] masked %and3A_534 : memref<2x8x32x128xf32, #tpu.memory_space<vmem>>[vector<16xi32>, vector<16xi32>, vector<16xi32>, vector<16xi32>], vector<16xf32>, vector<16xi1>
        tpu.vector_store_idx %arg9[%and3A_577, %and3A_580, %add3A_689], %gather3A_690 masked %and3A_534 : memref<4x16x128xf32, #tpu.memory_space<vmem>>[vector<16xi32>, vector<16xi32>, vector<16xi32>], vector<16xf32>, vector<16xi1>
        %mul3A_691 = arith.constant 0 : i32
        %mul3A_692 = vector.broadcast %mul3A_691 : i32 to vector<16xi32>
        %mul3A_693 = arith.muli %iota3A, %mul3A_692 : vector<16xi32>
        %add3A_694 = arith.constant 13 : i32
        %add3A_695 = vector.broadcast %add3A_694 : i32 to vector<16xi32>
        %add3A_696 = arith.addi %mul3A_693, %add3A_695 : vector<16xi32>
        %gather3A_697 = tpu.vector_load_idx %arg8[%add3A_600, %and3A_591, %add3A_696, %and3A_594] masked %and3A_534 : memref<2x8x32x128xf32, #tpu.memory_space<vmem>>[vector<16xi32>, vector<16xi32>, vector<16xi32>, vector<16xi32>], vector<16xf32>, vector<16xi1>
        tpu.vector_store_idx %arg9[%and3A_577, %and3A_580, %add3A_696], %gather3A_697 masked %and3A_534 : memref<4x16x128xf32, #tpu.memory_space<vmem>>[vector<16xi32>, vector<16xi32>, vector<16xi32>], vector<16xf32>, vector<16xi1>
        %mul3A_698 = arith.constant 0 : i32
        %mul3A_699 = vector.broadcast %mul3A_698 : i32 to vector<16xi32>
        %mul3A_700 = arith.muli %iota3A, %mul3A_699 : vector<16xi32>
        %add3A_701 = arith.constant 14 : i32
        %add3A_702 = vector.broadcast %add3A_701 : i32 to vector<16xi32>
        %add3A_703 = arith.addi %mul3A_700, %add3A_702 : vector<16xi32>
        %gather3A_704 = tpu.vector_load_idx %arg8[%add3A_600, %and3A_591, %add3A_703, %and3A_594] masked %and3A_534 : memref<2x8x32x128xf32, #tpu.memory_space<vmem>>[vector<16xi32>, vector<16xi32>, vector<16xi32>, vector<16xi32>], vector<16xf32>, vector<16xi1>
        tpu.vector_store_idx %arg9[%and3A_577, %and3A_580, %add3A_703], %gather3A_704 masked %and3A_534 : memref<4x16x128xf32, #tpu.memory_space<vmem>>[vector<16xi32>, vector<16xi32>, vector<16xi32>], vector<16xf32>, vector<16xi1>
        %mul3A_705 = arith.constant 0 : i32
        %mul3A_706 = vector.broadcast %mul3A_705 : i32 to vector<16xi32>
        %mul3A_707 = arith.muli %iota3A, %mul3A_706 : vector<16xi32>
        %add3A_708 = arith.constant 15 : i32
        %add3A_709 = vector.broadcast %add3A_708 : i32 to vector<16xi32>
        %add3A_710 = arith.addi %mul3A_707, %add3A_709 : vector<16xi32>
        %gather3A_711 = tpu.vector_load_idx %arg8[%add3A_600, %and3A_591, %add3A_710, %and3A_594] masked %and3A_534 : memref<2x8x32x128xf32, #tpu.memory_space<vmem>>[vector<16xi32>, vector<16xi32>, vector<16xi32>, vector<16xi32>], vector<16xf32>, vector<16xi1>
        tpu.vector_store_idx %arg9[%and3A_577, %and3A_580, %add3A_710], %gather3A_711 masked %and3A_534 : memref<4x16x128xf32, #tpu.memory_space<vmem>>[vector<16xi32>, vector<16xi32>, vector<16xi32>], vector<16xf32>, vector<16xi1>
        %mul3A_712 = arith.constant 0 : i32
        %mul3A_713 = vector.broadcast %mul3A_712 : i32 to vector<16xi32>
        %mul3A_714 = arith.muli %iota3A, %mul3A_713 : vector<16xi32>
        %add3A_715 = arith.constant 16 : i32
        %add3A_716 = vector.broadcast %add3A_715 : i32 to vector<16xi32>
        %add3A_717 = arith.addi %mul3A_714, %add3A_716 : vector<16xi32>
        %gather3A_718 = tpu.vector_load_idx %arg8[%add3A_600, %and3A_591, %add3A_717, %and3A_594] masked %and3A_534 : memref<2x8x32x128xf32, #tpu.memory_space<vmem>>[vector<16xi32>, vector<16xi32>, vector<16xi32>, vector<16xi32>], vector<16xf32>, vector<16xi1>
        tpu.vector_store_idx %arg9[%and3A_577, %and3A_580, %add3A_717], %gather3A_718 masked %and3A_534 : memref<4x16x128xf32, #tpu.memory_space<vmem>>[vector<16xi32>, vector<16xi32>, vector<16xi32>], vector<16xf32>, vector<16xi1>
        %mul3A_719 = arith.constant 0 : i32
        %mul3A_720 = vector.broadcast %mul3A_719 : i32 to vector<16xi32>
        %mul3A_721 = arith.muli %iota3A, %mul3A_720 : vector<16xi32>
        %add3A_722 = arith.constant 17 : i32
        %add3A_723 = vector.broadcast %add3A_722 : i32 to vector<16xi32>
        %add3A_724 = arith.addi %mul3A_721, %add3A_723 : vector<16xi32>
        %gather3A_725 = tpu.vector_load_idx %arg8[%add3A_600, %and3A_591, %add3A_724, %and3A_594] masked %and3A_534 : memref<2x8x32x128xf32, #tpu.memory_space<vmem>>[vector<16xi32>, vector<16xi32>, vector<16xi32>, vector<16xi32>], vector<16xf32>, vector<16xi1>
        tpu.vector_store_idx %arg9[%and3A_577, %and3A_580, %add3A_724], %gather3A_725 masked %and3A_534 : memref<4x16x128xf32, #tpu.memory_space<vmem>>[vector<16xi32>, vector<16xi32>, vector<16xi32>], vector<16xf32>, vector<16xi1>
        %mul3A_726 = arith.constant 0 : i32
        %mul3A_727 = vector.broadcast %mul3A_726 : i32 to vector<16xi32>
        %mul3A_728 = arith.muli %iota3A, %mul3A_727 : vector<16xi32>
        %add3A_729 = arith.constant 18 : i32
        %add3A_730 = vector.broadcast %add3A_729 : i32 to vector<16xi32>
        %add3A_731 = arith.addi %mul3A_728, %add3A_730 : vector<16xi32>
        %gather3A_732 = tpu.vector_load_idx %arg8[%add3A_600, %and3A_591, %add3A_731, %and3A_594] masked %and3A_534 : memref<2x8x32x128xf32, #tpu.memory_space<vmem>>[vector<16xi32>, vector<16xi32>, vector<16xi32>, vector<16xi32>], vector<16xf32>, vector<16xi1>
        tpu.vector_store_idx %arg9[%and3A_577, %and3A_580, %add3A_731], %gather3A_732 masked %and3A_534 : memref<4x16x128xf32, #tpu.memory_space<vmem>>[vector<16xi32>, vector<16xi32>, vector<16xi32>], vector<16xf32>, vector<16xi1>
        %mul3A_733 = arith.constant 0 : i32
        %mul3A_734 = vector.broadcast %mul3A_733 : i32 to vector<16xi32>
        %mul3A_735 = arith.muli %iota3A, %mul3A_734 : vector<16xi32>
        %add3A_736 = arith.constant 19 : i32
        %add3A_737 = vector.broadcast %add3A_736 : i32 to vector<16xi32>
        %add3A_738 = arith.addi %mul3A_735, %add3A_737 : vector<16xi32>
        %gather3A_739 = tpu.vector_load_idx %arg8[%add3A_600, %and3A_591, %add3A_738, %and3A_594] masked %and3A_534 : memref<2x8x32x128xf32, #tpu.memory_space<vmem>>[vector<16xi32>, vector<16xi32>, vector<16xi32>, vector<16xi32>], vector<16xf32>, vector<16xi1>
        tpu.vector_store_idx %arg9[%and3A_577, %and3A_580, %add3A_738], %gather3A_739 masked %and3A_534 : memref<4x16x128xf32, #tpu.memory_space<vmem>>[vector<16xi32>, vector<16xi32>, vector<16xi32>], vector<16xf32>, vector<16xi1>
        %mul3A_740 = arith.constant 0 : i32
        %mul3A_741 = vector.broadcast %mul3A_740 : i32 to vector<16xi32>
        %mul3A_742 = arith.muli %iota3A, %mul3A_741 : vector<16xi32>
        %add3A_743 = arith.constant 20 : i32
        %add3A_744 = vector.broadcast %add3A_743 : i32 to vector<16xi32>
        %add3A_745 = arith.addi %mul3A_742, %add3A_744 : vector<16xi32>
        %gather3A_746 = tpu.vector_load_idx %arg8[%add3A_600, %and3A_591, %add3A_745, %and3A_594] masked %and3A_534 : memref<2x8x32x128xf32, #tpu.memory_space<vmem>>[vector<16xi32>, vector<16xi32>, vector<16xi32>, vector<16xi32>], vector<16xf32>, vector<16xi1>
        tpu.vector_store_idx %arg9[%and3A_577, %and3A_580, %add3A_745], %gather3A_746 masked %and3A_534 : memref<4x16x128xf32, #tpu.memory_space<vmem>>[vector<16xi32>, vector<16xi32>, vector<16xi32>], vector<16xf32>, vector<16xi1>
        %mul3A_747 = arith.constant 0 : i32
        %mul3A_748 = vector.broadcast %mul3A_747 : i32 to vector<16xi32>
        %mul3A_749 = arith.muli %iota3A, %mul3A_748 : vector<16xi32>
        %add3A_750 = arith.constant 21 : i32
        %add3A_751 = vector.broadcast %add3A_750 : i32 to vector<16xi32>
        %add3A_752 = arith.addi %mul3A_749, %add3A_751 : vector<16xi32>
        %gather3A_753 = tpu.vector_load_idx %arg8[%add3A_600, %and3A_591, %add3A_752, %and3A_594] masked %and3A_534 : memref<2x8x32x128xf32, #tpu.memory_space<vmem>>[vector<16xi32>, vector<16xi32>, vector<16xi32>, vector<16xi32>], vector<16xf32>, vector<16xi1>
        tpu.vector_store_idx %arg9[%and3A_577, %and3A_580, %add3A_752], %gather3A_753 masked %and3A_534 : memref<4x16x128xf32, #tpu.memory_space<vmem>>[vector<16xi32>, vector<16xi32>, vector<16xi32>], vector<16xf32>, vector<16xi1>
        %mul3A_754 = arith.constant 0 : i32
        %mul3A_755 = vector.broadcast %mul3A_754 : i32 to vector<16xi32>
        %mul3A_756 = arith.muli %iota3A, %mul3A_755 : vector<16xi32>
        %add3A_757 = arith.constant 22 : i32
        %add3A_758 = vector.broadcast %add3A_757 : i32 to vector<16xi32>
        %add3A_759 = arith.addi %mul3A_756, %add3A_758 : vector<16xi32>
        %gather3A_760 = tpu.vector_load_idx %arg8[%add3A_600, %and3A_591, %add3A_759, %and3A_594] masked %and3A_534 : memref<2x8x32x128xf32, #tpu.memory_space<vmem>>[vector<16xi32>, vector<16xi32>, vector<16xi32>, vector<16xi32>], vector<16xf32>, vector<16xi1>
        tpu.vector_store_idx %arg9[%and3A_577, %and3A_580, %add3A_759], %gather3A_760 masked %and3A_534 : memref<4x16x128xf32, #tpu.memory_space<vmem>>[vector<16xi32>, vector<16xi32>, vector<16xi32>], vector<16xf32>, vector<16xi1>
        %mul3A_761 = arith.constant 0 : i32
        %mul3A_762 = vector.broadcast %mul3A_761 : i32 to vector<16xi32>
        %mul3A_763 = arith.muli %iota3A, %mul3A_762 : vector<16xi32>
        %add3A_764 = arith.constant 23 : i32
        %add3A_765 = vector.broadcast %add3A_764 : i32 to vector<16xi32>
        %add3A_766 = arith.addi %mul3A_763, %add3A_765 : vector<16xi32>
        %gather3A_767 = tpu.vector_load_idx %arg8[%add3A_600, %and3A_591, %add3A_766, %and3A_594] masked %and3A_534 : memref<2x8x32x128xf32, #tpu.memory_space<vmem>>[vector<16xi32>, vector<16xi32>, vector<16xi32>, vector<16xi32>], vector<16xf32>, vector<16xi1>
        tpu.vector_store_idx %arg9[%and3A_577, %and3A_580, %add3A_766], %gather3A_767 masked %and3A_534 : memref<4x16x128xf32, #tpu.memory_space<vmem>>[vector<16xi32>, vector<16xi32>, vector<16xi32>], vector<16xf32>, vector<16xi1>
        %mul3A_768 = arith.constant 0 : i32
        %mul3A_769 = vector.broadcast %mul3A_768 : i32 to vector<16xi32>
        %mul3A_770 = arith.muli %iota3A, %mul3A_769 : vector<16xi32>
        %add3A_771 = arith.constant 24 : i32
        %add3A_772 = vector.broadcast %add3A_771 : i32 to vector<16xi32>
        %add3A_773 = arith.addi %mul3A_770, %add3A_772 : vector<16xi32>
        %gather3A_774 = tpu.vector_load_idx %arg8[%add3A_600, %and3A_591, %add3A_773, %and3A_594] masked %and3A_534 : memref<2x8x32x128xf32, #tpu.memory_space<vmem>>[vector<16xi32>, vector<16xi32>, vector<16xi32>, vector<16xi32>], vector<16xf32>, vector<16xi1>
        tpu.vector_store_idx %arg9[%and3A_577, %and3A_580, %add3A_773], %gather3A_774 masked %and3A_534 : memref<4x16x128xf32, #tpu.memory_space<vmem>>[vector<16xi32>, vector<16xi32>, vector<16xi32>], vector<16xf32>, vector<16xi1>
        %mul3A_775 = arith.constant 0 : i32
        %mul3A_776 = vector.broadcast %mul3A_775 : i32 to vector<16xi32>
        %mul3A_777 = arith.muli %iota3A, %mul3A_776 : vector<16xi32>
        %add3A_778 = arith.constant 25 : i32
        %add3A_779 = vector.broadcast %add3A_778 : i32 to vector<16xi32>
        %add3A_780 = arith.addi %mul3A_777, %add3A_779 : vector<16xi32>
        %gather3A_781 = tpu.vector_load_idx %arg8[%add3A_600, %and3A_591, %add3A_780, %and3A_594] masked %and3A_534 : memref<2x8x32x128xf32, #tpu.memory_space<vmem>>[vector<16xi32>, vector<16xi32>, vector<16xi32>, vector<16xi32>], vector<16xf32>, vector<16xi1>
        tpu.vector_store_idx %arg9[%and3A_577, %and3A_580, %add3A_780], %gather3A_781 masked %and3A_534 : memref<4x16x128xf32, #tpu.memory_space<vmem>>[vector<16xi32>, vector<16xi32>, vector<16xi32>], vector<16xf32>, vector<16xi1>
        %mul3A_782 = arith.constant 0 : i32
        %mul3A_783 = vector.broadcast %mul3A_782 : i32 to vector<16xi32>
        %mul3A_784 = arith.muli %iota3A, %mul3A_783 : vector<16xi32>
        %add3A_785 = arith.constant 26 : i32
        %add3A_786 = vector.broadcast %add3A_785 : i32 to vector<16xi32>
        %add3A_787 = arith.addi %mul3A_784, %add3A_786 : vector<16xi32>
        %gather3A_788 = tpu.vector_load_idx %arg8[%add3A_600, %and3A_591, %add3A_787, %and3A_594] masked %and3A_534 : memref<2x8x32x128xf32, #tpu.memory_space<vmem>>[vector<16xi32>, vector<16xi32>, vector<16xi32>, vector<16xi32>], vector<16xf32>, vector<16xi1>
        tpu.vector_store_idx %arg9[%and3A_577, %and3A_580, %add3A_787], %gather3A_788 masked %and3A_534 : memref<4x16x128xf32, #tpu.memory_space<vmem>>[vector<16xi32>, vector<16xi32>, vector<16xi32>], vector<16xf32>, vector<16xi1>
        %mul3A_789 = arith.constant 0 : i32
        %mul3A_790 = vector.broadcast %mul3A_789 : i32 to vector<16xi32>
        %mul3A_791 = arith.muli %iota3A, %mul3A_790 : vector<16xi32>
        %add3A_792 = arith.constant 27 : i32
        %add3A_793 = vector.broadcast %add3A_792 : i32 to vector<16xi32>
        %add3A_794 = arith.addi %mul3A_791, %add3A_793 : vector<16xi32>
        %gather3A_795 = tpu.vector_load_idx %arg8[%add3A_600, %and3A_591, %add3A_794, %and3A_594] masked %and3A_534 : memref<2x8x32x128xf32, #tpu.memory_space<vmem>>[vector<16xi32>, vector<16xi32>, vector<16xi32>, vector<16xi32>], vector<16xf32>, vector<16xi1>
        tpu.vector_store_idx %arg9[%and3A_577, %and3A_580, %add3A_794], %gather3A_795 masked %and3A_534 : memref<4x16x128xf32, #tpu.memory_space<vmem>>[vector<16xi32>, vector<16xi32>, vector<16xi32>], vector<16xf32>, vector<16xi1>
        %mul3A_796 = arith.constant 0 : i32
        %mul3A_797 = vector.broadcast %mul3A_796 : i32 to vector<16xi32>
        %mul3A_798 = arith.muli %iota3A, %mul3A_797 : vector<16xi32>
        %add3A_799 = arith.constant 28 : i32
        %add3A_800 = vector.broadcast %add3A_799 : i32 to vector<16xi32>
        %add3A_801 = arith.addi %mul3A_798, %add3A_800 : vector<16xi32>
        %gather3A_802 = tpu.vector_load_idx %arg8[%add3A_600, %and3A_591, %add3A_801, %and3A_594] masked %and3A_534 : memref<2x8x32x128xf32, #tpu.memory_space<vmem>>[vector<16xi32>, vector<16xi32>, vector<16xi32>, vector<16xi32>], vector<16xf32>, vector<16xi1>
        tpu.vector_store_idx %arg9[%and3A_577, %and3A_580, %add3A_801], %gather3A_802 masked %and3A_534 : memref<4x16x128xf32, #tpu.memory_space<vmem>>[vector<16xi32>, vector<16xi32>, vector<16xi32>], vector<16xf32>, vector<16xi1>
        %mul3A_803 = arith.constant 0 : i32
        %mul3A_804 = vector.broadcast %mul3A_803 : i32 to vector<16xi32>
        %mul3A_805 = arith.muli %iota3A, %mul3A_804 : vector<16xi32>
        %add3A_806 = arith.constant 29 : i32
        %add3A_807 = vector.broadcast %add3A_806 : i32 to vector<16xi32>
        %add3A_808 = arith.addi %mul3A_805, %add3A_807 : vector<16xi32>
        %gather3A_809 = tpu.vector_load_idx %arg8[%add3A_600, %and3A_591, %add3A_808, %and3A_594] masked %and3A_534 : memref<2x8x32x128xf32, #tpu.memory_space<vmem>>[vector<16xi32>, vector<16xi32>, vector<16xi32>, vector<16xi32>], vector<16xf32>, vector<16xi1>
        tpu.vector_store_idx %arg9[%and3A_577, %and3A_580, %add3A_808], %gather3A_809 masked %and3A_534 : memref<4x16x128xf32, #tpu.memory_space<vmem>>[vector<16xi32>, vector<16xi32>, vector<16xi32>], vector<16xf32>, vector<16xi1>
        %mul3A_810 = arith.constant 0 : i32
        %mul3A_811 = vector.broadcast %mul3A_810 : i32 to vector<16xi32>
        %mul3A_812 = arith.muli %iota3A, %mul3A_811 : vector<16xi32>
        %add3A_813 = arith.constant 30 : i32
        %add3A_814 = vector.broadcast %add3A_813 : i32 to vector<16xi32>
        %add3A_815 = arith.addi %mul3A_812, %add3A_814 : vector<16xi32>
        %gather3A_816 = tpu.vector_load_idx %arg8[%add3A_600, %and3A_591, %add3A_815, %and3A_594] masked %and3A_534 : memref<2x8x32x128xf32, #tpu.memory_space<vmem>>[vector<16xi32>, vector<16xi32>, vector<16xi32>, vector<16xi32>], vector<16xf32>, vector<16xi1>
        tpu.vector_store_idx %arg9[%and3A_577, %and3A_580, %add3A_815], %gather3A_816 masked %and3A_534 : memref<4x16x128xf32, #tpu.memory_space<vmem>>[vector<16xi32>, vector<16xi32>, vector<16xi32>], vector<16xf32>, vector<16xi1>
        %mul3A_817 = arith.constant 0 : i32
        %mul3A_818 = vector.broadcast %mul3A_817 : i32 to vector<16xi32>
        %mul3A_819 = arith.muli %iota3A, %mul3A_818 : vector<16xi32>
        %add3A_820 = arith.constant 31 : i32
        %add3A_821 = vector.broadcast %add3A_820 : i32 to vector<16xi32>
        %add3A_822 = arith.addi %mul3A_819, %add3A_821 : vector<16xi32>
        %gather3A_823 = tpu.vector_load_idx %arg8[%add3A_600, %and3A_591, %add3A_822, %and3A_594] masked %and3A_534 : memref<2x8x32x128xf32, #tpu.memory_space<vmem>>[vector<16xi32>, vector<16xi32>, vector<16xi32>, vector<16xi32>], vector<16xf32>, vector<16xi1>
        tpu.vector_store_idx %arg9[%and3A_577, %and3A_580, %add3A_822], %gather3A_823 masked %and3A_534 : memref<4x16x128xf32, #tpu.memory_space<vmem>>[vector<16xi32>, vector<16xi32>, vector<16xi32>], vector<16xf32>, vector<16xi1>
        %and3A_824 = arith.constant 63 : i32
        %and3A_825 = vector.broadcast %and3A_824 : i32 to vector<16xi32>
        %and3A_826 = arith.andi %add3A_571, %and3A_825 : vector<16xi32>
        tpu.vector_store_idx %arg10[%and3A_826], %get3A_526 masked %and3A_534 : memref<64xi32, #tpu.memory_space<vmem>>[vector<16xi32>], vector<16xi32>, vector<16xi1>
      } else {
      }
      %add3A_555 = arith.addi %and3A_536, %squeeze3A : i32
      %ge3A_556 = arith.constant 16 : i32
      %ge3A_557 = arith.cmpi sge, %add3A_555, %ge3A_556 : i32
      %convert_element_type3A_558 = arith.extui %ge3A_557 : i1 to i32
      %cond3A_559 = arith.constant 0 : i32
      %cond3A_560 = arith.cmpi ne, %convert_element_type3A_558, %cond3A_559 : i32
      scf.if %cond3A_560 {
        %and3A_565 = arith.constant 3 : i32
        %and3A_566 = arith.andi %shift_right_arithmetic3A_538, %and3A_565 : i32
        %mul3A_567 = arith.constant 16 : i32
        %mul3A_568 = arith.muli %and3A_566, %mul3A_567 : i32
        %dma_start3A_569 = arith.constant 0 : i32
        %dma_start3A_570 = arith.constant 0 : i32
        %dma_start3A_571 = tpu.memref_slice %arg9[%and3A_566, %dma_start3A_569, %dma_start3A_570] : memref<4x16x128xf32, #tpu.memory_space<vmem>> -> memref<1x16x128xf32, #tpu.memory_space<vmem>>
        %dma_start3A_572 = tpu.memref_squeeze %dma_start3A_571 : memref<1x16x128xf32, #tpu.memory_space<vmem>> -> memref<16x128xf32, #tpu.memory_space<vmem>>
        %dma_start3A_573 = tpu.memref_slice %arg10[%mul3A_568] : memref<64xi32, #tpu.memory_space<vmem>> -> memref<16xi32, #tpu.memory_space<vmem>>
        %dma_start3A_574 = arith.constant 0 : i32
        %dma_start3A_575 = arith.constant 0 : i32
        %dma_start3A_576 = tpu.memref_slice %arg4[%dma_start3A_574, %dma_start3A_575] : memref<16896x128xf32, #tpu.memory_space<hbm>> -> memref<16896x128xf32, #tpu.memory_space<hbm>>
        tpu.enqueue_indirect_dma source(%dma_start3A_572 : memref<16x128xf32, #tpu.memory_space<vmem>>) target(%dma_start3A_576 : memref<16896x128xf32, #tpu.memory_space<hbm>>) offsets(%dma_start3A_573 : memref<16xi32, #tpu.memory_space<vmem>>) semaphore(%arg12 : memref<!tpu.dma_semaphore, #tpu.memory_space<semaphore_mem>>)
      } else {
      }
      %add3A_561 = arith.constant 1 : i32
      %add3A_562 = arith.addi %while3A_515, %add3A_561 : i32
      %select_n3A_563 = arith.select %and3A_546, %add3A_562, %while3A_515 : i32
      %add3A_564 = arith.addi %while3A_514, %squeeze3A : i32
      scf.yield %add3A_564, %select_n3A_563 : i32, i32
    }
    %while3A_443 = arith.constant 1 : i32
    %while3A_444:2 = scf.for %while3A_513 = %while3A_440 to %while3A_436 step %while3A_443 iter_args(%while3A_514 = %while3A_442#0, %while3A_515 = %while3A_442#1) -> (i32, i32)  : i32 {
      %mul3A_516 = arith.constant 16 : i32
      %mul3A_517 = arith.muli %while3A_513, %mul3A_516 : i32
      %add3A_518 = vector.broadcast %mul3A_517 : i32 to vector<16xi32>
      %add3A_519 = arith.addi %add3A_518, %iota3A : vector<16xi32>
      %mul3A_520 = arith.constant 16 : i32
      %mul3A_521 = arith.muli %while3A_513, %mul3A_520 : i32
      %get3A = arith.index_cast %mul3A_521 : i32 to index
      %get3A_522 = tpu.vector_load %arg6[%get3A] {strides = array<i32>} : memref<16384xi32, #tpu.memory_space<vmem>>, vector<16xi32>,
      %mul3A_523 = arith.constant 16 : i32
      %mul3A_524 = arith.muli %while3A_513, %mul3A_523 : i32
      %get3A_525 = arith.index_cast %mul3A_524 : i32 to index
      %get3A_526 = tpu.vector_load %arg7[%get3A_525] {strides = array<i32>} : memref<16384xi32, #tpu.memory_space<vmem>>, vector<16xi32>,
      %ge3A = vector.broadcast %add3A_299 : i32 to vector<16xi32>
      %ge3A_527 = arith.cmpi sge, %get3A_522, %ge3A : vector<16xi32>
      %add3A_528 = arith.constant 512 : i32
      %add3A_529 = arith.addi %add3A_299, %add3A_528 : i32
      %lt3A = vector.broadcast %add3A_529 : i32 to vector<16xi32>
      %lt3A_530 = arith.cmpi slt, %get3A_522, %lt3A : vector<16xi32>
      %and3A_531 = arith.andi %ge3A_527, %lt3A_530 : vector<16xi1>
      %lt3A_532 = vector.broadcast %scan3A_284 : i32 to vector<16xi32>
      %lt3A_533 = arith.cmpi slt, %add3A_519, %lt3A_532 : vector<16xi32>
      %and3A_534 = arith.andi %and3A_531, %lt3A_533 : vector<16xi1>
      %all_reduce_population_count3A = tpu.all_reduce %and3A_534 {dim = 0 : i64, kind = #tpu.reduction_kind<sum>} : vector<16xi1> -> vector<16xi32>
      %slice3A = vector.extract_strided_slice %all_reduce_population_count3A {offsets = [0], sizes = [1], strides = [1]} : vector<16xi32> to vector<1xi32>
      %squeeze3A = vector.extract %slice3A[0] : i32 from vector<1xi32>
      %and3A_535 = arith.constant 15 : i32
      %and3A_536 = arith.andi %while3A_514, %and3A_535 : i32
      %shift_right_arithmetic3A_537 = arith.constant 4 : i32
      %shift_right_arithmetic3A_538 = arith.shrsi %while3A_514, %shift_right_arithmetic3A_537 : i32
      %add3A_539 = arith.addi %and3A_536, %squeeze3A : i32
      %gt3A_540 = arith.constant 16 : i32
      %gt3A_541 = arith.cmpi sgt, %add3A_539, %gt3A_540 : i32
      %add3A_542 = arith.constant 1 : i32
      %add3A_543 = arith.addi %shift_right_arithmetic3A_538, %add3A_542 : i32
      %ge3A_544 = arith.constant 4 : i32
      %ge3A_545 = arith.cmpi sge, %add3A_543, %ge3A_544 : i32
      %and3A_546 = arith.andi %gt3A_541, %ge3A_545 : i1
      %convert_element_type3A_547 = arith.extui %and3A_546 : i1 to i32
      %cond3A_548 = arith.constant 0 : i32
      %cond3A_549 = arith.cmpi ne, %convert_element_type3A_547, %cond3A_548 : i32
      scf.if %cond3A_549 {
        %add3A_565 = arith.constant 1 : i32
        %add3A_566 = arith.addi %shift_right_arithmetic3A_538, %add3A_565 : i32
        %and3A_567 = arith.constant 3 : i32
        %and3A_568 = arith.andi %add3A_566, %and3A_567 : i32
        %mul3A_569 = arith.constant 16 : i32
        %mul3A_570 = arith.muli %and3A_568, %mul3A_569 : i32
        %dma_wait3A_571 = arith.constant 0 : i32
        %dma_wait3A_572 = arith.constant 0 : i32
        %dma_wait3A_573 = tpu.memref_slice %arg9[%and3A_568, %dma_wait3A_571, %dma_wait3A_572] : memref<4x16x128xf32, #tpu.memory_space<vmem>> -> memref<1x16x128xf32, #tpu.memory_space<vmem>>
        %dma_wait3A_574 = tpu.memref_squeeze %dma_wait3A_573 : memref<1x16x128xf32, #tpu.memory_space<vmem>> -> memref<16x128xf32, #tpu.memory_space<vmem>>
        %dma_wait3A_575 = tpu.memref_slice %arg10[%mul3A_570] : memref<64xi32, #tpu.memory_space<vmem>> -> memref<16xi32, #tpu.memory_space<vmem>>
        %dma_wait3A_576 = arith.constant 0 : i32
        %dma_wait3A_577 = arith.constant 0 : i32
        %dma_wait3A_578 = tpu.memref_slice %arg4[%dma_wait3A_576, %dma_wait3A_577] : memref<16896x128xf32, #tpu.memory_space<hbm>> -> memref<16896x128xf32, #tpu.memory_space<hbm>>
        tpu.wait_indirect_dma semaphore(%arg12 : memref<!tpu.dma_semaphore, #tpu.memory_space<semaphore_mem>>) src(%dma_wait3A_574 : memref<16x128xf32, #tpu.memory_space<vmem>>) dst(%dma_wait3A_578 : memref<16896x128xf32, #tpu.memory_space<hbm>>)
      } else {
      }
      %gt3A_550 = arith.constant 0 : i32
      %gt3A_551 = arith.cmpi sgt, %squeeze3A, %gt3A_550 : i32
      %convert_element_type3A_552 = arith.extui %gt3A_551 : i1 to i32
      %cond3A_553 = arith.constant 0 : i32
      %cond3A_554 = arith.cmpi ne, %convert_element_type3A_552, %cond3A_553 : i32
      scf.if %cond3A_554 {
        %convert_element_type3A_565 = arith.extui %and3A_534 : vector<16xi1> to vector<16xi32>
        %broadcast_in_dim3A = arith.constant true
        %broadcast_in_dim3A_566 = vector.broadcast %broadcast_in_dim3A : i1 to vector<16xi1>
        %masked_cumsum3A = tpu.scan <sum>, %convert_element_type3A_565 masked %broadcast_in_dim3A_566 : vector<16xi32>, vector<16xi1> -> vector<16xi32>
        %sub3A_567 = arith.constant 1 : i32
        %sub3A_568 = vector.broadcast %sub3A_567 : i32 to vector<16xi32>
        %sub3A_569 = arith.subi %masked_cumsum3A, %sub3A_568 : vector<16xi32>
        %add3A_570 = vector.broadcast %while3A_514 : i32 to vector<16xi32>
        %add3A_571 = arith.addi %add3A_570, %sub3A_569 : vector<16xi32>
        %shift_right_arithmetic3A_572 = arith.constant 4 : i32
        %shift_right_arithmetic3A_573 = vector.broadcast %shift_right_arithmetic3A_572 : i32 to vector<16xi32>
        %shift_right_arithmetic3A_574 = arith.shrsi %add3A_571, %shift_right_arithmetic3A_573 : vector<16xi32>
        %and3A_575 = arith.constant 3 : i32
        %and3A_576 = vector.broadcast %and3A_575 : i32 to vector<16xi32>
        %and3A_577 = arith.andi %shift_right_arithmetic3A_574, %and3A_576 : vector<16xi32>
        %and3A_578 = arith.constant 15 : i32
        %and3A_579 = vector.broadcast %and3A_578 : i32 to vector<16xi32>
        %and3A_580 = arith.andi %add3A_571, %and3A_579 : vector<16xi32>
        %sub3A_581 = vector.broadcast %add3A_299 : i32 to vector<16xi32>
        %sub3A_582 = arith.subi %get3A_522, %sub3A_581 : vector<16xi32>
        %and3A_583 = arith.constant 1023 : i32
        %and3A_584 = vector.broadcast %and3A_583 : i32 to vector<16xi32>
        %and3A_585 = arith.andi %sub3A_582, %and3A_584 : vector<16xi32>
        %shift_right_arithmetic3A_586 = arith.constant 7 : i32
        %shift_right_arithmetic3A_587 = vector.broadcast %shift_right_arithmetic3A_586 : i32 to vector<16xi32>
        %shift_right_arithmetic3A_588 = arith.shrsi %and3A_585, %shift_right_arithmetic3A_587 : vector<16xi32>
        %and3A_589 = arith.constant 7 : i32
        %and3A_590 = vector.broadcast %and3A_589 : i32 to vector<16xi32>
        %and3A_591 = arith.andi %shift_right_arithmetic3A_588, %and3A_590 : vector<16xi32>
        %and3A_592 = arith.constant 127 : i32
        %and3A_593 = vector.broadcast %and3A_592 : i32 to vector<16xi32>
        %and3A_594 = arith.andi %and3A_585, %and3A_593 : vector<16xi32>
        %mul3A_595 = arith.constant 0 : i32
        %mul3A_596 = vector.broadcast %mul3A_595 : i32 to vector<16xi32>
        %mul3A_597 = arith.muli %iota3A, %mul3A_596 : vector<16xi32>
        %add3A_598 = arith.constant 0 : i32
        %add3A_599 = vector.broadcast %add3A_598 : i32 to vector<16xi32>
        %add3A_600 = arith.addi %mul3A_597, %add3A_599 : vector<16xi32>
        %mul3A_601 = arith.constant 0 : i32
        %mul3A_602 = vector.broadcast %mul3A_601 : i32 to vector<16xi32>
        %mul3A_603 = arith.muli %iota3A, %mul3A_602 : vector<16xi32>
        %add3A_604 = arith.constant 0 : i32
        %add3A_605 = vector.broadcast %add3A_604 : i32 to vector<16xi32>
        %add3A_606 = arith.addi %mul3A_603, %add3A_605 : vector<16xi32>
        %gather3A = tpu.vector_load_idx %arg8[%add3A_600, %and3A_591, %add3A_606, %and3A_594] masked %and3A_534 : memref<2x8x32x128xf32, #tpu.memory_space<vmem>>[vector<16xi32>, vector<16xi32>, vector<16xi32>, vector<16xi32>], vector<16xf32>, vector<16xi1>
        tpu.vector_store_idx %arg9[%and3A_577, %and3A_580, %add3A_606], %gather3A masked %and3A_534 : memref<4x16x128xf32, #tpu.memory_space<vmem>>[vector<16xi32>, vector<16xi32>, vector<16xi32>], vector<16xf32>, vector<16xi1>
        %mul3A_607 = arith.constant 0 : i32
        %mul3A_608 = vector.broadcast %mul3A_607 : i32 to vector<16xi32>
        %mul3A_609 = arith.muli %iota3A, %mul3A_608 : vector<16xi32>
        %add3A_610 = arith.constant 1 : i32
        %add3A_611 = vector.broadcast %add3A_610 : i32 to vector<16xi32>
        %add3A_612 = arith.addi %mul3A_609, %add3A_611 : vector<16xi32>
        %gather3A_613 = tpu.vector_load_idx %arg8[%add3A_600, %and3A_591, %add3A_612, %and3A_594] masked %and3A_534 : memref<2x8x32x128xf32, #tpu.memory_space<vmem>>[vector<16xi32>, vector<16xi32>, vector<16xi32>, vector<16xi32>], vector<16xf32>, vector<16xi1>
        tpu.vector_store_idx %arg9[%and3A_577, %and3A_580, %add3A_612], %gather3A_613 masked %and3A_534 : memref<4x16x128xf32, #tpu.memory_space<vmem>>[vector<16xi32>, vector<16xi32>, vector<16xi32>], vector<16xf32>, vector<16xi1>
        %mul3A_614 = arith.constant 0 : i32
        %mul3A_615 = vector.broadcast %mul3A_614 : i32 to vector<16xi32>
        %mul3A_616 = arith.muli %iota3A, %mul3A_615 : vector<16xi32>
        %add3A_617 = arith.constant 2 : i32
        %add3A_618 = vector.broadcast %add3A_617 : i32 to vector<16xi32>
        %add3A_619 = arith.addi %mul3A_616, %add3A_618 : vector<16xi32>
        %gather3A_620 = tpu.vector_load_idx %arg8[%add3A_600, %and3A_591, %add3A_619, %and3A_594] masked %and3A_534 : memref<2x8x32x128xf32, #tpu.memory_space<vmem>>[vector<16xi32>, vector<16xi32>, vector<16xi32>, vector<16xi32>], vector<16xf32>, vector<16xi1>
        tpu.vector_store_idx %arg9[%and3A_577, %and3A_580, %add3A_619], %gather3A_620 masked %and3A_534 : memref<4x16x128xf32, #tpu.memory_space<vmem>>[vector<16xi32>, vector<16xi32>, vector<16xi32>], vector<16xf32>, vector<16xi1>
        %mul3A_621 = arith.constant 0 : i32
        %mul3A_622 = vector.broadcast %mul3A_621 : i32 to vector<16xi32>
        %mul3A_623 = arith.muli %iota3A, %mul3A_622 : vector<16xi32>
        %add3A_624 = arith.constant 3 : i32
        %add3A_625 = vector.broadcast %add3A_624 : i32 to vector<16xi32>
        %add3A_626 = arith.addi %mul3A_623, %add3A_625 : vector<16xi32>
        %gather3A_627 = tpu.vector_load_idx %arg8[%add3A_600, %and3A_591, %add3A_626, %and3A_594] masked %and3A_534 : memref<2x8x32x128xf32, #tpu.memory_space<vmem>>[vector<16xi32>, vector<16xi32>, vector<16xi32>, vector<16xi32>], vector<16xf32>, vector<16xi1>
        tpu.vector_store_idx %arg9[%and3A_577, %and3A_580, %add3A_626], %gather3A_627 masked %and3A_534 : memref<4x16x128xf32, #tpu.memory_space<vmem>>[vector<16xi32>, vector<16xi32>, vector<16xi32>], vector<16xf32>, vector<16xi1>
        %mul3A_628 = arith.constant 0 : i32
        %mul3A_629 = vector.broadcast %mul3A_628 : i32 to vector<16xi32>
        %mul3A_630 = arith.muli %iota3A, %mul3A_629 : vector<16xi32>
        %add3A_631 = arith.constant 4 : i32
        %add3A_632 = vector.broadcast %add3A_631 : i32 to vector<16xi32>
        %add3A_633 = arith.addi %mul3A_630, %add3A_632 : vector<16xi32>
        %gather3A_634 = tpu.vector_load_idx %arg8[%add3A_600, %and3A_591, %add3A_633, %and3A_594] masked %and3A_534 : memref<2x8x32x128xf32, #tpu.memory_space<vmem>>[vector<16xi32>, vector<16xi32>, vector<16xi32>, vector<16xi32>], vector<16xf32>, vector<16xi1>
        tpu.vector_store_idx %arg9[%and3A_577, %and3A_580, %add3A_633], %gather3A_634 masked %and3A_534 : memref<4x16x128xf32, #tpu.memory_space<vmem>>[vector<16xi32>, vector<16xi32>, vector<16xi32>], vector<16xf32>, vector<16xi1>
        %mul3A_635 = arith.constant 0 : i32
        %mul3A_636 = vector.broadcast %mul3A_635 : i32 to vector<16xi32>
        %mul3A_637 = arith.muli %iota3A, %mul3A_636 : vector<16xi32>
        %add3A_638 = arith.constant 5 : i32
        %add3A_639 = vector.broadcast %add3A_638 : i32 to vector<16xi32>
        %add3A_640 = arith.addi %mul3A_637, %add3A_639 : vector<16xi32>
        %gather3A_641 = tpu.vector_load_idx %arg8[%add3A_600, %and3A_591, %add3A_640, %and3A_594] masked %and3A_534 : memref<2x8x32x128xf32, #tpu.memory_space<vmem>>[vector<16xi32>, vector<16xi32>, vector<16xi32>, vector<16xi32>], vector<16xf32>, vector<16xi1>
        tpu.vector_store_idx %arg9[%and3A_577, %and3A_580, %add3A_640], %gather3A_641 masked %and3A_534 : memref<4x16x128xf32, #tpu.memory_space<vmem>>[vector<16xi32>, vector<16xi32>, vector<16xi32>], vector<16xf32>, vector<16xi1>
        %mul3A_642 = arith.constant 0 : i32
        %mul3A_643 = vector.broadcast %mul3A_642 : i32 to vector<16xi32>
        %mul3A_644 = arith.muli %iota3A, %mul3A_643 : vector<16xi32>
        %add3A_645 = arith.constant 6 : i32
        %add3A_646 = vector.broadcast %add3A_645 : i32 to vector<16xi32>
        %add3A_647 = arith.addi %mul3A_644, %add3A_646 : vector<16xi32>
        %gather3A_648 = tpu.vector_load_idx %arg8[%add3A_600, %and3A_591, %add3A_647, %and3A_594] masked %and3A_534 : memref<2x8x32x128xf32, #tpu.memory_space<vmem>>[vector<16xi32>, vector<16xi32>, vector<16xi32>, vector<16xi32>], vector<16xf32>, vector<16xi1>
        tpu.vector_store_idx %arg9[%and3A_577, %and3A_580, %add3A_647], %gather3A_648 masked %and3A_534 : memref<4x16x128xf32, #tpu.memory_space<vmem>>[vector<16xi32>, vector<16xi32>, vector<16xi32>], vector<16xf32>, vector<16xi1>
        %mul3A_649 = arith.constant 0 : i32
        %mul3A_650 = vector.broadcast %mul3A_649 : i32 to vector<16xi32>
        %mul3A_651 = arith.muli %iota3A, %mul3A_650 : vector<16xi32>
        %add3A_652 = arith.constant 7 : i32
        %add3A_653 = vector.broadcast %add3A_652 : i32 to vector<16xi32>
        %add3A_654 = arith.addi %mul3A_651, %add3A_653 : vector<16xi32>
        %gather3A_655 = tpu.vector_load_idx %arg8[%add3A_600, %and3A_591, %add3A_654, %and3A_594] masked %and3A_534 : memref<2x8x32x128xf32, #tpu.memory_space<vmem>>[vector<16xi32>, vector<16xi32>, vector<16xi32>, vector<16xi32>], vector<16xf32>, vector<16xi1>
        tpu.vector_store_idx %arg9[%and3A_577, %and3A_580, %add3A_654], %gather3A_655 masked %and3A_534 : memref<4x16x128xf32, #tpu.memory_space<vmem>>[vector<16xi32>, vector<16xi32>, vector<16xi32>], vector<16xf32>, vector<16xi1>
        %mul3A_656 = arith.constant 0 : i32
        %mul3A_657 = vector.broadcast %mul3A_656 : i32 to vector<16xi32>
        %mul3A_658 = arith.muli %iota3A, %mul3A_657 : vector<16xi32>
        %add3A_659 = arith.constant 8 : i32
        %add3A_660 = vector.broadcast %add3A_659 : i32 to vector<16xi32>
        %add3A_661 = arith.addi %mul3A_658, %add3A_660 : vector<16xi32>
        %gather3A_662 = tpu.vector_load_idx %arg8[%add3A_600, %and3A_591, %add3A_661, %and3A_594] masked %and3A_534 : memref<2x8x32x128xf32, #tpu.memory_space<vmem>>[vector<16xi32>, vector<16xi32>, vector<16xi32>, vector<16xi32>], vector<16xf32>, vector<16xi1>
        tpu.vector_store_idx %arg9[%and3A_577, %and3A_580, %add3A_661], %gather3A_662 masked %and3A_534 : memref<4x16x128xf32, #tpu.memory_space<vmem>>[vector<16xi32>, vector<16xi32>, vector<16xi32>], vector<16xf32>, vector<16xi1>
        %mul3A_663 = arith.constant 0 : i32
        %mul3A_664 = vector.broadcast %mul3A_663 : i32 to vector<16xi32>
        %mul3A_665 = arith.muli %iota3A, %mul3A_664 : vector<16xi32>
        %add3A_666 = arith.constant 9 : i32
        %add3A_667 = vector.broadcast %add3A_666 : i32 to vector<16xi32>
        %add3A_668 = arith.addi %mul3A_665, %add3A_667 : vector<16xi32>
        %gather3A_669 = tpu.vector_load_idx %arg8[%add3A_600, %and3A_591, %add3A_668, %and3A_594] masked %and3A_534 : memref<2x8x32x128xf32, #tpu.memory_space<vmem>>[vector<16xi32>, vector<16xi32>, vector<16xi32>, vector<16xi32>], vector<16xf32>, vector<16xi1>
        tpu.vector_store_idx %arg9[%and3A_577, %and3A_580, %add3A_668], %gather3A_669 masked %and3A_534 : memref<4x16x128xf32, #tpu.memory_space<vmem>>[vector<16xi32>, vector<16xi32>, vector<16xi32>], vector<16xf32>, vector<16xi1>
        %mul3A_670 = arith.constant 0 : i32
        %mul3A_671 = vector.broadcast %mul3A_670 : i32 to vector<16xi32>
        %mul3A_672 = arith.muli %iota3A, %mul3A_671 : vector<16xi32>
        %add3A_673 = arith.constant 10 : i32
        %add3A_674 = vector.broadcast %add3A_673 : i32 to vector<16xi32>
        %add3A_675 = arith.addi %mul3A_672, %add3A_674 : vector<16xi32>
        %gather3A_676 = tpu.vector_load_idx %arg8[%add3A_600, %and3A_591, %add3A_675, %and3A_594] masked %and3A_534 : memref<2x8x32x128xf32, #tpu.memory_space<vmem>>[vector<16xi32>, vector<16xi32>, vector<16xi32>, vector<16xi32>], vector<16xf32>, vector<16xi1>
        tpu.vector_store_idx %arg9[%and3A_577, %and3A_580, %add3A_675], %gather3A_676 masked %and3A_534 : memref<4x16x128xf32, #tpu.memory_space<vmem>>[vector<16xi32>, vector<16xi32>, vector<16xi32>], vector<16xf32>, vector<16xi1>
        %mul3A_677 = arith.constant 0 : i32
        %mul3A_678 = vector.broadcast %mul3A_677 : i32 to vector<16xi32>
        %mul3A_679 = arith.muli %iota3A, %mul3A_678 : vector<16xi32>
        %add3A_680 = arith.constant 11 : i32
        %add3A_681 = vector.broadcast %add3A_680 : i32 to vector<16xi32>
        %add3A_682 = arith.addi %mul3A_679, %add3A_681 : vector<16xi32>
        %gather3A_683 = tpu.vector_load_idx %arg8[%add3A_600, %and3A_591, %add3A_682, %and3A_594] masked %and3A_534 : memref<2x8x32x128xf32, #tpu.memory_space<vmem>>[vector<16xi32>, vector<16xi32>, vector<16xi32>, vector<16xi32>], vector<16xf32>, vector<16xi1>
        tpu.vector_store_idx %arg9[%and3A_577, %and3A_580, %add3A_682], %gather3A_683 masked %and3A_534 : memref<4x16x128xf32, #tpu.memory_space<vmem>>[vector<16xi32>, vector<16xi32>, vector<16xi32>], vector<16xf32>, vector<16xi1>
        %mul3A_684 = arith.constant 0 : i32
        %mul3A_685 = vector.broadcast %mul3A_684 : i32 to vector<16xi32>
        %mul3A_686 = arith.muli %iota3A, %mul3A_685 : vector<16xi32>
        %add3A_687 = arith.constant 12 : i32
        %add3A_688 = vector.broadcast %add3A_687 : i32 to vector<16xi32>
        %add3A_689 = arith.addi %mul3A_686, %add3A_688 : vector<16xi32>
        %gather3A_690 = tpu.vector_load_idx %arg8[%add3A_600, %and3A_591, %add3A_689, %and3A_594] masked %and3A_534 : memref<2x8x32x128xf32, #tpu.memory_space<vmem>>[vector<16xi32>, vector<16xi32>, vector<16xi32>, vector<16xi32>], vector<16xf32>, vector<16xi1>
        tpu.vector_store_idx %arg9[%and3A_577, %and3A_580, %add3A_689], %gather3A_690 masked %and3A_534 : memref<4x16x128xf32, #tpu.memory_space<vmem>>[vector<16xi32>, vector<16xi32>, vector<16xi32>], vector<16xf32>, vector<16xi1>
        %mul3A_691 = arith.constant 0 : i32
        %mul3A_692 = vector.broadcast %mul3A_691 : i32 to vector<16xi32>
        %mul3A_693 = arith.muli %iota3A, %mul3A_692 : vector<16xi32>
        %add3A_694 = arith.constant 13 : i32
        %add3A_695 = vector.broadcast %add3A_694 : i32 to vector<16xi32>
        %add3A_696 = arith.addi %mul3A_693, %add3A_695 : vector<16xi32>
        %gather3A_697 = tpu.vector_load_idx %arg8[%add3A_600, %and3A_591, %add3A_696, %and3A_594] masked %and3A_534 : memref<2x8x32x128xf32, #tpu.memory_space<vmem>>[vector<16xi32>, vector<16xi32>, vector<16xi32>, vector<16xi32>], vector<16xf32>, vector<16xi1>
        tpu.vector_store_idx %arg9[%and3A_577, %and3A_580, %add3A_696], %gather3A_697 masked %and3A_534 : memref<4x16x128xf32, #tpu.memory_space<vmem>>[vector<16xi32>, vector<16xi32>, vector<16xi32>], vector<16xf32>, vector<16xi1>
        %mul3A_698 = arith.constant 0 : i32
        %mul3A_699 = vector.broadcast %mul3A_698 : i32 to vector<16xi32>
        %mul3A_700 = arith.muli %iota3A, %mul3A_699 : vector<16xi32>
        %add3A_701 = arith.constant 14 : i32
        %add3A_702 = vector.broadcast %add3A_701 : i32 to vector<16xi32>
        %add3A_703 = arith.addi %mul3A_700, %add3A_702 : vector<16xi32>
        %gather3A_704 = tpu.vector_load_idx %arg8[%add3A_600, %and3A_591, %add3A_703, %and3A_594] masked %and3A_534 : memref<2x8x32x128xf32, #tpu.memory_space<vmem>>[vector<16xi32>, vector<16xi32>, vector<16xi32>, vector<16xi32>], vector<16xf32>, vector<16xi1>
        tpu.vector_store_idx %arg9[%and3A_577, %and3A_580, %add3A_703], %gather3A_704 masked %and3A_534 : memref<4x16x128xf32, #tpu.memory_space<vmem>>[vector<16xi32>, vector<16xi32>, vector<16xi32>], vector<16xf32>, vector<16xi1>
        %mul3A_705 = arith.constant 0 : i32
        %mul3A_706 = vector.broadcast %mul3A_705 : i32 to vector<16xi32>
        %mul3A_707 = arith.muli %iota3A, %mul3A_706 : vector<16xi32>
        %add3A_708 = arith.constant 15 : i32
        %add3A_709 = vector.broadcast %add3A_708 : i32 to vector<16xi32>
        %add3A_710 = arith.addi %mul3A_707, %add3A_709 : vector<16xi32>
        %gather3A_711 = tpu.vector_load_idx %arg8[%add3A_600, %and3A_591, %add3A_710, %and3A_594] masked %and3A_534 : memref<2x8x32x128xf32, #tpu.memory_space<vmem>>[vector<16xi32>, vector<16xi32>, vector<16xi32>, vector<16xi32>], vector<16xf32>, vector<16xi1>
        tpu.vector_store_idx %arg9[%and3A_577, %and3A_580, %add3A_710], %gather3A_711 masked %and3A_534 : memref<4x16x128xf32, #tpu.memory_space<vmem>>[vector<16xi32>, vector<16xi32>, vector<16xi32>], vector<16xf32>, vector<16xi1>
        %mul3A_712 = arith.constant 0 : i32
        %mul3A_713 = vector.broadcast %mul3A_712 : i32 to vector<16xi32>
        %mul3A_714 = arith.muli %iota3A, %mul3A_713 : vector<16xi32>
        %add3A_715 = arith.constant 16 : i32
        %add3A_716 = vector.broadcast %add3A_715 : i32 to vector<16xi32>
        %add3A_717 = arith.addi %mul3A_714, %add3A_716 : vector<16xi32>
        %gather3A_718 = tpu.vector_load_idx %arg8[%add3A_600, %and3A_591, %add3A_717, %and3A_594] masked %and3A_534 : memref<2x8x32x128xf32, #tpu.memory_space<vmem>>[vector<16xi32>, vector<16xi32>, vector<16xi32>, vector<16xi32>], vector<16xf32>, vector<16xi1>
        tpu.vector_store_idx %arg9[%and3A_577, %and3A_580, %add3A_717], %gather3A_718 masked %and3A_534 : memref<4x16x128xf32, #tpu.memory_space<vmem>>[vector<16xi32>, vector<16xi32>, vector<16xi32>], vector<16xf32>, vector<16xi1>
        %mul3A_719 = arith.constant 0 : i32
        %mul3A_720 = vector.broadcast %mul3A_719 : i32 to vector<16xi32>
        %mul3A_721 = arith.muli %iota3A, %mul3A_720 : vector<16xi32>
        %add3A_722 = arith.constant 17 : i32
        %add3A_723 = vector.broadcast %add3A_722 : i32 to vector<16xi32>
        %add3A_724 = arith.addi %mul3A_721, %add3A_723 : vector<16xi32>
        %gather3A_725 = tpu.vector_load_idx %arg8[%add3A_600, %and3A_591, %add3A_724, %and3A_594] masked %and3A_534 : memref<2x8x32x128xf32, #tpu.memory_space<vmem>>[vector<16xi32>, vector<16xi32>, vector<16xi32>, vector<16xi32>], vector<16xf32>, vector<16xi1>
        tpu.vector_store_idx %arg9[%and3A_577, %and3A_580, %add3A_724], %gather3A_725 masked %and3A_534 : memref<4x16x128xf32, #tpu.memory_space<vmem>>[vector<16xi32>, vector<16xi32>, vector<16xi32>], vector<16xf32>, vector<16xi1>
        %mul3A_726 = arith.constant 0 : i32
        %mul3A_727 = vector.broadcast %mul3A_726 : i32 to vector<16xi32>
        %mul3A_728 = arith.muli %iota3A, %mul3A_727 : vector<16xi32>
        %add3A_729 = arith.constant 18 : i32
        %add3A_730 = vector.broadcast %add3A_729 : i32 to vector<16xi32>
        %add3A_731 = arith.addi %mul3A_728, %add3A_730 : vector<16xi32>
        %gather3A_732 = tpu.vector_load_idx %arg8[%add3A_600, %and3A_591, %add3A_731, %and3A_594] masked %and3A_534 : memref<2x8x32x128xf32, #tpu.memory_space<vmem>>[vector<16xi32>, vector<16xi32>, vector<16xi32>, vector<16xi32>], vector<16xf32>, vector<16xi1>
        tpu.vector_store_idx %arg9[%and3A_577, %and3A_580, %add3A_731], %gather3A_732 masked %and3A_534 : memref<4x16x128xf32, #tpu.memory_space<vmem>>[vector<16xi32>, vector<16xi32>, vector<16xi32>], vector<16xf32>, vector<16xi1>
        %mul3A_733 = arith.constant 0 : i32
        %mul3A_734 = vector.broadcast %mul3A_733 : i32 to vector<16xi32>
        %mul3A_735 = arith.muli %iota3A, %mul3A_734 : vector<16xi32>
        %add3A_736 = arith.constant 19 : i32
        %add3A_737 = vector.broadcast %add3A_736 : i32 to vector<16xi32>
        %add3A_738 = arith.addi %mul3A_735, %add3A_737 : vector<16xi32>
        %gather3A_739 = tpu.vector_load_idx %arg8[%add3A_600, %and3A_591, %add3A_738, %and3A_594] masked %and3A_534 : memref<2x8x32x128xf32, #tpu.memory_space<vmem>>[vector<16xi32>, vector<16xi32>, vector<16xi32>, vector<16xi32>], vector<16xf32>, vector<16xi1>
        tpu.vector_store_idx %arg9[%and3A_577, %and3A_580, %add3A_738], %gather3A_739 masked %and3A_534 : memref<4x16x128xf32, #tpu.memory_space<vmem>>[vector<16xi32>, vector<16xi32>, vector<16xi32>], vector<16xf32>, vector<16xi1>
        %mul3A_740 = arith.constant 0 : i32
        %mul3A_741 = vector.broadcast %mul3A_740 : i32 to vector<16xi32>
        %mul3A_742 = arith.muli %iota3A, %mul3A_741 : vector<16xi32>
        %add3A_743 = arith.constant 20 : i32
        %add3A_744 = vector.broadcast %add3A_743 : i32 to vector<16xi32>
        %add3A_745 = arith.addi %mul3A_742, %add3A_744 : vector<16xi32>
        %gather3A_746 = tpu.vector_load_idx %arg8[%add3A_600, %and3A_591, %add3A_745, %and3A_594] masked %and3A_534 : memref<2x8x32x128xf32, #tpu.memory_space<vmem>>[vector<16xi32>, vector<16xi32>, vector<16xi32>, vector<16xi32>], vector<16xf32>, vector<16xi1>
        tpu.vector_store_idx %arg9[%and3A_577, %and3A_580, %add3A_745], %gather3A_746 masked %and3A_534 : memref<4x16x128xf32, #tpu.memory_space<vmem>>[vector<16xi32>, vector<16xi32>, vector<16xi32>], vector<16xf32>, vector<16xi1>
        %mul3A_747 = arith.constant 0 : i32
        %mul3A_748 = vector.broadcast %mul3A_747 : i32 to vector<16xi32>
        %mul3A_749 = arith.muli %iota3A, %mul3A_748 : vector<16xi32>
        %add3A_750 = arith.constant 21 : i32
        %add3A_751 = vector.broadcast %add3A_750 : i32 to vector<16xi32>
        %add3A_752 = arith.addi %mul3A_749, %add3A_751 : vector<16xi32>
        %gather3A_753 = tpu.vector_load_idx %arg8[%add3A_600, %and3A_591, %add3A_752, %and3A_594] masked %and3A_534 : memref<2x8x32x128xf32, #tpu.memory_space<vmem>>[vector<16xi32>, vector<16xi32>, vector<16xi32>, vector<16xi32>], vector<16xf32>, vector<16xi1>
        tpu.vector_store_idx %arg9[%and3A_577, %and3A_580, %add3A_752], %gather3A_753 masked %and3A_534 : memref<4x16x128xf32, #tpu.memory_space<vmem>>[vector<16xi32>, vector<16xi32>, vector<16xi32>], vector<16xf32>, vector<16xi1>
        %mul3A_754 = arith.constant 0 : i32
        %mul3A_755 = vector.broadcast %mul3A_754 : i32 to vector<16xi32>
        %mul3A_756 = arith.muli %iota3A, %mul3A_755 : vector<16xi32>
        %add3A_757 = arith.constant 22 : i32
        %add3A_758 = vector.broadcast %add3A_757 : i32 to vector<16xi32>
        %add3A_759 = arith.addi %mul3A_756, %add3A_758 : vector<16xi32>
        %gather3A_760 = tpu.vector_load_idx %arg8[%add3A_600, %and3A_591, %add3A_759, %and3A_594] masked %and3A_534 : memref<2x8x32x128xf32, #tpu.memory_space<vmem>>[vector<16xi32>, vector<16xi32>, vector<16xi32>, vector<16xi32>], vector<16xf32>, vector<16xi1>
        tpu.vector_store_idx %arg9[%and3A_577, %and3A_580, %add3A_759], %gather3A_760 masked %and3A_534 : memref<4x16x128xf32, #tpu.memory_space<vmem>>[vector<16xi32>, vector<16xi32>, vector<16xi32>], vector<16xf32>, vector<16xi1>
        %mul3A_761 = arith.constant 0 : i32
        %mul3A_762 = vector.broadcast %mul3A_761 : i32 to vector<16xi32>
        %mul3A_763 = arith.muli %iota3A, %mul3A_762 : vector<16xi32>
        %add3A_764 = arith.constant 23 : i32
        %add3A_765 = vector.broadcast %add3A_764 : i32 to vector<16xi32>
        %add3A_766 = arith.addi %mul3A_763, %add3A_765 : vector<16xi32>
        %gather3A_767 = tpu.vector_load_idx %arg8[%add3A_600, %and3A_591, %add3A_766, %and3A_594] masked %and3A_534 : memref<2x8x32x128xf32, #tpu.memory_space<vmem>>[vector<16xi32>, vector<16xi32>, vector<16xi32>, vector<16xi32>], vector<16xf32>, vector<16xi1>
        tpu.vector_store_idx %arg9[%and3A_577, %and3A_580, %add3A_766], %gather3A_767 masked %and3A_534 : memref<4x16x128xf32, #tpu.memory_space<vmem>>[vector<16xi32>, vector<16xi32>, vector<16xi32>], vector<16xf32>, vector<16xi1>
        %mul3A_768 = arith.constant 0 : i32
        %mul3A_769 = vector.broadcast %mul3A_768 : i32 to vector<16xi32>
        %mul3A_770 = arith.muli %iota3A, %mul3A_769 : vector<16xi32>
        %add3A_771 = arith.constant 24 : i32
        %add3A_772 = vector.broadcast %add3A_771 : i32 to vector<16xi32>
        %add3A_773 = arith.addi %mul3A_770, %add3A_772 : vector<16xi32>
        %gather3A_774 = tpu.vector_load_idx %arg8[%add3A_600, %and3A_591, %add3A_773, %and3A_594] masked %and3A_534 : memref<2x8x32x128xf32, #tpu.memory_space<vmem>>[vector<16xi32>, vector<16xi32>, vector<16xi32>, vector<16xi32>], vector<16xf32>, vector<16xi1>
        tpu.vector_store_idx %arg9[%and3A_577, %and3A_580, %add3A_773], %gather3A_774 masked %and3A_534 : memref<4x16x128xf32, #tpu.memory_space<vmem>>[vector<16xi32>, vector<16xi32>, vector<16xi32>], vector<16xf32>, vector<16xi1>
        %mul3A_775 = arith.constant 0 : i32
        %mul3A_776 = vector.broadcast %mul3A_775 : i32 to vector<16xi32>
        %mul3A_777 = arith.muli %iota3A, %mul3A_776 : vector<16xi32>
        %add3A_778 = arith.constant 25 : i32
        %add3A_779 = vector.broadcast %add3A_778 : i32 to vector<16xi32>
        %add3A_780 = arith.addi %mul3A_777, %add3A_779 : vector<16xi32>
        %gather3A_781 = tpu.vector_load_idx %arg8[%add3A_600, %and3A_591, %add3A_780, %and3A_594] masked %and3A_534 : memref<2x8x32x128xf32, #tpu.memory_space<vmem>>[vector<16xi32>, vector<16xi32>, vector<16xi32>, vector<16xi32>], vector<16xf32>, vector<16xi1>
        tpu.vector_store_idx %arg9[%and3A_577, %and3A_580, %add3A_780], %gather3A_781 masked %and3A_534 : memref<4x16x128xf32, #tpu.memory_space<vmem>>[vector<16xi32>, vector<16xi32>, vector<16xi32>], vector<16xf32>, vector<16xi1>
        %mul3A_782 = arith.constant 0 : i32
        %mul3A_783 = vector.broadcast %mul3A_782 : i32 to vector<16xi32>
        %mul3A_784 = arith.muli %iota3A, %mul3A_783 : vector<16xi32>
        %add3A_785 = arith.constant 26 : i32
        %add3A_786 = vector.broadcast %add3A_785 : i32 to vector<16xi32>
        %add3A_787 = arith.addi %mul3A_784, %add3A_786 : vector<16xi32>
        %gather3A_788 = tpu.vector_load_idx %arg8[%add3A_600, %and3A_591, %add3A_787, %and3A_594] masked %and3A_534 : memref<2x8x32x128xf32, #tpu.memory_space<vmem>>[vector<16xi32>, vector<16xi32>, vector<16xi32>, vector<16xi32>], vector<16xf32>, vector<16xi1>
        tpu.vector_store_idx %arg9[%and3A_577, %and3A_580, %add3A_787], %gather3A_788 masked %and3A_534 : memref<4x16x128xf32, #tpu.memory_space<vmem>>[vector<16xi32>, vector<16xi32>, vector<16xi32>], vector<16xf32>, vector<16xi1>
        %mul3A_789 = arith.constant 0 : i32
        %mul3A_790 = vector.broadcast %mul3A_789 : i32 to vector<16xi32>
        %mul3A_791 = arith.muli %iota3A, %mul3A_790 : vector<16xi32>
        %add3A_792 = arith.constant 27 : i32
        %add3A_793 = vector.broadcast %add3A_792 : i32 to vector<16xi32>
        %add3A_794 = arith.addi %mul3A_791, %add3A_793 : vector<16xi32>
        %gather3A_795 = tpu.vector_load_idx %arg8[%add3A_600, %and3A_591, %add3A_794, %and3A_594] masked %and3A_534 : memref<2x8x32x128xf32, #tpu.memory_space<vmem>>[vector<16xi32>, vector<16xi32>, vector<16xi32>, vector<16xi32>], vector<16xf32>, vector<16xi1>
        tpu.vector_store_idx %arg9[%and3A_577, %and3A_580, %add3A_794], %gather3A_795 masked %and3A_534 : memref<4x16x128xf32, #tpu.memory_space<vmem>>[vector<16xi32>, vector<16xi32>, vector<16xi32>], vector<16xf32>, vector<16xi1>
        %mul3A_796 = arith.constant 0 : i32
        %mul3A_797 = vector.broadcast %mul3A_796 : i32 to vector<16xi32>
        %mul3A_798 = arith.muli %iota3A, %mul3A_797 : vector<16xi32>
        %add3A_799 = arith.constant 28 : i32
        %add3A_800 = vector.broadcast %add3A_799 : i32 to vector<16xi32>
        %add3A_801 = arith.addi %mul3A_798, %add3A_800 : vector<16xi32>
        %gather3A_802 = tpu.vector_load_idx %arg8[%add3A_600, %and3A_591, %add3A_801, %and3A_594] masked %and3A_534 : memref<2x8x32x128xf32, #tpu.memory_space<vmem>>[vector<16xi32>, vector<16xi32>, vector<16xi32>, vector<16xi32>], vector<16xf32>, vector<16xi1>
        tpu.vector_store_idx %arg9[%and3A_577, %and3A_580, %add3A_801], %gather3A_802 masked %and3A_534 : memref<4x16x128xf32, #tpu.memory_space<vmem>>[vector<16xi32>, vector<16xi32>, vector<16xi32>], vector<16xf32>, vector<16xi1>
        %mul3A_803 = arith.constant 0 : i32
        %mul3A_804 = vector.broadcast %mul3A_803 : i32 to vector<16xi32>
        %mul3A_805 = arith.muli %iota3A, %mul3A_804 : vector<16xi32>
        %add3A_806 = arith.constant 29 : i32
        %add3A_807 = vector.broadcast %add3A_806 : i32 to vector<16xi32>
        %add3A_808 = arith.addi %mul3A_805, %add3A_807 : vector<16xi32>
        %gather3A_809 = tpu.vector_load_idx %arg8[%add3A_600, %and3A_591, %add3A_808, %and3A_594] masked %and3A_534 : memref<2x8x32x128xf32, #tpu.memory_space<vmem>>[vector<16xi32>, vector<16xi32>, vector<16xi32>, vector<16xi32>], vector<16xf32>, vector<16xi1>
        tpu.vector_store_idx %arg9[%and3A_577, %and3A_580, %add3A_808], %gather3A_809 masked %and3A_534 : memref<4x16x128xf32, #tpu.memory_space<vmem>>[vector<16xi32>, vector<16xi32>, vector<16xi32>], vector<16xf32>, vector<16xi1>
        %mul3A_810 = arith.constant 0 : i32
        %mul3A_811 = vector.broadcast %mul3A_810 : i32 to vector<16xi32>
        %mul3A_812 = arith.muli %iota3A, %mul3A_811 : vector<16xi32>
        %add3A_813 = arith.constant 30 : i32
        %add3A_814 = vector.broadcast %add3A_813 : i32 to vector<16xi32>
        %add3A_815 = arith.addi %mul3A_812, %add3A_814 : vector<16xi32>
        %gather3A_816 = tpu.vector_load_idx %arg8[%add3A_600, %and3A_591, %add3A_815, %and3A_594] masked %and3A_534 : memref<2x8x32x128xf32, #tpu.memory_space<vmem>>[vector<16xi32>, vector<16xi32>, vector<16xi32>, vector<16xi32>], vector<16xf32>, vector<16xi1>
        tpu.vector_store_idx %arg9[%and3A_577, %and3A_580, %add3A_815], %gather3A_816 masked %and3A_534 : memref<4x16x128xf32, #tpu.memory_space<vmem>>[vector<16xi32>, vector<16xi32>, vector<16xi32>], vector<16xf32>, vector<16xi1>
        %mul3A_817 = arith.constant 0 : i32
        %mul3A_818 = vector.broadcast %mul3A_817 : i32 to vector<16xi32>
        %mul3A_819 = arith.muli %iota3A, %mul3A_818 : vector<16xi32>
        %add3A_820 = arith.constant 31 : i32
        %add3A_821 = vector.broadcast %add3A_820 : i32 to vector<16xi32>
        %add3A_822 = arith.addi %mul3A_819, %add3A_821 : vector<16xi32>
        %gather3A_823 = tpu.vector_load_idx %arg8[%add3A_600, %and3A_591, %add3A_822, %and3A_594] masked %and3A_534 : memref<2x8x32x128xf32, #tpu.memory_space<vmem>>[vector<16xi32>, vector<16xi32>, vector<16xi32>, vector<16xi32>], vector<16xf32>, vector<16xi1>
        tpu.vector_store_idx %arg9[%and3A_577, %and3A_580, %add3A_822], %gather3A_823 masked %and3A_534 : memref<4x16x128xf32, #tpu.memory_space<vmem>>[vector<16xi32>, vector<16xi32>, vector<16xi32>], vector<16xf32>, vector<16xi1>
        %and3A_824 = arith.constant 63 : i32
        %and3A_825 = vector.broadcast %and3A_824 : i32 to vector<16xi32>
        %and3A_826 = arith.andi %add3A_571, %and3A_825 : vector<16xi32>
        tpu.vector_store_idx %arg10[%and3A_826], %get3A_526 masked %and3A_534 : memref<64xi32, #tpu.memory_space<vmem>>[vector<16xi32>], vector<16xi32>, vector<16xi1>
      } else {
      }
      %add3A_555 = arith.addi %and3A_536, %squeeze3A : i32
      %ge3A_556 = arith.constant 16 : i32
      %ge3A_557 = arith.cmpi sge, %add3A_555, %ge3A_556 : i32
      %convert_element_type3A_558 = arith.extui %ge3A_557 : i1 to i32
      %cond3A_559 = arith.constant 0 : i32
      %cond3A_560 = arith.cmpi ne, %convert_element_type3A_558, %cond3A_559 : i32
      scf.if %cond3A_560 {
        %and3A_565 = arith.constant 3 : i32
        %and3A_566 = arith.andi %shift_right_arithmetic3A_538, %and3A_565 : i32
        %mul3A_567 = arith.constant 16 : i32
        %mul3A_568 = arith.muli %and3A_566, %mul3A_567 : i32
        %dma_start3A_569 = arith.constant 0 : i32
        %dma_start3A_570 = arith.constant 0 : i32
        %dma_start3A_571 = tpu.memref_slice %arg9[%and3A_566, %dma_start3A_569, %dma_start3A_570] : memref<4x16x128xf32, #tpu.memory_space<vmem>> -> memref<1x16x128xf32, #tpu.memory_space<vmem>>
        %dma_start3A_572 = tpu.memref_squeeze %dma_start3A_571 : memref<1x16x128xf32, #tpu.memory_space<vmem>> -> memref<16x128xf32, #tpu.memory_space<vmem>>
        %dma_start3A_573 = tpu.memref_slice %arg10[%mul3A_568] : memref<64xi32, #tpu.memory_space<vmem>> -> memref<16xi32, #tpu.memory_space<vmem>>
        %dma_start3A_574 = arith.constant 0 : i32
        %dma_start3A_575 = arith.constant 0 : i32
        %dma_start3A_576 = tpu.memref_slice %arg4[%dma_start3A_574, %dma_start3A_575] : memref<16896x128xf32, #tpu.memory_space<hbm>> -> memref<16896x128xf32, #tpu.memory_space<hbm>>
        tpu.enqueue_indirect_dma source(%dma_start3A_572 : memref<16x128xf32, #tpu.memory_space<vmem>>) target(%dma_start3A_576 : memref<16896x128xf32, #tpu.memory_space<hbm>>) offsets(%dma_start3A_573 : memref<16xi32, #tpu.memory_space<vmem>>) semaphore(%arg12 : memref<!tpu.dma_semaphore, #tpu.memory_space<semaphore_mem>>)
      } else {
      }
      %add3A_561 = arith.constant 1 : i32
      %add3A_562 = arith.addi %while3A_515, %add3A_561 : i32
      %select_n3A_563 = arith.select %and3A_546, %add3A_562, %while3A_515 : i32
      %add3A_564 = arith.addi %while3A_514, %squeeze3A : i32
      scf.yield %add3A_564, %select_n3A_563 : i32, i32
    }
    %multiple_of3A_445 = tpu.assume_multiple %select_n3A, 128 : i32
    %add3A_446 = arith.constant 0 : i32
    %add3A_447 = arith.addi %multiple_of3A_445, %add3A_446 : i32
    %dma_start3A_448 = arith.constant 1 : i32
    %dma_start3A_449 = arith.constant 0 : i32
    %dma_start3A_450 = arith.constant 0 : i32
    %dma_start3A_451 = arith.constant 0 : i32
    %dma_start3A_452 = tpu.memref_slice %arg8[%dma_start3A_448, %dma_start3A_449, %dma_start3A_450, %dma_start3A_451] : memref<2x8x32x128xf32, #tpu.memory_space<vmem>> -> memref<1x1x32x128xf32, #tpu.memory_space<vmem>>
    %dma_start3A_453 = tpu.memref_squeeze %dma_start3A_452 : memref<1x1x32x128xf32, #tpu.memory_space<vmem>> -> memref<32x128xf32, #tpu.memory_space<vmem>>
    %dma_start3A_454 = arith.constant 0 : i32
    %dma_start3A_455 = tpu.memref_slice %arg3[%dma_start3A_454, %add3A_447] : memref<32x1000000xf32, #tpu.memory_space<hbm>> -> memref<32x128xf32, #tpu.memory_space<hbm>>
    %dma_start3A_456 = arith.constant 0 : i32
    %dma_start3A_457 = arith.constant 0 : i32
    %dma_start3A_458 = tpu.memref_slice %arg8[%dma_start3A_448, %dma_start3A_449, %dma_start3A_456, %dma_start3A_457] : memref<2x8x32x128xf32, #tpu.memory_space<vmem>> -> memref<1x1x32x128xf32, #tpu.memory_space<vmem>>
    %dma_start3A_459 = tpu.memref_squeeze %dma_start3A_458 : memref<1x1x32x128xf32, #tpu.memory_space<vmem>> -> memref<32x128xf32, #tpu.memory_space<vmem>>
    %dma_start3A_460 = arith.constant 0 : i32
    %dma_start3A_461 = tpu.memref_slice %arg3[%dma_start3A_460, %add3A_447] : memref<32x1000000xf32, #tpu.memory_space<hbm>> -> memref<32x128xf32, #tpu.memory_space<hbm>>
    tpu.enqueue_dma source(%dma_start3A_461 : memref<32x128xf32, #tpu.memory_space<hbm>>) target(%dma_start3A_459 : memref<32x128xf32, #tpu.memory_space<vmem>>) target_semaphore(%arg11 : memref<!tpu.dma_semaphore, #tpu.memory_space<semaphore_mem>>)
    %multiple_of3A_462 = tpu.assume_multiple %select_n3A, 128 : i32
    %add3A_463 = arith.constant 0 : i32
    %add3A_464 = arith.addi %multiple_of3A_462, %add3A_463 : i32
    %dma_wait3A_465 = arith.constant 1 : i32
    %dma_wait3A_466 = arith.constant 0 : i32
    %dma_wait3A_467 = arith.constant 0 : i32
    %dma_wait3A_468 = arith.constant 0 : i32
    %dma_wait3A_469 = tpu.memref_slice %arg8[%dma_wait3A_465, %dma_wait3A_466, %dma_wait3A_467, %dma_wait3A_468] : memref<2x8x32x128xf32, #tpu.memory_space<vmem>> -> memref<1x1x32x128xf32, #tpu.memory_space<vmem>>
    %dma_wait3A_470 = tpu.memref_squeeze %dma_wait3A_469 : memref<1x1x32x128xf32, #tpu.memory_space<vmem>> -> memref<32x128xf32, #tpu.memory_space<vmem>>
    %dma_wait3A_471 = arith.constant 0 : i32
    %dma_wait3A_472 = tpu.memref_slice %arg3[%dma_wait3A_471, %add3A_464] : memref<32x1000000xf32, #tpu.memory_space<hbm>> -> memref<32x128xf32, #tpu.memory_space<hbm>>
    %dma_wait3A_473 = arith.constant 0 : i32
    %dma_wait3A_474 = arith.constant 0 : i32
    %dma_wait3A_475 = tpu.memref_slice %arg8[%dma_wait3A_465, %dma_wait3A_466, %dma_wait3A_473, %dma_wait3A_474] : memref<2x8x32x128xf32, #tpu.memory_space<vmem>> -> memref<1x1x32x128xf32, #tpu.memory_space<vmem>>
    %dma_wait3A_476 = tpu.memref_squeeze %dma_wait3A_475 : memref<1x1x32x128xf32, #tpu.memory_space<vmem>> -> memref<32x128xf32, #tpu.memory_space<vmem>>
    %dma_wait3A_477 = arith.constant 0 : i32
    %dma_wait3A_478 = tpu.memref_slice %arg3[%dma_wait3A_477, %add3A_464] : memref<32x1000000xf32, #tpu.memory_space<hbm>> -> memref<32x128xf32, #tpu.memory_space<hbm>>
    tpu.wait_dma2 semaphore(%arg11 : memref<!tpu.dma_semaphore, #tpu.memory_space<semaphore_mem>>) src(%dma_wait3A_478 : memref<32x128xf32, #tpu.memory_space<hbm>>) dst(%dma_wait3A_476 : memref<32x128xf32, #tpu.memory_space<vmem>>)
    %while3A_479 = arith.constant 0 : i32
    %while3A_480 = arith.subi %shift_right_arithmetic3A_289, %while3A_479 : i32
    %while3A_481 = arith.addi %while3A_479, %while3A_480 : i32
    %while3A_482 = arith.constant 1 : i32
    %while3A_483 = arith.divsi %while3A_480, %while3A_482 : i32
    %while3A_484 = arith.muli %while3A_483, %while3A_482 : i32
    %while3A_485 = arith.addi %while3A_479, %while3A_484 : i32
    %while3A_486 = arith.constant 1 : i32
    %while3A_487:2 = scf.for %while3A_513 = %while3A_479 to %while3A_485 step %while3A_486 iter_args(%while3A_514 = %while3A_444#0, %while3A_515 = %while3A_444#1) -> (i32, i32)  : i32 {
      %mul3A_516 = arith.constant 16 : i32
      %mul3A_517 = arith.muli %while3A_513, %mul3A_516 : i32
      %add3A_518 = vector.broadcast %mul3A_517 : i32 to vector<16xi32>
      %add3A_519 = arith.addi %add3A_518, %iota3A : vector<16xi32>
      %mul3A_520 = arith.constant 16 : i32
      %mul3A_521 = arith.muli %while3A_513, %mul3A_520 : i32
      %get3A = arith.index_cast %mul3A_521 : i32 to index
      %get3A_522 = tpu.vector_load %arg6[%get3A] {strides = array<i32>} : memref<16384xi32, #tpu.memory_space<vmem>>, vector<16xi32>,
      %mul3A_523 = arith.constant 16 : i32
      %mul3A_524 = arith.muli %while3A_513, %mul3A_523 : i32
      %get3A_525 = arith.index_cast %mul3A_524 : i32 to index
      %get3A_526 = tpu.vector_load %arg7[%get3A_525] {strides = array<i32>} : memref<16384xi32, #tpu.memory_space<vmem>>, vector<16xi32>,
      %ge3A = vector.broadcast %select_n3A : i32 to vector<16xi32>
      %ge3A_527 = arith.cmpi sge, %get3A_522, %ge3A : vector<16xi32>
      %add3A_528 = arith.constant 128 : i32
      %add3A_529 = arith.addi %select_n3A, %add3A_528 : i32
      %lt3A = vector.broadcast %add3A_529 : i32 to vector<16xi32>
      %lt3A_530 = arith.cmpi slt, %get3A_522, %lt3A : vector<16xi32>
      %and3A_531 = arith.andi %ge3A_527, %lt3A_530 : vector<16xi1>
      %lt3A_532 = vector.broadcast %scan3A_284 : i32 to vector<16xi32>
      %lt3A_533 = arith.cmpi slt, %add3A_519, %lt3A_532 : vector<16xi32>
      %and3A_534 = arith.andi %and3A_531, %lt3A_533 : vector<16xi1>
      %all_reduce_population_count3A = tpu.all_reduce %and3A_534 {dim = 0 : i64, kind = #tpu.reduction_kind<sum>} : vector<16xi1> -> vector<16xi32>
      %slice3A = vector.extract_strided_slice %all_reduce_population_count3A {offsets = [0], sizes = [1], strides = [1]} : vector<16xi32> to vector<1xi32>
      %squeeze3A = vector.extract %slice3A[0] : i32 from vector<1xi32>
      %and3A_535 = arith.constant 15 : i32
      %and3A_536 = arith.andi %while3A_514, %and3A_535 : i32
      %shift_right_arithmetic3A_537 = arith.constant 4 : i32
      %shift_right_arithmetic3A_538 = arith.shrsi %while3A_514, %shift_right_arithmetic3A_537 : i32
      %add3A_539 = arith.addi %and3A_536, %squeeze3A : i32
      %gt3A_540 = arith.constant 16 : i32
      %gt3A_541 = arith.cmpi sgt, %add3A_539, %gt3A_540 : i32
      %add3A_542 = arith.constant 1 : i32
      %add3A_543 = arith.addi %shift_right_arithmetic3A_538, %add3A_542 : i32
      %ge3A_544 = arith.constant 4 : i32
      %ge3A_545 = arith.cmpi sge, %add3A_543, %ge3A_544 : i32
      %and3A_546 = arith.andi %gt3A_541, %ge3A_545 : i1
      %convert_element_type3A_547 = arith.extui %and3A_546 : i1 to i32
      %cond3A_548 = arith.constant 0 : i32
      %cond3A_549 = arith.cmpi ne, %convert_element_type3A_547, %cond3A_548 : i32
      scf.if %cond3A_549 {
        %add3A_565 = arith.constant 1 : i32
        %add3A_566 = arith.addi %shift_right_arithmetic3A_538, %add3A_565 : i32
        %and3A_567 = arith.constant 3 : i32
        %and3A_568 = arith.andi %add3A_566, %and3A_567 : i32
        %mul3A_569 = arith.constant 16 : i32
        %mul3A_570 = arith.muli %and3A_568, %mul3A_569 : i32
        %dma_wait3A_571 = arith.constant 0 : i32
        %dma_wait3A_572 = arith.constant 0 : i32
        %dma_wait3A_573 = tpu.memref_slice %arg9[%and3A_568, %dma_wait3A_571, %dma_wait3A_572] : memref<4x16x128xf32, #tpu.memory_space<vmem>> -> memref<1x16x128xf32, #tpu.memory_space<vmem>>
        %dma_wait3A_574 = tpu.memref_squeeze %dma_wait3A_573 : memref<1x16x128xf32, #tpu.memory_space<vmem>> -> memref<16x128xf32, #tpu.memory_space<vmem>>
        %dma_wait3A_575 = tpu.memref_slice %arg10[%mul3A_570] : memref<64xi32, #tpu.memory_space<vmem>> -> memref<16xi32, #tpu.memory_space<vmem>>
        %dma_wait3A_576 = arith.constant 0 : i32
        %dma_wait3A_577 = arith.constant 0 : i32
        %dma_wait3A_578 = tpu.memref_slice %arg4[%dma_wait3A_576, %dma_wait3A_577] : memref<16896x128xf32, #tpu.memory_space<hbm>> -> memref<16896x128xf32, #tpu.memory_space<hbm>>
        tpu.wait_indirect_dma semaphore(%arg12 : memref<!tpu.dma_semaphore, #tpu.memory_space<semaphore_mem>>) src(%dma_wait3A_574 : memref<16x128xf32, #tpu.memory_space<vmem>>) dst(%dma_wait3A_578 : memref<16896x128xf32, #tpu.memory_space<hbm>>)
      } else {
      }
      %gt3A_550 = arith.constant 0 : i32
      %gt3A_551 = arith.cmpi sgt, %squeeze3A, %gt3A_550 : i32
      %convert_element_type3A_552 = arith.extui %gt3A_551 : i1 to i32
      %cond3A_553 = arith.constant 0 : i32
      %cond3A_554 = arith.cmpi ne, %convert_element_type3A_552, %cond3A_553 : i32
      scf.if %cond3A_554 {
        %convert_element_type3A_565 = arith.extui %and3A_534 : vector<16xi1> to vector<16xi32>
        %broadcast_in_dim3A = arith.constant true
        %broadcast_in_dim3A_566 = vector.broadcast %broadcast_in_dim3A : i1 to vector<16xi1>
        %masked_cumsum3A = tpu.scan <sum>, %convert_element_type3A_565 masked %broadcast_in_dim3A_566 : vector<16xi32>, vector<16xi1> -> vector<16xi32>
        %sub3A_567 = arith.constant 1 : i32
        %sub3A_568 = vector.broadcast %sub3A_567 : i32 to vector<16xi32>
        %sub3A_569 = arith.subi %masked_cumsum3A, %sub3A_568 : vector<16xi32>
        %add3A_570 = vector.broadcast %while3A_514 : i32 to vector<16xi32>
        %add3A_571 = arith.addi %add3A_570, %sub3A_569 : vector<16xi32>
        %shift_right_arithmetic3A_572 = arith.constant 4 : i32
        %shift_right_arithmetic3A_573 = vector.broadcast %shift_right_arithmetic3A_572 : i32 to vector<16xi32>
        %shift_right_arithmetic3A_574 = arith.shrsi %add3A_571, %shift_right_arithmetic3A_573 : vector<16xi32>
        %and3A_575 = arith.constant 3 : i32
        %and3A_576 = vector.broadcast %and3A_575 : i32 to vector<16xi32>
        %and3A_577 = arith.andi %shift_right_arithmetic3A_574, %and3A_576 : vector<16xi32>
        %and3A_578 = arith.constant 15 : i32
        %and3A_579 = vector.broadcast %and3A_578 : i32 to vector<16xi32>
        %and3A_580 = arith.andi %add3A_571, %and3A_579 : vector<16xi32>
        %sub3A_581 = vector.broadcast %select_n3A : i32 to vector<16xi32>
        %sub3A_582 = arith.subi %get3A_522, %sub3A_581 : vector<16xi32>
        %and3A_583 = arith.constant 1023 : i32
        %and3A_584 = vector.broadcast %and3A_583 : i32 to vector<16xi32>
        %and3A_585 = arith.andi %sub3A_582, %and3A_584 : vector<16xi32>
        %shift_right_arithmetic3A_586 = arith.constant 7 : i32
        %shift_right_arithmetic3A_587 = vector.broadcast %shift_right_arithmetic3A_586 : i32 to vector<16xi32>
        %shift_right_arithmetic3A_588 = arith.shrsi %and3A_585, %shift_right_arithmetic3A_587 : vector<16xi32>
        %and3A_589 = arith.constant 7 : i32
        %and3A_590 = vector.broadcast %and3A_589 : i32 to vector<16xi32>
        %and3A_591 = arith.andi %shift_right_arithmetic3A_588, %and3A_590 : vector<16xi32>
        %and3A_592 = arith.constant 127 : i32
        %and3A_593 = vector.broadcast %and3A_592 : i32 to vector<16xi32>
        %and3A_594 = arith.andi %and3A_585, %and3A_593 : vector<16xi32>
        %mul3A_595 = arith.constant 0 : i32
        %mul3A_596 = vector.broadcast %mul3A_595 : i32 to vector<16xi32>
        %mul3A_597 = arith.muli %iota3A, %mul3A_596 : vector<16xi32>
        %add3A_598 = arith.constant 1 : i32
        %add3A_599 = vector.broadcast %add3A_598 : i32 to vector<16xi32>
        %add3A_600 = arith.addi %mul3A_597, %add3A_599 : vector<16xi32>
        %mul3A_601 = arith.constant 0 : i32
        %mul3A_602 = vector.broadcast %mul3A_601 : i32 to vector<16xi32>
        %mul3A_603 = arith.muli %iota3A, %mul3A_602 : vector<16xi32>
        %add3A_604 = arith.constant 0 : i32
        %add3A_605 = vector.broadcast %add3A_604 : i32 to vector<16xi32>
        %add3A_606 = arith.addi %mul3A_603, %add3A_605 : vector<16xi32>
        %gather3A = tpu.vector_load_idx %arg8[%add3A_600, %and3A_591, %add3A_606, %and3A_594] masked %and3A_534 : memref<2x8x32x128xf32, #tpu.memory_space<vmem>>[vector<16xi32>, vector<16xi32>, vector<16xi32>, vector<16xi32>], vector<16xf32>, vector<16xi1>
        tpu.vector_store_idx %arg9[%and3A_577, %and3A_580, %add3A_606], %gather3A masked %and3A_534 : memref<4x16x128xf32, #tpu.memory_space<vmem>>[vector<16xi32>, vector<16xi32>, vector<16xi32>], vector<16xf32>, vector<16xi1>
        %mul3A_607 = arith.constant 0 : i32
        %mul3A_608 = vector.broadcast %mul3A_607 : i32 to vector<16xi32>
        %mul3A_609 = arith.muli %iota3A, %mul3A_608 : vector<16xi32>
        %add3A_610 = arith.constant 1 : i32
        %add3A_611 = vector.broadcast %add3A_610 : i32 to vector<16xi32>
        %add3A_612 = arith.addi %mul3A_609, %add3A_611 : vector<16xi32>
        %gather3A_613 = tpu.vector_load_idx %arg8[%add3A_600, %and3A_591, %add3A_612, %and3A_594] masked %and3A_534 : memref<2x8x32x128xf32, #tpu.memory_space<vmem>>[vector<16xi32>, vector<16xi32>, vector<16xi32>, vector<16xi32>], vector<16xf32>, vector<16xi1>
        tpu.vector_store_idx %arg9[%and3A_577, %and3A_580, %add3A_612], %gather3A_613 masked %and3A_534 : memref<4x16x128xf32, #tpu.memory_space<vmem>>[vector<16xi32>, vector<16xi32>, vector<16xi32>], vector<16xf32>, vector<16xi1>
        %mul3A_614 = arith.constant 0 : i32
        %mul3A_615 = vector.broadcast %mul3A_614 : i32 to vector<16xi32>
        %mul3A_616 = arith.muli %iota3A, %mul3A_615 : vector<16xi32>
        %add3A_617 = arith.constant 2 : i32
        %add3A_618 = vector.broadcast %add3A_617 : i32 to vector<16xi32>
        %add3A_619 = arith.addi %mul3A_616, %add3A_618 : vector<16xi32>
        %gather3A_620 = tpu.vector_load_idx %arg8[%add3A_600, %and3A_591, %add3A_619, %and3A_594] masked %and3A_534 : memref<2x8x32x128xf32, #tpu.memory_space<vmem>>[vector<16xi32>, vector<16xi32>, vector<16xi32>, vector<16xi32>], vector<16xf32>, vector<16xi1>
        tpu.vector_store_idx %arg9[%and3A_577, %and3A_580, %add3A_619], %gather3A_620 masked %and3A_534 : memref<4x16x128xf32, #tpu.memory_space<vmem>>[vector<16xi32>, vector<16xi32>, vector<16xi32>], vector<16xf32>, vector<16xi1>
        %mul3A_621 = arith.constant 0 : i32
        %mul3A_622 = vector.broadcast %mul3A_621 : i32 to vector<16xi32>
        %mul3A_623 = arith.muli %iota3A, %mul3A_622 : vector<16xi32>
        %add3A_624 = arith.constant 3 : i32
        %add3A_625 = vector.broadcast %add3A_624 : i32 to vector<16xi32>
        %add3A_626 = arith.addi %mul3A_623, %add3A_625 : vector<16xi32>
        %gather3A_627 = tpu.vector_load_idx %arg8[%add3A_600, %and3A_591, %add3A_626, %and3A_594] masked %and3A_534 : memref<2x8x32x128xf32, #tpu.memory_space<vmem>>[vector<16xi32>, vector<16xi32>, vector<16xi32>, vector<16xi32>], vector<16xf32>, vector<16xi1>
        tpu.vector_store_idx %arg9[%and3A_577, %and3A_580, %add3A_626], %gather3A_627 masked %and3A_534 : memref<4x16x128xf32, #tpu.memory_space<vmem>>[vector<16xi32>, vector<16xi32>, vector<16xi32>], vector<16xf32>, vector<16xi1>
        %mul3A_628 = arith.constant 0 : i32
        %mul3A_629 = vector.broadcast %mul3A_628 : i32 to vector<16xi32>
        %mul3A_630 = arith.muli %iota3A, %mul3A_629 : vector<16xi32>
        %add3A_631 = arith.constant 4 : i32
        %add3A_632 = vector.broadcast %add3A_631 : i32 to vector<16xi32>
        %add3A_633 = arith.addi %mul3A_630, %add3A_632 : vector<16xi32>
        %gather3A_634 = tpu.vector_load_idx %arg8[%add3A_600, %and3A_591, %add3A_633, %and3A_594] masked %and3A_534 : memref<2x8x32x128xf32, #tpu.memory_space<vmem>>[vector<16xi32>, vector<16xi32>, vector<16xi32>, vector<16xi32>], vector<16xf32>, vector<16xi1>
        tpu.vector_store_idx %arg9[%and3A_577, %and3A_580, %add3A_633], %gather3A_634 masked %and3A_534 : memref<4x16x128xf32, #tpu.memory_space<vmem>>[vector<16xi32>, vector<16xi32>, vector<16xi32>], vector<16xf32>, vector<16xi1>
        %mul3A_635 = arith.constant 0 : i32
        %mul3A_636 = vector.broadcast %mul3A_635 : i32 to vector<16xi32>
        %mul3A_637 = arith.muli %iota3A, %mul3A_636 : vector<16xi32>
        %add3A_638 = arith.constant 5 : i32
        %add3A_639 = vector.broadcast %add3A_638 : i32 to vector<16xi32>
        %add3A_640 = arith.addi %mul3A_637, %add3A_639 : vector<16xi32>
        %gather3A_641 = tpu.vector_load_idx %arg8[%add3A_600, %and3A_591, %add3A_640, %and3A_594] masked %and3A_534 : memref<2x8x32x128xf32, #tpu.memory_space<vmem>>[vector<16xi32>, vector<16xi32>, vector<16xi32>, vector<16xi32>], vector<16xf32>, vector<16xi1>
        tpu.vector_store_idx %arg9[%and3A_577, %and3A_580, %add3A_640], %gather3A_641 masked %and3A_534 : memref<4x16x128xf32, #tpu.memory_space<vmem>>[vector<16xi32>, vector<16xi32>, vector<16xi32>], vector<16xf32>, vector<16xi1>
        %mul3A_642 = arith.constant 0 : i32
        %mul3A_643 = vector.broadcast %mul3A_642 : i32 to vector<16xi32>
        %mul3A_644 = arith.muli %iota3A, %mul3A_643 : vector<16xi32>
        %add3A_645 = arith.constant 6 : i32
        %add3A_646 = vector.broadcast %add3A_645 : i32 to vector<16xi32>
        %add3A_647 = arith.addi %mul3A_644, %add3A_646 : vector<16xi32>
        %gather3A_648 = tpu.vector_load_idx %arg8[%add3A_600, %and3A_591, %add3A_647, %and3A_594] masked %and3A_534 : memref<2x8x32x128xf32, #tpu.memory_space<vmem>>[vector<16xi32>, vector<16xi32>, vector<16xi32>, vector<16xi32>], vector<16xf32>, vector<16xi1>
        tpu.vector_store_idx %arg9[%and3A_577, %and3A_580, %add3A_647], %gather3A_648 masked %and3A_534 : memref<4x16x128xf32, #tpu.memory_space<vmem>>[vector<16xi32>, vector<16xi32>, vector<16xi32>], vector<16xf32>, vector<16xi1>
        %mul3A_649 = arith.constant 0 : i32
        %mul3A_650 = vector.broadcast %mul3A_649 : i32 to vector<16xi32>
        %mul3A_651 = arith.muli %iota3A, %mul3A_650 : vector<16xi32>
        %add3A_652 = arith.constant 7 : i32
        %add3A_653 = vector.broadcast %add3A_652 : i32 to vector<16xi32>
        %add3A_654 = arith.addi %mul3A_651, %add3A_653 : vector<16xi32>
        %gather3A_655 = tpu.vector_load_idx %arg8[%add3A_600, %and3A_591, %add3A_654, %and3A_594] masked %and3A_534 : memref<2x8x32x128xf32, #tpu.memory_space<vmem>>[vector<16xi32>, vector<16xi32>, vector<16xi32>, vector<16xi32>], vector<16xf32>, vector<16xi1>
        tpu.vector_store_idx %arg9[%and3A_577, %and3A_580, %add3A_654], %gather3A_655 masked %and3A_534 : memref<4x16x128xf32, #tpu.memory_space<vmem>>[vector<16xi32>, vector<16xi32>, vector<16xi32>], vector<16xf32>, vector<16xi1>
        %mul3A_656 = arith.constant 0 : i32
        %mul3A_657 = vector.broadcast %mul3A_656 : i32 to vector<16xi32>
        %mul3A_658 = arith.muli %iota3A, %mul3A_657 : vector<16xi32>
        %add3A_659 = arith.constant 8 : i32
        %add3A_660 = vector.broadcast %add3A_659 : i32 to vector<16xi32>
        %add3A_661 = arith.addi %mul3A_658, %add3A_660 : vector<16xi32>
        %gather3A_662 = tpu.vector_load_idx %arg8[%add3A_600, %and3A_591, %add3A_661, %and3A_594] masked %and3A_534 : memref<2x8x32x128xf32, #tpu.memory_space<vmem>>[vector<16xi32>, vector<16xi32>, vector<16xi32>, vector<16xi32>], vector<16xf32>, vector<16xi1>
        tpu.vector_store_idx %arg9[%and3A_577, %and3A_580, %add3A_661], %gather3A_662 masked %and3A_534 : memref<4x16x128xf32, #tpu.memory_space<vmem>>[vector<16xi32>, vector<16xi32>, vector<16xi32>], vector<16xf32>, vector<16xi1>
        %mul3A_663 = arith.constant 0 : i32
        %mul3A_664 = vector.broadcast %mul3A_663 : i32 to vector<16xi32>
        %mul3A_665 = arith.muli %iota3A, %mul3A_664 : vector<16xi32>
        %add3A_666 = arith.constant 9 : i32
        %add3A_667 = vector.broadcast %add3A_666 : i32 to vector<16xi32>
        %add3A_668 = arith.addi %mul3A_665, %add3A_667 : vector<16xi32>
        %gather3A_669 = tpu.vector_load_idx %arg8[%add3A_600, %and3A_591, %add3A_668, %and3A_594] masked %and3A_534 : memref<2x8x32x128xf32, #tpu.memory_space<vmem>>[vector<16xi32>, vector<16xi32>, vector<16xi32>, vector<16xi32>], vector<16xf32>, vector<16xi1>
        tpu.vector_store_idx %arg9[%and3A_577, %and3A_580, %add3A_668], %gather3A_669 masked %and3A_534 : memref<4x16x128xf32, #tpu.memory_space<vmem>>[vector<16xi32>, vector<16xi32>, vector<16xi32>], vector<16xf32>, vector<16xi1>
        %mul3A_670 = arith.constant 0 : i32
        %mul3A_671 = vector.broadcast %mul3A_670 : i32 to vector<16xi32>
        %mul3A_672 = arith.muli %iota3A, %mul3A_671 : vector<16xi32>
        %add3A_673 = arith.constant 10 : i32
        %add3A_674 = vector.broadcast %add3A_673 : i32 to vector<16xi32>
        %add3A_675 = arith.addi %mul3A_672, %add3A_674 : vector<16xi32>
        %gather3A_676 = tpu.vector_load_idx %arg8[%add3A_600, %and3A_591, %add3A_675, %and3A_594] masked %and3A_534 : memref<2x8x32x128xf32, #tpu.memory_space<vmem>>[vector<16xi32>, vector<16xi32>, vector<16xi32>, vector<16xi32>], vector<16xf32>, vector<16xi1>
        tpu.vector_store_idx %arg9[%and3A_577, %and3A_580, %add3A_675], %gather3A_676 masked %and3A_534 : memref<4x16x128xf32, #tpu.memory_space<vmem>>[vector<16xi32>, vector<16xi32>, vector<16xi32>], vector<16xf32>, vector<16xi1>
        %mul3A_677 = arith.constant 0 : i32
        %mul3A_678 = vector.broadcast %mul3A_677 : i32 to vector<16xi32>
        %mul3A_679 = arith.muli %iota3A, %mul3A_678 : vector<16xi32>
        %add3A_680 = arith.constant 11 : i32
        %add3A_681 = vector.broadcast %add3A_680 : i32 to vector<16xi32>
        %add3A_682 = arith.addi %mul3A_679, %add3A_681 : vector<16xi32>
        %gather3A_683 = tpu.vector_load_idx %arg8[%add3A_600, %and3A_591, %add3A_682, %and3A_594] masked %and3A_534 : memref<2x8x32x128xf32, #tpu.memory_space<vmem>>[vector<16xi32>, vector<16xi32>, vector<16xi32>, vector<16xi32>], vector<16xf32>, vector<16xi1>
        tpu.vector_store_idx %arg9[%and3A_577, %and3A_580, %add3A_682], %gather3A_683 masked %and3A_534 : memref<4x16x128xf32, #tpu.memory_space<vmem>>[vector<16xi32>, vector<16xi32>, vector<16xi32>], vector<16xf32>, vector<16xi1>
        %mul3A_684 = arith.constant 0 : i32
        %mul3A_685 = vector.broadcast %mul3A_684 : i32 to vector<16xi32>
        %mul3A_686 = arith.muli %iota3A, %mul3A_685 : vector<16xi32>
        %add3A_687 = arith.constant 12 : i32
        %add3A_688 = vector.broadcast %add3A_687 : i32 to vector<16xi32>
        %add3A_689 = arith.addi %mul3A_686, %add3A_688 : vector<16xi32>
        %gather3A_690 = tpu.vector_load_idx %arg8[%add3A_600, %and3A_591, %add3A_689, %and3A_594] masked %and3A_534 : memref<2x8x32x128xf32, #tpu.memory_space<vmem>>[vector<16xi32>, vector<16xi32>, vector<16xi32>, vector<16xi32>], vector<16xf32>, vector<16xi1>
        tpu.vector_store_idx %arg9[%and3A_577, %and3A_580, %add3A_689], %gather3A_690 masked %and3A_534 : memref<4x16x128xf32, #tpu.memory_space<vmem>>[vector<16xi32>, vector<16xi32>, vector<16xi32>], vector<16xf32>, vector<16xi1>
        %mul3A_691 = arith.constant 0 : i32
        %mul3A_692 = vector.broadcast %mul3A_691 : i32 to vector<16xi32>
        %mul3A_693 = arith.muli %iota3A, %mul3A_692 : vector<16xi32>
        %add3A_694 = arith.constant 13 : i32
        %add3A_695 = vector.broadcast %add3A_694 : i32 to vector<16xi32>
        %add3A_696 = arith.addi %mul3A_693, %add3A_695 : vector<16xi32>
        %gather3A_697 = tpu.vector_load_idx %arg8[%add3A_600, %and3A_591, %add3A_696, %and3A_594] masked %and3A_534 : memref<2x8x32x128xf32, #tpu.memory_space<vmem>>[vector<16xi32>, vector<16xi32>, vector<16xi32>, vector<16xi32>], vector<16xf32>, vector<16xi1>
        tpu.vector_store_idx %arg9[%and3A_577, %and3A_580, %add3A_696], %gather3A_697 masked %and3A_534 : memref<4x16x128xf32, #tpu.memory_space<vmem>>[vector<16xi32>, vector<16xi32>, vector<16xi32>], vector<16xf32>, vector<16xi1>
        %mul3A_698 = arith.constant 0 : i32
        %mul3A_699 = vector.broadcast %mul3A_698 : i32 to vector<16xi32>
        %mul3A_700 = arith.muli %iota3A, %mul3A_699 : vector<16xi32>
        %add3A_701 = arith.constant 14 : i32
        %add3A_702 = vector.broadcast %add3A_701 : i32 to vector<16xi32>
        %add3A_703 = arith.addi %mul3A_700, %add3A_702 : vector<16xi32>
        %gather3A_704 = tpu.vector_load_idx %arg8[%add3A_600, %and3A_591, %add3A_703, %and3A_594] masked %and3A_534 : memref<2x8x32x128xf32, #tpu.memory_space<vmem>>[vector<16xi32>, vector<16xi32>, vector<16xi32>, vector<16xi32>], vector<16xf32>, vector<16xi1>
        tpu.vector_store_idx %arg9[%and3A_577, %and3A_580, %add3A_703], %gather3A_704 masked %and3A_534 : memref<4x16x128xf32, #tpu.memory_space<vmem>>[vector<16xi32>, vector<16xi32>, vector<16xi32>], vector<16xf32>, vector<16xi1>
        %mul3A_705 = arith.constant 0 : i32
        %mul3A_706 = vector.broadcast %mul3A_705 : i32 to vector<16xi32>
        %mul3A_707 = arith.muli %iota3A, %mul3A_706 : vector<16xi32>
        %add3A_708 = arith.constant 15 : i32
        %add3A_709 = vector.broadcast %add3A_708 : i32 to vector<16xi32>
        %add3A_710 = arith.addi %mul3A_707, %add3A_709 : vector<16xi32>
        %gather3A_711 = tpu.vector_load_idx %arg8[%add3A_600, %and3A_591, %add3A_710, %and3A_594] masked %and3A_534 : memref<2x8x32x128xf32, #tpu.memory_space<vmem>>[vector<16xi32>, vector<16xi32>, vector<16xi32>, vector<16xi32>], vector<16xf32>, vector<16xi1>
        tpu.vector_store_idx %arg9[%and3A_577, %and3A_580, %add3A_710], %gather3A_711 masked %and3A_534 : memref<4x16x128xf32, #tpu.memory_space<vmem>>[vector<16xi32>, vector<16xi32>, vector<16xi32>], vector<16xf32>, vector<16xi1>
        %mul3A_712 = arith.constant 0 : i32
        %mul3A_713 = vector.broadcast %mul3A_712 : i32 to vector<16xi32>
        %mul3A_714 = arith.muli %iota3A, %mul3A_713 : vector<16xi32>
        %add3A_715 = arith.constant 16 : i32
        %add3A_716 = vector.broadcast %add3A_715 : i32 to vector<16xi32>
        %add3A_717 = arith.addi %mul3A_714, %add3A_716 : vector<16xi32>
        %gather3A_718 = tpu.vector_load_idx %arg8[%add3A_600, %and3A_591, %add3A_717, %and3A_594] masked %and3A_534 : memref<2x8x32x128xf32, #tpu.memory_space<vmem>>[vector<16xi32>, vector<16xi32>, vector<16xi32>, vector<16xi32>], vector<16xf32>, vector<16xi1>
        tpu.vector_store_idx %arg9[%and3A_577, %and3A_580, %add3A_717], %gather3A_718 masked %and3A_534 : memref<4x16x128xf32, #tpu.memory_space<vmem>>[vector<16xi32>, vector<16xi32>, vector<16xi32>], vector<16xf32>, vector<16xi1>
        %mul3A_719 = arith.constant 0 : i32
        %mul3A_720 = vector.broadcast %mul3A_719 : i32 to vector<16xi32>
        %mul3A_721 = arith.muli %iota3A, %mul3A_720 : vector<16xi32>
        %add3A_722 = arith.constant 17 : i32
        %add3A_723 = vector.broadcast %add3A_722 : i32 to vector<16xi32>
        %add3A_724 = arith.addi %mul3A_721, %add3A_723 : vector<16xi32>
        %gather3A_725 = tpu.vector_load_idx %arg8[%add3A_600, %and3A_591, %add3A_724, %and3A_594] masked %and3A_534 : memref<2x8x32x128xf32, #tpu.memory_space<vmem>>[vector<16xi32>, vector<16xi32>, vector<16xi32>, vector<16xi32>], vector<16xf32>, vector<16xi1>
        tpu.vector_store_idx %arg9[%and3A_577, %and3A_580, %add3A_724], %gather3A_725 masked %and3A_534 : memref<4x16x128xf32, #tpu.memory_space<vmem>>[vector<16xi32>, vector<16xi32>, vector<16xi32>], vector<16xf32>, vector<16xi1>
        %mul3A_726 = arith.constant 0 : i32
        %mul3A_727 = vector.broadcast %mul3A_726 : i32 to vector<16xi32>
        %mul3A_728 = arith.muli %iota3A, %mul3A_727 : vector<16xi32>
        %add3A_729 = arith.constant 18 : i32
        %add3A_730 = vector.broadcast %add3A_729 : i32 to vector<16xi32>
        %add3A_731 = arith.addi %mul3A_728, %add3A_730 : vector<16xi32>
        %gather3A_732 = tpu.vector_load_idx %arg8[%add3A_600, %and3A_591, %add3A_731, %and3A_594] masked %and3A_534 : memref<2x8x32x128xf32, #tpu.memory_space<vmem>>[vector<16xi32>, vector<16xi32>, vector<16xi32>, vector<16xi32>], vector<16xf32>, vector<16xi1>
        tpu.vector_store_idx %arg9[%and3A_577, %and3A_580, %add3A_731], %gather3A_732 masked %and3A_534 : memref<4x16x128xf32, #tpu.memory_space<vmem>>[vector<16xi32>, vector<16xi32>, vector<16xi32>], vector<16xf32>, vector<16xi1>
        %mul3A_733 = arith.constant 0 : i32
        %mul3A_734 = vector.broadcast %mul3A_733 : i32 to vector<16xi32>
        %mul3A_735 = arith.muli %iota3A, %mul3A_734 : vector<16xi32>
        %add3A_736 = arith.constant 19 : i32
        %add3A_737 = vector.broadcast %add3A_736 : i32 to vector<16xi32>
        %add3A_738 = arith.addi %mul3A_735, %add3A_737 : vector<16xi32>
        %gather3A_739 = tpu.vector_load_idx %arg8[%add3A_600, %and3A_591, %add3A_738, %and3A_594] masked %and3A_534 : memref<2x8x32x128xf32, #tpu.memory_space<vmem>>[vector<16xi32>, vector<16xi32>, vector<16xi32>, vector<16xi32>], vector<16xf32>, vector<16xi1>
        tpu.vector_store_idx %arg9[%and3A_577, %and3A_580, %add3A_738], %gather3A_739 masked %and3A_534 : memref<4x16x128xf32, #tpu.memory_space<vmem>>[vector<16xi32>, vector<16xi32>, vector<16xi32>], vector<16xf32>, vector<16xi1>
        %mul3A_740 = arith.constant 0 : i32
        %mul3A_741 = vector.broadcast %mul3A_740 : i32 to vector<16xi32>
        %mul3A_742 = arith.muli %iota3A, %mul3A_741 : vector<16xi32>
        %add3A_743 = arith.constant 20 : i32
        %add3A_744 = vector.broadcast %add3A_743 : i32 to vector<16xi32>
        %add3A_745 = arith.addi %mul3A_742, %add3A_744 : vector<16xi32>
        %gather3A_746 = tpu.vector_load_idx %arg8[%add3A_600, %and3A_591, %add3A_745, %and3A_594] masked %and3A_534 : memref<2x8x32x128xf32, #tpu.memory_space<vmem>>[vector<16xi32>, vector<16xi32>, vector<16xi32>, vector<16xi32>], vector<16xf32>, vector<16xi1>
        tpu.vector_store_idx %arg9[%and3A_577, %and3A_580, %add3A_745], %gather3A_746 masked %and3A_534 : memref<4x16x128xf32, #tpu.memory_space<vmem>>[vector<16xi32>, vector<16xi32>, vector<16xi32>], vector<16xf32>, vector<16xi1>
        %mul3A_747 = arith.constant 0 : i32
        %mul3A_748 = vector.broadcast %mul3A_747 : i32 to vector<16xi32>
        %mul3A_749 = arith.muli %iota3A, %mul3A_748 : vector<16xi32>
        %add3A_750 = arith.constant 21 : i32
        %add3A_751 = vector.broadcast %add3A_750 : i32 to vector<16xi32>
        %add3A_752 = arith.addi %mul3A_749, %add3A_751 : vector<16xi32>
        %gather3A_753 = tpu.vector_load_idx %arg8[%add3A_600, %and3A_591, %add3A_752, %and3A_594] masked %and3A_534 : memref<2x8x32x128xf32, #tpu.memory_space<vmem>>[vector<16xi32>, vector<16xi32>, vector<16xi32>, vector<16xi32>], vector<16xf32>, vector<16xi1>
        tpu.vector_store_idx %arg9[%and3A_577, %and3A_580, %add3A_752], %gather3A_753 masked %and3A_534 : memref<4x16x128xf32, #tpu.memory_space<vmem>>[vector<16xi32>, vector<16xi32>, vector<16xi32>], vector<16xf32>, vector<16xi1>
        %mul3A_754 = arith.constant 0 : i32
        %mul3A_755 = vector.broadcast %mul3A_754 : i32 to vector<16xi32>
        %mul3A_756 = arith.muli %iota3A, %mul3A_755 : vector<16xi32>
        %add3A_757 = arith.constant 22 : i32
        %add3A_758 = vector.broadcast %add3A_757 : i32 to vector<16xi32>
        %add3A_759 = arith.addi %mul3A_756, %add3A_758 : vector<16xi32>
        %gather3A_760 = tpu.vector_load_idx %arg8[%add3A_600, %and3A_591, %add3A_759, %and3A_594] masked %and3A_534 : memref<2x8x32x128xf32, #tpu.memory_space<vmem>>[vector<16xi32>, vector<16xi32>, vector<16xi32>, vector<16xi32>], vector<16xf32>, vector<16xi1>
        tpu.vector_store_idx %arg9[%and3A_577, %and3A_580, %add3A_759], %gather3A_760 masked %and3A_534 : memref<4x16x128xf32, #tpu.memory_space<vmem>>[vector<16xi32>, vector<16xi32>, vector<16xi32>], vector<16xf32>, vector<16xi1>
        %mul3A_761 = arith.constant 0 : i32
        %mul3A_762 = vector.broadcast %mul3A_761 : i32 to vector<16xi32>
        %mul3A_763 = arith.muli %iota3A, %mul3A_762 : vector<16xi32>
        %add3A_764 = arith.constant 23 : i32
        %add3A_765 = vector.broadcast %add3A_764 : i32 to vector<16xi32>
        %add3A_766 = arith.addi %mul3A_763, %add3A_765 : vector<16xi32>
        %gather3A_767 = tpu.vector_load_idx %arg8[%add3A_600, %and3A_591, %add3A_766, %and3A_594] masked %and3A_534 : memref<2x8x32x128xf32, #tpu.memory_space<vmem>>[vector<16xi32>, vector<16xi32>, vector<16xi32>, vector<16xi32>], vector<16xf32>, vector<16xi1>
        tpu.vector_store_idx %arg9[%and3A_577, %and3A_580, %add3A_766], %gather3A_767 masked %and3A_534 : memref<4x16x128xf32, #tpu.memory_space<vmem>>[vector<16xi32>, vector<16xi32>, vector<16xi32>], vector<16xf32>, vector<16xi1>
        %mul3A_768 = arith.constant 0 : i32
        %mul3A_769 = vector.broadcast %mul3A_768 : i32 to vector<16xi32>
        %mul3A_770 = arith.muli %iota3A, %mul3A_769 : vector<16xi32>
        %add3A_771 = arith.constant 24 : i32
        %add3A_772 = vector.broadcast %add3A_771 : i32 to vector<16xi32>
        %add3A_773 = arith.addi %mul3A_770, %add3A_772 : vector<16xi32>
        %gather3A_774 = tpu.vector_load_idx %arg8[%add3A_600, %and3A_591, %add3A_773, %and3A_594] masked %and3A_534 : memref<2x8x32x128xf32, #tpu.memory_space<vmem>>[vector<16xi32>, vector<16xi32>, vector<16xi32>, vector<16xi32>], vector<16xf32>, vector<16xi1>
        tpu.vector_store_idx %arg9[%and3A_577, %and3A_580, %add3A_773], %gather3A_774 masked %and3A_534 : memref<4x16x128xf32, #tpu.memory_space<vmem>>[vector<16xi32>, vector<16xi32>, vector<16xi32>], vector<16xf32>, vector<16xi1>
        %mul3A_775 = arith.constant 0 : i32
        %mul3A_776 = vector.broadcast %mul3A_775 : i32 to vector<16xi32>
        %mul3A_777 = arith.muli %iota3A, %mul3A_776 : vector<16xi32>
        %add3A_778 = arith.constant 25 : i32
        %add3A_779 = vector.broadcast %add3A_778 : i32 to vector<16xi32>
        %add3A_780 = arith.addi %mul3A_777, %add3A_779 : vector<16xi32>
        %gather3A_781 = tpu.vector_load_idx %arg8[%add3A_600, %and3A_591, %add3A_780, %and3A_594] masked %and3A_534 : memref<2x8x32x128xf32, #tpu.memory_space<vmem>>[vector<16xi32>, vector<16xi32>, vector<16xi32>, vector<16xi32>], vector<16xf32>, vector<16xi1>
        tpu.vector_store_idx %arg9[%and3A_577, %and3A_580, %add3A_780], %gather3A_781 masked %and3A_534 : memref<4x16x128xf32, #tpu.memory_space<vmem>>[vector<16xi32>, vector<16xi32>, vector<16xi32>], vector<16xf32>, vector<16xi1>
        %mul3A_782 = arith.constant 0 : i32
        %mul3A_783 = vector.broadcast %mul3A_782 : i32 to vector<16xi32>
        %mul3A_784 = arith.muli %iota3A, %mul3A_783 : vector<16xi32>
        %add3A_785 = arith.constant 26 : i32
        %add3A_786 = vector.broadcast %add3A_785 : i32 to vector<16xi32>
        %add3A_787 = arith.addi %mul3A_784, %add3A_786 : vector<16xi32>
        %gather3A_788 = tpu.vector_load_idx %arg8[%add3A_600, %and3A_591, %add3A_787, %and3A_594] masked %and3A_534 : memref<2x8x32x128xf32, #tpu.memory_space<vmem>>[vector<16xi32>, vector<16xi32>, vector<16xi32>, vector<16xi32>], vector<16xf32>, vector<16xi1>
        tpu.vector_store_idx %arg9[%and3A_577, %and3A_580, %add3A_787], %gather3A_788 masked %and3A_534 : memref<4x16x128xf32, #tpu.memory_space<vmem>>[vector<16xi32>, vector<16xi32>, vector<16xi32>], vector<16xf32>, vector<16xi1>
        %mul3A_789 = arith.constant 0 : i32
        %mul3A_790 = vector.broadcast %mul3A_789 : i32 to vector<16xi32>
        %mul3A_791 = arith.muli %iota3A, %mul3A_790 : vector<16xi32>
        %add3A_792 = arith.constant 27 : i32
        %add3A_793 = vector.broadcast %add3A_792 : i32 to vector<16xi32>
        %add3A_794 = arith.addi %mul3A_791, %add3A_793 : vector<16xi32>
        %gather3A_795 = tpu.vector_load_idx %arg8[%add3A_600, %and3A_591, %add3A_794, %and3A_594] masked %and3A_534 : memref<2x8x32x128xf32, #tpu.memory_space<vmem>>[vector<16xi32>, vector<16xi32>, vector<16xi32>, vector<16xi32>], vector<16xf32>, vector<16xi1>
        tpu.vector_store_idx %arg9[%and3A_577, %and3A_580, %add3A_794], %gather3A_795 masked %and3A_534 : memref<4x16x128xf32, #tpu.memory_space<vmem>>[vector<16xi32>, vector<16xi32>, vector<16xi32>], vector<16xf32>, vector<16xi1>
        %mul3A_796 = arith.constant 0 : i32
        %mul3A_797 = vector.broadcast %mul3A_796 : i32 to vector<16xi32>
        %mul3A_798 = arith.muli %iota3A, %mul3A_797 : vector<16xi32>
        %add3A_799 = arith.constant 28 : i32
        %add3A_800 = vector.broadcast %add3A_799 : i32 to vector<16xi32>
        %add3A_801 = arith.addi %mul3A_798, %add3A_800 : vector<16xi32>
        %gather3A_802 = tpu.vector_load_idx %arg8[%add3A_600, %and3A_591, %add3A_801, %and3A_594] masked %and3A_534 : memref<2x8x32x128xf32, #tpu.memory_space<vmem>>[vector<16xi32>, vector<16xi32>, vector<16xi32>, vector<16xi32>], vector<16xf32>, vector<16xi1>
        tpu.vector_store_idx %arg9[%and3A_577, %and3A_580, %add3A_801], %gather3A_802 masked %and3A_534 : memref<4x16x128xf32, #tpu.memory_space<vmem>>[vector<16xi32>, vector<16xi32>, vector<16xi32>], vector<16xf32>, vector<16xi1>
        %mul3A_803 = arith.constant 0 : i32
        %mul3A_804 = vector.broadcast %mul3A_803 : i32 to vector<16xi32>
        %mul3A_805 = arith.muli %iota3A, %mul3A_804 : vector<16xi32>
        %add3A_806 = arith.constant 29 : i32
        %add3A_807 = vector.broadcast %add3A_806 : i32 to vector<16xi32>
        %add3A_808 = arith.addi %mul3A_805, %add3A_807 : vector<16xi32>
        %gather3A_809 = tpu.vector_load_idx %arg8[%add3A_600, %and3A_591, %add3A_808, %and3A_594] masked %and3A_534 : memref<2x8x32x128xf32, #tpu.memory_space<vmem>>[vector<16xi32>, vector<16xi32>, vector<16xi32>, vector<16xi32>], vector<16xf32>, vector<16xi1>
        tpu.vector_store_idx %arg9[%and3A_577, %and3A_580, %add3A_808], %gather3A_809 masked %and3A_534 : memref<4x16x128xf32, #tpu.memory_space<vmem>>[vector<16xi32>, vector<16xi32>, vector<16xi32>], vector<16xf32>, vector<16xi1>
        %mul3A_810 = arith.constant 0 : i32
        %mul3A_811 = vector.broadcast %mul3A_810 : i32 to vector<16xi32>
        %mul3A_812 = arith.muli %iota3A, %mul3A_811 : vector<16xi32>
        %add3A_813 = arith.constant 30 : i32
        %add3A_814 = vector.broadcast %add3A_813 : i32 to vector<16xi32>
        %add3A_815 = arith.addi %mul3A_812, %add3A_814 : vector<16xi32>
        %gather3A_816 = tpu.vector_load_idx %arg8[%add3A_600, %and3A_591, %add3A_815, %and3A_594] masked %and3A_534 : memref<2x8x32x128xf32, #tpu.memory_space<vmem>>[vector<16xi32>, vector<16xi32>, vector<16xi32>, vector<16xi32>], vector<16xf32>, vector<16xi1>
        tpu.vector_store_idx %arg9[%and3A_577, %and3A_580, %add3A_815], %gather3A_816 masked %and3A_534 : memref<4x16x128xf32, #tpu.memory_space<vmem>>[vector<16xi32>, vector<16xi32>, vector<16xi32>], vector<16xf32>, vector<16xi1>
        %mul3A_817 = arith.constant 0 : i32
        %mul3A_818 = vector.broadcast %mul3A_817 : i32 to vector<16xi32>
        %mul3A_819 = arith.muli %iota3A, %mul3A_818 : vector<16xi32>
        %add3A_820 = arith.constant 31 : i32
        %add3A_821 = vector.broadcast %add3A_820 : i32 to vector<16xi32>
        %add3A_822 = arith.addi %mul3A_819, %add3A_821 : vector<16xi32>
        %gather3A_823 = tpu.vector_load_idx %arg8[%add3A_600, %and3A_591, %add3A_822, %and3A_594] masked %and3A_534 : memref<2x8x32x128xf32, #tpu.memory_space<vmem>>[vector<16xi32>, vector<16xi32>, vector<16xi32>, vector<16xi32>], vector<16xf32>, vector<16xi1>
        tpu.vector_store_idx %arg9[%and3A_577, %and3A_580, %add3A_822], %gather3A_823 masked %and3A_534 : memref<4x16x128xf32, #tpu.memory_space<vmem>>[vector<16xi32>, vector<16xi32>, vector<16xi32>], vector<16xf32>, vector<16xi1>
        %and3A_824 = arith.constant 63 : i32
        %and3A_825 = vector.broadcast %and3A_824 : i32 to vector<16xi32>
        %and3A_826 = arith.andi %add3A_571, %and3A_825 : vector<16xi32>
        tpu.vector_store_idx %arg10[%and3A_826], %get3A_526 masked %and3A_534 : memref<64xi32, #tpu.memory_space<vmem>>[vector<16xi32>], vector<16xi32>, vector<16xi1>
      } else {
      }
      %add3A_555 = arith.addi %and3A_536, %squeeze3A : i32
      %ge3A_556 = arith.constant 16 : i32
      %ge3A_557 = arith.cmpi sge, %add3A_555, %ge3A_556 : i32
      %convert_element_type3A_558 = arith.extui %ge3A_557 : i1 to i32
      %cond3A_559 = arith.constant 0 : i32
      %cond3A_560 = arith.cmpi ne, %convert_element_type3A_558, %cond3A_559 : i32
      scf.if %cond3A_560 {
        %and3A_565 = arith.constant 3 : i32
        %and3A_566 = arith.andi %shift_right_arithmetic3A_538, %and3A_565 : i32
        %mul3A_567 = arith.constant 16 : i32
        %mul3A_568 = arith.muli %and3A_566, %mul3A_567 : i32
        %dma_start3A_569 = arith.constant 0 : i32
        %dma_start3A_570 = arith.constant 0 : i32
        %dma_start3A_571 = tpu.memref_slice %arg9[%and3A_566, %dma_start3A_569, %dma_start3A_570] : memref<4x16x128xf32, #tpu.memory_space<vmem>> -> memref<1x16x128xf32, #tpu.memory_space<vmem>>
        %dma_start3A_572 = tpu.memref_squeeze %dma_start3A_571 : memref<1x16x128xf32, #tpu.memory_space<vmem>> -> memref<16x128xf32, #tpu.memory_space<vmem>>
        %dma_start3A_573 = tpu.memref_slice %arg10[%mul3A_568] : memref<64xi32, #tpu.memory_space<vmem>> -> memref<16xi32, #tpu.memory_space<vmem>>
        %dma_start3A_574 = arith.constant 0 : i32
        %dma_start3A_575 = arith.constant 0 : i32
        %dma_start3A_576 = tpu.memref_slice %arg4[%dma_start3A_574, %dma_start3A_575] : memref<16896x128xf32, #tpu.memory_space<hbm>> -> memref<16896x128xf32, #tpu.memory_space<hbm>>
        tpu.enqueue_indirect_dma source(%dma_start3A_572 : memref<16x128xf32, #tpu.memory_space<vmem>>) target(%dma_start3A_576 : memref<16896x128xf32, #tpu.memory_space<hbm>>) offsets(%dma_start3A_573 : memref<16xi32, #tpu.memory_space<vmem>>) semaphore(%arg12 : memref<!tpu.dma_semaphore, #tpu.memory_space<semaphore_mem>>)
      } else {
      }
      %add3A_561 = arith.constant 1 : i32
      %add3A_562 = arith.addi %while3A_515, %add3A_561 : i32
      %select_n3A_563 = arith.select %and3A_546, %add3A_562, %while3A_515 : i32
      %add3A_564 = arith.addi %while3A_514, %squeeze3A : i32
      scf.yield %add3A_564, %select_n3A_563 : i32, i32
    }
    %while3A_488 = arith.constant 1 : i32
    %while3A_489:2 = scf.for %while3A_513 = %while3A_485 to %while3A_481 step %while3A_488 iter_args(%while3A_514 = %while3A_487#0, %while3A_515 = %while3A_487#1) -> (i32, i32)  : i32 {
      %mul3A_516 = arith.constant 16 : i32
      %mul3A_517 = arith.muli %while3A_513, %mul3A_516 : i32
      %add3A_518 = vector.broadcast %mul3A_517 : i32 to vector<16xi32>
      %add3A_519 = arith.addi %add3A_518, %iota3A : vector<16xi32>
      %mul3A_520 = arith.constant 16 : i32
      %mul3A_521 = arith.muli %while3A_513, %mul3A_520 : i32
      %get3A = arith.index_cast %mul3A_521 : i32 to index
      %get3A_522 = tpu.vector_load %arg6[%get3A] {strides = array<i32>} : memref<16384xi32, #tpu.memory_space<vmem>>, vector<16xi32>,
      %mul3A_523 = arith.constant 16 : i32
      %mul3A_524 = arith.muli %while3A_513, %mul3A_523 : i32
      %get3A_525 = arith.index_cast %mul3A_524 : i32 to index
      %get3A_526 = tpu.vector_load %arg7[%get3A_525] {strides = array<i32>} : memref<16384xi32, #tpu.memory_space<vmem>>, vector<16xi32>,
      %ge3A = vector.broadcast %select_n3A : i32 to vector<16xi32>
      %ge3A_527 = arith.cmpi sge, %get3A_522, %ge3A : vector<16xi32>
      %add3A_528 = arith.constant 128 : i32
      %add3A_529 = arith.addi %select_n3A, %add3A_528 : i32
      %lt3A = vector.broadcast %add3A_529 : i32 to vector<16xi32>
      %lt3A_530 = arith.cmpi slt, %get3A_522, %lt3A : vector<16xi32>
      %and3A_531 = arith.andi %ge3A_527, %lt3A_530 : vector<16xi1>
      %lt3A_532 = vector.broadcast %scan3A_284 : i32 to vector<16xi32>
      %lt3A_533 = arith.cmpi slt, %add3A_519, %lt3A_532 : vector<16xi32>
      %and3A_534 = arith.andi %and3A_531, %lt3A_533 : vector<16xi1>
      %all_reduce_population_count3A = tpu.all_reduce %and3A_534 {dim = 0 : i64, kind = #tpu.reduction_kind<sum>} : vector<16xi1> -> vector<16xi32>
      %slice3A = vector.extract_strided_slice %all_reduce_population_count3A {offsets = [0], sizes = [1], strides = [1]} : vector<16xi32> to vector<1xi32>
      %squeeze3A = vector.extract %slice3A[0] : i32 from vector<1xi32>
      %and3A_535 = arith.constant 15 : i32
      %and3A_536 = arith.andi %while3A_514, %and3A_535 : i32
      %shift_right_arithmetic3A_537 = arith.constant 4 : i32
      %shift_right_arithmetic3A_538 = arith.shrsi %while3A_514, %shift_right_arithmetic3A_537 : i32
      %add3A_539 = arith.addi %and3A_536, %squeeze3A : i32
      %gt3A_540 = arith.constant 16 : i32
      %gt3A_541 = arith.cmpi sgt, %add3A_539, %gt3A_540 : i32
      %add3A_542 = arith.constant 1 : i32
      %add3A_543 = arith.addi %shift_right_arithmetic3A_538, %add3A_542 : i32
      %ge3A_544 = arith.constant 4 : i32
      %ge3A_545 = arith.cmpi sge, %add3A_543, %ge3A_544 : i32
      %and3A_546 = arith.andi %gt3A_541, %ge3A_545 : i1
      %convert_element_type3A_547 = arith.extui %and3A_546 : i1 to i32
      %cond3A_548 = arith.constant 0 : i32
      %cond3A_549 = arith.cmpi ne, %convert_element_type3A_547, %cond3A_548 : i32
      scf.if %cond3A_549 {
        %add3A_565 = arith.constant 1 : i32
        %add3A_566 = arith.addi %shift_right_arithmetic3A_538, %add3A_565 : i32
        %and3A_567 = arith.constant 3 : i32
        %and3A_568 = arith.andi %add3A_566, %and3A_567 : i32
        %mul3A_569 = arith.constant 16 : i32
        %mul3A_570 = arith.muli %and3A_568, %mul3A_569 : i32
        %dma_wait3A_571 = arith.constant 0 : i32
        %dma_wait3A_572 = arith.constant 0 : i32
        %dma_wait3A_573 = tpu.memref_slice %arg9[%and3A_568, %dma_wait3A_571, %dma_wait3A_572] : memref<4x16x128xf32, #tpu.memory_space<vmem>> -> memref<1x16x128xf32, #tpu.memory_space<vmem>>
        %dma_wait3A_574 = tpu.memref_squeeze %dma_wait3A_573 : memref<1x16x128xf32, #tpu.memory_space<vmem>> -> memref<16x128xf32, #tpu.memory_space<vmem>>
        %dma_wait3A_575 = tpu.memref_slice %arg10[%mul3A_570] : memref<64xi32, #tpu.memory_space<vmem>> -> memref<16xi32, #tpu.memory_space<vmem>>
        %dma_wait3A_576 = arith.constant 0 : i32
        %dma_wait3A_577 = arith.constant 0 : i32
        %dma_wait3A_578 = tpu.memref_slice %arg4[%dma_wait3A_576, %dma_wait3A_577] : memref<16896x128xf32, #tpu.memory_space<hbm>> -> memref<16896x128xf32, #tpu.memory_space<hbm>>
        tpu.wait_indirect_dma semaphore(%arg12 : memref<!tpu.dma_semaphore, #tpu.memory_space<semaphore_mem>>) src(%dma_wait3A_574 : memref<16x128xf32, #tpu.memory_space<vmem>>) dst(%dma_wait3A_578 : memref<16896x128xf32, #tpu.memory_space<hbm>>)
      } else {
      }
      %gt3A_550 = arith.constant 0 : i32
      %gt3A_551 = arith.cmpi sgt, %squeeze3A, %gt3A_550 : i32
      %convert_element_type3A_552 = arith.extui %gt3A_551 : i1 to i32
      %cond3A_553 = arith.constant 0 : i32
      %cond3A_554 = arith.cmpi ne, %convert_element_type3A_552, %cond3A_553 : i32
      scf.if %cond3A_554 {
        %convert_element_type3A_565 = arith.extui %and3A_534 : vector<16xi1> to vector<16xi32>
        %broadcast_in_dim3A = arith.constant true
        %broadcast_in_dim3A_566 = vector.broadcast %broadcast_in_dim3A : i1 to vector<16xi1>
        %masked_cumsum3A = tpu.scan <sum>, %convert_element_type3A_565 masked %broadcast_in_dim3A_566 : vector<16xi32>, vector<16xi1> -> vector<16xi32>
        %sub3A_567 = arith.constant 1 : i32
        %sub3A_568 = vector.broadcast %sub3A_567 : i32 to vector<16xi32>
        %sub3A_569 = arith.subi %masked_cumsum3A, %sub3A_568 : vector<16xi32>
        %add3A_570 = vector.broadcast %while3A_514 : i32 to vector<16xi32>
        %add3A_571 = arith.addi %add3A_570, %sub3A_569 : vector<16xi32>
        %shift_right_arithmetic3A_572 = arith.constant 4 : i32
        %shift_right_arithmetic3A_573 = vector.broadcast %shift_right_arithmetic3A_572 : i32 to vector<16xi32>
        %shift_right_arithmetic3A_574 = arith.shrsi %add3A_571, %shift_right_arithmetic3A_573 : vector<16xi32>
        %and3A_575 = arith.constant 3 : i32
        %and3A_576 = vector.broadcast %and3A_575 : i32 to vector<16xi32>
        %and3A_577 = arith.andi %shift_right_arithmetic3A_574, %and3A_576 : vector<16xi32>
        %and3A_578 = arith.constant 15 : i32
        %and3A_579 = vector.broadcast %and3A_578 : i32 to vector<16xi32>
        %and3A_580 = arith.andi %add3A_571, %and3A_579 : vector<16xi32>
        %sub3A_581 = vector.broadcast %select_n3A : i32 to vector<16xi32>
        %sub3A_582 = arith.subi %get3A_522, %sub3A_581 : vector<16xi32>
        %and3A_583 = arith.constant 1023 : i32
        %and3A_584 = vector.broadcast %and3A_583 : i32 to vector<16xi32>
        %and3A_585 = arith.andi %sub3A_582, %and3A_584 : vector<16xi32>
        %shift_right_arithmetic3A_586 = arith.constant 7 : i32
        %shift_right_arithmetic3A_587 = vector.broadcast %shift_right_arithmetic3A_586 : i32 to vector<16xi32>
        %shift_right_arithmetic3A_588 = arith.shrsi %and3A_585, %shift_right_arithmetic3A_587 : vector<16xi32>
        %and3A_589 = arith.constant 7 : i32
        %and3A_590 = vector.broadcast %and3A_589 : i32 to vector<16xi32>
        %and3A_591 = arith.andi %shift_right_arithmetic3A_588, %and3A_590 : vector<16xi32>
        %and3A_592 = arith.constant 127 : i32
        %and3A_593 = vector.broadcast %and3A_592 : i32 to vector<16xi32>
        %and3A_594 = arith.andi %and3A_585, %and3A_593 : vector<16xi32>
        %mul3A_595 = arith.constant 0 : i32
        %mul3A_596 = vector.broadcast %mul3A_595 : i32 to vector<16xi32>
        %mul3A_597 = arith.muli %iota3A, %mul3A_596 : vector<16xi32>
        %add3A_598 = arith.constant 1 : i32
        %add3A_599 = vector.broadcast %add3A_598 : i32 to vector<16xi32>
        %add3A_600 = arith.addi %mul3A_597, %add3A_599 : vector<16xi32>
        %mul3A_601 = arith.constant 0 : i32
        %mul3A_602 = vector.broadcast %mul3A_601 : i32 to vector<16xi32>
        %mul3A_603 = arith.muli %iota3A, %mul3A_602 : vector<16xi32>
        %add3A_604 = arith.constant 0 : i32
        %add3A_605 = vector.broadcast %add3A_604 : i32 to vector<16xi32>
        %add3A_606 = arith.addi %mul3A_603, %add3A_605 : vector<16xi32>
        %gather3A = tpu.vector_load_idx %arg8[%add3A_600, %and3A_591, %add3A_606, %and3A_594] masked %and3A_534 : memref<2x8x32x128xf32, #tpu.memory_space<vmem>>[vector<16xi32>, vector<16xi32>, vector<16xi32>, vector<16xi32>], vector<16xf32>, vector<16xi1>
        tpu.vector_store_idx %arg9[%and3A_577, %and3A_580, %add3A_606], %gather3A masked %and3A_534 : memref<4x16x128xf32, #tpu.memory_space<vmem>>[vector<16xi32>, vector<16xi32>, vector<16xi32>], vector<16xf32>, vector<16xi1>
        %mul3A_607 = arith.constant 0 : i32
        %mul3A_608 = vector.broadcast %mul3A_607 : i32 to vector<16xi32>
        %mul3A_609 = arith.muli %iota3A, %mul3A_608 : vector<16xi32>
        %add3A_610 = arith.constant 1 : i32
        %add3A_611 = vector.broadcast %add3A_610 : i32 to vector<16xi32>
        %add3A_612 = arith.addi %mul3A_609, %add3A_611 : vector<16xi32>
        %gather3A_613 = tpu.vector_load_idx %arg8[%add3A_600, %and3A_591, %add3A_612, %and3A_594] masked %and3A_534 : memref<2x8x32x128xf32, #tpu.memory_space<vmem>>[vector<16xi32>, vector<16xi32>, vector<16xi32>, vector<16xi32>], vector<16xf32>, vector<16xi1>
        tpu.vector_store_idx %arg9[%and3A_577, %and3A_580, %add3A_612], %gather3A_613 masked %and3A_534 : memref<4x16x128xf32, #tpu.memory_space<vmem>>[vector<16xi32>, vector<16xi32>, vector<16xi32>], vector<16xf32>, vector<16xi1>
        %mul3A_614 = arith.constant 0 : i32
        %mul3A_615 = vector.broadcast %mul3A_614 : i32 to vector<16xi32>
        %mul3A_616 = arith.muli %iota3A, %mul3A_615 : vector<16xi32>
        %add3A_617 = arith.constant 2 : i32
        %add3A_618 = vector.broadcast %add3A_617 : i32 to vector<16xi32>
        %add3A_619 = arith.addi %mul3A_616, %add3A_618 : vector<16xi32>
        %gather3A_620 = tpu.vector_load_idx %arg8[%add3A_600, %and3A_591, %add3A_619, %and3A_594] masked %and3A_534 : memref<2x8x32x128xf32, #tpu.memory_space<vmem>>[vector<16xi32>, vector<16xi32>, vector<16xi32>, vector<16xi32>], vector<16xf32>, vector<16xi1>
        tpu.vector_store_idx %arg9[%and3A_577, %and3A_580, %add3A_619], %gather3A_620 masked %and3A_534 : memref<4x16x128xf32, #tpu.memory_space<vmem>>[vector<16xi32>, vector<16xi32>, vector<16xi32>], vector<16xf32>, vector<16xi1>
        %mul3A_621 = arith.constant 0 : i32
        %mul3A_622 = vector.broadcast %mul3A_621 : i32 to vector<16xi32>
        %mul3A_623 = arith.muli %iota3A, %mul3A_622 : vector<16xi32>
        %add3A_624 = arith.constant 3 : i32
        %add3A_625 = vector.broadcast %add3A_624 : i32 to vector<16xi32>
        %add3A_626 = arith.addi %mul3A_623, %add3A_625 : vector<16xi32>
        %gather3A_627 = tpu.vector_load_idx %arg8[%add3A_600, %and3A_591, %add3A_626, %and3A_594] masked %and3A_534 : memref<2x8x32x128xf32, #tpu.memory_space<vmem>>[vector<16xi32>, vector<16xi32>, vector<16xi32>, vector<16xi32>], vector<16xf32>, vector<16xi1>
        tpu.vector_store_idx %arg9[%and3A_577, %and3A_580, %add3A_626], %gather3A_627 masked %and3A_534 : memref<4x16x128xf32, #tpu.memory_space<vmem>>[vector<16xi32>, vector<16xi32>, vector<16xi32>], vector<16xf32>, vector<16xi1>
        %mul3A_628 = arith.constant 0 : i32
        %mul3A_629 = vector.broadcast %mul3A_628 : i32 to vector<16xi32>
        %mul3A_630 = arith.muli %iota3A, %mul3A_629 : vector<16xi32>
        %add3A_631 = arith.constant 4 : i32
        %add3A_632 = vector.broadcast %add3A_631 : i32 to vector<16xi32>
        %add3A_633 = arith.addi %mul3A_630, %add3A_632 : vector<16xi32>
        %gather3A_634 = tpu.vector_load_idx %arg8[%add3A_600, %and3A_591, %add3A_633, %and3A_594] masked %and3A_534 : memref<2x8x32x128xf32, #tpu.memory_space<vmem>>[vector<16xi32>, vector<16xi32>, vector<16xi32>, vector<16xi32>], vector<16xf32>, vector<16xi1>
        tpu.vector_store_idx %arg9[%and3A_577, %and3A_580, %add3A_633], %gather3A_634 masked %and3A_534 : memref<4x16x128xf32, #tpu.memory_space<vmem>>[vector<16xi32>, vector<16xi32>, vector<16xi32>], vector<16xf32>, vector<16xi1>
        %mul3A_635 = arith.constant 0 : i32
        %mul3A_636 = vector.broadcast %mul3A_635 : i32 to vector<16xi32>
        %mul3A_637 = arith.muli %iota3A, %mul3A_636 : vector<16xi32>
        %add3A_638 = arith.constant 5 : i32
        %add3A_639 = vector.broadcast %add3A_638 : i32 to vector<16xi32>
        %add3A_640 = arith.addi %mul3A_637, %add3A_639 : vector<16xi32>
        %gather3A_641 = tpu.vector_load_idx %arg8[%add3A_600, %and3A_591, %add3A_640, %and3A_594] masked %and3A_534 : memref<2x8x32x128xf32, #tpu.memory_space<vmem>>[vector<16xi32>, vector<16xi32>, vector<16xi32>, vector<16xi32>], vector<16xf32>, vector<16xi1>
        tpu.vector_store_idx %arg9[%and3A_577, %and3A_580, %add3A_640], %gather3A_641 masked %and3A_534 : memref<4x16x128xf32, #tpu.memory_space<vmem>>[vector<16xi32>, vector<16xi32>, vector<16xi32>], vector<16xf32>, vector<16xi1>
        %mul3A_642 = arith.constant 0 : i32
        %mul3A_643 = vector.broadcast %mul3A_642 : i32 to vector<16xi32>
        %mul3A_644 = arith.muli %iota3A, %mul3A_643 : vector<16xi32>
        %add3A_645 = arith.constant 6 : i32
        %add3A_646 = vector.broadcast %add3A_645 : i32 to vector<16xi32>
        %add3A_647 = arith.addi %mul3A_644, %add3A_646 : vector<16xi32>
        %gather3A_648 = tpu.vector_load_idx %arg8[%add3A_600, %and3A_591, %add3A_647, %and3A_594] masked %and3A_534 : memref<2x8x32x128xf32, #tpu.memory_space<vmem>>[vector<16xi32>, vector<16xi32>, vector<16xi32>, vector<16xi32>], vector<16xf32>, vector<16xi1>
        tpu.vector_store_idx %arg9[%and3A_577, %and3A_580, %add3A_647], %gather3A_648 masked %and3A_534 : memref<4x16x128xf32, #tpu.memory_space<vmem>>[vector<16xi32>, vector<16xi32>, vector<16xi32>], vector<16xf32>, vector<16xi1>
        %mul3A_649 = arith.constant 0 : i32
        %mul3A_650 = vector.broadcast %mul3A_649 : i32 to vector<16xi32>
        %mul3A_651 = arith.muli %iota3A, %mul3A_650 : vector<16xi32>
        %add3A_652 = arith.constant 7 : i32
        %add3A_653 = vector.broadcast %add3A_652 : i32 to vector<16xi32>
        %add3A_654 = arith.addi %mul3A_651, %add3A_653 : vector<16xi32>
        %gather3A_655 = tpu.vector_load_idx %arg8[%add3A_600, %and3A_591, %add3A_654, %and3A_594] masked %and3A_534 : memref<2x8x32x128xf32, #tpu.memory_space<vmem>>[vector<16xi32>, vector<16xi32>, vector<16xi32>, vector<16xi32>], vector<16xf32>, vector<16xi1>
        tpu.vector_store_idx %arg9[%and3A_577, %and3A_580, %add3A_654], %gather3A_655 masked %and3A_534 : memref<4x16x128xf32, #tpu.memory_space<vmem>>[vector<16xi32>, vector<16xi32>, vector<16xi32>], vector<16xf32>, vector<16xi1>
        %mul3A_656 = arith.constant 0 : i32
        %mul3A_657 = vector.broadcast %mul3A_656 : i32 to vector<16xi32>
        %mul3A_658 = arith.muli %iota3A, %mul3A_657 : vector<16xi32>
        %add3A_659 = arith.constant 8 : i32
        %add3A_660 = vector.broadcast %add3A_659 : i32 to vector<16xi32>
        %add3A_661 = arith.addi %mul3A_658, %add3A_660 : vector<16xi32>
        %gather3A_662 = tpu.vector_load_idx %arg8[%add3A_600, %and3A_591, %add3A_661, %and3A_594] masked %and3A_534 : memref<2x8x32x128xf32, #tpu.memory_space<vmem>>[vector<16xi32>, vector<16xi32>, vector<16xi32>, vector<16xi32>], vector<16xf32>, vector<16xi1>
        tpu.vector_store_idx %arg9[%and3A_577, %and3A_580, %add3A_661], %gather3A_662 masked %and3A_534 : memref<4x16x128xf32, #tpu.memory_space<vmem>>[vector<16xi32>, vector<16xi32>, vector<16xi32>], vector<16xf32>, vector<16xi1>
        %mul3A_663 = arith.constant 0 : i32
        %mul3A_664 = vector.broadcast %mul3A_663 : i32 to vector<16xi32>
        %mul3A_665 = arith.muli %iota3A, %mul3A_664 : vector<16xi32>
        %add3A_666 = arith.constant 9 : i32
        %add3A_667 = vector.broadcast %add3A_666 : i32 to vector<16xi32>
        %add3A_668 = arith.addi %mul3A_665, %add3A_667 : vector<16xi32>
        %gather3A_669 = tpu.vector_load_idx %arg8[%add3A_600, %and3A_591, %add3A_668, %and3A_594] masked %and3A_534 : memref<2x8x32x128xf32, #tpu.memory_space<vmem>>[vector<16xi32>, vector<16xi32>, vector<16xi32>, vector<16xi32>], vector<16xf32>, vector<16xi1>
        tpu.vector_store_idx %arg9[%and3A_577, %and3A_580, %add3A_668], %gather3A_669 masked %and3A_534 : memref<4x16x128xf32, #tpu.memory_space<vmem>>[vector<16xi32>, vector<16xi32>, vector<16xi32>], vector<16xf32>, vector<16xi1>
        %mul3A_670 = arith.constant 0 : i32
        %mul3A_671 = vector.broadcast %mul3A_670 : i32 to vector<16xi32>
        %mul3A_672 = arith.muli %iota3A, %mul3A_671 : vector<16xi32>
        %add3A_673 = arith.constant 10 : i32
        %add3A_674 = vector.broadcast %add3A_673 : i32 to vector<16xi32>
        %add3A_675 = arith.addi %mul3A_672, %add3A_674 : vector<16xi32>
        %gather3A_676 = tpu.vector_load_idx %arg8[%add3A_600, %and3A_591, %add3A_675, %and3A_594] masked %and3A_534 : memref<2x8x32x128xf32, #tpu.memory_space<vmem>>[vector<16xi32>, vector<16xi32>, vector<16xi32>, vector<16xi32>], vector<16xf32>, vector<16xi1>
        tpu.vector_store_idx %arg9[%and3A_577, %and3A_580, %add3A_675], %gather3A_676 masked %and3A_534 : memref<4x16x128xf32, #tpu.memory_space<vmem>>[vector<16xi32>, vector<16xi32>, vector<16xi32>], vector<16xf32>, vector<16xi1>
        %mul3A_677 = arith.constant 0 : i32
        %mul3A_678 = vector.broadcast %mul3A_677 : i32 to vector<16xi32>
        %mul3A_679 = arith.muli %iota3A, %mul3A_678 : vector<16xi32>
        %add3A_680 = arith.constant 11 : i32
        %add3A_681 = vector.broadcast %add3A_680 : i32 to vector<16xi32>
        %add3A_682 = arith.addi %mul3A_679, %add3A_681 : vector<16xi32>
        %gather3A_683 = tpu.vector_load_idx %arg8[%add3A_600, %and3A_591, %add3A_682, %and3A_594] masked %and3A_534 : memref<2x8x32x128xf32, #tpu.memory_space<vmem>>[vector<16xi32>, vector<16xi32>, vector<16xi32>, vector<16xi32>], vector<16xf32>, vector<16xi1>
        tpu.vector_store_idx %arg9[%and3A_577, %and3A_580, %add3A_682], %gather3A_683 masked %and3A_534 : memref<4x16x128xf32, #tpu.memory_space<vmem>>[vector<16xi32>, vector<16xi32>, vector<16xi32>], vector<16xf32>, vector<16xi1>
        %mul3A_684 = arith.constant 0 : i32
        %mul3A_685 = vector.broadcast %mul3A_684 : i32 to vector<16xi32>
        %mul3A_686 = arith.muli %iota3A, %mul3A_685 : vector<16xi32>
        %add3A_687 = arith.constant 12 : i32
        %add3A_688 = vector.broadcast %add3A_687 : i32 to vector<16xi32>
        %add3A_689 = arith.addi %mul3A_686, %add3A_688 : vector<16xi32>
        %gather3A_690 = tpu.vector_load_idx %arg8[%add3A_600, %and3A_591, %add3A_689, %and3A_594] masked %and3A_534 : memref<2x8x32x128xf32, #tpu.memory_space<vmem>>[vector<16xi32>, vector<16xi32>, vector<16xi32>, vector<16xi32>], vector<16xf32>, vector<16xi1>
        tpu.vector_store_idx %arg9[%and3A_577, %and3A_580, %add3A_689], %gather3A_690 masked %and3A_534 : memref<4x16x128xf32, #tpu.memory_space<vmem>>[vector<16xi32>, vector<16xi32>, vector<16xi32>], vector<16xf32>, vector<16xi1>
        %mul3A_691 = arith.constant 0 : i32
        %mul3A_692 = vector.broadcast %mul3A_691 : i32 to vector<16xi32>
        %mul3A_693 = arith.muli %iota3A, %mul3A_692 : vector<16xi32>
        %add3A_694 = arith.constant 13 : i32
        %add3A_695 = vector.broadcast %add3A_694 : i32 to vector<16xi32>
        %add3A_696 = arith.addi %mul3A_693, %add3A_695 : vector<16xi32>
        %gather3A_697 = tpu.vector_load_idx %arg8[%add3A_600, %and3A_591, %add3A_696, %and3A_594] masked %and3A_534 : memref<2x8x32x128xf32, #tpu.memory_space<vmem>>[vector<16xi32>, vector<16xi32>, vector<16xi32>, vector<16xi32>], vector<16xf32>, vector<16xi1>
        tpu.vector_store_idx %arg9[%and3A_577, %and3A_580, %add3A_696], %gather3A_697 masked %and3A_534 : memref<4x16x128xf32, #tpu.memory_space<vmem>>[vector<16xi32>, vector<16xi32>, vector<16xi32>], vector<16xf32>, vector<16xi1>
        %mul3A_698 = arith.constant 0 : i32
        %mul3A_699 = vector.broadcast %mul3A_698 : i32 to vector<16xi32>
        %mul3A_700 = arith.muli %iota3A, %mul3A_699 : vector<16xi32>
        %add3A_701 = arith.constant 14 : i32
        %add3A_702 = vector.broadcast %add3A_701 : i32 to vector<16xi32>
        %add3A_703 = arith.addi %mul3A_700, %add3A_702 : vector<16xi32>
        %gather3A_704 = tpu.vector_load_idx %arg8[%add3A_600, %and3A_591, %add3A_703, %and3A_594] masked %and3A_534 : memref<2x8x32x128xf32, #tpu.memory_space<vmem>>[vector<16xi32>, vector<16xi32>, vector<16xi32>, vector<16xi32>], vector<16xf32>, vector<16xi1>
        tpu.vector_store_idx %arg9[%and3A_577, %and3A_580, %add3A_703], %gather3A_704 masked %and3A_534 : memref<4x16x128xf32, #tpu.memory_space<vmem>>[vector<16xi32>, vector<16xi32>, vector<16xi32>], vector<16xf32>, vector<16xi1>
        %mul3A_705 = arith.constant 0 : i32
        %mul3A_706 = vector.broadcast %mul3A_705 : i32 to vector<16xi32>
        %mul3A_707 = arith.muli %iota3A, %mul3A_706 : vector<16xi32>
        %add3A_708 = arith.constant 15 : i32
        %add3A_709 = vector.broadcast %add3A_708 : i32 to vector<16xi32>
        %add3A_710 = arith.addi %mul3A_707, %add3A_709 : vector<16xi32>
        %gather3A_711 = tpu.vector_load_idx %arg8[%add3A_600, %and3A_591, %add3A_710, %and3A_594] masked %and3A_534 : memref<2x8x32x128xf32, #tpu.memory_space<vmem>>[vector<16xi32>, vector<16xi32>, vector<16xi32>, vector<16xi32>], vector<16xf32>, vector<16xi1>
        tpu.vector_store_idx %arg9[%and3A_577, %and3A_580, %add3A_710], %gather3A_711 masked %and3A_534 : memref<4x16x128xf32, #tpu.memory_space<vmem>>[vector<16xi32>, vector<16xi32>, vector<16xi32>], vector<16xf32>, vector<16xi1>
        %mul3A_712 = arith.constant 0 : i32
        %mul3A_713 = vector.broadcast %mul3A_712 : i32 to vector<16xi32>
        %mul3A_714 = arith.muli %iota3A, %mul3A_713 : vector<16xi32>
        %add3A_715 = arith.constant 16 : i32
        %add3A_716 = vector.broadcast %add3A_715 : i32 to vector<16xi32>
        %add3A_717 = arith.addi %mul3A_714, %add3A_716 : vector<16xi32>
        %gather3A_718 = tpu.vector_load_idx %arg8[%add3A_600, %and3A_591, %add3A_717, %and3A_594] masked %and3A_534 : memref<2x8x32x128xf32, #tpu.memory_space<vmem>>[vector<16xi32>, vector<16xi32>, vector<16xi32>, vector<16xi32>], vector<16xf32>, vector<16xi1>
        tpu.vector_store_idx %arg9[%and3A_577, %and3A_580, %add3A_717], %gather3A_718 masked %and3A_534 : memref<4x16x128xf32, #tpu.memory_space<vmem>>[vector<16xi32>, vector<16xi32>, vector<16xi32>], vector<16xf32>, vector<16xi1>
        %mul3A_719 = arith.constant 0 : i32
        %mul3A_720 = vector.broadcast %mul3A_719 : i32 to vector<16xi32>
        %mul3A_721 = arith.muli %iota3A, %mul3A_720 : vector<16xi32>
        %add3A_722 = arith.constant 17 : i32
        %add3A_723 = vector.broadcast %add3A_722 : i32 to vector<16xi32>
        %add3A_724 = arith.addi %mul3A_721, %add3A_723 : vector<16xi32>
        %gather3A_725 = tpu.vector_load_idx %arg8[%add3A_600, %and3A_591, %add3A_724, %and3A_594] masked %and3A_534 : memref<2x8x32x128xf32, #tpu.memory_space<vmem>>[vector<16xi32>, vector<16xi32>, vector<16xi32>, vector<16xi32>], vector<16xf32>, vector<16xi1>
        tpu.vector_store_idx %arg9[%and3A_577, %and3A_580, %add3A_724], %gather3A_725 masked %and3A_534 : memref<4x16x128xf32, #tpu.memory_space<vmem>>[vector<16xi32>, vector<16xi32>, vector<16xi32>], vector<16xf32>, vector<16xi1>
        %mul3A_726 = arith.constant 0 : i32
        %mul3A_727 = vector.broadcast %mul3A_726 : i32 to vector<16xi32>
        %mul3A_728 = arith.muli %iota3A, %mul3A_727 : vector<16xi32>
        %add3A_729 = arith.constant 18 : i32
        %add3A_730 = vector.broadcast %add3A_729 : i32 to vector<16xi32>
        %add3A_731 = arith.addi %mul3A_728, %add3A_730 : vector<16xi32>
        %gather3A_732 = tpu.vector_load_idx %arg8[%add3A_600, %and3A_591, %add3A_731, %and3A_594] masked %and3A_534 : memref<2x8x32x128xf32, #tpu.memory_space<vmem>>[vector<16xi32>, vector<16xi32>, vector<16xi32>, vector<16xi32>], vector<16xf32>, vector<16xi1>
        tpu.vector_store_idx %arg9[%and3A_577, %and3A_580, %add3A_731], %gather3A_732 masked %and3A_534 : memref<4x16x128xf32, #tpu.memory_space<vmem>>[vector<16xi32>, vector<16xi32>, vector<16xi32>], vector<16xf32>, vector<16xi1>
        %mul3A_733 = arith.constant 0 : i32
        %mul3A_734 = vector.broadcast %mul3A_733 : i32 to vector<16xi32>
        %mul3A_735 = arith.muli %iota3A, %mul3A_734 : vector<16xi32>
        %add3A_736 = arith.constant 19 : i32
        %add3A_737 = vector.broadcast %add3A_736 : i32 to vector<16xi32>
        %add3A_738 = arith.addi %mul3A_735, %add3A_737 : vector<16xi32>
        %gather3A_739 = tpu.vector_load_idx %arg8[%add3A_600, %and3A_591, %add3A_738, %and3A_594] masked %and3A_534 : memref<2x8x32x128xf32, #tpu.memory_space<vmem>>[vector<16xi32>, vector<16xi32>, vector<16xi32>, vector<16xi32>], vector<16xf32>, vector<16xi1>
        tpu.vector_store_idx %arg9[%and3A_577, %and3A_580, %add3A_738], %gather3A_739 masked %and3A_534 : memref<4x16x128xf32, #tpu.memory_space<vmem>>[vector<16xi32>, vector<16xi32>, vector<16xi32>], vector<16xf32>, vector<16xi1>
        %mul3A_740 = arith.constant 0 : i32
        %mul3A_741 = vector.broadcast %mul3A_740 : i32 to vector<16xi32>
        %mul3A_742 = arith.muli %iota3A, %mul3A_741 : vector<16xi32>
        %add3A_743 = arith.constant 20 : i32
        %add3A_744 = vector.broadcast %add3A_743 : i32 to vector<16xi32>
        %add3A_745 = arith.addi %mul3A_742, %add3A_744 : vector<16xi32>
        %gather3A_746 = tpu.vector_load_idx %arg8[%add3A_600, %and3A_591, %add3A_745, %and3A_594] masked %and3A_534 : memref<2x8x32x128xf32, #tpu.memory_space<vmem>>[vector<16xi32>, vector<16xi32>, vector<16xi32>, vector<16xi32>], vector<16xf32>, vector<16xi1>
        tpu.vector_store_idx %arg9[%and3A_577, %and3A_580, %add3A_745], %gather3A_746 masked %and3A_534 : memref<4x16x128xf32, #tpu.memory_space<vmem>>[vector<16xi32>, vector<16xi32>, vector<16xi32>], vector<16xf32>, vector<16xi1>
        %mul3A_747 = arith.constant 0 : i32
        %mul3A_748 = vector.broadcast %mul3A_747 : i32 to vector<16xi32>
        %mul3A_749 = arith.muli %iota3A, %mul3A_748 : vector<16xi32>
        %add3A_750 = arith.constant 21 : i32
        %add3A_751 = vector.broadcast %add3A_750 : i32 to vector<16xi32>
        %add3A_752 = arith.addi %mul3A_749, %add3A_751 : vector<16xi32>
        %gather3A_753 = tpu.vector_load_idx %arg8[%add3A_600, %and3A_591, %add3A_752, %and3A_594] masked %and3A_534 : memref<2x8x32x128xf32, #tpu.memory_space<vmem>>[vector<16xi32>, vector<16xi32>, vector<16xi32>, vector<16xi32>], vector<16xf32>, vector<16xi1>
        tpu.vector_store_idx %arg9[%and3A_577, %and3A_580, %add3A_752], %gather3A_753 masked %and3A_534 : memref<4x16x128xf32, #tpu.memory_space<vmem>>[vector<16xi32>, vector<16xi32>, vector<16xi32>], vector<16xf32>, vector<16xi1>
        %mul3A_754 = arith.constant 0 : i32
        %mul3A_755 = vector.broadcast %mul3A_754 : i32 to vector<16xi32>
        %mul3A_756 = arith.muli %iota3A, %mul3A_755 : vector<16xi32>
        %add3A_757 = arith.constant 22 : i32
        %add3A_758 = vector.broadcast %add3A_757 : i32 to vector<16xi32>
        %add3A_759 = arith.addi %mul3A_756, %add3A_758 : vector<16xi32>
        %gather3A_760 = tpu.vector_load_idx %arg8[%add3A_600, %and3A_591, %add3A_759, %and3A_594] masked %and3A_534 : memref<2x8x32x128xf32, #tpu.memory_space<vmem>>[vector<16xi32>, vector<16xi32>, vector<16xi32>, vector<16xi32>], vector<16xf32>, vector<16xi1>
        tpu.vector_store_idx %arg9[%and3A_577, %and3A_580, %add3A_759], %gather3A_760 masked %and3A_534 : memref<4x16x128xf32, #tpu.memory_space<vmem>>[vector<16xi32>, vector<16xi32>, vector<16xi32>], vector<16xf32>, vector<16xi1>
        %mul3A_761 = arith.constant 0 : i32
        %mul3A_762 = vector.broadcast %mul3A_761 : i32 to vector<16xi32>
        %mul3A_763 = arith.muli %iota3A, %mul3A_762 : vector<16xi32>
        %add3A_764 = arith.constant 23 : i32
        %add3A_765 = vector.broadcast %add3A_764 : i32 to vector<16xi32>
        %add3A_766 = arith.addi %mul3A_763, %add3A_765 : vector<16xi32>
        %gather3A_767 = tpu.vector_load_idx %arg8[%add3A_600, %and3A_591, %add3A_766, %and3A_594] masked %and3A_534 : memref<2x8x32x128xf32, #tpu.memory_space<vmem>>[vector<16xi32>, vector<16xi32>, vector<16xi32>, vector<16xi32>], vector<16xf32>, vector<16xi1>
        tpu.vector_store_idx %arg9[%and3A_577, %and3A_580, %add3A_766], %gather3A_767 masked %and3A_534 : memref<4x16x128xf32, #tpu.memory_space<vmem>>[vector<16xi32>, vector<16xi32>, vector<16xi32>], vector<16xf32>, vector<16xi1>
        %mul3A_768 = arith.constant 0 : i32
        %mul3A_769 = vector.broadcast %mul3A_768 : i32 to vector<16xi32>
        %mul3A_770 = arith.muli %iota3A, %mul3A_769 : vector<16xi32>
        %add3A_771 = arith.constant 24 : i32
        %add3A_772 = vector.broadcast %add3A_771 : i32 to vector<16xi32>
        %add3A_773 = arith.addi %mul3A_770, %add3A_772 : vector<16xi32>
        %gather3A_774 = tpu.vector_load_idx %arg8[%add3A_600, %and3A_591, %add3A_773, %and3A_594] masked %and3A_534 : memref<2x8x32x128xf32, #tpu.memory_space<vmem>>[vector<16xi32>, vector<16xi32>, vector<16xi32>, vector<16xi32>], vector<16xf32>, vector<16xi1>
        tpu.vector_store_idx %arg9[%and3A_577, %and3A_580, %add3A_773], %gather3A_774 masked %and3A_534 : memref<4x16x128xf32, #tpu.memory_space<vmem>>[vector<16xi32>, vector<16xi32>, vector<16xi32>], vector<16xf32>, vector<16xi1>
        %mul3A_775 = arith.constant 0 : i32
        %mul3A_776 = vector.broadcast %mul3A_775 : i32 to vector<16xi32>
        %mul3A_777 = arith.muli %iota3A, %mul3A_776 : vector<16xi32>
        %add3A_778 = arith.constant 25 : i32
        %add3A_779 = vector.broadcast %add3A_778 : i32 to vector<16xi32>
        %add3A_780 = arith.addi %mul3A_777, %add3A_779 : vector<16xi32>
        %gather3A_781 = tpu.vector_load_idx %arg8[%add3A_600, %and3A_591, %add3A_780, %and3A_594] masked %and3A_534 : memref<2x8x32x128xf32, #tpu.memory_space<vmem>>[vector<16xi32>, vector<16xi32>, vector<16xi32>, vector<16xi32>], vector<16xf32>, vector<16xi1>
        tpu.vector_store_idx %arg9[%and3A_577, %and3A_580, %add3A_780], %gather3A_781 masked %and3A_534 : memref<4x16x128xf32, #tpu.memory_space<vmem>>[vector<16xi32>, vector<16xi32>, vector<16xi32>], vector<16xf32>, vector<16xi1>
        %mul3A_782 = arith.constant 0 : i32
        %mul3A_783 = vector.broadcast %mul3A_782 : i32 to vector<16xi32>
        %mul3A_784 = arith.muli %iota3A, %mul3A_783 : vector<16xi32>
        %add3A_785 = arith.constant 26 : i32
        %add3A_786 = vector.broadcast %add3A_785 : i32 to vector<16xi32>
        %add3A_787 = arith.addi %mul3A_784, %add3A_786 : vector<16xi32>
        %gather3A_788 = tpu.vector_load_idx %arg8[%add3A_600, %and3A_591, %add3A_787, %and3A_594] masked %and3A_534 : memref<2x8x32x128xf32, #tpu.memory_space<vmem>>[vector<16xi32>, vector<16xi32>, vector<16xi32>, vector<16xi32>], vector<16xf32>, vector<16xi1>
        tpu.vector_store_idx %arg9[%and3A_577, %and3A_580, %add3A_787], %gather3A_788 masked %and3A_534 : memref<4x16x128xf32, #tpu.memory_space<vmem>>[vector<16xi32>, vector<16xi32>, vector<16xi32>], vector<16xf32>, vector<16xi1>
        %mul3A_789 = arith.constant 0 : i32
        %mul3A_790 = vector.broadcast %mul3A_789 : i32 to vector<16xi32>
        %mul3A_791 = arith.muli %iota3A, %mul3A_790 : vector<16xi32>
        %add3A_792 = arith.constant 27 : i32
        %add3A_793 = vector.broadcast %add3A_792 : i32 to vector<16xi32>
        %add3A_794 = arith.addi %mul3A_791, %add3A_793 : vector<16xi32>
        %gather3A_795 = tpu.vector_load_idx %arg8[%add3A_600, %and3A_591, %add3A_794, %and3A_594] masked %and3A_534 : memref<2x8x32x128xf32, #tpu.memory_space<vmem>>[vector<16xi32>, vector<16xi32>, vector<16xi32>, vector<16xi32>], vector<16xf32>, vector<16xi1>
        tpu.vector_store_idx %arg9[%and3A_577, %and3A_580, %add3A_794], %gather3A_795 masked %and3A_534 : memref<4x16x128xf32, #tpu.memory_space<vmem>>[vector<16xi32>, vector<16xi32>, vector<16xi32>], vector<16xf32>, vector<16xi1>
        %mul3A_796 = arith.constant 0 : i32
        %mul3A_797 = vector.broadcast %mul3A_796 : i32 to vector<16xi32>
        %mul3A_798 = arith.muli %iota3A, %mul3A_797 : vector<16xi32>
        %add3A_799 = arith.constant 28 : i32
        %add3A_800 = vector.broadcast %add3A_799 : i32 to vector<16xi32>
        %add3A_801 = arith.addi %mul3A_798, %add3A_800 : vector<16xi32>
        %gather3A_802 = tpu.vector_load_idx %arg8[%add3A_600, %and3A_591, %add3A_801, %and3A_594] masked %and3A_534 : memref<2x8x32x128xf32, #tpu.memory_space<vmem>>[vector<16xi32>, vector<16xi32>, vector<16xi32>, vector<16xi32>], vector<16xf32>, vector<16xi1>
        tpu.vector_store_idx %arg9[%and3A_577, %and3A_580, %add3A_801], %gather3A_802 masked %and3A_534 : memref<4x16x128xf32, #tpu.memory_space<vmem>>[vector<16xi32>, vector<16xi32>, vector<16xi32>], vector<16xf32>, vector<16xi1>
        %mul3A_803 = arith.constant 0 : i32
        %mul3A_804 = vector.broadcast %mul3A_803 : i32 to vector<16xi32>
        %mul3A_805 = arith.muli %iota3A, %mul3A_804 : vector<16xi32>
        %add3A_806 = arith.constant 29 : i32
        %add3A_807 = vector.broadcast %add3A_806 : i32 to vector<16xi32>
        %add3A_808 = arith.addi %mul3A_805, %add3A_807 : vector<16xi32>
        %gather3A_809 = tpu.vector_load_idx %arg8[%add3A_600, %and3A_591, %add3A_808, %and3A_594] masked %and3A_534 : memref<2x8x32x128xf32, #tpu.memory_space<vmem>>[vector<16xi32>, vector<16xi32>, vector<16xi32>, vector<16xi32>], vector<16xf32>, vector<16xi1>
        tpu.vector_store_idx %arg9[%and3A_577, %and3A_580, %add3A_808], %gather3A_809 masked %and3A_534 : memref<4x16x128xf32, #tpu.memory_space<vmem>>[vector<16xi32>, vector<16xi32>, vector<16xi32>], vector<16xf32>, vector<16xi1>
        %mul3A_810 = arith.constant 0 : i32
        %mul3A_811 = vector.broadcast %mul3A_810 : i32 to vector<16xi32>
        %mul3A_812 = arith.muli %iota3A, %mul3A_811 : vector<16xi32>
        %add3A_813 = arith.constant 30 : i32
        %add3A_814 = vector.broadcast %add3A_813 : i32 to vector<16xi32>
        %add3A_815 = arith.addi %mul3A_812, %add3A_814 : vector<16xi32>
        %gather3A_816 = tpu.vector_load_idx %arg8[%add3A_600, %and3A_591, %add3A_815, %and3A_594] masked %and3A_534 : memref<2x8x32x128xf32, #tpu.memory_space<vmem>>[vector<16xi32>, vector<16xi32>, vector<16xi32>, vector<16xi32>], vector<16xf32>, vector<16xi1>
        tpu.vector_store_idx %arg9[%and3A_577, %and3A_580, %add3A_815], %gather3A_816 masked %and3A_534 : memref<4x16x128xf32, #tpu.memory_space<vmem>>[vector<16xi32>, vector<16xi32>, vector<16xi32>], vector<16xf32>, vector<16xi1>
        %mul3A_817 = arith.constant 0 : i32
        %mul3A_818 = vector.broadcast %mul3A_817 : i32 to vector<16xi32>
        %mul3A_819 = arith.muli %iota3A, %mul3A_818 : vector<16xi32>
        %add3A_820 = arith.constant 31 : i32
        %add3A_821 = vector.broadcast %add3A_820 : i32 to vector<16xi32>
        %add3A_822 = arith.addi %mul3A_819, %add3A_821 : vector<16xi32>
        %gather3A_823 = tpu.vector_load_idx %arg8[%add3A_600, %and3A_591, %add3A_822, %and3A_594] masked %and3A_534 : memref<2x8x32x128xf32, #tpu.memory_space<vmem>>[vector<16xi32>, vector<16xi32>, vector<16xi32>, vector<16xi32>], vector<16xf32>, vector<16xi1>
        tpu.vector_store_idx %arg9[%and3A_577, %and3A_580, %add3A_822], %gather3A_823 masked %and3A_534 : memref<4x16x128xf32, #tpu.memory_space<vmem>>[vector<16xi32>, vector<16xi32>, vector<16xi32>], vector<16xf32>, vector<16xi1>
        %and3A_824 = arith.constant 63 : i32
        %and3A_825 = vector.broadcast %and3A_824 : i32 to vector<16xi32>
        %and3A_826 = arith.andi %add3A_571, %and3A_825 : vector<16xi32>
        tpu.vector_store_idx %arg10[%and3A_826], %get3A_526 masked %and3A_534 : memref<64xi32, #tpu.memory_space<vmem>>[vector<16xi32>], vector<16xi32>, vector<16xi1>
      } else {
      }
      %add3A_555 = arith.addi %and3A_536, %squeeze3A : i32
      %ge3A_556 = arith.constant 16 : i32
      %ge3A_557 = arith.cmpi sge, %add3A_555, %ge3A_556 : i32
      %convert_element_type3A_558 = arith.extui %ge3A_557 : i1 to i32
      %cond3A_559 = arith.constant 0 : i32
      %cond3A_560 = arith.cmpi ne, %convert_element_type3A_558, %cond3A_559 : i32
      scf.if %cond3A_560 {
        %and3A_565 = arith.constant 3 : i32
        %and3A_566 = arith.andi %shift_right_arithmetic3A_538, %and3A_565 : i32
        %mul3A_567 = arith.constant 16 : i32
        %mul3A_568 = arith.muli %and3A_566, %mul3A_567 : i32
        %dma_start3A_569 = arith.constant 0 : i32
        %dma_start3A_570 = arith.constant 0 : i32
        %dma_start3A_571 = tpu.memref_slice %arg9[%and3A_566, %dma_start3A_569, %dma_start3A_570] : memref<4x16x128xf32, #tpu.memory_space<vmem>> -> memref<1x16x128xf32, #tpu.memory_space<vmem>>
        %dma_start3A_572 = tpu.memref_squeeze %dma_start3A_571 : memref<1x16x128xf32, #tpu.memory_space<vmem>> -> memref<16x128xf32, #tpu.memory_space<vmem>>
        %dma_start3A_573 = tpu.memref_slice %arg10[%mul3A_568] : memref<64xi32, #tpu.memory_space<vmem>> -> memref<16xi32, #tpu.memory_space<vmem>>
        %dma_start3A_574 = arith.constant 0 : i32
        %dma_start3A_575 = arith.constant 0 : i32
        %dma_start3A_576 = tpu.memref_slice %arg4[%dma_start3A_574, %dma_start3A_575] : memref<16896x128xf32, #tpu.memory_space<hbm>> -> memref<16896x128xf32, #tpu.memory_space<hbm>>
        tpu.enqueue_indirect_dma source(%dma_start3A_572 : memref<16x128xf32, #tpu.memory_space<vmem>>) target(%dma_start3A_576 : memref<16896x128xf32, #tpu.memory_space<hbm>>) offsets(%dma_start3A_573 : memref<16xi32, #tpu.memory_space<vmem>>) semaphore(%arg12 : memref<!tpu.dma_semaphore, #tpu.memory_space<semaphore_mem>>)
      } else {
      }
      %add3A_561 = arith.constant 1 : i32
      %add3A_562 = arith.addi %while3A_515, %add3A_561 : i32
      %select_n3A_563 = arith.select %and3A_546, %add3A_562, %while3A_515 : i32
      %add3A_564 = arith.addi %while3A_514, %squeeze3A : i32
      scf.yield %add3A_564, %select_n3A_563 : i32, i32
    }
    %and3A = arith.constant 15 : i32
    %and3A_490 = arith.andi %while3A_489#0, %and3A : i32
    %gt3A_491 = arith.constant 0 : i32
    %gt3A_492 = arith.cmpi sgt, %and3A_490, %gt3A_491 : i32
    %convert_element_type3A = arith.extui %gt3A_492 : i1 to i32
    %cond3A = arith.constant 0 : i32
    %cond3A_493 = arith.cmpi ne, %convert_element_type3A, %cond3A : i32
    scf.if %cond3A_493 {
      %shift_right_arithmetic3A_513 = arith.constant 4 : i32
      %shift_right_arithmetic3A_514 = arith.shrsi %while3A_489#0, %shift_right_arithmetic3A_513 : i32
      %and3A_515 = arith.constant 3 : i32
      %and3A_516 = arith.andi %shift_right_arithmetic3A_514, %and3A_515 : i32
      %mul3A_517 = arith.constant 16 : i32
      %mul3A_518 = arith.muli %and3A_516, %mul3A_517 : i32
      %get3A = arith.index_cast %mul3A_518 : i32 to index
      %get3A_519 = tpu.vector_load %arg10[%get3A] {strides = array<i32>} : memref<64xi32, #tpu.memory_space<vmem>>, vector<16xi32>,
      %mul3A_520 = arith.constant 16 : i32
      %mul3A_521 = arith.muli %add3A, %mul3A_520 : i32
      %add3A_522 = arith.constant 16384 : i32
      %add3A_523 = arith.addi %add3A_522, %mul3A_521 : i32
      %add3A_524 = vector.broadcast %add3A_523 : i32 to vector<16xi32>
      %add3A_525 = arith.addi %add3A_524, %iota3A : vector<16xi32>
      %lt3A = vector.broadcast %and3A_490 : i32 to vector<16xi32>
      %lt3A_526 = arith.cmpi slt, %iota3A, %lt3A : vector<16xi32>
      %select_n3A_527 = arith.select %lt3A_526, %get3A_519, %add3A_525 : vector<16xi1>, vector<16xi32>
      %mul3A_528 = arith.constant 16 : i32
      %mul3A_529 = arith.muli %and3A_516, %mul3A_528 : i32
      %swap3A = arith.index_cast %mul3A_529 : i32 to index
      %swap3A_530 = tpu.vector_load %arg10[%swap3A] {strides = array<i32>} : memref<64xi32, #tpu.memory_space<vmem>>, vector<16xi32>,
      tpu.vector_store %arg10[%swap3A], %select_n3A_527 {strides = array<i32>} : memref<64xi32, #tpu.memory_space<vmem>>, vector<16xi32>,
      %and3A_531 = arith.constant 3 : i32
      %and3A_532 = arith.andi %shift_right_arithmetic3A_514, %and3A_531 : i32
      %mul3A_533 = arith.constant 16 : i32
      %mul3A_534 = arith.muli %and3A_532, %mul3A_533 : i32
      %dma_start3A_535 = arith.constant 0 : i32
      %dma_start3A_536 = arith.constant 0 : i32
      %dma_start3A_537 = tpu.memref_slice %arg9[%and3A_532, %dma_start3A_535, %dma_start3A_536] : memref<4x16x128xf32, #tpu.memory_space<vmem>> -> memref<1x16x128xf32, #tpu.memory_space<vmem>>
      %dma_start3A_538 = tpu.memref_squeeze %dma_start3A_537 : memref<1x16x128xf32, #tpu.memory_space<vmem>> -> memref<16x128xf32, #tpu.memory_space<vmem>>
      %dma_start3A_539 = tpu.memref_slice %arg10[%mul3A_534] : memref<64xi32, #tpu.memory_space<vmem>> -> memref<16xi32, #tpu.memory_space<vmem>>
      %dma_start3A_540 = arith.constant 0 : i32
      %dma_start3A_541 = arith.constant 0 : i32
      %dma_start3A_542 = tpu.memref_slice %arg4[%dma_start3A_540, %dma_start3A_541] : memref<16896x128xf32, #tpu.memory_space<hbm>> -> memref<16896x128xf32, #tpu.memory_space<hbm>>
      tpu.enqueue_indirect_dma source(%dma_start3A_538 : memref<16x128xf32, #tpu.memory_space<vmem>>) target(%dma_start3A_542 : memref<16896x128xf32, #tpu.memory_space<hbm>>) offsets(%dma_start3A_539 : memref<16xi32, #tpu.memory_space<vmem>>) semaphore(%arg12 : memref<!tpu.dma_semaphore, #tpu.memory_space<semaphore_mem>>)
    } else {
    }
    %shift_right_arithmetic3A_494 = arith.constant 4 : i32
    %shift_right_arithmetic3A_495 = arith.shrsi %while3A_489#0, %shift_right_arithmetic3A_494 : i32
    %gt3A_496 = arith.constant 0 : i32
    %gt3A_497 = arith.cmpi sgt, %and3A_490, %gt3A_496 : i32
    %jit3A_498 = arith.constant 1 : i32
    %jit3A_499 = arith.constant 0 : i32
    %select_n3A_500 = arith.select %gt3A_497, %jit3A_498, %jit3A_499 : i32
    %add3A_501 = arith.addi %shift_right_arithmetic3A_495, %select_n3A_500 : i32
    %sub3A_502 = arith.subi %add3A_501, %while3A_489#1 : i32
    %while3A_503 = arith.constant 0 : i32
    %while3A_504 = arith.constant 0 : i32
    %while3A_505 = arith.subi %sub3A_502, %while3A_504 : i32
    %while3A_506 = arith.addi %while3A_504, %while3A_505 : i32
    %while3A_507 = arith.constant 1 : i32
    %while3A_508 = arith.divsi %while3A_505, %while3A_507 : i32
    %while3A_509 = arith.muli %while3A_508, %while3A_507 : i32
    %while3A_510 = arith.addi %while3A_504, %while3A_509 : i32
    %while3A_511 = arith.constant 1 : i32
    scf.for %while3A_513 = %while3A_504 to %while3A_510 step %while3A_511  : i32 {
      %and3A_514 = arith.constant 0 : i32
      %and3A_515 = arith.constant 3 : i32
      %and3A_516 = arith.andi %and3A_514, %and3A_515 : i32
      %mul3A_517 = arith.constant 16 : i32
      %mul3A_518 = arith.muli %and3A_516, %mul3A_517 : i32
      %dma_wait3A_519 = arith.constant 0 : i32
      %dma_wait3A_520 = arith.constant 0 : i32
      %dma_wait3A_521 = tpu.memref_slice %arg9[%and3A_516, %dma_wait3A_519, %dma_wait3A_520] : memref<4x16x128xf32, #tpu.memory_space<vmem>> -> memref<1x16x128xf32, #tpu.memory_space<vmem>>
      %dma_wait3A_522 = tpu.memref_squeeze %dma_wait3A_521 : memref<1x16x128xf32, #tpu.memory_space<vmem>> -> memref<16x128xf32, #tpu.memory_space<vmem>>
      %dma_wait3A_523 = tpu.memref_slice %arg10[%mul3A_518] : memref<64xi32, #tpu.memory_space<vmem>> -> memref<16xi32, #tpu.memory_space<vmem>>
      %dma_wait3A_524 = arith.constant 0 : i32
      %dma_wait3A_525 = arith.constant 0 : i32
      %dma_wait3A_526 = tpu.memref_slice %arg4[%dma_wait3A_524, %dma_wait3A_525] : memref<16896x128xf32, #tpu.memory_space<hbm>> -> memref<16896x128xf32, #tpu.memory_space<hbm>>
      tpu.wait_indirect_dma semaphore(%arg12 : memref<!tpu.dma_semaphore, #tpu.memory_space<semaphore_mem>>) src(%dma_wait3A_522 : memref<16x128xf32, #tpu.memory_space<vmem>>) dst(%dma_wait3A_526 : memref<16896x128xf32, #tpu.memory_space<hbm>>)
    }
    %while3A_512 = arith.constant 1 : i32
    scf.for %while3A_513 = %while3A_510 to %while3A_506 step %while3A_512  : i32 {
      %and3A_514 = arith.constant 0 : i32
      %and3A_515 = arith.constant 3 : i32
      %and3A_516 = arith.andi %and3A_514, %and3A_515 : i32
      %mul3A_517 = arith.constant 16 : i32
      %mul3A_518 = arith.muli %and3A_516, %mul3A_517 : i32
      %dma_wait3A_519 = arith.constant 0 : i32
      %dma_wait3A_520 = arith.constant 0 : i32
      %dma_wait3A_521 = tpu.memref_slice %arg9[%and3A_516, %dma_wait3A_519, %dma_wait3A_520] : memref<4x16x128xf32, #tpu.memory_space<vmem>> -> memref<1x16x128xf32, #tpu.memory_space<vmem>>
      %dma_wait3A_522 = tpu.memref_squeeze %dma_wait3A_521 : memref<1x16x128xf32, #tpu.memory_space<vmem>> -> memref<16x128xf32, #tpu.memory_space<vmem>>
      %dma_wait3A_523 = tpu.memref_slice %arg10[%mul3A_518] : memref<64xi32, #tpu.memory_space<vmem>> -> memref<16xi32, #tpu.memory_space<vmem>>
      %dma_wait3A_524 = arith.constant 0 : i32
      %dma_wait3A_525 = arith.constant 0 : i32
      %dma_wait3A_526 = tpu.memref_slice %arg4[%dma_wait3A_524, %dma_wait3A_525] : memref<16896x128xf32, #tpu.memory_space<hbm>> -> memref<16896x128xf32, #tpu.memory_space<hbm>>
      tpu.wait_indirect_dma semaphore(%arg12 : memref<!tpu.dma_semaphore, #tpu.memory_space<semaphore_mem>>) src(%dma_wait3A_522 : memref<16x128xf32, #tpu.memory_space<vmem>>) dst(%dma_wait3A_526 : memref<16896x128xf32, #tpu.memory_space<hbm>>)
    }
    return
  }
}

</mosaic_0001>

<sc_bundles>
// kernel: kernel.3.cloned.1.call-start
scs
__scs_entry_jumppad:
0x0: {  	(pc) =	sbr.rel $0x88, $3  }
0x1: {  	(tag) =	ssettag $0x0;
	lr =	simm.s32 $0x1  }
0x2: {  	[smem:$0x3F9F] =	sst lr;
	_ =	strace $0xD0000000  }
0x3: {  	_ = 	snop  }
0x4: {  	_ = 	snop  }
0x5: {  	_ = 	snop  }
0x6: {  	_ = 	snop  }
0x7: {  	_ = 	snop  }
__scs_overlays_trampoline_lowered:
0x8: {  	[smem:$0x3FAE] =	sst s0  }
0x9: {  	[smem:$0x3FAF] =	sst s1  }
0xa: {  	[smem:$0x3FB0] =	sst s2  }
0xb: {  	[smem:$0x3FB1] =	sst s3  }
0xc: {  	[smem:$0x3FB2] =	sst s4  }
0xd: {  	[smem:$0x3FB3] =	sst s5  }
0xe: {  	[smem:$0x3FB4] =	sst s6  }
0xf: {  	[smem:$0x3FB5] =	sst s7  }
0x10: {  	[smem:$0x3FB6] =	sst s8  }
0x11: {  	[smem:$0x3FB7] =	sst s9;
	s0 =	simm.s32 @!p0 $0x0  }
0x12: {  	s1 =	sld [smem:$0x3F9D];
	s0 =	simm.s32 @p0 $0x1  }
0x13: {  	[smem:$0x3FB8] =	sst s0;
	s0 =	simm.s32 @!p1 $0x0  }
0x14: {  	s2 =	sld [smem:$0x3F9C];
	s0 =	simm.s32 @p1 $0x1  }
0x15: {  	[smem:$0x3FB9] =	sst s0;
	s0 =	simm.s32 @!p2 $0x0  }
0x16: {  	s3 =	sld [smem:$0x3FDB];
	s0 =	simm.s32 @p2 $0x1  }
0x17: {  	s4 =	simm.s32 $0x1BF5;
	[smem:$0x3FBB] =	sst s0  }
0x18: {  	s0 =	sld [smem:$0x3F9E];
	_ =	swait.ge [sflag:s4], $0x0  }
0x19: {  	s7 =	sld [smem:$0x3F9F]  }
0x1a: {  	s8 =	sadd.s32 $0xFFFFE003, lr  }
0x1b: {  	s9 =	sadd.s32 $0xFFFFFEF7, lr;
	s5 =	simm.s32 $0xFFFFFFFF;
	p2 =	slt.u32 s8, $0xFFFFF086  }
0x1c: {  	p1 =	slt.u32 s9, $0xF7A;
	s5 =	simm.s32 @!p2 $0x0  }
0x1d: {  	s5 =	simm.s32 @p1 $0x1;
	p0 =	seq.s32 s7, s2  }
0x1e: {  	s7 =	smul.u32 @!p0 $0xF7A, s2;
	p2 =	seq.s32 @!p0 s5, $0x0  }
0x1f: {  	s9 =	smul.u32 $0xF7A, s1;
	s8 =	simm.s32 @!p0 $0x1BF5;
	p2 =	por !p2, p0  }
0x20: {  	[sflag:s8] =	ssyncset.s32 @!p0 $0xFFFFF086;
	s6 =	sadd.s32 @!p0 s3, s7;
	s7 =	simm.s32 @!p0 $0x108  }
0x21: {  	s3 =	sadd.s32 s3, s9;
	s6 =	sadd.s32 @!p0 $0x88, s6;
	s7 =	simm.s32 @p2 $0x1082  }
0x22: {  	[simem:s7], [sflag:s8] =	dma.local @!p0 [hbm:s6], $0xF7A  }
0x23: {  	s9 =	sor.u32 $0xD0000000, s2;
	s6 =	simm.s32 $0x108;
	_ =	swait.ge @!p0 [sflag:s8], $0x0  }
0x24: {  	s3 =	sadd.s32 $0x88, s3;
	s6 =	simm.s32 @!p1 $0x1082;
	[sflag:s4] =	ssyncset.s32 $0xFFFFF086  }
0x25: {  	[simem:s6], [sflag:s4] =	dma.local [hbm:s3], $0xF7A  }
0x26: {  	[smem:$0x3F9F] =	sst s1;
	(tag) =	ssettag s2;
	_ =	strace s9  }
0x27: {  	s1 =	sld [smem:$0x3FAF]  }
0x28: {  	s2 =	sld [smem:$0x3FB0]  }
0x29: {  	s4 =	sld [smem:$0x3FB2]  }
0x2a: {  	p0 =	seq.s32 s5, $0x0;
	s5 =	sld [smem:$0x3FB3]  }
0x2b: {  	s6 =	sld [smem:$0x3FB4]  }
0x2c: {  	s7 =	sld [smem:$0x3FB5]  }
0x2d: {  	s3 =	simm.s32 $0x108;
	s8 =	sld [smem:$0x3FB6]  }
0x2e: {  	s3 =	simm.s32 @!p0 $0x1082;
	s9 =	sld [smem:$0x3FB7]  }
0x2f: {  	lr =	sadd.s32 s0, s3;
	s0 =	sld [smem:$0x3FAE]  }
0x30: {  	s3 =	sld [smem:$0x3FB1]  }
0x31: {  	[smem:$0x3FBA] =	sst s10  }
0x32: {  	s10 =	sld [smem:$0x3FB8];
	_ =	sdelay $0x3  }
0x33: {  	p0 =	seq.s32 s10, $0x1;
	s10 =	sld [smem:$0x3FBA];
	_ =	sdelay $0x3  }
0x34: {  	[smem:$0x3FBA] =	sst s10  }
0x35: {  	s10 =	sld [smem:$0x3FB9];
	_ =	sdelay $0x3  }
0x36: {  	p1 =	seq.s32 s10, $0x1;
	s10 =	sld [smem:$0x3FBA];
	_ =	sdelay $0x3  }
0x37: {  	[smem:$0x3FBA] =	sst s10  }
0x38: {  	s10 =	sld [smem:$0x3FBB]  }
0x39: {  	_ = 	snop;
	(pc) =	sbr.ind lr, $3  }
0x3a: {  	_ = 	snop  }
0x3b: {  	_ = 	snop  }
0x3c: {  	p2 =	seq.s32 s10, $0x1;
	s10 =	sld [smem:$0x3FBA]  }
0x3d: {  	_ =	shalt  }
0x3e: {  	_ =	shalt  }
0x3f: {  	_ =	shalt  }
0x40: {  	_ =	shalt  }
0x41: {  	_ =	shalt  }
0x42: {  	_ =	shalt  }
0x43: {  	_ =	shalt  }
0x44: {  	_ =	shalt  }
0x45: {  	_ =	shalt  }
0x46: {  	_ =	shalt  }
0x47: {  	_ =	shalt  }
0x48: {  	_ =	shalt  }
0x49: {  	_ =	shalt  }
0x4a: {  	_ =	shalt  }
0x4b: {  	_ =	shalt  }
0x4c: {  	_ =	shalt  }
0x4d: {  	_ =	shalt  }
0x4e: {  	_ =	shalt  }
0x4f: {  	_ =	shalt  }
0x50: {  	_ =	shalt  }
0x51: {  	_ =	shalt  }
0x52: {  	_ =	shalt  }
0x53: {  	_ =	shalt  }
0x54: {  	_ =	shalt  }
0x55: {  	_ =	shalt  }
0x56: {  	_ =	shalt  }
0x57: {  	_ =	shalt  }
0x58: {  	_ =	shalt  }
0x59: {  	_ =	shalt  }
0x5a: {  	_ =	shalt  }
0x5b: {  	_ =	shalt  }
0x5c: {  	_ =	shalt  }
0x5d: {  	_ =	shalt  }
0x5e: {  	_ =	shalt  }
0x5f: {  	_ =	shalt  }
0x60: {  	_ =	shalt  }
0x61: {  	_ =	shalt  }
0x62: {  	_ =	shalt  }
0x63: {  	_ =	shalt  }
0x64: {  	_ =	shalt  }
0x65: {  	_ =	shalt  }
0x66: {  	_ =	shalt  }
0x67: {  	_ =	shalt  }
0x68: {  	_ =	shalt  }
0x69: {  	_ =	shalt  }
0x6a: {  	_ =	shalt  }
0x6b: {  	_ =	shalt  }
0x6c: {  	_ =	shalt  }
0x6d: {  	_ =	shalt  }
0x6e: {  	_ =	shalt  }
0x6f: {  	_ =	shalt  }
0x70: {  	_ =	shalt  }
0x71: {  	_ =	shalt  }
0x72: {  	_ =	shalt  }
0x73: {  	_ =	shalt  }
0x74: {  	_ =	shalt  }
0x75: {  	_ =	shalt  }
0x76: {  	_ =	shalt  }
0x77: {  	_ =	shalt  }
0x78: {  	_ =	shalt  }
0x79: {  	_ =	shalt  }
0x7a: {  	_ =	shalt  }
0x7b: {  	_ =	shalt  }
0x7c: {  	_ =	shalt  }
0x7d: {  	_ =	shalt  }
0x7e: {  	_ =	shalt  }
0x7f: {  	_ =	shalt  }
0x80: {  	_ =	shalt  }
0x81: {  	_ =	shalt  }
0x82: {  	_ =	shalt  }
0x83: {  	_ =	shalt  }
0x84: {  	_ =	shalt  }
0x85: {  	_ =	shalt  }
0x86: {  	_ =	shalt  }
0x87: {  	_ =	shalt  }
.Lfunc_end0:
.L_simem_size_0:
called_computation_lowered:
.L_overlay_start_0:
0x88: {  	s2 =	sld [smem:$0x3FD9]  }
0x89: {  	s3 =	sld [smem:$0x3FFE];
	_ =	sdelay $0x1  }
0x8a: {  	s1 =	srdreg.scid  }
0x8b: {  	s0 =	sand.u32 $0x1, s1  }
0x8c: {  	s17 =	sshll.u32 s0, $0xA;
	s2 =	sadd.s32 s3, s2  }
0x8d: {  	s2 =	sadd.s32 s2, s17  }
0x8e: {  	[smem:$0x3FC6] =	sst s2  }
0x8f: {  	_ = 	snop  }
0x90: {  	s2 =	sld [smem:$0x3FC9]  }
0x91: {  	s18 =	sld [smem:$0x3FC8];
	(tm) =	ssettm $0x1  }
0x92: {  	s4 =	sld [smem:$0x3FFB];
	_ =	sdelay $0x3  }
0x93: {  	_ =	strace s4  }
0x94: {  	s4 =	sld [smem:$0x3FFC];
	_ =	sdelay $0x3  }
0x95: {  	_ =	strace s4  }
0x96: {  	s4 =	sld [smem:$0x3FFD];
	_ =	sdelay $0x3  }
0x97: {  	_ =	strace s4  }
0x98: {  	_ =	strace $0x8FFFFFFF  }
0x99: {  	s19 =	sld [smem:$0x3FDB];
	_ =	sdelay $0x1  }
0x9a: {  	s5 =	simm.s32 $_scs_section_size  }
0x9b: {  	s6 =	simm.s32 $_size__tile_overlayer_lowered;
	s7 =	simm.s32 $_tile_overlayer_lowered  }
0x9c: {  	s22 =	simm.s32 $0x1BFF;
	s21 =	sshll.u32 s7, $0x1;
	s4 =	sadd.s32 s5, s19  }
0x9d: {  	s8 =	simm.s32 $0x0;
	s20 =	sshll.u32 s6, $0x1;
	s6 =	sadd.s32 s21, s4  }
0x9e: {  	[timem:s8], [sflag:s22] =	dma.local [hbm:s6], s20  }
0x9f: {  	_ =	swait.ge [sflag:s22], s20  }
0xa0: {  	s5 =	ssub.s32 $0x0, s20;
	[sflag:s22] =	ssyncset.done $0x0  }
0xa1: {  	[sflag:s22] =	ssyncadd.s32 s5;
	_ =	sdelay $0x1  }
0xa2: {  	s23 =	simm.s32 $0x1B8B  }
0xa3: {  	_ =	swait.ge [sflag:s23], $0x1  }
0xa4: {  	[sflag:s23] =	ssyncset.done $0x0  }
0xa5: {  	s25 =	simm.s32 $0x1B8E;
	s24 =	sld [smem:$0x3FFE];
	[sflag:s23] =	ssyncadd.s32 $0xFFFFFFFF  }
0xa6: {  	s26 =	simm.s32 $execute0_lowered;
	[smem:$0x3FD2] =	sst s25  }
0xa7: {  	s6 =	sshll.u32 s26, $0x1;
	_ =	strace $0x80000046;
	[dreg:$0x1] =	wrdreg $0xFFFFFFFF  }
0xa8: {  	s28 =	simm.s32 $_size_execute0_lowered;
	s4 =	sadd.s32 s4, s6;
	[dreg:$0x0] =	wrdreg $0x0  }
0xa9: {  	s6 =	sshll.u32 s28, $0x1;
	[dreg:$0x2] =	wrdreg s4  }
0xaa: {  	[dreg:$0x3] =	wrdreg s6  }
0xab: {  	[dreg:$0x4] =	wrdreg $0xC0  }
0xac: {  	_ =	task [dreg:s8], $0x5FFFF  }
0xad: {  	[dreg:$0x1] =	wrdreg $0xFFFFFFFF  }
0xae: {  	[dreg:$0x0] =	wrdreg $0x60  }
0xaf: {  	[dreg:$0x2] =	wrdreg s2  }
0xb0: {  	[dreg:$0x3] =	wrdreg s18  }
0xb1: {  	[dreg:$0x4] =	wrdreg s24  }
0xb2: {  	[dreg:$0x5] =	wrdreg $0x9  }
0xb3: {  	_ =	task.clear_ibuf [dreg:s8], $0x6FFFF;
	_ =	strace $0x90000046  }
0xb4: {  	s29 =	simm.s32 $0x9;
	_ =	strace $0x80000048  }
0xb5: {  	_ =	swait.ge [sflag:s29], $0x1  }
0xb6: {  	[sflag:s29] =	ssyncadd.s32 $0xFFFFFFFF  }
0xb7: {  	_ =	strace $0x90000048  }
0xb8: {  	_ =	sfence  }
0xb9: {  	s30 =	sld [smem:$0x0];
	_ =	sdelay $0x2  }
0xba: {  	s31 =	sshll.u32 s1, $0xD;
	s1 =	sshrl.u32 s1, $0x2  }
0xbb: {  	s3 =	sand.u32 $0x4000, s31;
	s1 =	sadd.s32 s1, s30  }
0xbc: {  	s0 =	sor.u32 s3, s0;
	s1 =	sshll.u32 s1, $0x11  }
0xbd: {  	s0 =	sor.u32 s1, s0  }
0xbe: {  	s0 =	sadd.s32 $0x8F2B, s0  }
0xbf: {  	[sflag:s0] =	ssyncadd.remote.s32 $0x1  }
0xc0: {  	_ =	sfence.sel $0xFFFF  }
0xc1: {  	[dreg:$0x0] =	wrdreg $0xFFFFFFFF;
	(pc) =	sbr.abs _section_cstart, $3  }
0xc2: {  	[dreg:$0x1] =	wrdreg $0xFFFFFFFF  }
0xc3: {  	_ =	task.clear_ibuf [dreg:s8], $0x2FFFF;
	_ =	strace $0x9FFFFFFF  }
0xc4: {  	(tm) =	ssettm $0x7FFFFFFF  }
0xc5: {  	_ =	shalt  }
tec
execute0_lowered:
.L_overlay_start_1:
0x0: {  	(tag) =	ssettag $0x1  }
0x1: {  	s3 =	rddreg [dreg:$0x1]  }
0x2: {  	s1 =	rddreg [dreg:$0x2]  }
0x3: {  	s0 =	srdreg.scid;
	s2 =	stileid.u32  }
0x4: {  	s5 =	simm.s32 $0x0;
	s30 =	simm.s32 $0xE000;
	s0 =	sand.u32 $0x1, s0  }
0x5: {  	s2 =	sshll.u32 s2, $0x1;
	[smem:$0x7FF] =	sst s5;
	s4 =	ssub.s32 $0x2, s0  }
0x6: {  	s5 =	sadd.s32 $0x400, s1;
	s0 =	sor.u32 s0, s2;
	s20 =	sshrl.u32 s4, $0x1  }
0x7: {  	s28 =	sadd.s32 $0x180, s3;
	s6 =	smul.u32 $0x7A00, s0;
	s21 =	ssub.s32 s4, s20  }
0x8: {  	_ =	strace $0x80000047;
	s7 =	smul.u32 $0x3D000, s0;
	s1 =	smax.u32 s21, $0x1  }
0x9: {  	s22 =	sshll.u32 s0, $0x7;
	s20 =	sadd.s32 s6, s28;
	[dreg:$0x13] =	wrdreg s1  }
0xa: {  	s23 =	sshrl.u32 s7, $0x3;
	s8 =	sadd.s32 s3, s6;
	[dreg:$0x16] =	wrdreg s20  }
0xb: {  	s24 =	sadd.s32 s3, s23;
	[dreg:$0x4] =	wrdreg s8;
	s21 =	sadd.s32 $0x400, s8  }
0xc: {  	p0 =	sgt.u32 s0, $0x4;
	s4 =	sadd.s32 $0x200, s24;
	[dreg:$0x17] =	wrdreg s21  }
0xd: {  	s17 =	sshll.u32 s0, $0x4;
	s25 =	sadd.s32 $0x280, s24;
	[dreg:$0x5] =	wrdreg s4  }
0xe: {  	s7 =	sor.u32 $0xF4000, s22;
	s26 =	sadd.s32 $0x300, s24;
	[dreg:$0x6] =	wrdreg s25  }
0xf: {  	s22 =	sadd.s32 $0x7800, s6;
	s29 =	sadd.s32 $0x380, s24;
	[dreg:$0x7] =	wrdreg s26  }
0x10: {  	s31 =	sadd.s32 $0x800, s6;
	s9 =	sadd.s32 $0x480, s24;
	[dreg:$0x8] =	wrdreg s29  }
0x11: {  	s7 =	simm.s32 @p0 $0x0;
	s10 =	sadd.s32 $0x500, s24;
	[dreg:$0x9] =	wrdreg s9  }
0x12: {  	s23 =	sadd.s32 $0x80, s3;
	s11 =	sadd.s32 $0x580, s24;
	[dreg:$0xa] =	wrdreg s10  }
0x13: {  	s8 =	sadd.s32 $0x280, s3;
	s12 =	sadd.s32 $0x600, s24;
	[dreg:$0xb] =	wrdreg s11  }
0x14: {  	s20 =	simm.s32 $0x1C000;
	s13 =	sadd.s32 $0x680, s24;
	[dreg:$0xc] =	wrdreg s12  }
0x15: {  	s1 =	simm.s32 $0x0;
	s14 =	sadd.s32 $0x700, s24;
	[dreg:$0xd] =	wrdreg s13  }
0x16: {  	s15 =	sadd.s32 $0x780, s24;
	s16 =	sadd.s32 $0x7880, s24;
	[dreg:$0xe] =	wrdreg s14  }
0x17: {  	s2 =	sadd.s32 $0x7980, s24;
	s18 =	sadd.s32 s6, s23;
	[dreg:$0xf] =	wrdreg s15  }
0x18: {  	s21 =	simm.s32 $0x1E000;
	[dreg:$0x10] =	wrdreg s16;
	s9 =	sadd.s32 $0x7900, s24  }
0x19: {  	[dreg:$0x12] =	wrdreg s2;
	s4 =	sor.u32 $0x4000, s17;
	s24 =	sadd.s32 $0x100, s3  }
0x1a: {  	[dreg:$0x14] =	wrdreg s18;
	s14 =	sadd.s32 $0x7A00, s6;
	s26 =	sadd.s32 s3, s22  }
0x1b: {  	s29 =	sadd.s32 s3, s7;
	s15 =	sadd.s32 $0x80, s7;
	s2 =	sadd.s32 $0x200, s3  }
.Ltmp0:
0x1c: {  	s10 =	sadd.s32 $0x380, s3;
	s18 =	simm.s32 $0x400;
	(pc) =	sbr.rel .LBB2_1-.Ltmp0, $4  }
0x1d: {  	s12 =	simm.s32 $0x7A1400;
	s13 =	simm.s32 $0xC000;
	[dreg:$0x11] =	wrdreg s9  }
0x1e: {  	v5 =	vlaneseq.u32;
	v8 =	vimm.s32 $0x0;
	v1 =	vmov s0;
	s25 =	simm.s32 $0xD000;
	s16 =	simm.s32 $0x14000;
	[dreg:$0x18] =	wrdreg s26  }
0x1f: {  	v7 =	vmov s6;
	v2 =	vmov s22;
	v3 =	vmov s7;
	s22 =	simm.s32 $0x2;
	s19 =	sadd.s32 s6, s24;
	[dreg:$0x19] =	wrdreg s29  }
0x20: {  	s9 =	sadd.s32 $0x300, s3;
	v0 =	vmov s14;
	v4 =	vmov s15;
	v6 =	vor.u32 s4, v5;
	[dreg:$0x15] =	wrdreg s19;
	s19 =	simm.s32 $0x1  }
.LBB2_23:
0x21: {  	[sflag:s22] =	ssyncadd.s32 $0xFFFFF800  }
.LBB2_24:
0x22: {  	s1 =	sadd.s32 $0x1, s1;
	s0 =	rddreg [dreg:$0x13]  }
0x23: {  	p0 =	sne.s32 s1, s0  }
.Ltmp1:
0x24: {  	_ = 	snop;
	(pc) =	sbr.rel @!p0 .LBB2_25-.Ltmp1, $1  }
0x25: {  	_ =	sdelay $0x3  }
.LBB2_1:
0x26: {  	[dreg:$0x1a] =	wrdreg s1  }
0x27: {  	s0 =	rddreg [dreg:$0x4]  }
0x28: {  	[tilespmem:s13], [sflag:$0x1] =	stream.strided.gather [hbm4b:s0+s18], $0x1000, s12, s18, $0x38;
	[tilespmem:$0x1E080] =	vst v63  }
0x29: {  	s11 =	rddreg [dreg:$0x14]  }
0x2a: {  	[tilespmem:s25], [sflag:$0x1] =	stream.strided.gather [hbm4b:s11+s18], $0x1000, s12, s18, $0x38;
	[tilespmem:$0x1E080] =	vst v63  }
0x2b: {  	s14 =	rddreg [dreg:$0x15]  }
0x2c: {  	[tilespmem:s30], [sflag:$0x1] =	stream.strided.gather [hbm4b:s14+s18], $0x1000, s12, s18, $0x38;
	[tilespmem:$0x1E080] =	vst v63  }
0x2d: {  	s15 =	rddreg [dreg:$0x16];
	s17 =	simm.s32 $0xF000  }
0x2e: {  	[tilespmem:s17], [sflag:$0x1] =	stream.strided.gather [hbm4b:s15+s18], $0x1000, s12, s18, $0x38;
	[tilespmem:$0x1E080] =	vst v63  }
0x2f: {  	s26 =	simm.s32 $0x10000;
	s25 =	rddreg [dreg:$0x5]  }
0x30: {  	[tilespmem:s26], [sflag:$0x1] =	stream.strided.gather [hbm4b:s25+s18], $0x1000, s12, s18, $0x38;
	[tilespmem:$0x1E080] =	vst v63  }
0x31: {  	s29 =	rddreg [dreg:$0x6];
	s30 =	simm.s32 $0x11000  }
0x32: {  	[tilespmem:s30], [sflag:$0x1] =	stream.strided.gather [hbm4b:s29+s18], $0x1000, s12, s18, $0x38;
	[tilespmem:$0x1E080] =	vst v63  }
0x33: {  	s4 =	rddreg [dreg:$0x7];
	s7 =	simm.s32 $0x12000  }
0x34: {  	[tilespmem:s7], [sflag:$0x1] =	stream.strided.gather [hbm4b:s4+s18], $0x1000, s12, s18, $0x38;
	[tilespmem:$0x1E080] =	vst v63  }
0x35: {  	s11 =	rddreg [dreg:$0x8];
	s14 =	simm.s32 $0x13000  }
0x36: {  	[tilespmem:s14], [sflag:$0x1] =	stream.strided.gather [hbm4b:s11+s18], $0x1000, s12, s18, $0x38;
	[tilespmem:$0x1E080] =	vst v63  }
0x37: {  	s15 =	rddreg [dreg:$0x17]  }
0x38: {  	[tilespmem:s16], [sflag:$0x1] =	stream.strided.gather [hbm4b:s15+s18], $0x1000, s12, s18, $0x38;
	[tilespmem:$0x1E080] =	vst v63  }
0x39: {  	s17 =	simm.s32 $0x15000;
	s16 =	rddreg [dreg:$0x9]  }
0x3a: {  	[tilespmem:s17], [sflag:$0x1] =	stream.strided.gather [hbm4b:s16+s18], $0x1000, s12, s18, $0x38;
	[tilespmem:$0x1E080] =	vst v63  }
0x3b: {  	s25 =	rddreg [dreg:$0xa];
	s26 =	simm.s32 $0x16000  }
0x3c: {  	[tilespmem:s26], [sflag:$0x1] =	stream.strided.gather [hbm4b:s25+s18], $0x1000, s12, s18, $0x38;
	[tilespmem:$0x1E080] =	vst v63  }
0x3d: {  	s29 =	rddreg [dreg:$0xb];
	s30 =	simm.s32 $0x17000  }
0x3e: {  	[tilespmem:s30], [sflag:$0x1] =	stream.strided.gather [hbm4b:s29+s18], $0x1000, s12, s18, $0x38;
	[tilespmem:$0x1E080] =	vst v63  }
0x3f: {  	s4 =	rddreg [dreg:$0xc];
	s7 =	simm.s32 $0x18000  }
0x40: {  	[tilespmem:s7], [sflag:$0x1] =	stream.strided.gather [hbm4b:s4+s18], $0x1000, s12, s18, $0x38;
	[tilespmem:$0x1E080] =	vst v63  }
0x41: {  	s11 =	rddreg [dreg:$0xd];
	s14 =	simm.s32 $0x19000  }
0x42: {  	[tilespmem:s14], [sflag:$0x1] =	stream.strided.gather [hbm4b:s11+s18], $0x1000, s12, s18, $0x38;
	[tilespmem:$0x1E080] =	vst v63  }
0x43: {  	s15 =	rddreg [dreg:$0xe];
	s16 =	simm.s32 $0x1A000  }
0x44: {  	[tilespmem:s16], [sflag:$0x1] =	stream.strided.gather [hbm4b:s15+s18], $0x1000, s12, s18, $0x38;
	[tilespmem:$0x1E080] =	vst v63  }
0x45: {  	s17 =	rddreg [dreg:$0xf];
	s25 =	simm.s32 $0x1B000  }
0x46: {  	[tilespmem:s25], [sflag:$0x1] =	stream.strided.gather [hbm4b:s17+s18], $0x1000, s12, s18, $0x38;
	[tilespmem:$0x1E080] =	vst v63  }
0x47: {  	s26 =	rddreg [dreg:$0x0];
	s29 =	simm.s32 $0x0;
	s30 =	simm.s32 $0x3  }
0x48: {  	[tilespmem:s29], [sflag:$0x3] =	stream.linear.gather [hbm4b:s26+s29], $0x4000, $0x38;
	[tilespmem:$0x1E080] =	vst v63  }
0x49: {  	_ =	swait.ge [sflag:s30], $0x4000  }
0x4a: {  	[sflag:s30] =	ssyncset.done $0x0  }
0x4b: {  	[sflag:s30] =	ssyncadd.s32 $0xFFFFC000  }
0x4c: {  	v9 =	vld [tilespmem:s29+$0x0];
	_ =	sdelay $0x4  }
0x4d: {  	v10 =	vadd.s32 $0xFFF0C000, v9  }
0x4e: {  	vm0 =	vge.s32 v9, v7;
	v11 =	vshra.s32 v10, $0x7  }
0x4f: {  	vm1 =	vlt.s32 v9, v0;
	vm2 =	vgt.s32 v10, $0xFFFFFFFF;
	vm3 =	veq.s32 v11, v1  }
0x50: {  	vm0 =	vmand vm0, vm1;
	vm15 =	vmand vm2, vm3  }
0x51: {  	vm0 =	vmor vm0, vm15  }
0x52: {  	v10 =	vmpcnt.ones.xlane vm0;
	_ =	sdelay $0x1  }
0x53: {  	(v2sf) =	vpush v10, $0x0;
	_ =	sdelay $0x1  }
0x54: {  	[tilespmem:s29+$0x4000] =	vst.msk vm0, v9;
	v9 =	vor.u32 s29, v5  }
0x55: {  	s0 =	simm.s32 $0x10;
	[tilespmem:s29+$0x8000] =	vst.msk vm0, v9  }
0x56: {  	s1 =	simm.s32 $0x0;
	s4 =	simm.s32 $0x20;
	s7 =	simm.s32 $0x10;
	v9 =	vld [tilespmem:s0+$0x0]  }
.LBB2_2:
0x57: {  	p0 =	sne.s32 s4, $0x3FF0;
	_ =	sdelay $0x3  }
0x58: {  	v10 =	vadd.s32 $0xFFF0C000, v9  }
0x59: {  	vm0 =	vge.s32 v9, v7;
	v11 =	vshra.s32 v10, $0x7  }
0x5a: {  	vm1 =	vlt.s32 v9, v0;
	vm2 =	vgt.s32 v10, $0xFFFFFFFF;
	vm3 =	veq.s32 v11, v1  }
0x5b: {  	vm0 =	vmand vm0, vm1;
	vm1 =	vmand vm2, vm3  }
0x5c: {  	vm0 =	vmor vm0, vm1  }
0x5d: {  	v10 =	vmpcnt.ones.xlane vm0  }
0x5e: {  	s14 =	spop (v2sf)  }
.Ltmp2:
0x5f: {  	(v2sf) =	vpush v10, $0x0;
	s1 =	sadd.s32 s1, s14;
	(pc) =	sbr.rel @p0 .LBB2_2-.Ltmp2, $4  }
0x60: {  	[tilespmem:s1+$0x4000] =	vst.msk vm0, v9;
	v9 =	vor.u32 s0, v5;
	s0 =	smov.u32 s4  }
0x61: {  	[tilespmem:s1+$0x8000] =	vst.msk vm0, v9  }
0x62: {  	s7 =	sadd.s32 $0x10, s7  }
0x63: {  	s4 =	sadd.s32 $0x10, s4;
	v9 =	vld [tilespmem:s7+$0x0]  }
0x64: {  	_ =	sdelay $0x3  }
0x65: {  	v10 =	vadd.s32 $0xFFF0C000, v9  }
0x66: {  	vm0 =	vge.s32 v9, v7;
	v11 =	vshra.s32 v10, $0x7  }
0x67: {  	vm1 =	vlt.s32 v9, v0;
	vm2 =	vgt.s32 v10, $0xFFFFFFFF;
	vm3 =	veq.s32 v11, v1  }
0x68: {  	vm0 =	vmand vm0, vm1;
	vm15 =	vmand vm2, vm3  }
0x69: {  	vm0 =	vmor vm0, vm15  }
0x6a: {  	v10 =	vmpcnt.ones.xlane vm0;
	_ =	sdelay $0x1  }
0x6b: {  	(v2sf) =	vpush v10, $0x0;
	_ =	sdelay $0xd  }
0x6c: {  	s4 =	spop (v2sf)  }
.Ltmp3:
0x6d: {  	s1 =	sadd.s32 s1, s4;
	s30 =	spop (v2sf);
	(pc) =	sbr.rel .LBB2_4-.Ltmp3, $4  }
0x6e: {  	s4 =	sadd.s32 s1, s30  }
0x6f: {  	s7 =	sadd.s32 $0xF, s4  }
0x70: {  	s26 =	simm.s32 $0x0;
	[tilespmem:s1+$0x4000] =	vst.msk vm0, v9;
	v9 =	vor.u32 s0, v5;
	s17 =	sshra.s32 s7, $0x4  }
0x71: {  	s29 =	simm.s32 $0x0;
	s14 =	simm.s32 $0x0;
	[tilespmem:s1+$0x8000] =	vst.msk vm0, v9;
	v9 =	vmov s4;
	p0 =	slt.s32 s17, $0x1  }
.LBB2_9:
0x72: {  	p1 =	sgt.u32 s14, $0x1B  }
0x73: {  	s0 =	sadd.s32 $0xC000, s15;
	s1 =	sadd.s32 @!p1 s16, s31  }
0x74: {  	s7 =	simm.s32 @!p1 $0x400;
	s11 =	simm.s32 @!p1 $0x7A1400;
	s4 =	sadd.s32 @!p1 s3, s1  }
0x75: {  	[tilespmem:s0], [sflag:$0x1] =	stream.strided.gather @!p1 [hbm4b:s4+s7], $0x1000, s11, s7, $0x38;
	[tilespmem:$0x1E080] =	vst v63  }
0x76: {  	s0 =	sadd.s32 $0xD000, s15;
	s4 =	sadd.s32 @!p1 s1, s23  }
0x77: {  	[tilespmem:s0], [sflag:$0x1] =	stream.strided.gather @!p1 [hbm4b:s4+s7], $0x1000, s11, s7, $0x38;
	[tilespmem:$0x1E080] =	vst v63  }
0x78: {  	s0 =	sadd.s32 $0xE000, s15;
	s4 =	sadd.s32 @!p1 s1, s24  }
0x79: {  	[tilespmem:s0], [sflag:$0x1] =	stream.strided.gather @!p1 [hbm4b:s4+s7], $0x1000, s11, s7, $0x38;
	[tilespmem:$0x1E080] =	vst v63  }
0x7a: {  	s0 =	sadd.s32 $0xF000, s15;
	s4 =	sadd.s32 @!p1 s1, s28  }
0x7b: {  	[tilespmem:s0], [sflag:$0x1] =	stream.strided.gather @!p1 [hbm4b:s4+s7], $0x1000, s11, s7, $0x38;
	[tilespmem:$0x1E080] =	vst v63  }
0x7c: {  	s0 =	sor.u32 $0x10000, s15;
	s4 =	sadd.s32 @!p1 s2, s1  }
0x7d: {  	[tilespmem:s0], [sflag:$0x1] =	stream.strided.gather @!p1 [hbm4b:s4+s7], $0x1000, s11, s7, $0x38;
	[tilespmem:$0x1E080] =	vst v63  }
0x7e: {  	s0 =	sor.u32 $0x11000, s15;
	s4 =	sadd.s32 @!p1 s8, s1  }
0x7f: {  	[tilespmem:s0], [sflag:$0x1] =	stream.strided.gather @!p1 [hbm4b:s4+s7], $0x1000, s11, s7, $0x38;
	[tilespmem:$0x1E080] =	vst v63  }
0x80: {  	s0 =	sor.u32 $0x12000, s15;
	s4 =	sadd.s32 @!p1 s9, s1  }
0x81: {  	[tilespmem:s0], [sflag:$0x1] =	stream.strided.gather @!p1 [hbm4b:s4+s7], $0x1000, s11, s7, $0x38;
	[tilespmem:$0x1E080] =	vst v63  }
0x82: {  	s14 =	sadd.s32 $0x1, s14;
	s1 =	sadd.s32 @!p1 s10, s1;
	s0 =	sor.u32 $0x13000, s15  }
0x83: {  	[tilespmem:s0], [sflag:$0x1] =	stream.strided.gather @!p1 [hbm4b:s1+s7], $0x1000, s11, s7, $0x38;
	[tilespmem:$0x1E080] =	vst v63  }
0x84: {  	p1 =	sne.s32 s14, $0x1E  }
.Ltmp4:
0x85: {  	_ = 	snop;
	(pc) =	sbr.rel @!p1 .LBB2_10-.Ltmp4, $1  }
0x86: {  	_ =	sdelay $0x3  }
.LBB2_4:
0x87: {  	_ =	swait.ge [sflag:s19], $0x1000  }
0x88: {  	[sflag:s19] =	ssyncset.done $0x0  }
0x89: {  	[sflag:s19] =	ssyncadd.s32 $0xFFFFF000  }
0x8a: {  	_ =	swait.ge [sflag:s19], $0x1000  }
0x8b: {  	[sflag:s19] =	ssyncset.done $0x0  }
0x8c: {  	[sflag:s19] =	ssyncadd.s32 $0xFFFFF000  }
0x8d: {  	_ =	swait.ge [sflag:s19], $0x1000  }
0x8e: {  	[sflag:s19] =	ssyncset.done $0x0  }
0x8f: {  	[sflag:s19] =	ssyncadd.s32 $0xFFFFF000  }
0x90: {  	_ =	swait.ge [sflag:s19], $0x1000  }
0x91: {  	[sflag:s19] =	ssyncset.done $0x0  }
0x92: {  	[sflag:s19] =	ssyncadd.s32 $0xFFFFF000  }
0x93: {  	_ =	swait.ge [sflag:s19], $0x1000  }
0x94: {  	[sflag:s19] =	ssyncset.done $0x0  }
0x95: {  	[sflag:s19] =	ssyncadd.s32 $0xFFFFF000  }
0x96: {  	_ =	swait.ge [sflag:s19], $0x1000  }
0x97: {  	[sflag:s19] =	ssyncset.done $0x0  }
0x98: {  	[sflag:s19] =	ssyncadd.s32 $0xFFFFF000  }
0x99: {  	_ =	swait.ge [sflag:s19], $0x1000  }
.Ltmp5:
0x9a: {  	[sflag:s19] =	ssyncset.done $0x0;
	(pc) =	sbr.rel @p0 .LBB2_9-.Ltmp5, $4  }
0x9b: {  	[sflag:s19] =	ssyncadd.s32 $0xFFFFF000  }
0x9c: {  	_ =	swait.ge [sflag:s19], $0x1000  }
0x9d: {  	s0 =	sand.u32 $0x1, s14;
	[sflag:s19] =	ssyncset.done $0x0  }
0x9e: {  	s16 =	sshll.u32 s14, $0xA;
	s15 =	sshll.u32 s0, $0xF;
	[sflag:s19] =	ssyncadd.s32 $0xFFFFF000  }
.Ltmp6:
0x9f: {  	(pc) =	sbr.rel .LBB2_6-.Ltmp6, $4  }
0xa0: {  	_ = 	snop  }
0xa1: {  	s0 =	sadd.s32 s6, s16  }
0xa2: {  	s7 =	simm.s32 $0x4000;
	s1 =	sadd.s32 $0x400, s0  }
0xa3: {  	v12 =	vmov s15;
	s30 =	smov.u32 s17;
	v10 =	vmov s0;
	s0 =	simm.s32 $0x8000;
	v11 =	vmov s1;
	s1 =	simm.s32 $0x0  }
.LBB2_8:
0xa4: {  	p2 =	slt.s32 s25, $0x10  }
0xa5: {  	s4 =	sand.u32 @!p2 $0x3, s4  }
0xa6: {  	s11 =	sshll.u32 @!p2 s4, $0xB;
	s4 =	sshll.u32 @!p2 s4, $0x4  }
0xa7: {  	s25 =	simm.s32 @!p2 $0x10;
	s11 =	sor.u32 @!p2 $0x1C000, s11;
	s4 =	sor.u32 @!p2 $0x1E000, s4  }
0xa8: {  	[hbm4b:s5+s25] =	stream.indirect.scatter @!p2 [tilespmem:s11], [sflag:$0x2], $0x80, s4, s25, $0xb8;
	[tilespmem:$0x1E080] =	vst v63  }
0xa9: {  	s30 =	sadd.s32 $0xFFFFFFFF, s30;
	s4 =	simm.s32 $0x1  }
0xaa: {  	s4 =	simm.s32 @!p1 $0x0;
	p1 =	sne.s32 s30, $0x0  }
.Ltmp7:
0xab: {  	_ = 	snop;
	(pc) =	sbr.rel @!p1 .LBB2_9-.Ltmp7, $3  }
0xac: {  	_ =	sdelay $0x1  }
0xad: {  	s29 =	sadd.s32 s29, s18;
	s7 =	sadd.s32 $0x10, s7  }
0xae: {  	s0 =	sadd.s32 $0x10, s0;
	s1 =	sadd.s32 $0x10, s1;
	s26 =	sadd.s32 s4, s26  }
.LBB2_6:
0xaf: {  	v14 =	vld [tilespmem:s7+$0x0];
	_ =	sdelay $0x3  }
0xb0: {  	v13 =	vor.u32 s1, v5  }
0xb1: {  	vm1 =	vlt.s32 v13, v9;
	vm0 =	vlt.s32 v14, v11  }
0xb2: {  	vm2 =	vge.s32 v14, v10;
	vm0 =	vmand vm0, vm1  }
0xb3: {  	vm0 =	vmand vm0, vm2  }
0xb4: {  	v13 =	vmpcnt.ones.xlane vm0;
	_ =	sdelay $0x1  }
0xb5: {  	(v2sf) =	vpush v13, $0x0;
	_ =	sdelay $0xe  }
0xb6: {  	s25 =	sand.u32 $0xF, s29;
	s18 =	spop (v2sf)  }
0xb7: {  	s4 =	sshra.s32 s29, $0x4;
	s25 =	sadd.s32 s25, s18  }
0xb8: {  	p2 =	sgt.s32 s4, $0x2;
	p1 =	sgt.s32 s25, $0x10  }
0xb9: {  	p1 =	por !p2, !p1;
	p2 =	slt.s32 s18, $0x1  }
.Ltmp8:
0xba: {  	p1 =	por !p1, !p1;
	(pc) =	sbr.rel @p2 .LBB2_8-.Ltmp8, $4  }
0xbb: {  	s11 =	simm.s32 @p1 $0x2  }
0xbc: {  	v13 =	vld [tilespmem:s0+$0x0];
	_ =	swait.ge @p1 [sflag:s11], $0x800  }
0xbd: {  	[sflag:s11] =	ssyncset.done @p1 $0x0  }
0xbe: {  	[sflag:s11] =	ssyncadd.s32 @p1 $0xFFFFF800  }
0xbf: {  	v15 =	vsel vm0, $0x1, v8  }
0xc0: {  	(xrf0) =	vadd.scan.msk.s32 $0xffff, v15;
	v15 =	vsub.s32 v14, v10  }
0xc1: {  	v15 =	vshll.u32 v15, $0x5  }
0xc2: {  	v15 =	vand.u32 $0x7000, v15  }
0xc3: {  	v16 =	vmov s29;
	v14 =	vand.u32 $0x7F, v14;
	v15 =	vor.u32 v12, v15  }
0xc4: {  	v16 =	vadd.s32 $0xFFFFFFFF, v16;
	v14 =	vor.u32 v14, v15  }
0xc5: {  	v15 =	vbroadcast v16, $0x0  }
0xc6: {  	v48, _, _ =	vpop (xrf0)  }
0xc7: {  	v15 =	vadd.s32 v15, v48  }
0xc8: {  	v16 =	vshll.u32 v15, $0x7  }
0xc9: {  	v17 =	vld.idx.msk [tilespmem:v14+s13+$0x0], vm0;
	v16 =	vand.u32 $0x1F80, v16  }
0xca: {  	v18 =	vor.u32 $0x80, v14;
	_ =	sdelay $0x3  }
0xcb: {  	[tilespmem:v16+s20+$0x0] =	vst.idx.msk vm0, v17  }
0xcc: {  	v49 =	vor.u32 $0x1, v16;
	v17 =	vld.idx.msk [tilespmem:v18+s13+$0x0], vm0  }
0xcd: {  	v19 =	vor.u32 $0x100, v14;
	_ =	sdelay $0x3  }
0xce: {  	[tilespmem:v49+s20+$0x0] =	vst.idx.msk vm0, v17  }
0xcf: {  	v50 =	vor.u32 $0x2, v16;
	v17 =	vld.idx.msk [tilespmem:v19+s13+$0x0], vm0  }
0xd0: {  	v51 =	vor.u32 $0x180, v14;
	_ =	sdelay $0x3  }
0xd1: {  	[tilespmem:v50+s20+$0x0] =	vst.idx.msk vm0, v17  }
0xd2: {  	v52 =	vor.u32 $0x3, v16;
	v17 =	vld.idx.msk [tilespmem:v51+s13+$0x0], vm0  }
0xd3: {  	v53 =	vor.u32 $0x200, v14;
	_ =	sdelay $0x3  }
0xd4: {  	[tilespmem:v52+s20+$0x0] =	vst.idx.msk vm0, v17  }
0xd5: {  	v54 =	vor.u32 $0x4, v16;
	v17 =	vld.idx.msk [tilespmem:v53+s13+$0x0], vm0  }
0xd6: {  	v55 =	vor.u32 $0x280, v14;
	_ =	sdelay $0x3  }
0xd7: {  	[tilespmem:v54+s20+$0x0] =	vst.idx.msk vm0, v17  }
0xd8: {  	v56 =	vor.u32 $0x5, v16;
	v17 =	vld.idx.msk [tilespmem:v55+s13+$0x0], vm0  }
0xd9: {  	v57 =	vor.u32 $0x300, v14;
	_ =	sdelay $0x3  }
0xda: {  	[tilespmem:v56+s20+$0x0] =	vst.idx.msk vm0, v17  }
0xdb: {  	v58 =	vor.u32 $0x6, v16;
	v17 =	vld.idx.msk [tilespmem:v57+s13+$0x0], vm0  }
0xdc: {  	v59 =	vor.u32 $0x380, v14;
	_ =	sdelay $0x3  }
0xdd: {  	[tilespmem:v58+s20+$0x0] =	vst.idx.msk vm0, v17  }
0xde: {  	v60 =	vor.u32 $0x7, v16;
	v17 =	vld.idx.msk [tilespmem:v59+s13+$0x0], vm0  }
0xdf: {  	v61 =	vor.u32 $0x400, v14;
	_ =	sdelay $0x3  }
0xe0: {  	[tilespmem:v60+s20+$0x0] =	vst.idx.msk vm0, v17  }
0xe1: {  	v62 =	vor.u32 $0x8, v16;
	v17 =	vld.idx.msk [tilespmem:v61+s13+$0x0], vm0  }
0xe2: {  	v63 =	vor.u32 $0x480, v14;
	_ =	sdelay $0x3  }
0xe3: {  	[tilespmem:v62+s20+$0x0] =	vst.idx.msk vm0, v17  }
0xe4: {  	v21 =	vor.u32 $0x9, v16;
	v17 =	vld.idx.msk [tilespmem:v63+s13+$0x0], vm0  }
0xe5: {  	v22 =	vor.u32 $0x500, v14;
	_ =	sdelay $0x3  }
0xe6: {  	[tilespmem:v21+s20+$0x0] =	vst.idx.msk vm0, v17  }
0xe7: {  	v23 =	vor.u32 $0xA, v16;
	v17 =	vld.idx.msk [tilespmem:v22+s13+$0x0], vm0  }
0xe8: {  	v24 =	vor.u32 $0x580, v14;
	_ =	sdelay $0x3  }
0xe9: {  	[tilespmem:v23+s20+$0x0] =	vst.idx.msk vm0, v17  }
0xea: {  	v25 =	vor.u32 $0xB, v16;
	v17 =	vld.idx.msk [tilespmem:v24+s13+$0x0], vm0  }
0xeb: {  	v26 =	vor.u32 $0x600, v14;
	_ =	sdelay $0x3  }
0xec: {  	[tilespmem:v25+s20+$0x0] =	vst.idx.msk vm0, v17  }
0xed: {  	v27 =	vor.u32 $0xC, v16;
	v17 =	vld.idx.msk [tilespmem:v26+s13+$0x0], vm0  }
0xee: {  	v28 =	vor.u32 $0x680, v14;
	_ =	sdelay $0x3  }
0xef: {  	[tilespmem:v27+s20+$0x0] =	vst.idx.msk vm0, v17  }
0xf0: {  	v29 =	vor.u32 $0xD, v16;
	v17 =	vld.idx.msk [tilespmem:v28+s13+$0x0], vm0  }
0xf1: {  	v30 =	vor.u32 $0x700, v14;
	_ =	sdelay $0x3  }
0xf2: {  	[tilespmem:v29+s20+$0x0] =	vst.idx.msk vm0, v17  }
0xf3: {  	v31 =	vor.u32 $0xE, v16;
	v17 =	vld.idx.msk [tilespmem:v30+s13+$0x0], vm0  }
0xf4: {  	v32 =	vor.u32 $0x780, v14;
	_ =	sdelay $0x3  }
0xf5: {  	[tilespmem:v31+s20+$0x0] =	vst.idx.msk vm0, v17  }
0xf6: {  	v33 =	vor.u32 $0xF, v16;
	v17 =	vld.idx.msk [tilespmem:v32+s13+$0x0], vm0  }
0xf7: {  	v34 =	vor.u32 $0x800, v14;
	_ =	sdelay $0x3  }
0xf8: {  	[tilespmem:v33+s20+$0x0] =	vst.idx.msk vm0, v17  }
0xf9: {  	v35 =	vor.u32 $0x10, v16;
	v17 =	vld.idx.msk [tilespmem:v34+s13+$0x0], vm0  }
0xfa: {  	v36 =	vor.u32 $0x880, v14;
	_ =	sdelay $0x3  }
0xfb: {  	[tilespmem:v35+s20+$0x0] =	vst.idx.msk vm0, v17  }
0xfc: {  	v37 =	vor.u32 $0x11, v16;
	v17 =	vld.idx.msk [tilespmem:v36+s13+$0x0], vm0  }
0xfd: {  	v38 =	vor.u32 $0x900, v14;
	_ =	sdelay $0x3  }
0xfe: {  	[tilespmem:v37+s20+$0x0] =	vst.idx.msk vm0, v17  }
0xff: {  	v39 =	vor.u32 $0x12, v16;
	v17 =	vld.idx.msk [tilespmem:v38+s13+$0x0], vm0  }
0x100: {  	v40 =	vor.u32 $0x980, v14;
	_ =	sdelay $0x3  }
0x101: {  	[tilespmem:v39+s20+$0x0] =	vst.idx.msk vm0, v17  }
0x102: {  	v41 =	vor.u32 $0x13, v16;
	v17 =	vld.idx.msk [tilespmem:v40+s13+$0x0], vm0  }
0x103: {  	v42 =	vor.u32 $0xA00, v14;
	_ =	sdelay $0x3  }
0x104: {  	[tilespmem:v41+s20+$0x0] =	vst.idx.msk vm0, v17  }
0x105: {  	v43 =	vor.u32 $0x14, v16;
	v17 =	vld.idx.msk [tilespmem:v42+s13+$0x0], vm0  }
0x106: {  	v44 =	vor.u32 $0xA80, v14;
	_ =	sdelay $0x3  }
0x107: {  	[tilespmem:v43+s20+$0x0] =	vst.idx.msk vm0, v17  }
0x108: {  	v45 =	vor.u32 $0x15, v16;
	v17 =	vld.idx.msk [tilespmem:v44+s13+$0x0], vm0  }
0x109: {  	v46 =	vor.u32 $0xB00, v14;
	_ =	sdelay $0x3  }
0x10a: {  	[tilespmem:v45+s20+$0x0] =	vst.idx.msk vm0, v17  }
0x10b: {  	v47 =	vor.u32 $0x16, v16;
	v17 =	vld.idx.msk [tilespmem:v46+s13+$0x0], vm0  }
0x10c: {  	v48 =	vor.u32 $0xB80, v14;
	_ =	sdelay $0x3  }
0x10d: {  	[tilespmem:v47+s20+$0x0] =	vst.idx.msk vm0, v17  }
0x10e: {  	v49 =	vor.u32 $0x17, v16;
	v17 =	vld.idx.msk [tilespmem:v48+s13+$0x0], vm0  }
0x10f: {  	v50 =	vor.u32 $0xC00, v14;
	_ =	sdelay $0x3  }
0x110: {  	[tilespmem:v49+s20+$0x0] =	vst.idx.msk vm0, v17  }
0x111: {  	v51 =	vor.u32 $0x18, v16;
	v17 =	vld.idx.msk [tilespmem:v50+s13+$0x0], vm0  }
0x112: {  	v52 =	vor.u32 $0xC80, v14;
	_ =	sdelay $0x3  }
0x113: {  	[tilespmem:v51+s20+$0x0] =	vst.idx.msk vm0, v17  }
0x114: {  	v53 =	vor.u32 $0x19, v16;
	v17 =	vld.idx.msk [tilespmem:v52+s13+$0x0], vm0  }
0x115: {  	v54 =	vor.u32 $0xD00, v14;
	_ =	sdelay $0x3  }
0x116: {  	[tilespmem:v53+s20+$0x0] =	vst.idx.msk vm0, v17  }
0x117: {  	v55 =	vor.u32 $0x1A, v16;
	v17 =	vld.idx.msk [tilespmem:v54+s13+$0x0], vm0  }
0x118: {  	v56 =	vor.u32 $0xD80, v14;
	_ =	sdelay $0x3  }
0x119: {  	[tilespmem:v55+s20+$0x0] =	vst.idx.msk vm0, v17  }
0x11a: {  	v57 =	vor.u32 $0x1B, v16;
	v17 =	vld.idx.msk [tilespmem:v56+s13+$0x0], vm0  }
0x11b: {  	v58 =	vor.u32 $0xE00, v14;
	_ =	sdelay $0x3  }
0x11c: {  	[tilespmem:v57+s20+$0x0] =	vst.idx.msk vm0, v17  }
0x11d: {  	v59 =	vor.u32 $0x1C, v16;
	v17 =	vld.idx.msk [tilespmem:v58+s13+$0x0], vm0  }
0x11e: {  	v60 =	vor.u32 $0xE80, v14;
	_ =	sdelay $0x3  }
0x11f: {  	[tilespmem:v59+s20+$0x0] =	vst.idx.msk vm0, v17  }
0x120: {  	v61 =	vor.u32 $0x1D, v16;
	v17 =	vld.idx.msk [tilespmem:v60+s13+$0x0], vm0  }
0x121: {  	v62 =	vor.u32 $0xF00, v14;
	_ =	sdelay $0x3  }
0x122: {  	[tilespmem:v61+s20+$0x0] =	vst.idx.msk vm0, v17  }
0x123: {  	v63 =	vor.u32 $0x1E, v16;
	v17 =	vld.idx.msk [tilespmem:v62+s13+$0x0], vm0  }
0x124: {  	v14 =	vor.u32 $0xF80, v14;
	_ =	sdelay $0x3  }
0x125: {  	[tilespmem:v63+s20+$0x0] =	vst.idx.msk vm0, v17  }
0x126: {  	v16 =	vor.u32 $0x1F, v16;
	v14 =	vld.idx.msk [tilespmem:v14+s13+$0x0], vm0  }
0x127: {  	v15 =	vand.u32 $0x3F, v15  }
.Ltmp9:
0x128: {  	_ = 	snop;
	(pc) =	sbr.rel .LBB2_8-.Ltmp9, $3  }
0x129: {  	_ =	sdelay $0x1  }
0x12a: {  	[tilespmem:v16+s20+$0x0] =	vst.idx.msk vm0, v14  }
0x12b: {  	[tilespmem:v15+s21+$0x0] =	vst.idx.msk vm0, v13  }
.LBB2_10:
0x12c: {  	s0 =	rddreg [dreg:$0x18];
	s18 =	simm.s32 $0x400  }
0x12d: {  	[tilespmem:s13], [sflag:$0x1] =	stream.strided.gather [hbm4b:s0+s18], $0x1000, s12, s18, $0x38;
	[tilespmem:$0x1E080] =	vst v63  }
0x12e: {  	s14 =	rddreg [dreg:$0x10];
	s25 =	simm.s32 $0xD000  }
0x12f: {  	[tilespmem:s25], [sflag:$0x1] =	stream.strided.gather [hbm4b:s14+s18], $0x1000, s12, s18, $0x38;
	[tilespmem:$0x1E080] =	vst v63  }
0x130: {  	s15 =	rddreg [dreg:$0x11];
	s30 =	simm.s32 $0xE000  }
0x131: {  	[tilespmem:s30], [sflag:$0x1] =	stream.strided.gather [hbm4b:s15+s18], $0x1000, s12, s18, $0x38;
	[tilespmem:$0x1E080] =	vst v63  }
0x132: {  	s16 =	rddreg [dreg:$0x12];
	s1 =	simm.s32 $0xF000  }
0x133: {  	[tilespmem:s1], [sflag:$0x1] =	stream.strided.gather [hbm4b:s16+s18], $0x1000, s12, s18, $0x38;
	[tilespmem:$0x1E080] =	vst v63  }
0x134: {  	_ =	swait.ge [sflag:s19], $0x1000  }
0x135: {  	[sflag:s19] =	ssyncset.done $0x0  }
0x136: {  	[sflag:s19] =	ssyncadd.s32 $0xFFFFF000  }
0x137: {  	_ =	swait.ge [sflag:s19], $0x1000  }
0x138: {  	[sflag:s19] =	ssyncset.done $0x0  }
0x139: {  	[sflag:s19] =	ssyncadd.s32 $0xFFFFF000  }
0x13a: {  	_ =	swait.ge [sflag:s19], $0x1000  }
.Ltmp10:
0x13b: {  	[sflag:s19] =	ssyncset.done $0x0;
	(pc) =	sbr.rel @p0 .LBB2_15-.Ltmp10, $4  }
0x13c: {  	[sflag:s19] =	ssyncadd.s32 $0xFFFFF000  }
0x13d: {  	_ =	swait.ge [sflag:s19], $0x1000  }
0x13e: {  	[sflag:s19] =	ssyncset.done $0x0  }
0x13f: {  	[sflag:s19] =	ssyncadd.s32 $0xFFFFF000  }
.Ltmp11:
0x140: {  	(pc) =	sbr.rel .LBB2_12-.Ltmp11, $3  }
0x141: {  	_ =	sdelay $0x1  }
0x142: {  	s0 =	simm.s32 $0x4000  }
0x143: {  	s1 =	simm.s32 $0x8000;
	s7 =	simm.s32 $0x0;
	s14 =	smov.u32 s17  }
.LBB2_14:
0x144: {  	p2 =	slt.s32 s16, $0x10  }
0x145: {  	s4 =	sand.u32 @!p2 $0x3, s4  }
0x146: {  	s11 =	sshll.u32 @!p2 s4, $0xB;
	s4 =	sshll.u32 @!p2 s4, $0x4  }
0x147: {  	s16 =	simm.s32 @!p2 $0x10;
	s11 =	sor.u32 @!p2 $0x1C000, s11;
	s4 =	sor.u32 @!p2 $0x1E000, s4  }
0x148: {  	[hbm4b:s5+s16] =	stream.indirect.scatter @!p2 [tilespmem:s11], [sflag:$0x2], $0x80, s4, s16, $0xb8;
	[tilespmem:$0x1E080] =	vst v63  }
0x149: {  	s14 =	sadd.s32 $0xFFFFFFFF, s14;
	s4 =	simm.s32 $0x1  }
0x14a: {  	s4 =	simm.s32 @!p1 $0x0;
	p1 =	sne.s32 s14, $0x0  }
.Ltmp12:
0x14b: {  	_ = 	snop;
	(pc) =	sbr.rel @!p1 .LBB2_15-.Ltmp12, $3  }
0x14c: {  	_ =	sdelay $0x1  }
0x14d: {  	s29 =	sadd.s32 s29, s15;
	s0 =	sadd.s32 $0x10, s0  }
0x14e: {  	s1 =	sadd.s32 $0x10, s1;
	s7 =	sadd.s32 $0x10, s7;
	s26 =	sadd.s32 s4, s26  }
.LBB2_12:
0x14f: {  	v11 =	vld [tilespmem:s0+$0x0];
	_ =	sdelay $0x3  }
0x150: {  	v10 =	vor.u32 s7, v5  }
0x151: {  	vm1 =	vlt.s32 v10, v9;
	vm0 =	vlt.s32 v11, v0  }
0x152: {  	vm2 =	vge.s32 v11, v2;
	vm0 =	vmand vm0, vm1  }
0x153: {  	vm0 =	vmand vm0, vm2  }
0x154: {  	v10 =	vmpcnt.ones.xlane vm0;
	_ =	sdelay $0x1  }
0x155: {  	(v2sf) =	vpush v10, $0x0;
	_ =	sdelay $0xe  }
0x156: {  	s11 =	sand.u32 $0xF, s29;
	s15 =	spop (v2sf)  }
0x157: {  	s4 =	sshra.s32 s29, $0x4;
	s16 =	sadd.s32 s11, s15  }
0x158: {  	p2 =	sgt.s32 s4, $0x2;
	p1 =	sgt.s32 s16, $0x10  }
0x159: {  	p1 =	por !p2, !p1;
	p2 =	slt.s32 s15, $0x1  }
.Ltmp13:
0x15a: {  	p1 =	por !p1, !p1;
	(pc) =	sbr.rel @p2 .LBB2_14-.Ltmp13, $4  }
0x15b: {  	s11 =	simm.s32 @p1 $0x2  }
0x15c: {  	v10 =	vld [tilespmem:s1+$0x0];
	_ =	swait.ge @p1 [sflag:s11], $0x800  }
0x15d: {  	[sflag:s11] =	ssyncset.done @p1 $0x0  }
0x15e: {  	[sflag:s11] =	ssyncadd.s32 @p1 $0xFFFFF800  }
0x15f: {  	v12 =	vsel vm0, $0x1, v8  }
0x160: {  	(xrf0) =	vadd.scan.msk.s32 $0xffff, v12  }
0x161: {  	v47 =	vsub.s32 v11, v2  }
0x162: {  	v12 =	vshll.u32 v47, $0x5  }
0x163: {  	v13 =	vmov s29;
	v11 =	vand.u32 $0x7F, v11;
	v12 =	vand.u32 $0x7000, v12  }
0x164: {  	v13 =	vadd.s32 $0xFFFFFFFF, v13;
	v11 =	vor.u32 v11, v12  }
0x165: {  	v48 =	vbroadcast v13, $0x0  }
0x166: {  	v49, _, _ =	vpop (xrf0)  }
0x167: {  	v12 =	vadd.s32 v48, v49  }
0x168: {  	v13 =	vshll.u32 v12, $0x7  }
0x169: {  	v14 =	vld.idx.msk [tilespmem:v11+s13+$0x0], vm0;
	v13 =	vand.u32 $0x1F80, v13  }
0x16a: {  	v15 =	vor.u32 $0x80, v11;
	_ =	sdelay $0x3  }
0x16b: {  	[tilespmem:v13+s20+$0x0] =	vst.idx.msk vm0, v14  }
0x16c: {  	v50 =	vor.u32 $0x1, v13;
	v14 =	vld.idx.msk [tilespmem:v15+s13+$0x0], vm0  }
0x16d: {  	v16 =	vor.u32 $0x100, v11;
	_ =	sdelay $0x3  }
0x16e: {  	[tilespmem:v50+s20+$0x0] =	vst.idx.msk vm0, v14  }
0x16f: {  	v51 =	vor.u32 $0x2, v13;
	v14 =	vld.idx.msk [tilespmem:v16+s13+$0x0], vm0  }
0x170: {  	v52 =	vor.u32 $0x180, v11;
	_ =	sdelay $0x3  }
0x171: {  	[tilespmem:v51+s20+$0x0] =	vst.idx.msk vm0, v14  }
0x172: {  	v53 =	vor.u32 $0x3, v13;
	v14 =	vld.idx.msk [tilespmem:v52+s13+$0x0], vm0  }
0x173: {  	v54 =	vor.u32 $0x200, v11;
	_ =	sdelay $0x3  }
0x174: {  	[tilespmem:v53+s20+$0x0] =	vst.idx.msk vm0, v14  }
0x175: {  	v55 =	vor.u32 $0x4, v13;
	v14 =	vld.idx.msk [tilespmem:v54+s13+$0x0], vm0  }
0x176: {  	v56 =	vor.u32 $0x280, v11;
	_ =	sdelay $0x3  }
0x177: {  	[tilespmem:v55+s20+$0x0] =	vst.idx.msk vm0, v14  }
0x178: {  	v57 =	vor.u32 $0x5, v13;
	v14 =	vld.idx.msk [tilespmem:v56+s13+$0x0], vm0  }
0x179: {  	v58 =	vor.u32 $0x300, v11;
	_ =	sdelay $0x3  }
0x17a: {  	[tilespmem:v57+s20+$0x0] =	vst.idx.msk vm0, v14  }
0x17b: {  	v59 =	vor.u32 $0x6, v13;
	v14 =	vld.idx.msk [tilespmem:v58+s13+$0x0], vm0  }
0x17c: {  	v60 =	vor.u32 $0x380, v11;
	_ =	sdelay $0x3  }
0x17d: {  	[tilespmem:v59+s20+$0x0] =	vst.idx.msk vm0, v14  }
0x17e: {  	v61 =	vor.u32 $0x7, v13;
	v14 =	vld.idx.msk [tilespmem:v60+s13+$0x0], vm0  }
0x17f: {  	v62 =	vor.u32 $0x400, v11;
	_ =	sdelay $0x3  }
0x180: {  	[tilespmem:v61+s20+$0x0] =	vst.idx.msk vm0, v14  }
0x181: {  	v63 =	vor.u32 $0x8, v13;
	v14 =	vld.idx.msk [tilespmem:v62+s13+$0x0], vm0  }
0x182: {  	v20 =	vor.u32 $0x480, v11;
	_ =	sdelay $0x3  }
0x183: {  	[tilespmem:v63+s20+$0x0] =	vst.idx.msk vm0, v14  }
0x184: {  	v21 =	vor.u32 $0x9, v13;
	v14 =	vld.idx.msk [tilespmem:v20+s13+$0x0], vm0  }
0x185: {  	v22 =	vor.u32 $0x500, v11;
	_ =	sdelay $0x3  }
0x186: {  	[tilespmem:v21+s20+$0x0] =	vst.idx.msk vm0, v14  }
0x187: {  	v23 =	vor.u32 $0xA, v13;
	v14 =	vld.idx.msk [tilespmem:v22+s13+$0x0], vm0  }
0x188: {  	v24 =	vor.u32 $0x580, v11;
	_ =	sdelay $0x3  }
0x189: {  	[tilespmem:v23+s20+$0x0] =	vst.idx.msk vm0, v14  }
0x18a: {  	v25 =	vor.u32 $0xB, v13;
	v14 =	vld.idx.msk [tilespmem:v24+s13+$0x0], vm0  }
0x18b: {  	v26 =	vor.u32 $0x600, v11;
	_ =	sdelay $0x3  }
0x18c: {  	[tilespmem:v25+s20+$0x0] =	vst.idx.msk vm0, v14  }
0x18d: {  	v27 =	vor.u32 $0xC, v13;
	v14 =	vld.idx.msk [tilespmem:v26+s13+$0x0], vm0  }
0x18e: {  	v28 =	vor.u32 $0x680, v11;
	_ =	sdelay $0x3  }
0x18f: {  	[tilespmem:v27+s20+$0x0] =	vst.idx.msk vm0, v14  }
0x190: {  	v29 =	vor.u32 $0xD, v13;
	v14 =	vld.idx.msk [tilespmem:v28+s13+$0x0], vm0  }
0x191: {  	v30 =	vor.u32 $0x700, v11;
	_ =	sdelay $0x3  }
0x192: {  	[tilespmem:v29+s20+$0x0] =	vst.idx.msk vm0, v14  }
0x193: {  	v31 =	vor.u32 $0xE, v13;
	v14 =	vld.idx.msk [tilespmem:v30+s13+$0x0], vm0  }
0x194: {  	v32 =	vor.u32 $0x780, v11;
	_ =	sdelay $0x3  }
0x195: {  	[tilespmem:v31+s20+$0x0] =	vst.idx.msk vm0, v14  }
0x196: {  	v33 =	vor.u32 $0xF, v13;
	v14 =	vld.idx.msk [tilespmem:v32+s13+$0x0], vm0  }
0x197: {  	v34 =	vor.u32 $0x800, v11;
	_ =	sdelay $0x3  }
0x198: {  	[tilespmem:v33+s20+$0x0] =	vst.idx.msk vm0, v14  }
0x199: {  	v35 =	vor.u32 $0x10, v13;
	v14 =	vld.idx.msk [tilespmem:v34+s13+$0x0], vm0  }
0x19a: {  	v36 =	vor.u32 $0x880, v11;
	_ =	sdelay $0x3  }
0x19b: {  	[tilespmem:v35+s20+$0x0] =	vst.idx.msk vm0, v14  }
0x19c: {  	v37 =	vor.u32 $0x11, v13;
	v14 =	vld.idx.msk [tilespmem:v36+s13+$0x0], vm0  }
0x19d: {  	v38 =	vor.u32 $0x900, v11;
	_ =	sdelay $0x3  }
0x19e: {  	[tilespmem:v37+s20+$0x0] =	vst.idx.msk vm0, v14  }
0x19f: {  	v39 =	vor.u32 $0x12, v13;
	v14 =	vld.idx.msk [tilespmem:v38+s13+$0x0], vm0  }
0x1a0: {  	v40 =	vor.u32 $0x980, v11;
	_ =	sdelay $0x3  }
0x1a1: {  	[tilespmem:v39+s20+$0x0] =	vst.idx.msk vm0, v14  }
0x1a2: {  	v41 =	vor.u32 $0x13, v13;
	v14 =	vld.idx.msk [tilespmem:v40+s13+$0x0], vm0  }
0x1a3: {  	v42 =	vor.u32 $0xA00, v11;
	_ =	sdelay $0x3  }
0x1a4: {  	[tilespmem:v41+s20+$0x0] =	vst.idx.msk vm0, v14  }
0x1a5: {  	v43 =	vor.u32 $0x14, v13;
	v14 =	vld.idx.msk [tilespmem:v42+s13+$0x0], vm0  }
0x1a6: {  	v44 =	vor.u32 $0xA80, v11;
	_ =	sdelay $0x3  }
0x1a7: {  	[tilespmem:v43+s20+$0x0] =	vst.idx.msk vm0, v14  }
0x1a8: {  	v45 =	vor.u32 $0x15, v13;
	v14 =	vld.idx.msk [tilespmem:v44+s13+$0x0], vm0  }
0x1a9: {  	v46 =	vor.u32 $0xB00, v11;
	_ =	sdelay $0x3  }
0x1aa: {  	[tilespmem:v45+s20+$0x0] =	vst.idx.msk vm0, v14  }
0x1ab: {  	v47 =	vor.u32 $0x16, v13;
	v14 =	vld.idx.msk [tilespmem:v46+s13+$0x0], vm0  }
0x1ac: {  	v48 =	vor.u32 $0xB80, v11;
	_ =	sdelay $0x3  }
0x1ad: {  	[tilespmem:v47+s20+$0x0] =	vst.idx.msk vm0, v14  }
0x1ae: {  	v49 =	vor.u32 $0x17, v13;
	v14 =	vld.idx.msk [tilespmem:v48+s13+$0x0], vm0  }
0x1af: {  	v50 =	vor.u32 $0xC00, v11;
	_ =	sdelay $0x3  }
0x1b0: {  	[tilespmem:v49+s20+$0x0] =	vst.idx.msk vm0, v14  }
0x1b1: {  	v51 =	vor.u32 $0x18, v13;
	v14 =	vld.idx.msk [tilespmem:v50+s13+$0x0], vm0  }
0x1b2: {  	v52 =	vor.u32 $0xC80, v11;
	_ =	sdelay $0x3  }
0x1b3: {  	[tilespmem:v51+s20+$0x0] =	vst.idx.msk vm0, v14  }
0x1b4: {  	v53 =	vor.u32 $0x19, v13;
	v14 =	vld.idx.msk [tilespmem:v52+s13+$0x0], vm0  }
0x1b5: {  	v54 =	vor.u32 $0xD00, v11;
	_ =	sdelay $0x3  }
0x1b6: {  	[tilespmem:v53+s20+$0x0] =	vst.idx.msk vm0, v14  }
0x1b7: {  	v55 =	vor.u32 $0x1A, v13;
	v14 =	vld.idx.msk [tilespmem:v54+s13+$0x0], vm0  }
0x1b8: {  	v56 =	vor.u32 $0xD80, v11;
	_ =	sdelay $0x3  }
0x1b9: {  	[tilespmem:v55+s20+$0x0] =	vst.idx.msk vm0, v14  }
0x1ba: {  	v57 =	vor.u32 $0x1B, v13;
	v14 =	vld.idx.msk [tilespmem:v56+s13+$0x0], vm0  }
0x1bb: {  	v58 =	vor.u32 $0xE00, v11;
	_ =	sdelay $0x3  }
0x1bc: {  	[tilespmem:v57+s20+$0x0] =	vst.idx.msk vm0, v14  }
0x1bd: {  	v59 =	vor.u32 $0x1C, v13;
	v14 =	vld.idx.msk [tilespmem:v58+s13+$0x0], vm0  }
0x1be: {  	v60 =	vor.u32 $0xE80, v11;
	_ =	sdelay $0x3  }
0x1bf: {  	[tilespmem:v59+s20+$0x0] =	vst.idx.msk vm0, v14  }
0x1c0: {  	v61 =	vor.u32 $0x1D, v13;
	v14 =	vld.idx.msk [tilespmem:v60+s13+$0x0], vm0  }
0x1c1: {  	v62 =	vor.u32 $0xF00, v11;
	_ =	sdelay $0x3  }
0x1c2: {  	[tilespmem:v61+s20+$0x0] =	vst.idx.msk vm0, v14  }
0x1c3: {  	v63 =	vor.u32 $0x1E, v13;
	v14 =	vld.idx.msk [tilespmem:v62+s13+$0x0], vm0  }
0x1c4: {  	v11 =	vor.u32 $0xF80, v11;
	_ =	sdelay $0x3  }
0x1c5: {  	[tilespmem:v63+s20+$0x0] =	vst.idx.msk vm0, v14  }
0x1c6: {  	v13 =	vor.u32 $0x1F, v13;
	v11 =	vld.idx.msk [tilespmem:v11+s13+$0x0], vm0  }
0x1c7: {  	v12 =	vand.u32 $0x3F, v12  }
.Ltmp14:
0x1c8: {  	_ = 	snop;
	(pc) =	sbr.rel .LBB2_14-.Ltmp14, $3  }
0x1c9: {  	_ =	sdelay $0x1  }
0x1ca: {  	[tilespmem:v13+s20+$0x0] =	vst.idx.msk vm0, v11  }
0x1cb: {  	[tilespmem:v12+s21+$0x0] =	vst.idx.msk vm0, v10  }
.LBB2_15:
.Ltmp15:
0x1cc: {  	s0 =	rddreg [dreg:$0x19];
	s16 =	simm.s32 $0x14000;
	(pc) =	sbr.rel @p0 .LBB2_20-.Ltmp15, $4  }
0x1cd: {  	[tilespmem:s16], [sflag:$0x1] =	stream.strided.gather [hbm4b:s0+s18], $0x1000, s12, s18, $0x38;
	[tilespmem:$0x1E080] =	vst v63  }
0x1ce: {  	_ =	swait.ge [sflag:s19], $0x1000  }
0x1cf: {  	[sflag:s19] =	ssyncset.done $0x0  }
0x1d0: {  	[sflag:s19] =	ssyncadd.s32 $0xFFFFF000  }
.Ltmp16:
0x1d1: {  	(pc) =	sbr.rel .LBB2_17-.Ltmp16, $2  }
0x1d2: {  	_ =	sdelay $0x2  }
0x1d3: {  	s0 =	simm.s32 $0x4000;
	s1 =	simm.s32 $0x8000;
	s7 =	simm.s32 $0x0  }
.LBB2_19:
0x1d4: {  	p1 =	slt.s32 s15, $0x10  }
0x1d5: {  	s4 =	sand.u32 @!p1 $0x3, s4  }
0x1d6: {  	s11 =	sshll.u32 @!p1 s4, $0xB;
	s4 =	sshll.u32 @!p1 s4, $0x4  }
0x1d7: {  	s15 =	simm.s32 @!p1 $0x10;
	s11 =	sor.u32 @!p1 $0x1C000, s11;
	s4 =	sor.u32 @!p1 $0x1E000, s4  }
0x1d8: {  	[hbm4b:s5+s15] =	stream.indirect.scatter @!p1 [tilespmem:s11], [sflag:$0x2], $0x80, s4, s15, $0xb8;
	[tilespmem:$0x1E080] =	vst v63  }
0x1d9: {  	s17 =	sadd.s32 $0xFFFFFFFF, s17;
	s4 =	simm.s32 $0x1  }
0x1da: {  	s4 =	simm.s32 @!p0 $0x0;
	p0 =	sne.s32 s17, $0x0  }
.Ltmp17:
0x1db: {  	_ = 	snop;
	(pc) =	sbr.rel @!p0 .LBB2_20-.Ltmp17, $3  }
0x1dc: {  	_ =	sdelay $0x1  }
0x1dd: {  	s29 =	sadd.s32 s29, s14;
	s0 =	sadd.s32 $0x10, s0  }
0x1de: {  	s1 =	sadd.s32 $0x10, s1;
	s7 =	sadd.s32 $0x10, s7;
	s26 =	sadd.s32 s4, s26  }
.LBB2_17:
0x1df: {  	v11 =	vld [tilespmem:s0+$0x0];
	_ =	sdelay $0x3  }
0x1e0: {  	v10 =	vor.u32 s7, v5  }
0x1e1: {  	vm1 =	vlt.s32 v10, v9;
	vm0 =	vlt.s32 v11, v4  }
0x1e2: {  	vm2 =	vge.s32 v11, v3;
	vm0 =	vmand vm0, vm1  }
0x1e3: {  	vm0 =	vmand vm0, vm2  }
0x1e4: {  	v10 =	vmpcnt.ones.xlane vm0;
	_ =	sdelay $0x1  }
0x1e5: {  	(v2sf) =	vpush v10, $0x0;
	_ =	sdelay $0xe  }
0x1e6: {  	s11 =	sand.u32 $0xF, s29;
	s14 =	spop (v2sf)  }
0x1e7: {  	s4 =	sshra.s32 s29, $0x4;
	s15 =	sadd.s32 s11, s14  }
0x1e8: {  	p1 =	sgt.s32 s4, $0x2;
	p0 =	sgt.s32 s15, $0x10  }
0x1e9: {  	p0 =	por !p1, !p0;
	p1 =	slt.s32 s14, $0x1  }
.Ltmp18:
0x1ea: {  	p0 =	por !p0, !p0;
	(pc) =	sbr.rel @p1 .LBB2_19-.Ltmp18, $4  }
0x1eb: {  	s11 =	simm.s32 @p0 $0x2  }
0x1ec: {  	v10 =	vld [tilespmem:s1+$0x0];
	_ =	swait.ge @p0 [sflag:s11], $0x800  }
0x1ed: {  	[sflag:s11] =	ssyncset.done @p0 $0x0  }
0x1ee: {  	[sflag:s11] =	ssyncadd.s32 @p0 $0xFFFFF800  }
0x1ef: {  	v12 =	vsel vm0, $0x1, v8  }
0x1f0: {  	v46 =	vsub.s32 v11, v3;
	(xrf0) =	vadd.scan.msk.s32 $0xffff, v12  }
0x1f1: {  	v12 =	vshll.u32 v46, $0x5  }
0x1f2: {  	v11 =	vand.u32 $0x7F, v11;
	v12 =	vand.u32 $0x7000, v12  }
0x1f3: {  	v13 =	vmov s29;
	v11 =	vor.u32 v11, v12  }
0x1f4: {  	v47 =	vadd.s32 $0xFFFFFFFF, v13;
	v48 =	vor.u32 $0x8000, v11  }
0x1f5: {  	v12 =	vbroadcast v47, $0x0  }
0x1f6: {  	v14, _, _ =	vpop (xrf0)  }
0x1f7: {  	v12 =	vadd.s32 v12, v14  }
0x1f8: {  	v14 =	vshll.u32 v12, $0x7  }
0x1f9: {  	v13 =	vld.idx.msk [tilespmem:v48+s13+$0x0], vm0;
	v14 =	vand.u32 $0x1F80, v14  }
0x1fa: {  	v15 =	vor.u32 $0x8080, v11;
	_ =	sdelay $0x3  }
0x1fb: {  	[tilespmem:v14+s20+$0x0] =	vst.idx.msk vm0, v13  }
0x1fc: {  	v49 =	vor.u32 $0x1, v14;
	v13 =	vld.idx.msk [tilespmem:v15+s13+$0x0], vm0  }
0x1fd: {  	v16 =	vor.u32 $0x8100, v11;
	_ =	sdelay $0x3  }
0x1fe: {  	[tilespmem:v49+s20+$0x0] =	vst.idx.msk vm0, v13  }
0x1ff: {  	v50 =	vor.u32 $0x2, v14;
	v13 =	vld.idx.msk [tilespmem:v16+s13+$0x0], vm0  }
0x200: {  	v51 =	vor.u32 $0x8180, v11;
	_ =	sdelay $0x3  }
0x201: {  	[tilespmem:v50+s20+$0x0] =	vst.idx.msk vm0, v13  }
0x202: {  	v52 =	vor.u32 $0x3, v14;
	v13 =	vld.idx.msk [tilespmem:v51+s13+$0x0], vm0  }
0x203: {  	v53 =	vor.u32 $0x8200, v11;
	_ =	sdelay $0x3  }
0x204: {  	[tilespmem:v52+s20+$0x0] =	vst.idx.msk vm0, v13  }
0x205: {  	v54 =	vor.u32 $0x4, v14;
	v13 =	vld.idx.msk [tilespmem:v53+s13+$0x0], vm0  }
0x206: {  	v55 =	vor.u32 $0x8280, v11;
	_ =	sdelay $0x3  }
0x207: {  	[tilespmem:v54+s20+$0x0] =	vst.idx.msk vm0, v13  }
0x208: {  	v56 =	vor.u32 $0x5, v14;
	v13 =	vld.idx.msk [tilespmem:v55+s13+$0x0], vm0  }
0x209: {  	v57 =	vor.u32 $0x8300, v11;
	_ =	sdelay $0x3  }
0x20a: {  	[tilespmem:v56+s20+$0x0] =	vst.idx.msk vm0, v13  }
0x20b: {  	v58 =	vor.u32 $0x6, v14;
	v13 =	vld.idx.msk [tilespmem:v57+s13+$0x0], vm0  }
0x20c: {  	v59 =	vor.u32 $0x8380, v11;
	_ =	sdelay $0x3  }
0x20d: {  	[tilespmem:v58+s20+$0x0] =	vst.idx.msk vm0, v13  }
0x20e: {  	v60 =	vor.u32 $0x7, v14;
	v13 =	vld.idx.msk [tilespmem:v59+s13+$0x0], vm0  }
0x20f: {  	v61 =	vor.u32 $0x8400, v11;
	_ =	sdelay $0x3  }
0x210: {  	[tilespmem:v60+s20+$0x0] =	vst.idx.msk vm0, v13  }
0x211: {  	v62 =	vor.u32 $0x8, v14;
	v13 =	vld.idx.msk [tilespmem:v61+s13+$0x0], vm0  }
0x212: {  	v63 =	vor.u32 $0x8480, v11;
	_ =	sdelay $0x3  }
0x213: {  	[tilespmem:v62+s20+$0x0] =	vst.idx.msk vm0, v13  }
0x214: {  	v20 =	vor.u32 $0x9, v14;
	v13 =	vld.idx.msk [tilespmem:v63+s13+$0x0], vm0  }
0x215: {  	v21 =	vor.u32 $0x8500, v11;
	_ =	sdelay $0x3  }
0x216: {  	[tilespmem:v20+s20+$0x0] =	vst.idx.msk vm0, v13  }
0x217: {  	v22 =	vor.u32 $0xA, v14;
	v13 =	vld.idx.msk [tilespmem:v21+s13+$0x0], vm0  }
0x218: {  	v23 =	vor.u32 $0x8580, v11;
	_ =	sdelay $0x3  }
0x219: {  	[tilespmem:v22+s20+$0x0] =	vst.idx.msk vm0, v13  }
0x21a: {  	v24 =	vor.u32 $0xB, v14;
	v13 =	vld.idx.msk [tilespmem:v23+s13+$0x0], vm0  }
0x21b: {  	v25 =	vor.u32 $0x8600, v11;
	_ =	sdelay $0x3  }
0x21c: {  	[tilespmem:v24+s20+$0x0] =	vst.idx.msk vm0, v13  }
0x21d: {  	v26 =	vor.u32 $0xC, v14;
	v13 =	vld.idx.msk [tilespmem:v25+s13+$0x0], vm0  }
0x21e: {  	v27 =	vor.u32 $0x8680, v11;
	_ =	sdelay $0x3  }
0x21f: {  	[tilespmem:v26+s20+$0x0] =	vst.idx.msk vm0, v13  }
0x220: {  	v28 =	vor.u32 $0xD, v14;
	v13 =	vld.idx.msk [tilespmem:v27+s13+$0x0], vm0  }
0x221: {  	v29 =	vor.u32 $0x8700, v11;
	_ =	sdelay $0x3  }
0x222: {  	[tilespmem:v28+s20+$0x0] =	vst.idx.msk vm0, v13  }
0x223: {  	v30 =	vor.u32 $0xE, v14;
	v13 =	vld.idx.msk [tilespmem:v29+s13+$0x0], vm0  }
0x224: {  	v31 =	vor.u32 $0x8780, v11;
	_ =	sdelay $0x3  }
0x225: {  	[tilespmem:v30+s20+$0x0] =	vst.idx.msk vm0, v13  }
0x226: {  	v32 =	vor.u32 $0xF, v14;
	v13 =	vld.idx.msk [tilespmem:v31+s13+$0x0], vm0  }
0x227: {  	v33 =	vor.u32 $0x8800, v11;
	_ =	sdelay $0x3  }
0x228: {  	[tilespmem:v32+s20+$0x0] =	vst.idx.msk vm0, v13  }
0x229: {  	v34 =	vor.u32 $0x10, v14;
	v13 =	vld.idx.msk [tilespmem:v33+s13+$0x0], vm0  }
0x22a: {  	v35 =	vor.u32 $0x8880, v11;
	_ =	sdelay $0x3  }
0x22b: {  	[tilespmem:v34+s20+$0x0] =	vst.idx.msk vm0, v13  }
0x22c: {  	v36 =	vor.u32 $0x11, v14;
	v13 =	vld.idx.msk [tilespmem:v35+s13+$0x0], vm0  }
0x22d: {  	v37 =	vor.u32 $0x8900, v11;
	_ =	sdelay $0x3  }
0x22e: {  	[tilespmem:v36+s20+$0x0] =	vst.idx.msk vm0, v13  }
0x22f: {  	v38 =	vor.u32 $0x12, v14;
	v13 =	vld.idx.msk [tilespmem:v37+s13+$0x0], vm0  }
0x230: {  	v39 =	vor.u32 $0x8980, v11;
	_ =	sdelay $0x3  }
0x231: {  	[tilespmem:v38+s20+$0x0] =	vst.idx.msk vm0, v13  }
0x232: {  	v40 =	vor.u32 $0x13, v14;
	v13 =	vld.idx.msk [tilespmem:v39+s13+$0x0], vm0  }
0x233: {  	v41 =	vor.u32 $0x8A00, v11;
	_ =	sdelay $0x3  }
0x234: {  	[tilespmem:v40+s20+$0x0] =	vst.idx.msk vm0, v13  }
0x235: {  	v42 =	vor.u32 $0x14, v14;
	v13 =	vld.idx.msk [tilespmem:v41+s13+$0x0], vm0  }
0x236: {  	v43 =	vor.u32 $0x8A80, v11;
	_ =	sdelay $0x3  }
0x237: {  	[tilespmem:v42+s20+$0x0] =	vst.idx.msk vm0, v13  }
0x238: {  	v44 =	vor.u32 $0x15, v14;
	v13 =	vld.idx.msk [tilespmem:v43+s13+$0x0], vm0  }
0x239: {  	v45 =	vor.u32 $0x8B00, v11;
	_ =	sdelay $0x3  }
0x23a: {  	[tilespmem:v44+s20+$0x0] =	vst.idx.msk vm0, v13  }
0x23b: {  	v46 =	vor.u32 $0x16, v14;
	v13 =	vld.idx.msk [tilespmem:v45+s13+$0x0], vm0  }
0x23c: {  	v47 =	vor.u32 $0x8B80, v11;
	_ =	sdelay $0x3  }
0x23d: {  	[tilespmem:v46+s20+$0x0] =	vst.idx.msk vm0, v13  }
0x23e: {  	v48 =	vor.u32 $0x17, v14;
	v13 =	vld.idx.msk [tilespmem:v47+s13+$0x0], vm0  }
0x23f: {  	v49 =	vor.u32 $0x8C00, v11;
	_ =	sdelay $0x3  }
0x240: {  	[tilespmem:v48+s20+$0x0] =	vst.idx.msk vm0, v13  }
0x241: {  	v50 =	vor.u32 $0x18, v14;
	v13 =	vld.idx.msk [tilespmem:v49+s13+$0x0], vm0  }
0x242: {  	v51 =	vor.u32 $0x8C80, v11;
	_ =	sdelay $0x3  }
0x243: {  	[tilespmem:v50+s20+$0x0] =	vst.idx.msk vm0, v13  }
0x244: {  	v52 =	vor.u32 $0x19, v14;
	v13 =	vld.idx.msk [tilespmem:v51+s13+$0x0], vm0  }
0x245: {  	v53 =	vor.u32 $0x8D00, v11;
	_ =	sdelay $0x3  }
0x246: {  	[tilespmem:v52+s20+$0x0] =	vst.idx.msk vm0, v13  }
0x247: {  	v54 =	vor.u32 $0x1A, v14;
	v13 =	vld.idx.msk [tilespmem:v53+s13+$0x0], vm0  }
0x248: {  	v55 =	vor.u32 $0x8D80, v11;
	_ =	sdelay $0x3  }
0x249: {  	[tilespmem:v54+s20+$0x0] =	vst.idx.msk vm0, v13  }
0x24a: {  	v56 =	vor.u32 $0x1B, v14;
	v13 =	vld.idx.msk [tilespmem:v55+s13+$0x0], vm0  }
0x24b: {  	v57 =	vor.u32 $0x8E00, v11;
	_ =	sdelay $0x3  }
0x24c: {  	[tilespmem:v56+s20+$0x0] =	vst.idx.msk vm0, v13  }
0x24d: {  	v58 =	vor.u32 $0x1C, v14;
	v13 =	vld.idx.msk [tilespmem:v57+s13+$0x0], vm0  }
0x24e: {  	v59 =	vor.u32 $0x8E80, v11;
	_ =	sdelay $0x3  }
0x24f: {  	[tilespmem:v58+s20+$0x0] =	vst.idx.msk vm0, v13  }
0x250: {  	v60 =	vor.u32 $0x1D, v14;
	v13 =	vld.idx.msk [tilespmem:v59+s13+$0x0], vm0  }
0x251: {  	v61 =	vor.u32 $0x8F00, v11;
	_ =	sdelay $0x3  }
0x252: {  	[tilespmem:v60+s20+$0x0] =	vst.idx.msk vm0, v13  }
0x253: {  	v62 =	vor.u32 $0x1E, v14;
	v13 =	vld.idx.msk [tilespmem:v61+s13+$0x0], vm0  }
0x254: {  	v11 =	vor.u32 $0x8F80, v11;
	_ =	sdelay $0x3  }
0x255: {  	[tilespmem:v62+s20+$0x0] =	vst.idx.msk vm0, v13  }
0x256: {  	v63 =	vor.u32 $0x1F, v14;
	v11 =	vld.idx.msk [tilespmem:v11+s13+$0x0], vm0  }
0x257: {  	v12 =	vand.u32 $0x3F, v12  }
.Ltmp19:
0x258: {  	_ = 	snop;
	(pc) =	sbr.rel .LBB2_19-.Ltmp19, $3  }
0x259: {  	_ =	sdelay $0x1  }
0x25a: {  	[tilespmem:v63+s20+$0x0] =	vst.idx.msk vm0, v11  }
0x25b: {  	[tilespmem:v12+s21+$0x0] =	vst.idx.msk vm0, v10  }
.LBB2_20:
0x25c: {  	s0 =	sand.u32 $0xF, s29  }
0x25d: {  	p0 =	seq.s32 s0, $0x0  }
0x25e: {  	s1 =	sshrl.u32 @!p0 s29, $0x4  }
0x25f: {  	s1 =	sand.u32 @!p0 $0x3, s1  }
0x260: {  	s4 =	sshll.u32 @!p0 s1, $0x4  }
0x261: {  	v9 =	vld @!p0 [tilespmem:s4+$0x1E000];
	_ =	sdelay $0x2  }
0x262: {  	v10 =	vmov @!p0 s0;
	v11 =	vlaneseq.u32 @!p0  }
0x263: {  	vm0 =	vgt.u32 @!p0 v10, v11  }
0x264: {  	s1 =	sshll.u32 @!p0 s1, $0xB;
	v9 =	vsel @!p0 vm0, v9, v6  }
0x265: {  	s7 =	sor.u32 @!p0 $0x1E000, s4;
	s1 =	sor.u32 @!p0 $0x1C000, s1;
	[tilespmem:s4+$0x1E000] =	vst @!p0 v9;
	s4 =	simm.s32 @!p0 $0x10  }
0x266: {  	[hbm4b:s5+s4] =	stream.indirect.scatter @!p0 [tilespmem:s1], [sflag:$0x2], $0x80, s7, s4, $0xb8;
	[tilespmem:$0x1E080] =	vst v63  }
0x267: {  	s29 =	sshra.s32 s29, $0x4;
	p0 =	sne.s32 s0, $0x0;
	s1 =	simm.s32 $0x1  }
0x268: {  	s0 =	ssub.s32 s29, s26;
	s1 =	simm.s32 @!p0 $0x0  }
0x269: {  	s0 =	sadd.s32 s1, s0  }
0x26a: {  	p0 =	slt.s32 s0, $0x1  }
.Ltmp20:
0x26b: {  	_ = 	snop;
	(pc) =	sbr.rel @p0 .LBB2_24-.Ltmp20, $2  }
0x26c: {  	_ =	sdelay $0x2  }
0x26d: {  	s1 =	rddreg [dreg:$0x1a]  }
0x26e: {  	p0 =	sne.s32 s0, $0x1  }
.Ltmp21:
0x26f: {  	_ = 	snop;
	(pc) =	sbr.rel @!p0 .LBB2_23-.Ltmp21, $3  }
0x270: {  	_ =	sdelay $0x1  }
0x271: {  	_ =	swait.ge [sflag:s22], $0x800  }
0x272: {  	s0 =	sadd.s32 $0xFFFFFFFF, s0;
	[sflag:s22] =	ssyncset.done $0x0  }
.LBB2_22:
0x273: {  	p0 =	sne.s32 s0, $0x1;
	s0 =	sadd.s32 $0xFFFFFFFF, s0;
	[sflag:s22] =	ssyncadd.s32 $0xFFFFF800  }
.Ltmp22:
0x274: {  	(pc) =	sbr.rel @p0 .LBB2_22-.Ltmp22, $3  }
0x275: {  	_ =	sdelay $0x1  }
0x276: {  	_ =	swait.ge [sflag:s22], $0x800  }
0x277: {  	[sflag:s22] =	ssyncset.done $0x0  }
.Ltmp23:
0x278: {  	_ = 	snop;
	(pc) =	sbr.rel .LBB2_23-.Ltmp23, $1  }
0x279: {  	_ =	sdelay $0x3  }
.LBB2_25:
0x27a: {  	_ =	sfence.sel $0x180000  }
0x27b: {  	[bflag:$0x0] =	sbarrier.arrive $0xFFFF  }
0x27c: {  	_ =	strace $0x90000047  }
0x27d: {  	s0 =	stileid.u32;
	[bflag:$0x2] =	sbarrier.arrive $0xFFFF  }
0x27e: {  	p0 =	sne.s32 s0, $0x0;
	s0 =	rddreg [dreg:$0x3]  }
0x27f: {  	s0 =	sadd.s32 @!p0 $0x100000, s0  }
0x280: {  	[sflag:s0] =	ssyncadd.tile.s32 @!p0 $0x1;
	_ =	shalt  }
.Lfunc_end2:
_tile_overlayer_lowered:
.L_overlay_start_2:
0x281: {  	(tag) =	ssettag $0x2  }
0x282: {  	s0 =	rddreg [dreg:$0x0];
	s2 =	stileid.u32  }
0x283: {  	s1 =	rddreg [dreg:$0x1];
	p0 =	sne.s32 s2, $0x0  }
0x284: {  	s3 =	rddreg [dreg:$0x2];
	[bflag:$0x3] =	sbarrier.arrive $0xFFFF;
	s2 =	simm.s32 @!p0 $0x1C03  }
0x285: {  	[timem:s3], [sflag:s2] =	dma.local @!p0 [hbm:s0], s1  }
0x286: {  	s0 =	simm.s32 @!p0 $0x3  }
0x287: {  	_ =	swait.ge @!p0 [sflag:s0], s1  }
0x288: {  	s1 =	ssub.s32 @!p0 $0x0, s1;
	[sflag:s0] =	ssyncset.done @!p0 $0x0  }
0x289: {  	[sflag:s0] =	ssyncadd.s32 @!p0 s1  }
0x28a: {  	[bflag:$0x3] =	sbarrier.arrive $0xFFFF  }
0x28b: {  	_ =	shalt  }

</sc_bundles>
